<compile_context>
chip_gen: v7x
topology: tpu7x:2x2x1
jax: 0.10.2.dev20260603
libtpu: 0.0.44.dev20260713+nightly
codegen_flags: <defaults>
</compile_context>

<pallas_src>
import functools

import jax
import jax.numpy as jnp
from jax import lax
from jax.experimental import pallas as pl
from jax.experimental.pallas import tpu as pltpu
from jax.experimental.pallas import tpu_sc as plsc

B, L = 4096, 200
N = B * L
WDIM, PDIM = 50, 5
ODIM = WDIM + 2 * PDIM
GDIM = 56
PTAB_HALF = 2 * 200 * PDIM
NC, NS = 2, 16
NW = NC * NS
ROWS_PER_W = N // NW
CHUNK = 2 * L
NCHUNK = ROWS_PER_W // CHUNK
SUB = 100
NSUB = CHUNK // SUB
GROUPS = CHUNK // 16


def _body(word2d, p1f, p2f, wtab, ptab_h, out,
          widx, p1i, p2i, ptab_v, gbuf, obuf, sem_i, sem_g, sem_w):
    wid = lax.axis_index("s") * NC + lax.axis_index("c")
    pltpu.sync_copy(ptab_h, ptab_v)
    iota16 = lax.iota(jnp.int32, 16)

    def bases(k):
        base = pl.multiple_of(wid * ROWS_PER_W + k * CHUNK, CHUNK)
        rowb = pl.multiple_of(wid * (ROWS_PER_W // SUB) + k * NSUB, NSUB)
        bb = pl.multiple_of(wid * (ROWS_PER_W // L) + k * 2, 2)
        return base, rowb, bb

    def fire_idx(k, s):
        base, rowb, _ = bases(k)
        pltpu.async_copy(word2d.at[pl.ds(rowb, NSUB)], widx.at[s], sem_i)
        pltpu.async_copy(p1f.at[pl.ds(base, CHUNK)], p1i.at[s], sem_i)
        pltpu.async_copy(p2f.at[pl.ds(base, CHUNK)], p2i.at[s], sem_i)

    def wait_idx(s):
        pltpu.make_async_copy(
            word2d.at[pl.ds(0, NSUB)], widx.at[s], sem_i).wait()
        pltpu.make_async_copy(p1f.at[pl.ds(0, CHUNK)], p1i.at[s], sem_i).wait()
        pltpu.make_async_copy(p2f.at[pl.ds(0, CHUNK)], p2i.at[s], sem_i).wait()

    def fire_gathers(s):
        for j in range(NSUB):
            pltpu.async_copy(
                wtab.at[widx.at[s].at[j]],
                gbuf.at[s, j // 2].at[pl.ds((j % 2) * SUB, SUB)], sem_g)

    def wait_gathers(s):
        for j in range(NSUB):
            pltpu.make_async_copy(
                wtab.at[pl.ds(0, SUB)],
                gbuf.at[s, j // 2].at[pl.ds((j % 2) * SUB, SUB)], sem_g).wait()

    def fill(s):
        def gbody(g, c2):
            r0 = pl.multiple_of(g * 16, 16)
            rows = g * 16 + iota16
            b16 = rows // L
            l16 = rows - b16 * L
            pv1 = p1i.at[s][pl.ds(r0, 16)]
            pv2 = p2i.at[s][pl.ds(r0, 16)]
            for c in range(PDIM):
                v1 = plsc.load_gather(ptab_v, [pv1 * PDIM + c])
                plsc.store_scatter(
                    gbuf.at[s],
                    [b16, l16, jnp.full((16,), WDIM + c, jnp.int32)], v1)
                v2 = plsc.load_gather(ptab_v, [PTAB_HALF + pv2 * PDIM + c])
                if c == 0:
                    plsc.store_scatter(
                        gbuf.at[s],
                        [b16, l16, jnp.full((16,), WDIM + PDIM, jnp.int32)],
                        v2)
                else:
                    plsc.store_scatter(
                        obuf.at[s],
                        [b16, l16,
                         jnp.full((16,), WDIM + PDIM + c, jnp.int32)], v2)
            return c2

        lax.fori_loop(0, GROUPS, gbody, 0)

    def fire_writes(k, s):
        _, _, bb = bases(k)
        pltpu.async_copy(obuf.at[s], out.at[pl.ds(bb, 2)], sem_w)
        pltpu.async_copy(gbuf.at[s],
                         out.at[pl.ds(bb, 2), :, pl.ds(0, GDIM)], sem_w)

    def wait_writes():
        pltpu.make_async_copy(
            obuf.at[0], out.at[pl.ds(0, 2)], sem_w).wait()
        pltpu.make_async_copy(
            gbuf.at[0], out.at[pl.ds(0, 2), :, pl.ds(0, GDIM)], sem_w).wait()

    def phase(kk, s, first, last, pre_idx=True):
        wait_gathers(s)
        if not last:
            wait_idx(1 - s)
        if not first:
            wait_writes()
        if not last:
            fire_gathers(1 - s)
        fill(s)
        if not last and pre_idx:
            fire_idx(kk + 2, s)
        fire_writes(kk, s)

    base0, rowb0, _ = bases(0)
    pltpu.sync_copy(word2d.at[pl.ds(rowb0, NSUB)], widx.at[0])
    pltpu.sync_copy(p1f.at[pl.ds(base0, CHUNK)], p1i.at[0])
    pltpu.sync_copy(p2f.at[pl.ds(base0, CHUNK)], p2i.at[0])
    fire_gathers(0)
    fire_idx(1, 1)
    phase(0, 0, first=True, last=False)
    phase(1, 1, first=False, last=False)

    def loop_body(i, carry):
        kk = 2 * i
        phase(kk, 0, first=False, last=False)
        phase(kk + 1, 1, first=False, last=False)
        return carry

    lax.fori_loop(1, NCHUNK // 2 - 1, loop_body, 0)

    phase(NCHUNK - 2, 0, first=False, last=False, pre_idx=False)
    phase(NCHUNK - 1, 1, first=False, last=True)
    wait_writes()


_sc_lookup = functools.partial(
    pl.kernel,
    out_type=jax.ShapeDtypeStruct((B, L, ODIM), jnp.float32),
    mesh=plsc.VectorSubcoreMesh(core_axis_name="c", subcore_axis_name="s"),
    compiler_params=pltpu.CompilerParams(
        needs_layout_passes=False, use_tc_tiling_on_sc=False),
    scratch_types=[
        pltpu.VMEM((2, NSUB, SUB), jnp.int32),
        pltpu.VMEM((2, CHUNK), jnp.int32),
        pltpu.VMEM((2, CHUNK), jnp.int32),
        pltpu.VMEM((2 * PTAB_HALF,), jnp.float32),
        pltpu.VMEM((2, 2, L, GDIM), jnp.float32),
        pltpu.VMEM((2, 2, L, ODIM), jnp.float32),
        pltpu.SemaphoreType.DMA,
        pltpu.SemaphoreType.DMA,
        pltpu.SemaphoreType.DMA,
    ],
)(_body)


@jax.jit
def _run(word, pos1, pos2, word_table, pos1_table, pos2_table):
    w = word.reshape(N // SUB, SUB).astype(jnp.int32)
    p1 = pos1.reshape(N).astype(jnp.int32)
    p2 = pos2.reshape(N).astype(jnp.int32)
    wtab = jnp.pad(word_table, ((0, 0), (0, GDIM - WDIM)))
    ptab = jnp.concatenate(
        [pos1_table.reshape(-1), pos2_table.reshape(-1)])
    return _sc_lookup(w, p1, p2, wtab, ptab)


def kernel(word, pos1, pos2, word_table, pos1_table, pos2_table):
    return _run(word, pos1, pos2, word_table, pos1_table, pos2_table)

# --- scband reference (transcript-rebuilt; emitter-appended) ---
"""Pipeline reference for scband-embedding-54503134986242 (READ-ONLY COPY).

The authoritative reference and input builder live on the scoring server;
editing this copy changes nothing except your own understanding.
"""

import jax, jax.numpy as jnp
import numpy as np

B, L = 4096, 200
VOCAB = 100000
WDIM, PDIM = 50, 5
MAXLEN = 200

def setup_inputs(seed: int = 0):
    key = jax.random.key(seed)
    k1, k2, k3, k4, k5, k6, k7 = jax.random.split(key, 7)
    # word table: pretrained matrix + unk row + blank (padding) row, as in torch __init__
    word_vec_mat = jax.random.normal(k1, (VOCAB, WDIM), dtype=jnp.float32)
    unk = jax.random.normal(k2, (1, WDIM), dtype=jnp.float32) / np.sqrt(WDIM)
    blk = jnp.zeros((1, WDIM), dtype=jnp.float32)
    word_table = jnp.concatenate([word_vec_mat, unk, blk], axis=0)  # [VOCAB+2, 50]
    # position tables with padding_idx=0 zeroed
    pos1_table = jax.random.normal(k3, (2 * MAXLEN, PDIM), dtype=jnp.float32).at[0].set(0.0)
    pos2_table = jax.random.normal(k4, (2 * MAXLEN, PDIM), dtype=jnp.float32).at[0].set(0.0)
    word = jax.random.randint(k5, (B, L), 0, VOCAB + 2)
    pos1 = jax.random.randint(k6, (B, L), 0, 2 * MAXLEN)
    pos2 = jax.random.randint(k7, (B, L), 0, 2 * MAXLEN)
    return {"word": word, "pos1": pos1, "pos2": pos2,
            "word_table": word_table, "pos1_table": pos1_table, "pos2_table": pos2_table}

def reference(word, pos1, pos2, word_table, pos1_table, pos2_table):
    w1 = jnp.take(word_table, word, axis=0)   # [B, L, 50]
    p1 = jnp.take(pos1_table, pos1, axis=0)   # [B, L, 5]
    p2 = jnp.take(pos2_table, pos2, axis=0)   # [B, L, 5]
    return jnp.concatenate([w1, p1, p2], axis=2)  # [B, L, 60]

if __name__ == "__main__":
    import jax
    _d = setup_inputs()
    print(jax.jit(kernel)(*tuple(_d.values())))

</pallas_src>

<mosaic_0001>
#map = affine_map<(d0, d1) -> (0, 0)>
#map1 = affine_map<(d0, d1) -> (0)>
#map2 = affine_map<(d0, d1) -> (0, 0, 0)>
module attributes {stable_mosaic.version = 14 : i64} {
  func.func @_body(%arg0: i32, %arg1: i32, %arg2: memref<8192x100xi32, #tpu.memory_space<hbm>>, %arg3: memref<819200xi32, #tpu.memory_space<hbm>>, %arg4: memref<819200xi32, #tpu.memory_space<hbm>>, %arg5: memref<100002x56xf32, #tpu.memory_space<hbm>>, %arg6: memref<4000xf32, #tpu.memory_space<hbm>>, %arg7: memref<4096x200x60xf32, #tpu.memory_space<hbm>>, %arg8: memref<2x4x100xi32, #tpu.memory_space<vmem>>, %arg9: memref<2x400xi32, #tpu.memory_space<vmem>>, %arg10: memref<2x400xi32, #tpu.memory_space<vmem>>, %arg11: memref<4000xf32, #tpu.memory_space<vmem>>, %arg12: memref<2x2x200x56xf32, #tpu.memory_space<vmem>>, %arg13: memref<2x2x200x60xf32, #tpu.memory_space<vmem>>, %arg14: memref<!tpu.dma_semaphore, #tpu.memory_space<semaphore_mem>>, %arg15: memref<!tpu.dma_semaphore, #tpu.memory_space<semaphore_mem>>, %arg16: memref<!tpu.dma_semaphore, #tpu.memory_space<semaphore_mem>>) attributes {dimension_semantics = [#tpu.dimension_semantics<core_parallel>, #tpu.dimension_semantics<subcore_parallel>], iteration_bounds = array<i64: 2, 16>, scalar_prefetch = 0 : i64, scratch_operands = 9 : i64, tpu.core_type = #tpu.core_type<sc_vector_subcore>, window_params = [{transform_indices = #map}, {transform_indices = #map1}, {transform_indices = #map1}, {transform_indices = #map}, {transform_indices = #map1}, {transform_indices = #map2}]} {
    %mul3A = arith.constant 2 : i32
    %mul3A_0 = arith.muli %arg1, %mul3A : i32
    %add3A = arith.addi %mul3A_0, %arg0 : i32
    "tpu.region"() ({
      %run_scoped3A_1329 = tpu.sem_alloc : memref<!tpu.dma_semaphore, #tpu.memory_space<semaphore_mem>>
      tpu.enqueue_dma source(%arg6 : memref<4000xf32, #tpu.memory_space<hbm>>) target(%arg11 : memref<4000xf32, #tpu.memory_space<vmem>>) target_semaphore(%run_scoped3A_1329 : memref<!tpu.dma_semaphore, #tpu.memory_space<semaphore_mem>>)
      tpu.wait_dma2 semaphore(%run_scoped3A_1329 : memref<!tpu.dma_semaphore, #tpu.memory_space<semaphore_mem>>) src(%arg6 : memref<4000xf32, #tpu.memory_space<hbm>>) dst(%arg11 : memref<4000xf32, #tpu.memory_space<vmem>>)
      tpu.yield
    }) : () -> ()
    %iota3A = tpu.iota {dimensions = array<i32: 0>} : vector<16xi32>
    %mul3A_1 = arith.constant 25600 : i32
    %mul3A_2 = arith.muli %add3A, %mul3A_1 : i32
    %add3A_3 = arith.constant 0 : i32
    %add3A_4 = arith.addi %mul3A_2, %add3A_3 : i32
    %multiple_of3A = tpu.assume_multiple %add3A_4, 400 : i32
    %mul3A_5 = arith.constant 256 : i32
    %mul3A_6 = arith.muli %add3A, %mul3A_5 : i32
    %add3A_7 = arith.constant 0 : i32
    %add3A_8 = arith.addi %mul3A_6, %add3A_7 : i32
    %multiple_of3A_9 = tpu.assume_multiple %add3A_8, 4 : i32
    %mul3A_10 = arith.constant 128 : i32
    %mul3A_11 = arith.muli %add3A, %mul3A_10 : i32
    %add3A_12 = arith.constant 0 : i32
    %add3A_13 = arith.addi %mul3A_11, %add3A_12 : i32
    %multiple_of3A_14 = tpu.assume_multiple %add3A_13, 2 : i32
    %run_scoped3A = arith.constant 0 : i32
    "tpu.region"() ({
      %run_scoped3A_1329 = tpu.sem_alloc : memref<!tpu.dma_semaphore, #tpu.memory_space<semaphore_mem>>
      %dma_start3A_1330 = arith.constant 0 : i32
      %dma_start3A_1331 = arith.constant 0 : i32
      %dma_start3A_1332 = tpu.memref_slice %arg8[%run_scoped3A, %dma_start3A_1330, %dma_start3A_1331] : memref<2x4x100xi32, #tpu.memory_space<vmem>> -> memref<1x4x100xi32, #tpu.memory_space<vmem>>
      %dma_start3A_1333 = tpu.memref_squeeze %dma_start3A_1332 : memref<1x4x100xi32, #tpu.memory_space<vmem>> -> memref<4x100xi32, #tpu.memory_space<vmem>>
      %dma_start3A_1334 = arith.constant 0 : i32
      %dma_start3A_1335 = tpu.memref_slice %arg2[%multiple_of3A_9, %dma_start3A_1334] : memref<8192x100xi32, #tpu.memory_space<hbm>> -> memref<4x100xi32, #tpu.memory_space<hbm>>
      %dma_start3A_1336 = arith.constant 0 : i32
      %dma_start3A_1337 = arith.constant 0 : i32
      %dma_start3A_1338 = tpu.memref_slice %arg8[%run_scoped3A, %dma_start3A_1336, %dma_start3A_1337] : memref<2x4x100xi32, #tpu.memory_space<vmem>> -> memref<1x4x100xi32, #tpu.memory_space<vmem>>
      %dma_start3A_1339 = tpu.memref_squeeze %dma_start3A_1338 : memref<1x4x100xi32, #tpu.memory_space<vmem>> -> memref<4x100xi32, #tpu.memory_space<vmem>>
      %dma_start3A_1340 = arith.constant 0 : i32
      %dma_start3A_1341 = tpu.memref_slice %arg2[%multiple_of3A_9, %dma_start3A_1340] : memref<8192x100xi32, #tpu.memory_space<hbm>> -> memref<4x100xi32, #tpu.memory_space<hbm>>
      tpu.enqueue_dma source(%dma_start3A_1341 : memref<4x100xi32, #tpu.memory_space<hbm>>) target(%dma_start3A_1339 : memref<4x100xi32, #tpu.memory_space<vmem>>) target_semaphore(%run_scoped3A_1329 : memref<!tpu.dma_semaphore, #tpu.memory_space<semaphore_mem>>)
      %dma_wait3A_1342 = arith.constant 0 : i32
      %dma_wait3A_1343 = arith.constant 0 : i32
      %dma_wait3A_1344 = tpu.memref_slice %arg8[%run_scoped3A, %dma_wait3A_1342, %dma_wait3A_1343] : memref<2x4x100xi32, #tpu.memory_space<vmem>> -> memref<1x4x100xi32, #tpu.memory_space<vmem>>
      %dma_wait3A_1345 = tpu.memref_squeeze %dma_wait3A_1344 : memref<1x4x100xi32, #tpu.memory_space<vmem>> -> memref<4x100xi32, #tpu.memory_space<vmem>>
      %dma_wait3A_1346 = arith.constant 0 : i32
      %dma_wait3A_1347 = tpu.memref_slice %arg2[%multiple_of3A_9, %dma_wait3A_1346] : memref<8192x100xi32, #tpu.memory_space<hbm>> -> memref<4x100xi32, #tpu.memory_space<hbm>>
      %dma_wait3A_1348 = arith.constant 0 : i32
      %dma_wait3A_1349 = arith.constant 0 : i32
      %dma_wait3A_1350 = tpu.memref_slice %arg8[%run_scoped3A, %dma_wait3A_1348, %dma_wait3A_1349] : memref<2x4x100xi32, #tpu.memory_space<vmem>> -> memref<1x4x100xi32, #tpu.memory_space<vmem>>
      %dma_wait3A_1351 = tpu.memref_squeeze %dma_wait3A_1350 : memref<1x4x100xi32, #tpu.memory_space<vmem>> -> memref<4x100xi32, #tpu.memory_space<vmem>>
      %dma_wait3A_1352 = arith.constant 0 : i32
      %dma_wait3A_1353 = tpu.memref_slice %arg2[%multiple_of3A_9, %dma_wait3A_1352] : memref<8192x100xi32, #tpu.memory_space<hbm>> -> memref<4x100xi32, #tpu.memory_space<hbm>>
      tpu.wait_dma2 semaphore(%run_scoped3A_1329 : memref<!tpu.dma_semaphore, #tpu.memory_space<semaphore_mem>>) src(%dma_wait3A_1353 : memref<4x100xi32, #tpu.memory_space<hbm>>) dst(%dma_wait3A_1351 : memref<4x100xi32, #tpu.memory_space<vmem>>)
      tpu.yield
    }) : () -> ()
    %run_scoped3A_15 = arith.constant 0 : i32
    "tpu.region"() ({
      %run_scoped3A_1329 = tpu.sem_alloc : memref<!tpu.dma_semaphore, #tpu.memory_space<semaphore_mem>>
      %dma_start3A_1330 = arith.constant 0 : i32
      %dma_start3A_1331 = tpu.memref_slice %arg9[%run_scoped3A_15, %dma_start3A_1330] : memref<2x400xi32, #tpu.memory_space<vmem>> -> memref<1x400xi32, #tpu.memory_space<vmem>>
      %dma_start3A_1332 = tpu.memref_squeeze %dma_start3A_1331 : memref<1x400xi32, #tpu.memory_space<vmem>> -> memref<400xi32, #tpu.memory_space<vmem>>
      %dma_start3A_1333 = tpu.memref_slice %arg3[%multiple_of3A] : memref<819200xi32, #tpu.memory_space<hbm>> -> memref<400xi32, #tpu.memory_space<hbm>>
      %dma_start3A_1334 = arith.constant 0 : i32
      %dma_start3A_1335 = tpu.memref_slice %arg9[%run_scoped3A_15, %dma_start3A_1334] : memref<2x400xi32, #tpu.memory_space<vmem>> -> memref<1x400xi32, #tpu.memory_space<vmem>>
      %dma_start3A_1336 = tpu.memref_squeeze %dma_start3A_1335 : memref<1x400xi32, #tpu.memory_space<vmem>> -> memref<400xi32, #tpu.memory_space<vmem>>
      %dma_start3A_1337 = tpu.memref_slice %arg3[%multiple_of3A] : memref<819200xi32, #tpu.memory_space<hbm>> -> memref<400xi32, #tpu.memory_space<hbm>>
      tpu.enqueue_dma source(%dma_start3A_1337 : memref<400xi32, #tpu.memory_space<hbm>>) target(%dma_start3A_1336 : memref<400xi32, #tpu.memory_space<vmem>>) target_semaphore(%run_scoped3A_1329 : memref<!tpu.dma_semaphore, #tpu.memory_space<semaphore_mem>>)
      %dma_wait3A_1338 = arith.constant 0 : i32
      %dma_wait3A_1339 = tpu.memref_slice %arg9[%run_scoped3A_15, %dma_wait3A_1338] : memref<2x400xi32, #tpu.memory_space<vmem>> -> memref<1x400xi32, #tpu.memory_space<vmem>>
      %dma_wait3A_1340 = tpu.memref_squeeze %dma_wait3A_1339 : memref<1x400xi32, #tpu.memory_space<vmem>> -> memref<400xi32, #tpu.memory_space<vmem>>
      %dma_wait3A_1341 = tpu.memref_slice %arg3[%multiple_of3A] : memref<819200xi32, #tpu.memory_space<hbm>> -> memref<400xi32, #tpu.memory_space<hbm>>
      %dma_wait3A_1342 = arith.constant 0 : i32
      %dma_wait3A_1343 = tpu.memref_slice %arg9[%run_scoped3A_15, %dma_wait3A_1342] : memref<2x400xi32, #tpu.memory_space<vmem>> -> memref<1x400xi32, #tpu.memory_space<vmem>>
      %dma_wait3A_1344 = tpu.memref_squeeze %dma_wait3A_1343 : memref<1x400xi32, #tpu.memory_space<vmem>> -> memref<400xi32, #tpu.memory_space<vmem>>
      %dma_wait3A_1345 = tpu.memref_slice %arg3[%multiple_of3A] : memref<819200xi32, #tpu.memory_space<hbm>> -> memref<400xi32, #tpu.memory_space<hbm>>
      tpu.wait_dma2 semaphore(%run_scoped3A_1329 : memref<!tpu.dma_semaphore, #tpu.memory_space<semaphore_mem>>) src(%dma_wait3A_1345 : memref<400xi32, #tpu.memory_space<hbm>>) dst(%dma_wait3A_1344 : memref<400xi32, #tpu.memory_space<vmem>>)
      tpu.yield
    }) : () -> ()
    %run_scoped3A_16 = arith.constant 0 : i32
    "tpu.region"() ({
      %run_scoped3A_1329 = tpu.sem_alloc : memref<!tpu.dma_semaphore, #tpu.memory_space<semaphore_mem>>
      %dma_start3A_1330 = arith.constant 0 : i32
      %dma_start3A_1331 = tpu.memref_slice %arg10[%run_scoped3A_16, %dma_start3A_1330] : memref<2x400xi32, #tpu.memory_space<vmem>> -> memref<1x400xi32, #tpu.memory_space<vmem>>
      %dma_start3A_1332 = tpu.memref_squeeze %dma_start3A_1331 : memref<1x400xi32, #tpu.memory_space<vmem>> -> memref<400xi32, #tpu.memory_space<vmem>>
      %dma_start3A_1333 = tpu.memref_slice %arg4[%multiple_of3A] : memref<819200xi32, #tpu.memory_space<hbm>> -> memref<400xi32, #tpu.memory_space<hbm>>
      %dma_start3A_1334 = arith.constant 0 : i32
      %dma_start3A_1335 = tpu.memref_slice %arg10[%run_scoped3A_16, %dma_start3A_1334] : memref<2x400xi32, #tpu.memory_space<vmem>> -> memref<1x400xi32, #tpu.memory_space<vmem>>
      %dma_start3A_1336 = tpu.memref_squeeze %dma_start3A_1335 : memref<1x400xi32, #tpu.memory_space<vmem>> -> memref<400xi32, #tpu.memory_space<vmem>>
      %dma_start3A_1337 = tpu.memref_slice %arg4[%multiple_of3A] : memref<819200xi32, #tpu.memory_space<hbm>> -> memref<400xi32, #tpu.memory_space<hbm>>
      tpu.enqueue_dma source(%dma_start3A_1337 : memref<400xi32, #tpu.memory_space<hbm>>) target(%dma_start3A_1336 : memref<400xi32, #tpu.memory_space<vmem>>) target_semaphore(%run_scoped3A_1329 : memref<!tpu.dma_semaphore, #tpu.memory_space<semaphore_mem>>)
      %dma_wait3A_1338 = arith.constant 0 : i32
      %dma_wait3A_1339 = tpu.memref_slice %arg10[%run_scoped3A_16, %dma_wait3A_1338] : memref<2x400xi32, #tpu.memory_space<vmem>> -> memref<1x400xi32, #tpu.memory_space<vmem>>
      %dma_wait3A_1340 = tpu.memref_squeeze %dma_wait3A_1339 : memref<1x400xi32, #tpu.memory_space<vmem>> -> memref<400xi32, #tpu.memory_space<vmem>>
      %dma_wait3A_1341 = tpu.memref_slice %arg4[%multiple_of3A] : memref<819200xi32, #tpu.memory_space<hbm>> -> memref<400xi32, #tpu.memory_space<hbm>>
      %dma_wait3A_1342 = arith.constant 0 : i32
      %dma_wait3A_1343 = tpu.memref_slice %arg10[%run_scoped3A_16, %dma_wait3A_1342] : memref<2x400xi32, #tpu.memory_space<vmem>> -> memref<1x400xi32, #tpu.memory_space<vmem>>
      %dma_wait3A_1344 = tpu.memref_squeeze %dma_wait3A_1343 : memref<1x400xi32, #tpu.memory_space<vmem>> -> memref<400xi32, #tpu.memory_space<vmem>>
      %dma_wait3A_1345 = tpu.memref_slice %arg4[%multiple_of3A] : memref<819200xi32, #tpu.memory_space<hbm>> -> memref<400xi32, #tpu.memory_space<hbm>>
      tpu.wait_dma2 semaphore(%run_scoped3A_1329 : memref<!tpu.dma_semaphore, #tpu.memory_space<semaphore_mem>>) src(%dma_wait3A_1345 : memref<400xi32, #tpu.memory_space<hbm>>) dst(%dma_wait3A_1344 : memref<400xi32, #tpu.memory_space<vmem>>)
      tpu.yield
    }) : () -> ()
    %dma_start3A = arith.constant 0 : i32
    %dma_start3A_17 = arith.constant 0 : i32
    %dma_start3A_18 = arith.constant 0 : i32
    %dma_start3A_19 = arith.constant 0 : i32
    %dma_start3A_20 = arith.constant 0 : i32
    %dma_start3A_21 = arith.constant 0 : i32
    %dma_start3A_22 = tpu.memref_slice %arg12[%dma_start3A_18, %dma_start3A_19, %dma_start3A_20, %dma_start3A_21] : memref<2x2x200x56xf32, #tpu.memory_space<vmem>> -> memref<1x1x200x56xf32, #tpu.memory_space<vmem>>
    %dma_start3A_23 = tpu.memref_squeeze %dma_start3A_22 : memref<1x1x200x56xf32, #tpu.memory_space<vmem>> -> memref<200x56xf32, #tpu.memory_space<vmem>>
    %dma_start3A_24 = arith.constant 0 : i32
    %dma_start3A_25 = arith.constant 0 : i32
    %dma_start3A_26 = tpu.memref_slice %dma_start3A_23[%dma_start3A_24, %dma_start3A_25] : memref<200x56xf32, #tpu.memory_space<vmem>> -> memref<100x56xf32, #tpu.memory_space<vmem>>
    %dma_start3A_27 = arith.constant 0 : i32
    %dma_start3A_28 = arith.constant 0 : i32
    %dma_start3A_29 = tpu.memref_slice %arg8[%dma_start3A, %dma_start3A_27, %dma_start3A_28] : memref<2x4x100xi32, #tpu.memory_space<vmem>> -> memref<1x4x100xi32, #tpu.memory_space<vmem>>
    %dma_start3A_30 = tpu.memref_squeeze %dma_start3A_29 : memref<1x4x100xi32, #tpu.memory_space<vmem>> -> memref<4x100xi32, #tpu.memory_space<vmem>>
    %dma_start3A_31 = arith.constant 0 : i32
    %dma_start3A_32 = tpu.memref_slice %dma_start3A_30[%dma_start3A_17, %dma_start3A_31] : memref<4x100xi32, #tpu.memory_space<vmem>> -> memref<1x100xi32, #tpu.memory_space<vmem>>
    %dma_start3A_33 = tpu.memref_squeeze %dma_start3A_32 : memref<1x100xi32, #tpu.memory_space<vmem>> -> memref<100xi32, #tpu.memory_space<vmem>>
    %dma_start3A_34 = arith.constant 0 : i32
    %dma_start3A_35 = arith.constant 0 : i32
    %dma_start3A_36 = tpu.memref_slice %arg5[%dma_start3A_34, %dma_start3A_35] : memref<100002x56xf32, #tpu.memory_space<hbm>> -> memref<100002x56xf32, #tpu.memory_space<hbm>>
    tpu.enqueue_indirect_dma source(%dma_start3A_36 : memref<100002x56xf32, #tpu.memory_space<hbm>>) target(%dma_start3A_26 : memref<100x56xf32, #tpu.memory_space<vmem>>) offsets(%dma_start3A_33 : memref<100xi32, #tpu.memory_space<vmem>>) semaphore(%arg15 : memref<!tpu.dma_semaphore, #tpu.memory_space<semaphore_mem>>)
    %dma_start3A_37 = arith.constant 0 : i32
    %dma_start3A_38 = arith.constant 1 : i32
    %dma_start3A_39 = arith.constant 0 : i32
    %dma_start3A_40 = arith.constant 0 : i32
    %dma_start3A_41 = arith.constant 0 : i32
    %dma_start3A_42 = arith.constant 0 : i32
    %dma_start3A_43 = tpu.memref_slice %arg12[%dma_start3A_39, %dma_start3A_40, %dma_start3A_41, %dma_start3A_42] : memref<2x2x200x56xf32, #tpu.memory_space<vmem>> -> memref<1x1x200x56xf32, #tpu.memory_space<vmem>>
    %dma_start3A_44 = tpu.memref_squeeze %dma_start3A_43 : memref<1x1x200x56xf32, #tpu.memory_space<vmem>> -> memref<200x56xf32, #tpu.memory_space<vmem>>
    %dma_start3A_45 = arith.constant 100 : i32
    %dma_start3A_46 = arith.constant 0 : i32
    %dma_start3A_47 = tpu.memref_slice %dma_start3A_44[%dma_start3A_45, %dma_start3A_46] : memref<200x56xf32, #tpu.memory_space<vmem>> -> memref<100x56xf32, #tpu.memory_space<vmem>>
    %dma_start3A_48 = arith.constant 0 : i32
    %dma_start3A_49 = arith.constant 0 : i32
    %dma_start3A_50 = tpu.memref_slice %arg8[%dma_start3A_37, %dma_start3A_48, %dma_start3A_49] : memref<2x4x100xi32, #tpu.memory_space<vmem>> -> memref<1x4x100xi32, #tpu.memory_space<vmem>>
    %dma_start3A_51 = tpu.memref_squeeze %dma_start3A_50 : memref<1x4x100xi32, #tpu.memory_space<vmem>> -> memref<4x100xi32, #tpu.memory_space<vmem>>
    %dma_start3A_52 = arith.constant 0 : i32
    %dma_start3A_53 = tpu.memref_slice %dma_start3A_51[%dma_start3A_38, %dma_start3A_52] : memref<4x100xi32, #tpu.memory_space<vmem>> -> memref<1x100xi32, #tpu.memory_space<vmem>>
    %dma_start3A_54 = tpu.memref_squeeze %dma_start3A_53 : memref<1x100xi32, #tpu.memory_space<vmem>> -> memref<100xi32, #tpu.memory_space<vmem>>
    %dma_start3A_55 = arith.constant 0 : i32
    %dma_start3A_56 = arith.constant 0 : i32
    %dma_start3A_57 = tpu.memref_slice %arg5[%dma_start3A_55, %dma_start3A_56] : memref<100002x56xf32, #tpu.memory_space<hbm>> -> memref<100002x56xf32, #tpu.memory_space<hbm>>
    tpu.enqueue_indirect_dma source(%dma_start3A_57 : memref<100002x56xf32, #tpu.memory_space<hbm>>) target(%dma_start3A_47 : memref<100x56xf32, #tpu.memory_space<vmem>>) offsets(%dma_start3A_54 : memref<100xi32, #tpu.memory_space<vmem>>) semaphore(%arg15 : memref<!tpu.dma_semaphore, #tpu.memory_space<semaphore_mem>>)
    %dma_start3A_58 = arith.constant 0 : i32
    %dma_start3A_59 = arith.constant 2 : i32
    %dma_start3A_60 = arith.constant 0 : i32
    %dma_start3A_61 = arith.constant 1 : i32
    %dma_start3A_62 = arith.constant 0 : i32
    %dma_start3A_63 = arith.constant 0 : i32
    %dma_start3A_64 = tpu.memref_slice %arg12[%dma_start3A_60, %dma_start3A_61, %dma_start3A_62, %dma_start3A_63] : memref<2x2x200x56xf32, #tpu.memory_space<vmem>> -> memref<1x1x200x56xf32, #tpu.memory_space<vmem>>
    %dma_start3A_65 = tpu.memref_squeeze %dma_start3A_64 : memref<1x1x200x56xf32, #tpu.memory_space<vmem>> -> memref<200x56xf32, #tpu.memory_space<vmem>>
    %dma_start3A_66 = arith.constant 0 : i32
    %dma_start3A_67 = arith.constant 0 : i32
    %dma_start3A_68 = tpu.memref_slice %dma_start3A_65[%dma_start3A_66, %dma_start3A_67] : memref<200x56xf32, #tpu.memory_space<vmem>> -> memref<100x56xf32, #tpu.memory_space<vmem>>
    %dma_start3A_69 = arith.constant 0 : i32
    %dma_start3A_70 = arith.constant 0 : i32
    %dma_start3A_71 = tpu.memref_slice %arg8[%dma_start3A_58, %dma_start3A_69, %dma_start3A_70] : memref<2x4x100xi32, #tpu.memory_space<vmem>> -> memref<1x4x100xi32, #tpu.memory_space<vmem>>
    %dma_start3A_72 = tpu.memref_squeeze %dma_start3A_71 : memref<1x4x100xi32, #tpu.memory_space<vmem>> -> memref<4x100xi32, #tpu.memory_space<vmem>>
    %dma_start3A_73 = arith.constant 0 : i32
    %dma_start3A_74 = tpu.memref_slice %dma_start3A_72[%dma_start3A_59, %dma_start3A_73] : memref<4x100xi32, #tpu.memory_space<vmem>> -> memref<1x100xi32, #tpu.memory_space<vmem>>
    %dma_start3A_75 = tpu.memref_squeeze %dma_start3A_74 : memref<1x100xi32, #tpu.memory_space<vmem>> -> memref<100xi32, #tpu.memory_space<vmem>>
    %dma_start3A_76 = arith.constant 0 : i32
    %dma_start3A_77 = arith.constant 0 : i32
    %dma_start3A_78 = tpu.memref_slice %arg5[%dma_start3A_76, %dma_start3A_77] : memref<100002x56xf32, #tpu.memory_space<hbm>> -> memref<100002x56xf32, #tpu.memory_space<hbm>>
    tpu.enqueue_indirect_dma source(%dma_start3A_78 : memref<100002x56xf32, #tpu.memory_space<hbm>>) target(%dma_start3A_68 : memref<100x56xf32, #tpu.memory_space<vmem>>) offsets(%dma_start3A_75 : memref<100xi32, #tpu.memory_space<vmem>>) semaphore(%arg15 : memref<!tpu.dma_semaphore, #tpu.memory_space<semaphore_mem>>)
    %dma_start3A_79 = arith.constant 0 : i32
    %dma_start3A_80 = arith.constant 3 : i32
    %dma_start3A_81 = arith.constant 0 : i32
    %dma_start3A_82 = arith.constant 1 : i32
    %dma_start3A_83 = arith.constant 0 : i32
    %dma_start3A_84 = arith.constant 0 : i32
    %dma_start3A_85 = tpu.memref_slice %arg12[%dma_start3A_81, %dma_start3A_82, %dma_start3A_83, %dma_start3A_84] : memref<2x2x200x56xf32, #tpu.memory_space<vmem>> -> memref<1x1x200x56xf32, #tpu.memory_space<vmem>>
    %dma_start3A_86 = tpu.memref_squeeze %dma_start3A_85 : memref<1x1x200x56xf32, #tpu.memory_space<vmem>> -> memref<200x56xf32, #tpu.memory_space<vmem>>
    %dma_start3A_87 = arith.constant 100 : i32
    %dma_start3A_88 = arith.constant 0 : i32
    %dma_start3A_89 = tpu.memref_slice %dma_start3A_86[%dma_start3A_87, %dma_start3A_88] : memref<200x56xf32, #tpu.memory_space<vmem>> -> memref<100x56xf32, #tpu.memory_space<vmem>>
    %dma_start3A_90 = arith.constant 0 : i32
    %dma_start3A_91 = arith.constant 0 : i32
    %dma_start3A_92 = tpu.memref_slice %arg8[%dma_start3A_79, %dma_start3A_90, %dma_start3A_91] : memref<2x4x100xi32, #tpu.memory_space<vmem>> -> memref<1x4x100xi32, #tpu.memory_space<vmem>>
    %dma_start3A_93 = tpu.memref_squeeze %dma_start3A_92 : memref<1x4x100xi32, #tpu.memory_space<vmem>> -> memref<4x100xi32, #tpu.memory_space<vmem>>
    %dma_start3A_94 = arith.constant 0 : i32
    %dma_start3A_95 = tpu.memref_slice %dma_start3A_93[%dma_start3A_80, %dma_start3A_94] : memref<4x100xi32, #tpu.memory_space<vmem>> -> memref<1x100xi32, #tpu.memory_space<vmem>>
    %dma_start3A_96 = tpu.memref_squeeze %dma_start3A_95 : memref<1x100xi32, #tpu.memory_space<vmem>> -> memref<100xi32, #tpu.memory_space<vmem>>
    %dma_start3A_97 = arith.constant 0 : i32
    %dma_start3A_98 = arith.constant 0 : i32
    %dma_start3A_99 = tpu.memref_slice %arg5[%dma_start3A_97, %dma_start3A_98] : memref<100002x56xf32, #tpu.memory_space<hbm>> -> memref<100002x56xf32, #tpu.memory_space<hbm>>
    tpu.enqueue_indirect_dma source(%dma_start3A_99 : memref<100002x56xf32, #tpu.memory_space<hbm>>) target(%dma_start3A_89 : memref<100x56xf32, #tpu.memory_space<vmem>>) offsets(%dma_start3A_96 : memref<100xi32, #tpu.memory_space<vmem>>) semaphore(%arg15 : memref<!tpu.dma_semaphore, #tpu.memory_space<semaphore_mem>>)
    %mul3A_100 = arith.constant 25600 : i32
    %mul3A_101 = arith.muli %add3A, %mul3A_100 : i32
    %add3A_102 = arith.constant 400 : i32
    %add3A_103 = arith.addi %mul3A_101, %add3A_102 : i32
    %multiple_of3A_104 = tpu.assume_multiple %add3A_103, 400 : i32
    %mul3A_105 = arith.constant 256 : i32
    %mul3A_106 = arith.muli %add3A, %mul3A_105 : i32
    %add3A_107 = arith.constant 4 : i32
    %add3A_108 = arith.addi %mul3A_106, %add3A_107 : i32
    %multiple_of3A_109 = tpu.assume_multiple %add3A_108, 4 : i32
    %mul3A_110 = arith.constant 128 : i32
    %mul3A_111 = arith.muli %add3A, %mul3A_110 : i32
    %add3A_112 = arith.constant 2 : i32
    %add3A_113 = arith.addi %mul3A_111, %add3A_112 : i32
    %multiple_of3A_114 = tpu.assume_multiple %add3A_113, 2 : i32
    %dma_start3A_115 = arith.constant 1 : i32
    %dma_start3A_116 = arith.constant 0 : i32
    %dma_start3A_117 = arith.constant 0 : i32
    %dma_start3A_118 = tpu.memref_slice %arg8[%dma_start3A_115, %dma_start3A_116, %dma_start3A_117] : memref<2x4x100xi32, #tpu.memory_space<vmem>> -> memref<1x4x100xi32, #tpu.memory_space<vmem>>
    %dma_start3A_119 = tpu.memref_squeeze %dma_start3A_118 : memref<1x4x100xi32, #tpu.memory_space<vmem>> -> memref<4x100xi32, #tpu.memory_space<vmem>>
    %dma_start3A_120 = arith.constant 0 : i32
    %dma_start3A_121 = tpu.memref_slice %arg2[%multiple_of3A_109, %dma_start3A_120] : memref<8192x100xi32, #tpu.memory_space<hbm>> -> memref<4x100xi32, #tpu.memory_space<hbm>>
    %dma_start3A_122 = arith.constant 0 : i32
    %dma_start3A_123 = arith.constant 0 : i32
    %dma_start3A_124 = tpu.memref_slice %arg8[%dma_start3A_115, %dma_start3A_122, %dma_start3A_123] : memref<2x4x100xi32, #tpu.memory_space<vmem>> -> memref<1x4x100xi32, #tpu.memory_space<vmem>>
    %dma_start3A_125 = tpu.memref_squeeze %dma_start3A_124 : memref<1x4x100xi32, #tpu.memory_space<vmem>> -> memref<4x100xi32, #tpu.memory_space<vmem>>
    %dma_start3A_126 = arith.constant 0 : i32
    %dma_start3A_127 = tpu.memref_slice %arg2[%multiple_of3A_109, %dma_start3A_126] : memref<8192x100xi32, #tpu.memory_space<hbm>> -> memref<4x100xi32, #tpu.memory_space<hbm>>
    tpu.enqueue_dma source(%dma_start3A_127 : memref<4x100xi32, #tpu.memory_space<hbm>>) target(%dma_start3A_125 : memref<4x100xi32, #tpu.memory_space<vmem>>) target_semaphore(%arg14 : memref<!tpu.dma_semaphore, #tpu.memory_space<semaphore_mem>>)
    %dma_start3A_128 = arith.constant 1 : i32
    %dma_start3A_129 = arith.constant 0 : i32
    %dma_start3A_130 = tpu.memref_slice %arg9[%dma_start3A_128, %dma_start3A_129] : memref<2x400xi32, #tpu.memory_space<vmem>> -> memref<1x400xi32, #tpu.memory_space<vmem>>
    %dma_start3A_131 = tpu.memref_squeeze %dma_start3A_130 : memref<1x400xi32, #tpu.memory_space<vmem>> -> memref<400xi32, #tpu.memory_space<vmem>>
    %dma_start3A_132 = tpu.memref_slice %arg3[%multiple_of3A_104] : memref<819200xi32, #tpu.memory_space<hbm>> -> memref<400xi32, #tpu.memory_space<hbm>>
    %dma_start3A_133 = arith.constant 0 : i32
    %dma_start3A_134 = tpu.memref_slice %arg9[%dma_start3A_128, %dma_start3A_133] : memref<2x400xi32, #tpu.memory_space<vmem>> -> memref<1x400xi32, #tpu.memory_space<vmem>>
    %dma_start3A_135 = tpu.memref_squeeze %dma_start3A_134 : memref<1x400xi32, #tpu.memory_space<vmem>> -> memref<400xi32, #tpu.memory_space<vmem>>
    %dma_start3A_136 = tpu.memref_slice %arg3[%multiple_of3A_104] : memref<819200xi32, #tpu.memory_space<hbm>> -> memref<400xi32, #tpu.memory_space<hbm>>
    tpu.enqueue_dma source(%dma_start3A_136 : memref<400xi32, #tpu.memory_space<hbm>>) target(%dma_start3A_135 : memref<400xi32, #tpu.memory_space<vmem>>) target_semaphore(%arg14 : memref<!tpu.dma_semaphore, #tpu.memory_space<semaphore_mem>>)
    %dma_start3A_137 = arith.constant 1 : i32
    %dma_start3A_138 = arith.constant 0 : i32
    %dma_start3A_139 = tpu.memref_slice %arg10[%dma_start3A_137, %dma_start3A_138] : memref<2x400xi32, #tpu.memory_space<vmem>> -> memref<1x400xi32, #tpu.memory_space<vmem>>
    %dma_start3A_140 = tpu.memref_squeeze %dma_start3A_139 : memref<1x400xi32, #tpu.memory_space<vmem>> -> memref<400xi32, #tpu.memory_space<vmem>>
    %dma_start3A_141 = tpu.memref_slice %arg4[%multiple_of3A_104] : memref<819200xi32, #tpu.memory_space<hbm>> -> memref<400xi32, #tpu.memory_space<hbm>>
    %dma_start3A_142 = arith.constant 0 : i32
    %dma_start3A_143 = tpu.memref_slice %arg10[%dma_start3A_137, %dma_start3A_142] : memref<2x400xi32, #tpu.memory_space<vmem>> -> memref<1x400xi32, #tpu.memory_space<vmem>>
    %dma_start3A_144 = tpu.memref_squeeze %dma_start3A_143 : memref<1x400xi32, #tpu.memory_space<vmem>> -> memref<400xi32, #tpu.memory_space<vmem>>
    %dma_start3A_145 = tpu.memref_slice %arg4[%multiple_of3A_104] : memref<819200xi32, #tpu.memory_space<hbm>> -> memref<400xi32, #tpu.memory_space<hbm>>
    tpu.enqueue_dma source(%dma_start3A_145 : memref<400xi32, #tpu.memory_space<hbm>>) target(%dma_start3A_144 : memref<400xi32, #tpu.memory_space<vmem>>) target_semaphore(%arg14 : memref<!tpu.dma_semaphore, #tpu.memory_space<semaphore_mem>>)
    %dma_wait3A = arith.constant 0 : i32
    %dma_wait3A_146 = arith.constant 0 : i32
    %dma_wait3A_147 = arith.constant 0 : i32
    %dma_wait3A_148 = arith.constant 0 : i32
    %dma_wait3A_149 = tpu.memref_slice %arg12[%dma_wait3A, %dma_wait3A_146, %dma_wait3A_147, %dma_wait3A_148] : memref<2x2x200x56xf32, #tpu.memory_space<vmem>> -> memref<1x1x200x56xf32, #tpu.memory_space<vmem>>
    %dma_wait3A_150 = tpu.memref_squeeze %dma_wait3A_149 : memref<1x1x200x56xf32, #tpu.memory_space<vmem>> -> memref<200x56xf32, #tpu.memory_space<vmem>>
    %dma_wait3A_151 = arith.constant 0 : i32
    %dma_wait3A_152 = arith.constant 0 : i32
    %dma_wait3A_153 = tpu.memref_slice %dma_wait3A_150[%dma_wait3A_151, %dma_wait3A_152] : memref<200x56xf32, #tpu.memory_space<vmem>> -> memref<100x56xf32, #tpu.memory_space<vmem>>
    %dma_wait3A_154 = arith.constant 0 : i32
    %dma_wait3A_155 = arith.constant 0 : i32
    %dma_wait3A_156 = tpu.memref_slice %arg5[%dma_wait3A_154, %dma_wait3A_155] : memref<100002x56xf32, #tpu.memory_space<hbm>> -> memref<100x56xf32, #tpu.memory_space<hbm>>
    %dma_wait3A_157 = arith.constant 0 : i32
    %dma_wait3A_158 = arith.constant 0 : i32
    %dma_wait3A_159 = tpu.memref_slice %arg12[%dma_wait3A, %dma_wait3A_146, %dma_wait3A_157, %dma_wait3A_158] : memref<2x2x200x56xf32, #tpu.memory_space<vmem>> -> memref<1x1x200x56xf32, #tpu.memory_space<vmem>>
    %dma_wait3A_160 = tpu.memref_squeeze %dma_wait3A_159 : memref<1x1x200x56xf32, #tpu.memory_space<vmem>> -> memref<200x56xf32, #tpu.memory_space<vmem>>
    %dma_wait3A_161 = arith.constant 0 : i32
    %dma_wait3A_162 = arith.constant 0 : i32
    %dma_wait3A_163 = tpu.memref_slice %dma_wait3A_160[%dma_wait3A_161, %dma_wait3A_162] : memref<200x56xf32, #tpu.memory_space<vmem>> -> memref<100x56xf32, #tpu.memory_space<vmem>>
    %dma_wait3A_164 = arith.constant 0 : i32
    %dma_wait3A_165 = arith.constant 0 : i32
    %dma_wait3A_166 = tpu.memref_slice %arg5[%dma_wait3A_164, %dma_wait3A_165] : memref<100002x56xf32, #tpu.memory_space<hbm>> -> memref<100x56xf32, #tpu.memory_space<hbm>>
    tpu.wait_dma2 semaphore(%arg15 : memref<!tpu.dma_semaphore, #tpu.memory_space<semaphore_mem>>) src(%dma_wait3A_166 : memref<100x56xf32, #tpu.memory_space<hbm>>) dst(%dma_wait3A_163 : memref<100x56xf32, #tpu.memory_space<vmem>>)
    %dma_wait3A_167 = arith.constant 0 : i32
    %dma_wait3A_168 = arith.constant 0 : i32
    %dma_wait3A_169 = arith.constant 0 : i32
    %dma_wait3A_170 = arith.constant 0 : i32
    %dma_wait3A_171 = tpu.memref_slice %arg12[%dma_wait3A_167, %dma_wait3A_168, %dma_wait3A_169, %dma_wait3A_170] : memref<2x2x200x56xf32, #tpu.memory_space<vmem>> -> memref<1x1x200x56xf32, #tpu.memory_space<vmem>>
    %dma_wait3A_172 = tpu.memref_squeeze %dma_wait3A_171 : memref<1x1x200x56xf32, #tpu.memory_space<vmem>> -> memref<200x56xf32, #tpu.memory_space<vmem>>
    %dma_wait3A_173 = arith.constant 100 : i32
    %dma_wait3A_174 = arith.constant 0 : i32
    %dma_wait3A_175 = tpu.memref_slice %dma_wait3A_172[%dma_wait3A_173, %dma_wait3A_174] : memref<200x56xf32, #tpu.memory_space<vmem>> -> memref<100x56xf32, #tpu.memory_space<vmem>>
    %dma_wait3A_176 = arith.constant 0 : i32
    %dma_wait3A_177 = arith.constant 0 : i32
    %dma_wait3A_178 = tpu.memref_slice %arg5[%dma_wait3A_176, %dma_wait3A_177] : memref<100002x56xf32, #tpu.memory_space<hbm>> -> memref<100x56xf32, #tpu.memory_space<hbm>>
    %dma_wait3A_179 = arith.constant 0 : i32
    %dma_wait3A_180 = arith.constant 0 : i32
    %dma_wait3A_181 = tpu.memref_slice %arg12[%dma_wait3A_167, %dma_wait3A_168, %dma_wait3A_179, %dma_wait3A_180] : memref<2x2x200x56xf32, #tpu.memory_space<vmem>> -> memref<1x1x200x56xf32, #tpu.memory_space<vmem>>
    %dma_wait3A_182 = tpu.memref_squeeze %dma_wait3A_181 : memref<1x1x200x56xf32, #tpu.memory_space<vmem>> -> memref<200x56xf32, #tpu.memory_space<vmem>>
    %dma_wait3A_183 = arith.constant 100 : i32
    %dma_wait3A_184 = arith.constant 0 : i32
    %dma_wait3A_185 = tpu.memref_slice %dma_wait3A_182[%dma_wait3A_183, %dma_wait3A_184] : memref<200x56xf32, #tpu.memory_space<vmem>> -> memref<100x56xf32, #tpu.memory_space<vmem>>
    %dma_wait3A_186 = arith.constant 0 : i32
    %dma_wait3A_187 = arith.constant 0 : i32
    %dma_wait3A_188 = tpu.memref_slice %arg5[%dma_wait3A_186, %dma_wait3A_187] : memref<100002x56xf32, #tpu.memory_space<hbm>> -> memref<100x56xf32, #tpu.memory_space<hbm>>
    tpu.wait_dma2 semaphore(%arg15 : memref<!tpu.dma_semaphore, #tpu.memory_space<semaphore_mem>>) src(%dma_wait3A_188 : memref<100x56xf32, #tpu.memory_space<hbm>>) dst(%dma_wait3A_185 : memref<100x56xf32, #tpu.memory_space<vmem>>)
    %dma_wait3A_189 = arith.constant 0 : i32
    %dma_wait3A_190 = arith.constant 1 : i32
    %dma_wait3A_191 = arith.constant 0 : i32
    %dma_wait3A_192 = arith.constant 0 : i32
    %dma_wait3A_193 = tpu.memref_slice %arg12[%dma_wait3A_189, %dma_wait3A_190, %dma_wait3A_191, %dma_wait3A_192] : memref<2x2x200x56xf32, #tpu.memory_space<vmem>> -> memref<1x1x200x56xf32, #tpu.memory_space<vmem>>
    %dma_wait3A_194 = tpu.memref_squeeze %dma_wait3A_193 : memref<1x1x200x56xf32, #tpu.memory_space<vmem>> -> memref<200x56xf32, #tpu.memory_space<vmem>>
    %dma_wait3A_195 = arith.constant 0 : i32
    %dma_wait3A_196 = arith.constant 0 : i32
    %dma_wait3A_197 = tpu.memref_slice %dma_wait3A_194[%dma_wait3A_195, %dma_wait3A_196] : memref<200x56xf32, #tpu.memory_space<vmem>> -> memref<100x56xf32, #tpu.memory_space<vmem>>
    %dma_wait3A_198 = arith.constant 0 : i32
    %dma_wait3A_199 = arith.constant 0 : i32
    %dma_wait3A_200 = tpu.memref_slice %arg5[%dma_wait3A_198, %dma_wait3A_199] : memref<100002x56xf32, #tpu.memory_space<hbm>> -> memref<100x56xf32, #tpu.memory_space<hbm>>
    %dma_wait3A_201 = arith.constant 0 : i32
    %dma_wait3A_202 = arith.constant 0 : i32
    %dma_wait3A_203 = tpu.memref_slice %arg12[%dma_wait3A_189, %dma_wait3A_190, %dma_wait3A_201, %dma_wait3A_202] : memref<2x2x200x56xf32, #tpu.memory_space<vmem>> -> memref<1x1x200x56xf32, #tpu.memory_space<vmem>>
    %dma_wait3A_204 = tpu.memref_squeeze %dma_wait3A_203 : memref<1x1x200x56xf32, #tpu.memory_space<vmem>> -> memref<200x56xf32, #tpu.memory_space<vmem>>
    %dma_wait3A_205 = arith.constant 0 : i32
    %dma_wait3A_206 = arith.constant 0 : i32
    %dma_wait3A_207 = tpu.memref_slice %dma_wait3A_204[%dma_wait3A_205, %dma_wait3A_206] : memref<200x56xf32, #tpu.memory_space<vmem>> -> memref<100x56xf32, #tpu.memory_space<vmem>>
    %dma_wait3A_208 = arith.constant 0 : i32
    %dma_wait3A_209 = arith.constant 0 : i32
    %dma_wait3A_210 = tpu.memref_slice %arg5[%dma_wait3A_208, %dma_wait3A_209] : memref<100002x56xf32, #tpu.memory_space<hbm>> -> memref<100x56xf32, #tpu.memory_space<hbm>>
    tpu.wait_dma2 semaphore(%arg15 : memref<!tpu.dma_semaphore, #tpu.memory_space<semaphore_mem>>) src(%dma_wait3A_210 : memref<100x56xf32, #tpu.memory_space<hbm>>) dst(%dma_wait3A_207 : memref<100x56xf32, #tpu.memory_space<vmem>>)
    %dma_wait3A_211 = arith.constant 0 : i32
    %dma_wait3A_212 = arith.constant 1 : i32
    %dma_wait3A_213 = arith.constant 0 : i32
    %dma_wait3A_214 = arith.constant 0 : i32
    %dma_wait3A_215 = tpu.memref_slice %arg12[%dma_wait3A_211, %dma_wait3A_212, %dma_wait3A_213, %dma_wait3A_214] : memref<2x2x200x56xf32, #tpu.memory_space<vmem>> -> memref<1x1x200x56xf32, #tpu.memory_space<vmem>>
    %dma_wait3A_216 = tpu.memref_squeeze %dma_wait3A_215 : memref<1x1x200x56xf32, #tpu.memory_space<vmem>> -> memref<200x56xf32, #tpu.memory_space<vmem>>
    %dma_wait3A_217 = arith.constant 100 : i32
    %dma_wait3A_218 = arith.constant 0 : i32
    %dma_wait3A_219 = tpu.memref_slice %dma_wait3A_216[%dma_wait3A_217, %dma_wait3A_218] : memref<200x56xf32, #tpu.memory_space<vmem>> -> memref<100x56xf32, #tpu.memory_space<vmem>>
    %dma_wait3A_220 = arith.constant 0 : i32
    %dma_wait3A_221 = arith.constant 0 : i32
    %dma_wait3A_222 = tpu.memref_slice %arg5[%dma_wait3A_220, %dma_wait3A_221] : memref<100002x56xf32, #tpu.memory_space<hbm>> -> memref<100x56xf32, #tpu.memory_space<hbm>>
    %dma_wait3A_223 = arith.constant 0 : i32
    %dma_wait3A_224 = arith.constant 0 : i32
    %dma_wait3A_225 = tpu.memref_slice %arg12[%dma_wait3A_211, %dma_wait3A_212, %dma_wait3A_223, %dma_wait3A_224] : memref<2x2x200x56xf32, #tpu.memory_space<vmem>> -> memref<1x1x200x56xf32, #tpu.memory_space<vmem>>
    %dma_wait3A_226 = tpu.memref_squeeze %dma_wait3A_225 : memref<1x1x200x56xf32, #tpu.memory_space<vmem>> -> memref<200x56xf32, #tpu.memory_space<vmem>>
    %dma_wait3A_227 = arith.constant 100 : i32
    %dma_wait3A_228 = arith.constant 0 : i32
    %dma_wait3A_229 = tpu.memref_slice %dma_wait3A_226[%dma_wait3A_227, %dma_wait3A_228] : memref<200x56xf32, #tpu.memory_space<vmem>> -> memref<100x56xf32, #tpu.memory_space<vmem>>
    %dma_wait3A_230 = arith.constant 0 : i32
    %dma_wait3A_231 = arith.constant 0 : i32
    %dma_wait3A_232 = tpu.memref_slice %arg5[%dma_wait3A_230, %dma_wait3A_231] : memref<100002x56xf32, #tpu.memory_space<hbm>> -> memref<100x56xf32, #tpu.memory_space<hbm>>
    tpu.wait_dma2 semaphore(%arg15 : memref<!tpu.dma_semaphore, #tpu.memory_space<semaphore_mem>>) src(%dma_wait3A_232 : memref<100x56xf32, #tpu.memory_space<hbm>>) dst(%dma_wait3A_229 : memref<100x56xf32, #tpu.memory_space<vmem>>)
    %dma_wait3A_233 = arith.constant 1 : i32
    %dma_wait3A_234 = arith.constant 0 : i32
    %dma_wait3A_235 = arith.constant 0 : i32
    %dma_wait3A_236 = tpu.memref_slice %arg8[%dma_wait3A_233, %dma_wait3A_234, %dma_wait3A_235] : memref<2x4x100xi32, #tpu.memory_space<vmem>> -> memref<1x4x100xi32, #tpu.memory_space<vmem>>
    %dma_wait3A_237 = tpu.memref_squeeze %dma_wait3A_236 : memref<1x4x100xi32, #tpu.memory_space<vmem>> -> memref<4x100xi32, #tpu.memory_space<vmem>>
    %dma_wait3A_238 = arith.constant 0 : i32
    %dma_wait3A_239 = arith.constant 0 : i32
    %dma_wait3A_240 = tpu.memref_slice %arg2[%dma_wait3A_238, %dma_wait3A_239] : memref<8192x100xi32, #tpu.memory_space<hbm>> -> memref<4x100xi32, #tpu.memory_space<hbm>>
    %dma_wait3A_241 = arith.constant 0 : i32
    %dma_wait3A_242 = arith.constant 0 : i32
    %dma_wait3A_243 = tpu.memref_slice %arg8[%dma_wait3A_233, %dma_wait3A_241, %dma_wait3A_242] : memref<2x4x100xi32, #tpu.memory_space<vmem>> -> memref<1x4x100xi32, #tpu.memory_space<vmem>>
    %dma_wait3A_244 = tpu.memref_squeeze %dma_wait3A_243 : memref<1x4x100xi32, #tpu.memory_space<vmem>> -> memref<4x100xi32, #tpu.memory_space<vmem>>
    %dma_wait3A_245 = arith.constant 0 : i32
    %dma_wait3A_246 = arith.constant 0 : i32
    %dma_wait3A_247 = tpu.memref_slice %arg2[%dma_wait3A_245, %dma_wait3A_246] : memref<8192x100xi32, #tpu.memory_space<hbm>> -> memref<4x100xi32, #tpu.memory_space<hbm>>
    tpu.wait_dma2 semaphore(%arg14 : memref<!tpu.dma_semaphore, #tpu.memory_space<semaphore_mem>>) src(%dma_wait3A_247 : memref<4x100xi32, #tpu.memory_space<hbm>>) dst(%dma_wait3A_244 : memref<4x100xi32, #tpu.memory_space<vmem>>)
    %dma_wait3A_248 = arith.constant 1 : i32
    %dma_wait3A_249 = arith.constant 0 : i32
    %dma_wait3A_250 = tpu.memref_slice %arg9[%dma_wait3A_248, %dma_wait3A_249] : memref<2x400xi32, #tpu.memory_space<vmem>> -> memref<1x400xi32, #tpu.memory_space<vmem>>
    %dma_wait3A_251 = tpu.memref_squeeze %dma_wait3A_250 : memref<1x400xi32, #tpu.memory_space<vmem>> -> memref<400xi32, #tpu.memory_space<vmem>>
    %dma_wait3A_252 = arith.constant 0 : i32
    %dma_wait3A_253 = tpu.memref_slice %arg3[%dma_wait3A_252] : memref<819200xi32, #tpu.memory_space<hbm>> -> memref<400xi32, #tpu.memory_space<hbm>>
    %dma_wait3A_254 = arith.constant 0 : i32
    %dma_wait3A_255 = tpu.memref_slice %arg9[%dma_wait3A_248, %dma_wait3A_254] : memref<2x400xi32, #tpu.memory_space<vmem>> -> memref<1x400xi32, #tpu.memory_space<vmem>>
    %dma_wait3A_256 = tpu.memref_squeeze %dma_wait3A_255 : memref<1x400xi32, #tpu.memory_space<vmem>> -> memref<400xi32, #tpu.memory_space<vmem>>
    %dma_wait3A_257 = arith.constant 0 : i32
    %dma_wait3A_258 = tpu.memref_slice %arg3[%dma_wait3A_257] : memref<819200xi32, #tpu.memory_space<hbm>> -> memref<400xi32, #tpu.memory_space<hbm>>
    tpu.wait_dma2 semaphore(%arg14 : memref<!tpu.dma_semaphore, #tpu.memory_space<semaphore_mem>>) src(%dma_wait3A_258 : memref<400xi32, #tpu.memory_space<hbm>>) dst(%dma_wait3A_256 : memref<400xi32, #tpu.memory_space<vmem>>)
    %dma_wait3A_259 = arith.constant 1 : i32
    %dma_wait3A_260 = arith.constant 0 : i32
    %dma_wait3A_261 = tpu.memref_slice %arg10[%dma_wait3A_259, %dma_wait3A_260] : memref<2x400xi32, #tpu.memory_space<vmem>> -> memref<1x400xi32, #tpu.memory_space<vmem>>
    %dma_wait3A_262 = tpu.memref_squeeze %dma_wait3A_261 : memref<1x400xi32, #tpu.memory_space<vmem>> -> memref<400xi32, #tpu.memory_space<vmem>>
    %dma_wait3A_263 = arith.constant 0 : i32
    %dma_wait3A_264 = tpu.memref_slice %arg4[%dma_wait3A_263] : memref<819200xi32, #tpu.memory_space<hbm>> -> memref<400xi32, #tpu.memory_space<hbm>>
    %dma_wait3A_265 = arith.constant 0 : i32
    %dma_wait3A_266 = tpu.memref_slice %arg10[%dma_wait3A_259, %dma_wait3A_265] : memref<2x400xi32, #tpu.memory_space<vmem>> -> memref<1x400xi32, #tpu.memory_space<vmem>>
    %dma_wait3A_267 = tpu.memref_squeeze %dma_wait3A_266 : memref<1x400xi32, #tpu.memory_space<vmem>> -> memref<400xi32, #tpu.memory_space<vmem>>
    %dma_wait3A_268 = arith.constant 0 : i32
    %dma_wait3A_269 = tpu.memref_slice %arg4[%dma_wait3A_268] : memref<819200xi32, #tpu.memory_space<hbm>> -> memref<400xi32, #tpu.memory_space<hbm>>
    tpu.wait_dma2 semaphore(%arg14 : memref<!tpu.dma_semaphore, #tpu.memory_space<semaphore_mem>>) src(%dma_wait3A_269 : memref<400xi32, #tpu.memory_space<hbm>>) dst(%dma_wait3A_267 : memref<400xi32, #tpu.memory_space<vmem>>)
    %dma_start3A_270 = arith.constant 1 : i32
    %dma_start3A_271 = arith.constant 0 : i32
    %dma_start3A_272 = arith.constant 1 : i32
    %dma_start3A_273 = arith.constant 0 : i32
    %dma_start3A_274 = arith.constant 0 : i32
    %dma_start3A_275 = arith.constant 0 : i32
    %dma_start3A_276 = tpu.memref_slice %arg12[%dma_start3A_272, %dma_start3A_273, %dma_start3A_274, %dma_start3A_275] : memref<2x2x200x56xf32, #tpu.memory_space<vmem>> -> memref<1x1x200x56xf32, #tpu.memory_space<vmem>>
    %dma_start3A_277 = tpu.memref_squeeze %dma_start3A_276 : memref<1x1x200x56xf32, #tpu.memory_space<vmem>> -> memref<200x56xf32, #tpu.memory_space<vmem>>
    %dma_start3A_278 = arith.constant 0 : i32
    %dma_start3A_279 = arith.constant 0 : i32
    %dma_start3A_280 = tpu.memref_slice %dma_start3A_277[%dma_start3A_278, %dma_start3A_279] : memref<200x56xf32, #tpu.memory_space<vmem>> -> memref<100x56xf32, #tpu.memory_space<vmem>>
    %dma_start3A_281 = arith.constant 0 : i32
    %dma_start3A_282 = arith.constant 0 : i32
    %dma_start3A_283 = tpu.memref_slice %arg8[%dma_start3A_270, %dma_start3A_281, %dma_start3A_282] : memref<2x4x100xi32, #tpu.memory_space<vmem>> -> memref<1x4x100xi32, #tpu.memory_space<vmem>>
    %dma_start3A_284 = tpu.memref_squeeze %dma_start3A_283 : memref<1x4x100xi32, #tpu.memory_space<vmem>> -> memref<4x100xi32, #tpu.memory_space<vmem>>
    %dma_start3A_285 = arith.constant 0 : i32
    %dma_start3A_286 = tpu.memref_slice %dma_start3A_284[%dma_start3A_271, %dma_start3A_285] : memref<4x100xi32, #tpu.memory_space<vmem>> -> memref<1x100xi32, #tpu.memory_space<vmem>>
    %dma_start3A_287 = tpu.memref_squeeze %dma_start3A_286 : memref<1x100xi32, #tpu.memory_space<vmem>> -> memref<100xi32, #tpu.memory_space<vmem>>
    %dma_start3A_288 = arith.constant 0 : i32
    %dma_start3A_289 = arith.constant 0 : i32
    %dma_start3A_290 = tpu.memref_slice %arg5[%dma_start3A_288, %dma_start3A_289] : memref<100002x56xf32, #tpu.memory_space<hbm>> -> memref<100002x56xf32, #tpu.memory_space<hbm>>
    tpu.enqueue_indirect_dma source(%dma_start3A_290 : memref<100002x56xf32, #tpu.memory_space<hbm>>) target(%dma_start3A_280 : memref<100x56xf32, #tpu.memory_space<vmem>>) offsets(%dma_start3A_287 : memref<100xi32, #tpu.memory_space<vmem>>) semaphore(%arg15 : memref<!tpu.dma_semaphore, #tpu.memory_space<semaphore_mem>>)
    %dma_start3A_291 = arith.constant 1 : i32
    %dma_start3A_292 = arith.constant 1 : i32
    %dma_start3A_293 = arith.constant 1 : i32
    %dma_start3A_294 = arith.constant 0 : i32
    %dma_start3A_295 = arith.constant 0 : i32
    %dma_start3A_296 = arith.constant 0 : i32
    %dma_start3A_297 = tpu.memref_slice %arg12[%dma_start3A_293, %dma_start3A_294, %dma_start3A_295, %dma_start3A_296] : memref<2x2x200x56xf32, #tpu.memory_space<vmem>> -> memref<1x1x200x56xf32, #tpu.memory_space<vmem>>
    %dma_start3A_298 = tpu.memref_squeeze %dma_start3A_297 : memref<1x1x200x56xf32, #tpu.memory_space<vmem>> -> memref<200x56xf32, #tpu.memory_space<vmem>>
    %dma_start3A_299 = arith.constant 100 : i32
    %dma_start3A_300 = arith.constant 0 : i32
    %dma_start3A_301 = tpu.memref_slice %dma_start3A_298[%dma_start3A_299, %dma_start3A_300] : memref<200x56xf32, #tpu.memory_space<vmem>> -> memref<100x56xf32, #tpu.memory_space<vmem>>
    %dma_start3A_302 = arith.constant 0 : i32
    %dma_start3A_303 = arith.constant 0 : i32
    %dma_start3A_304 = tpu.memref_slice %arg8[%dma_start3A_291, %dma_start3A_302, %dma_start3A_303] : memref<2x4x100xi32, #tpu.memory_space<vmem>> -> memref<1x4x100xi32, #tpu.memory_space<vmem>>
    %dma_start3A_305 = tpu.memref_squeeze %dma_start3A_304 : memref<1x4x100xi32, #tpu.memory_space<vmem>> -> memref<4x100xi32, #tpu.memory_space<vmem>>
    %dma_start3A_306 = arith.constant 0 : i32
    %dma_start3A_307 = tpu.memref_slice %dma_start3A_305[%dma_start3A_292, %dma_start3A_306] : memref<4x100xi32, #tpu.memory_space<vmem>> -> memref<1x100xi32, #tpu.memory_space<vmem>>
    %dma_start3A_308 = tpu.memref_squeeze %dma_start3A_307 : memref<1x100xi32, #tpu.memory_space<vmem>> -> memref<100xi32, #tpu.memory_space<vmem>>
    %dma_start3A_309 = arith.constant 0 : i32
    %dma_start3A_310 = arith.constant 0 : i32
    %dma_start3A_311 = tpu.memref_slice %arg5[%dma_start3A_309, %dma_start3A_310] : memref<100002x56xf32, #tpu.memory_space<hbm>> -> memref<100002x56xf32, #tpu.memory_space<hbm>>
    tpu.enqueue_indirect_dma source(%dma_start3A_311 : memref<100002x56xf32, #tpu.memory_space<hbm>>) target(%dma_start3A_301 : memref<100x56xf32, #tpu.memory_space<vmem>>) offsets(%dma_start3A_308 : memref<100xi32, #tpu.memory_space<vmem>>) semaphore(%arg15 : memref<!tpu.dma_semaphore, #tpu.memory_space<semaphore_mem>>)
    %dma_start3A_312 = arith.constant 1 : i32
    %dma_start3A_313 = arith.constant 2 : i32
    %dma_start3A_314 = arith.constant 1 : i32
    %dma_start3A_315 = arith.constant 1 : i32
    %dma_start3A_316 = arith.constant 0 : i32
    %dma_start3A_317 = arith.constant 0 : i32
    %dma_start3A_318 = tpu.memref_slice %arg12[%dma_start3A_314, %dma_start3A_315, %dma_start3A_316, %dma_start3A_317] : memref<2x2x200x56xf32, #tpu.memory_space<vmem>> -> memref<1x1x200x56xf32, #tpu.memory_space<vmem>>
    %dma_start3A_319 = tpu.memref_squeeze %dma_start3A_318 : memref<1x1x200x56xf32, #tpu.memory_space<vmem>> -> memref<200x56xf32, #tpu.memory_space<vmem>>
    %dma_start3A_320 = arith.constant 0 : i32
    %dma_start3A_321 = arith.constant 0 : i32
    %dma_start3A_322 = tpu.memref_slice %dma_start3A_319[%dma_start3A_320, %dma_start3A_321] : memref<200x56xf32, #tpu.memory_space<vmem>> -> memref<100x56xf32, #tpu.memory_space<vmem>>
    %dma_start3A_323 = arith.constant 0 : i32
    %dma_start3A_324 = arith.constant 0 : i32
    %dma_start3A_325 = tpu.memref_slice %arg8[%dma_start3A_312, %dma_start3A_323, %dma_start3A_324] : memref<2x4x100xi32, #tpu.memory_space<vmem>> -> memref<1x4x100xi32, #tpu.memory_space<vmem>>
    %dma_start3A_326 = tpu.memref_squeeze %dma_start3A_325 : memref<1x4x100xi32, #tpu.memory_space<vmem>> -> memref<4x100xi32, #tpu.memory_space<vmem>>
    %dma_start3A_327 = arith.constant 0 : i32
    %dma_start3A_328 = tpu.memref_slice %dma_start3A_326[%dma_start3A_313, %dma_start3A_327] : memref<4x100xi32, #tpu.memory_space<vmem>> -> memref<1x100xi32, #tpu.memory_space<vmem>>
    %dma_start3A_329 = tpu.memref_squeeze %dma_start3A_328 : memref<1x100xi32, #tpu.memory_space<vmem>> -> memref<100xi32, #tpu.memory_space<vmem>>
    %dma_start3A_330 = arith.constant 0 : i32
    %dma_start3A_331 = arith.constant 0 : i32
    %dma_start3A_332 = tpu.memref_slice %arg5[%dma_start3A_330, %dma_start3A_331] : memref<100002x56xf32, #tpu.memory_space<hbm>> -> memref<100002x56xf32, #tpu.memory_space<hbm>>
    tpu.enqueue_indirect_dma source(%dma_start3A_332 : memref<100002x56xf32, #tpu.memory_space<hbm>>) target(%dma_start3A_322 : memref<100x56xf32, #tpu.memory_space<vmem>>) offsets(%dma_start3A_329 : memref<100xi32, #tpu.memory_space<vmem>>) semaphore(%arg15 : memref<!tpu.dma_semaphore, #tpu.memory_space<semaphore_mem>>)
    %dma_start3A_333 = arith.constant 1 : i32
    %dma_start3A_334 = arith.constant 3 : i32
    %dma_start3A_335 = arith.constant 1 : i32
    %dma_start3A_336 = arith.constant 1 : i32
    %dma_start3A_337 = arith.constant 0 : i32
    %dma_start3A_338 = arith.constant 0 : i32
    %dma_start3A_339 = tpu.memref_slice %arg12[%dma_start3A_335, %dma_start3A_336, %dma_start3A_337, %dma_start3A_338] : memref<2x2x200x56xf32, #tpu.memory_space<vmem>> -> memref<1x1x200x56xf32, #tpu.memory_space<vmem>>
    %dma_start3A_340 = tpu.memref_squeeze %dma_start3A_339 : memref<1x1x200x56xf32, #tpu.memory_space<vmem>> -> memref<200x56xf32, #tpu.memory_space<vmem>>
    %dma_start3A_341 = arith.constant 100 : i32
    %dma_start3A_342 = arith.constant 0 : i32
    %dma_start3A_343 = tpu.memref_slice %dma_start3A_340[%dma_start3A_341, %dma_start3A_342] : memref<200x56xf32, #tpu.memory_space<vmem>> -> memref<100x56xf32, #tpu.memory_space<vmem>>
    %dma_start3A_344 = arith.constant 0 : i32
    %dma_start3A_345 = arith.constant 0 : i32
    %dma_start3A_346 = tpu.memref_slice %arg8[%dma_start3A_333, %dma_start3A_344, %dma_start3A_345] : memref<2x4x100xi32, #tpu.memory_space<vmem>> -> memref<1x4x100xi32, #tpu.memory_space<vmem>>
    %dma_start3A_347 = tpu.memref_squeeze %dma_start3A_346 : memref<1x4x100xi32, #tpu.memory_space<vmem>> -> memref<4x100xi32, #tpu.memory_space<vmem>>
    %dma_start3A_348 = arith.constant 0 : i32
    %dma_start3A_349 = tpu.memref_slice %dma_start3A_347[%dma_start3A_334, %dma_start3A_348] : memref<4x100xi32, #tpu.memory_space<vmem>> -> memref<1x100xi32, #tpu.memory_space<vmem>>
    %dma_start3A_350 = tpu.memref_squeeze %dma_start3A_349 : memref<1x100xi32, #tpu.memory_space<vmem>> -> memref<100xi32, #tpu.memory_space<vmem>>
    %dma_start3A_351 = arith.constant 0 : i32
    %dma_start3A_352 = arith.constant 0 : i32
    %dma_start3A_353 = tpu.memref_slice %arg5[%dma_start3A_351, %dma_start3A_352] : memref<100002x56xf32, #tpu.memory_space<hbm>> -> memref<100002x56xf32, #tpu.memory_space<hbm>>
    tpu.enqueue_indirect_dma source(%dma_start3A_353 : memref<100002x56xf32, #tpu.memory_space<hbm>>) target(%dma_start3A_343 : memref<100x56xf32, #tpu.memory_space<vmem>>) offsets(%dma_start3A_350 : memref<100xi32, #tpu.memory_space<vmem>>) semaphore(%arg15 : memref<!tpu.dma_semaphore, #tpu.memory_space<semaphore_mem>>)
    %scan3A = arith.constant 0 : i32
    %scan3A_354 = arith.constant 0 : i32
    %scan3A_355 = arith.constant 25 : i32
    %scan3A_356 = arith.addi %scan3A_354, %scan3A_355 : i32
    %scan3A_357 = arith.constant 1 : i32
    scf.for %scan3A_1329 = %scan3A_354 to %scan3A_356 step %scan3A_357  : i32 {
      %mul3A_1330 = arith.constant 16 : i32
      %mul3A_1331 = arith.muli %scan3A_1329, %mul3A_1330 : i32
      %multiple_of3A_1332 = tpu.assume_multiple %mul3A_1331, 16 : i32
      %mul3A_1333 = arith.constant 16 : i32
      %mul3A_1334 = arith.muli %scan3A_1329, %mul3A_1333 : i32
      %add3A_1335 = vector.broadcast %mul3A_1334 : i32 to vector<16xi32>
      %add3A_1336 = arith.addi %add3A_1335, %iota3A : vector<16xi32>
      %jit3A = arith.constant 200 : i32
      %div3A = vector.broadcast %jit3A : i32 to vector<16xi32>
      %div3A_1337 = arith.divsi %add3A_1336, %div3A : vector<16xi32>
      %sign3A = arith.constant 0 : i32
      %sign3A_1338 = vector.broadcast %sign3A : i32 to vector<16xi32>
      %sign3A_1339 = arith.cmpi sgt, %add3A_1336, %sign3A_1338 : vector<16xi32>
      %sign3A_1340 = arith.extui %sign3A_1339 : vector<16xi1> to vector<16xi32>
      %sign3A_1341 = arith.constant 0 : i32
      %sign3A_1342 = vector.broadcast %sign3A_1341 : i32 to vector<16xi32>
      %sign3A_1343 = arith.cmpi slt, %add3A_1336, %sign3A_1342 : vector<16xi32>
      %sign3A_1344 = arith.extui %sign3A_1343 : vector<16xi1> to vector<16xi32>
      %sign3A_1345 = arith.subi %sign3A_1340, %sign3A_1344 : vector<16xi32>
      %sign3A_1346 = arith.constant 0 : i32
      %sign3A_1347 = arith.cmpi sgt, %jit3A, %sign3A_1346 : i32
      %sign3A_1348 = arith.extui %sign3A_1347 : i1 to i32
      %sign3A_1349 = arith.constant 0 : i32
      %sign3A_1350 = arith.cmpi slt, %jit3A, %sign3A_1349 : i32
      %sign3A_1351 = arith.extui %sign3A_1350 : i1 to i32
      %sign3A_1352 = arith.subi %sign3A_1348, %sign3A_1351 : i32
      %ne3A = vector.broadcast %sign3A_1352 : i32 to vector<16xi32>
      %ne3A_1353 = arith.cmpi ne, %sign3A_1345, %ne3A : vector<16xi32>
      %rem3A = vector.broadcast %jit3A : i32 to vector<16xi32>
      %rem3A_1354 = arith.remsi %add3A_1336, %rem3A : vector<16xi32>
      %ne3A_1355 = arith.constant 0 : i32
      %ne3A_1356 = vector.broadcast %ne3A_1355 : i32 to vector<16xi32>
      %ne3A_1357 = arith.cmpi ne, %rem3A_1354, %ne3A_1356 : vector<16xi32>
      %and3A = arith.andi %ne3A_1353, %ne3A_1357 : vector<16xi1>
      %sub3A = arith.constant 1 : i32
      %sub3A_1358 = vector.broadcast %sub3A : i32 to vector<16xi32>
      %sub3A_1359 = arith.subi %div3A_1337, %sub3A_1358 : vector<16xi32>
      %select_n3A = arith.select %and3A, %sub3A_1359, %div3A_1337 : vector<16xi1>, vector<16xi32>
      %mul3A_1360 = arith.constant 200 : i32
      %mul3A_1361 = vector.broadcast %mul3A_1360 : i32 to vector<16xi32>
      %mul3A_1362 = arith.muli %select_n3A, %mul3A_1361 : vector<16xi32>
      %sub3A_1363 = arith.subi %add3A_1336, %mul3A_1362 : vector<16xi32>
      %get3A = arith.constant 0 : i32
      %get3A_1364 = arith.constant 0 : i32
      %get3A_1365 = tpu.memref_slice %arg9[%get3A, %get3A_1364] : memref<2x400xi32, #tpu.memory_space<vmem>> -> memref<1x400xi32, #tpu.memory_space<vmem>>
      %get3A_1366 = tpu.memref_squeeze %get3A_1365 : memref<1x400xi32, #tpu.memory_space<vmem>> -> memref<400xi32, #tpu.memory_space<vmem>>
      %get3A_1367 = arith.index_cast %multiple_of3A_1332 : i32 to index
      %get3A_1368 = tpu.vector_load %get3A_1366[%get3A_1367] {strides = array<i32>} : memref<400xi32, #tpu.memory_space<vmem>>, vector<16xi32>,
      %get3A_1369 = arith.constant 0 : i32
      %get3A_1370 = arith.constant 0 : i32
      %get3A_1371 = tpu.memref_slice %arg10[%get3A_1369, %get3A_1370] : memref<2x400xi32, #tpu.memory_space<vmem>> -> memref<1x400xi32, #tpu.memory_space<vmem>>
      %get3A_1372 = tpu.memref_squeeze %get3A_1371 : memref<1x400xi32, #tpu.memory_space<vmem>> -> memref<400xi32, #tpu.memory_space<vmem>>
      %get3A_1373 = arith.index_cast %multiple_of3A_1332 : i32 to index
      %get3A_1374 = tpu.vector_load %get3A_1372[%get3A_1373] {strides = array<i32>} : memref<400xi32, #tpu.memory_space<vmem>>, vector<16xi32>,
      %mul3A_1375 = arith.constant 5 : i32
      %mul3A_1376 = vector.broadcast %mul3A_1375 : i32 to vector<16xi32>
      %mul3A_1377 = arith.muli %get3A_1368, %mul3A_1376 : vector<16xi32>
      %add3A_1378 = arith.constant 0 : i32
      %add3A_1379 = vector.broadcast %add3A_1378 : i32 to vector<16xi32>
      %add3A_1380 = arith.addi %mul3A_1377, %add3A_1379 : vector<16xi32>
      %gather3A = tpu.vector_load_idx %arg11[%add3A_1380] : memref<4000xf32, #tpu.memory_space<vmem>>[vector<16xi32>], vector<16xf32>,
      %broadcast_in_dim3A = arith.constant 50 : i32
      %broadcast_in_dim3A_1381 = vector.broadcast %broadcast_in_dim3A : i32 to vector<16xi32>
      %scatter3A = arith.constant 0 : i32
      %scatter3A_1382 = arith.constant 0 : i32
      %scatter3A_1383 = arith.constant 0 : i32
      %scatter3A_1384 = arith.constant 0 : i32
      %scatter3A_1385 = tpu.memref_slice %arg12[%scatter3A, %scatter3A_1382, %scatter3A_1383, %scatter3A_1384] : memref<2x2x200x56xf32, #tpu.memory_space<vmem>> -> memref<1x2x200x56xf32, #tpu.memory_space<vmem>>
      %scatter3A_1386 = tpu.memref_squeeze %scatter3A_1385 : memref<1x2x200x56xf32, #tpu.memory_space<vmem>> -> memref<2x200x56xf32, #tpu.memory_space<vmem>>
      tpu.vector_store_idx %scatter3A_1386[%select_n3A, %sub3A_1363, %broadcast_in_dim3A_1381], %gather3A : memref<2x200x56xf32, #tpu.memory_space<vmem>>[vector<16xi32>, vector<16xi32>, vector<16xi32>], vector<16xf32>,
      %mul3A_1387 = arith.constant 5 : i32
      %mul3A_1388 = vector.broadcast %mul3A_1387 : i32 to vector<16xi32>
      %mul3A_1389 = arith.muli %get3A_1374, %mul3A_1388 : vector<16xi32>
      %add3A_1390 = arith.constant 2000 : i32
      %add3A_1391 = vector.broadcast %add3A_1390 : i32 to vector<16xi32>
      %add3A_1392 = arith.addi %add3A_1391, %mul3A_1389 : vector<16xi32>
      %add3A_1393 = arith.constant 0 : i32
      %add3A_1394 = vector.broadcast %add3A_1393 : i32 to vector<16xi32>
      %add3A_1395 = arith.addi %add3A_1392, %add3A_1394 : vector<16xi32>
      %gather3A_1396 = tpu.vector_load_idx %arg11[%add3A_1395] : memref<4000xf32, #tpu.memory_space<vmem>>[vector<16xi32>], vector<16xf32>,
      %broadcast_in_dim3A_1397 = arith.constant 55 : i32
      %broadcast_in_dim3A_1398 = vector.broadcast %broadcast_in_dim3A_1397 : i32 to vector<16xi32>
      %scatter3A_1399 = arith.constant 0 : i32
      %scatter3A_1400 = arith.constant 0 : i32
      %scatter3A_1401 = arith.constant 0 : i32
      %scatter3A_1402 = arith.constant 0 : i32
      %scatter3A_1403 = tpu.memref_slice %arg12[%scatter3A_1399, %scatter3A_1400, %scatter3A_1401, %scatter3A_1402] : memref<2x2x200x56xf32, #tpu.memory_space<vmem>> -> memref<1x2x200x56xf32, #tpu.memory_space<vmem>>
      %scatter3A_1404 = tpu.memref_squeeze %scatter3A_1403 : memref<1x2x200x56xf32, #tpu.memory_space<vmem>> -> memref<2x200x56xf32, #tpu.memory_space<vmem>>
      tpu.vector_store_idx %scatter3A_1404[%select_n3A, %sub3A_1363, %broadcast_in_dim3A_1398], %gather3A_1396 : memref<2x200x56xf32, #tpu.memory_space<vmem>>[vector<16xi32>, vector<16xi32>, vector<16xi32>], vector<16xf32>,
      %mul3A_1405 = arith.constant 5 : i32
      %mul3A_1406 = vector.broadcast %mul3A_1405 : i32 to vector<16xi32>
      %mul3A_1407 = arith.muli %get3A_1368, %mul3A_1406 : vector<16xi32>
      %add3A_1408 = arith.constant 1 : i32
      %add3A_1409 = vector.broadcast %add3A_1408 : i32 to vector<16xi32>
      %add3A_1410 = arith.addi %mul3A_1407, %add3A_1409 : vector<16xi32>
      %gather3A_1411 = tpu.vector_load_idx %arg11[%add3A_1410] : memref<4000xf32, #tpu.memory_space<vmem>>[vector<16xi32>], vector<16xf32>,
      %broadcast_in_dim3A_1412 = arith.constant 51 : i32
      %broadcast_in_dim3A_1413 = vector.broadcast %broadcast_in_dim3A_1412 : i32 to vector<16xi32>
      %scatter3A_1414 = arith.constant 0 : i32
      %scatter3A_1415 = arith.constant 0 : i32
      %scatter3A_1416 = arith.constant 0 : i32
      %scatter3A_1417 = arith.constant 0 : i32
      %scatter3A_1418 = tpu.memref_slice %arg12[%scatter3A_1414, %scatter3A_1415, %scatter3A_1416, %scatter3A_1417] : memref<2x2x200x56xf32, #tpu.memory_space<vmem>> -> memref<1x2x200x56xf32, #tpu.memory_space<vmem>>
      %scatter3A_1419 = tpu.memref_squeeze %scatter3A_1418 : memref<1x2x200x56xf32, #tpu.memory_space<vmem>> -> memref<2x200x56xf32, #tpu.memory_space<vmem>>
      tpu.vector_store_idx %scatter3A_1419[%select_n3A, %sub3A_1363, %broadcast_in_dim3A_1413], %gather3A_1411 : memref<2x200x56xf32, #tpu.memory_space<vmem>>[vector<16xi32>, vector<16xi32>, vector<16xi32>], vector<16xf32>,
      %mul3A_1420 = arith.constant 5 : i32
      %mul3A_1421 = vector.broadcast %mul3A_1420 : i32 to vector<16xi32>
      %mul3A_1422 = arith.muli %get3A_1374, %mul3A_1421 : vector<16xi32>
      %add3A_1423 = arith.constant 2000 : i32
      %add3A_1424 = vector.broadcast %add3A_1423 : i32 to vector<16xi32>
      %add3A_1425 = arith.addi %add3A_1424, %mul3A_1422 : vector<16xi32>
      %add3A_1426 = arith.constant 1 : i32
      %add3A_1427 = vector.broadcast %add3A_1426 : i32 to vector<16xi32>
      %add3A_1428 = arith.addi %add3A_1425, %add3A_1427 : vector<16xi32>
      %gather3A_1429 = tpu.vector_load_idx %arg11[%add3A_1428] : memref<4000xf32, #tpu.memory_space<vmem>>[vector<16xi32>], vector<16xf32>,
      %broadcast_in_dim3A_1430 = arith.constant 56 : i32
      %broadcast_in_dim3A_1431 = vector.broadcast %broadcast_in_dim3A_1430 : i32 to vector<16xi32>
      %scatter3A_1432 = arith.constant 0 : i32
      %scatter3A_1433 = arith.constant 0 : i32
      %scatter3A_1434 = arith.constant 0 : i32
      %scatter3A_1435 = arith.constant 0 : i32
      %scatter3A_1436 = tpu.memref_slice %arg13[%scatter3A_1432, %scatter3A_1433, %scatter3A_1434, %scatter3A_1435] : memref<2x2x200x60xf32, #tpu.memory_space<vmem>> -> memref<1x2x200x60xf32, #tpu.memory_space<vmem>>
      %scatter3A_1437 = tpu.memref_squeeze %scatter3A_1436 : memref<1x2x200x60xf32, #tpu.memory_space<vmem>> -> memref<2x200x60xf32, #tpu.memory_space<vmem>>
      tpu.vector_store_idx %scatter3A_1437[%select_n3A, %sub3A_1363, %broadcast_in_dim3A_1431], %gather3A_1429 : memref<2x200x60xf32, #tpu.memory_space<vmem>>[vector<16xi32>, vector<16xi32>, vector<16xi32>], vector<16xf32>,
      %mul3A_1438 = arith.constant 5 : i32
      %mul3A_1439 = vector.broadcast %mul3A_1438 : i32 to vector<16xi32>
      %mul3A_1440 = arith.muli %get3A_1368, %mul3A_1439 : vector<16xi32>
      %add3A_1441 = arith.constant 2 : i32
      %add3A_1442 = vector.broadcast %add3A_1441 : i32 to vector<16xi32>
      %add3A_1443 = arith.addi %mul3A_1440, %add3A_1442 : vector<16xi32>
      %gather3A_1444 = tpu.vector_load_idx %arg11[%add3A_1443] : memref<4000xf32, #tpu.memory_space<vmem>>[vector<16xi32>], vector<16xf32>,
      %broadcast_in_dim3A_1445 = arith.constant 52 : i32
      %broadcast_in_dim3A_1446 = vector.broadcast %broadcast_in_dim3A_1445 : i32 to vector<16xi32>
      %scatter3A_1447 = arith.constant 0 : i32
      %scatter3A_1448 = arith.constant 0 : i32
      %scatter3A_1449 = arith.constant 0 : i32
      %scatter3A_1450 = arith.constant 0 : i32
      %scatter3A_1451 = tpu.memref_slice %arg12[%scatter3A_1447, %scatter3A_1448, %scatter3A_1449, %scatter3A_1450] : memref<2x2x200x56xf32, #tpu.memory_space<vmem>> -> memref<1x2x200x56xf32, #tpu.memory_space<vmem>>
      %scatter3A_1452 = tpu.memref_squeeze %scatter3A_1451 : memref<1x2x200x56xf32, #tpu.memory_space<vmem>> -> memref<2x200x56xf32, #tpu.memory_space<vmem>>
      tpu.vector_store_idx %scatter3A_1452[%select_n3A, %sub3A_1363, %broadcast_in_dim3A_1446], %gather3A_1444 : memref<2x200x56xf32, #tpu.memory_space<vmem>>[vector<16xi32>, vector<16xi32>, vector<16xi32>], vector<16xf32>,
      %mul3A_1453 = arith.constant 5 : i32
      %mul3A_1454 = vector.broadcast %mul3A_1453 : i32 to vector<16xi32>
      %mul3A_1455 = arith.muli %get3A_1374, %mul3A_1454 : vector<16xi32>
      %add3A_1456 = arith.constant 2000 : i32
      %add3A_1457 = vector.broadcast %add3A_1456 : i32 to vector<16xi32>
      %add3A_1458 = arith.addi %add3A_1457, %mul3A_1455 : vector<16xi32>
      %add3A_1459 = arith.constant 2 : i32
      %add3A_1460 = vector.broadcast %add3A_1459 : i32 to vector<16xi32>
      %add3A_1461 = arith.addi %add3A_1458, %add3A_1460 : vector<16xi32>
      %gather3A_1462 = tpu.vector_load_idx %arg11[%add3A_1461] : memref<4000xf32, #tpu.memory_space<vmem>>[vector<16xi32>], vector<16xf32>,
      %broadcast_in_dim3A_1463 = arith.constant 57 : i32
      %broadcast_in_dim3A_1464 = vector.broadcast %broadcast_in_dim3A_1463 : i32 to vector<16xi32>
      %scatter3A_1465 = arith.constant 0 : i32
      %scatter3A_1466 = arith.constant 0 : i32
      %scatter3A_1467 = arith.constant 0 : i32
      %scatter3A_1468 = arith.constant 0 : i32
      %scatter3A_1469 = tpu.memref_slice %arg13[%scatter3A_1465, %scatter3A_1466, %scatter3A_1467, %scatter3A_1468] : memref<2x2x200x60xf32, #tpu.memory_space<vmem>> -> memref<1x2x200x60xf32, #tpu.memory_space<vmem>>
      %scatter3A_1470 = tpu.memref_squeeze %scatter3A_1469 : memref<1x2x200x60xf32, #tpu.memory_space<vmem>> -> memref<2x200x60xf32, #tpu.memory_space<vmem>>
      tpu.vector_store_idx %scatter3A_1470[%select_n3A, %sub3A_1363, %broadcast_in_dim3A_1464], %gather3A_1462 : memref<2x200x60xf32, #tpu.memory_space<vmem>>[vector<16xi32>, vector<16xi32>, vector<16xi32>], vector<16xf32>,
      %mul3A_1471 = arith.constant 5 : i32
      %mul3A_1472 = vector.broadcast %mul3A_1471 : i32 to vector<16xi32>
      %mul3A_1473 = arith.muli %get3A_1368, %mul3A_1472 : vector<16xi32>
      %add3A_1474 = arith.constant 3 : i32
      %add3A_1475 = vector.broadcast %add3A_1474 : i32 to vector<16xi32>
      %add3A_1476 = arith.addi %mul3A_1473, %add3A_1475 : vector<16xi32>
      %gather3A_1477 = tpu.vector_load_idx %arg11[%add3A_1476] : memref<4000xf32, #tpu.memory_space<vmem>>[vector<16xi32>], vector<16xf32>,
      %broadcast_in_dim3A_1478 = arith.constant 53 : i32
      %broadcast_in_dim3A_1479 = vector.broadcast %broadcast_in_dim3A_1478 : i32 to vector<16xi32>
      %scatter3A_1480 = arith.constant 0 : i32
      %scatter3A_1481 = arith.constant 0 : i32
      %scatter3A_1482 = arith.constant 0 : i32
      %scatter3A_1483 = arith.constant 0 : i32
      %scatter3A_1484 = tpu.memref_slice %arg12[%scatter3A_1480, %scatter3A_1481, %scatter3A_1482, %scatter3A_1483] : memref<2x2x200x56xf32, #tpu.memory_space<vmem>> -> memref<1x2x200x56xf32, #tpu.memory_space<vmem>>
      %scatter3A_1485 = tpu.memref_squeeze %scatter3A_1484 : memref<1x2x200x56xf32, #tpu.memory_space<vmem>> -> memref<2x200x56xf32, #tpu.memory_space<vmem>>
      tpu.vector_store_idx %scatter3A_1485[%select_n3A, %sub3A_1363, %broadcast_in_dim3A_1479], %gather3A_1477 : memref<2x200x56xf32, #tpu.memory_space<vmem>>[vector<16xi32>, vector<16xi32>, vector<16xi32>], vector<16xf32>,
      %mul3A_1486 = arith.constant 5 : i32
      %mul3A_1487 = vector.broadcast %mul3A_1486 : i32 to vector<16xi32>
      %mul3A_1488 = arith.muli %get3A_1374, %mul3A_1487 : vector<16xi32>
      %add3A_1489 = arith.constant 2000 : i32
      %add3A_1490 = vector.broadcast %add3A_1489 : i32 to vector<16xi32>
      %add3A_1491 = arith.addi %add3A_1490, %mul3A_1488 : vector<16xi32>
      %add3A_1492 = arith.constant 3 : i32
      %add3A_1493 = vector.broadcast %add3A_1492 : i32 to vector<16xi32>
      %add3A_1494 = arith.addi %add3A_1491, %add3A_1493 : vector<16xi32>
      %gather3A_1495 = tpu.vector_load_idx %arg11[%add3A_1494] : memref<4000xf32, #tpu.memory_space<vmem>>[vector<16xi32>], vector<16xf32>,
      %broadcast_in_dim3A_1496 = arith.constant 58 : i32
      %broadcast_in_dim3A_1497 = vector.broadcast %broadcast_in_dim3A_1496 : i32 to vector<16xi32>
      %scatter3A_1498 = arith.constant 0 : i32
      %scatter3A_1499 = arith.constant 0 : i32
      %scatter3A_1500 = arith.constant 0 : i32
      %scatter3A_1501 = arith.constant 0 : i32
      %scatter3A_1502 = tpu.memref_slice %arg13[%scatter3A_1498, %scatter3A_1499, %scatter3A_1500, %scatter3A_1501] : memref<2x2x200x60xf32, #tpu.memory_space<vmem>> -> memref<1x2x200x60xf32, #tpu.memory_space<vmem>>
      %scatter3A_1503 = tpu.memref_squeeze %scatter3A_1502 : memref<1x2x200x60xf32, #tpu.memory_space<vmem>> -> memref<2x200x60xf32, #tpu.memory_space<vmem>>
      tpu.vector_store_idx %scatter3A_1503[%select_n3A, %sub3A_1363, %broadcast_in_dim3A_1497], %gather3A_1495 : memref<2x200x60xf32, #tpu.memory_space<vmem>>[vector<16xi32>, vector<16xi32>, vector<16xi32>], vector<16xf32>,
      %mul3A_1504 = arith.constant 5 : i32
      %mul3A_1505 = vector.broadcast %mul3A_1504 : i32 to vector<16xi32>
      %mul3A_1506 = arith.muli %get3A_1368, %mul3A_1505 : vector<16xi32>
      %add3A_1507 = arith.constant 4 : i32
      %add3A_1508 = vector.broadcast %add3A_1507 : i32 to vector<16xi32>
      %add3A_1509 = arith.addi %mul3A_1506, %add3A_1508 : vector<16xi32>
      %gather3A_1510 = tpu.vector_load_idx %arg11[%add3A_1509] : memref<4000xf32, #tpu.memory_space<vmem>>[vector<16xi32>], vector<16xf32>,
      %broadcast_in_dim3A_1511 = arith.constant 54 : i32
      %broadcast_in_dim3A_1512 = vector.broadcast %broadcast_in_dim3A_1511 : i32 to vector<16xi32>
      %scatter3A_1513 = arith.constant 0 : i32
      %scatter3A_1514 = arith.constant 0 : i32
      %scatter3A_1515 = arith.constant 0 : i32
      %scatter3A_1516 = arith.constant 0 : i32
      %scatter3A_1517 = tpu.memref_slice %arg12[%scatter3A_1513, %scatter3A_1514, %scatter3A_1515, %scatter3A_1516] : memref<2x2x200x56xf32, #tpu.memory_space<vmem>> -> memref<1x2x200x56xf32, #tpu.memory_space<vmem>>
      %scatter3A_1518 = tpu.memref_squeeze %scatter3A_1517 : memref<1x2x200x56xf32, #tpu.memory_space<vmem>> -> memref<2x200x56xf32, #tpu.memory_space<vmem>>
      tpu.vector_store_idx %scatter3A_1518[%select_n3A, %sub3A_1363, %broadcast_in_dim3A_1512], %gather3A_1510 : memref<2x200x56xf32, #tpu.memory_space<vmem>>[vector<16xi32>, vector<16xi32>, vector<16xi32>], vector<16xf32>,
      %mul3A_1519 = arith.constant 5 : i32
      %mul3A_1520 = vector.broadcast %mul3A_1519 : i32 to vector<16xi32>
      %mul3A_1521 = arith.muli %get3A_1374, %mul3A_1520 : vector<16xi32>
      %add3A_1522 = arith.constant 2000 : i32
      %add3A_1523 = vector.broadcast %add3A_1522 : i32 to vector<16xi32>
      %add3A_1524 = arith.addi %add3A_1523, %mul3A_1521 : vector<16xi32>
      %add3A_1525 = arith.constant 4 : i32
      %add3A_1526 = vector.broadcast %add3A_1525 : i32 to vector<16xi32>
      %add3A_1527 = arith.addi %add3A_1524, %add3A_1526 : vector<16xi32>
      %gather3A_1528 = tpu.vector_load_idx %arg11[%add3A_1527] : memref<4000xf32, #tpu.memory_space<vmem>>[vector<16xi32>], vector<16xf32>,
      %broadcast_in_dim3A_1529 = arith.constant 59 : i32
      %broadcast_in_dim3A_1530 = vector.broadcast %broadcast_in_dim3A_1529 : i32 to vector<16xi32>
      %scatter3A_1531 = arith.constant 0 : i32
      %scatter3A_1532 = arith.constant 0 : i32
      %scatter3A_1533 = arith.constant 0 : i32
      %scatter3A_1534 = arith.constant 0 : i32
      %scatter3A_1535 = tpu.memref_slice %arg13[%scatter3A_1531, %scatter3A_1532, %scatter3A_1533, %scatter3A_1534] : memref<2x2x200x60xf32, #tpu.memory_space<vmem>> -> memref<1x2x200x60xf32, #tpu.memory_space<vmem>>
      %scatter3A_1536 = tpu.memref_squeeze %scatter3A_1535 : memref<1x2x200x60xf32, #tpu.memory_space<vmem>> -> memref<2x200x60xf32, #tpu.memory_space<vmem>>
      tpu.vector_store_idx %scatter3A_1536[%select_n3A, %sub3A_1363, %broadcast_in_dim3A_1530], %gather3A_1528 : memref<2x200x60xf32, #tpu.memory_space<vmem>>[vector<16xi32>, vector<16xi32>, vector<16xi32>], vector<16xf32>,
    }
    %scan3A_358 = arith.constant 25 : i32
    %mul3A_359 = arith.constant 25600 : i32
    %mul3A_360 = arith.muli %add3A, %mul3A_359 : i32
    %add3A_361 = arith.constant 800 : i32
    %add3A_362 = arith.addi %mul3A_360, %add3A_361 : i32
    %multiple_of3A_363 = tpu.assume_multiple %add3A_362, 400 : i32
    %mul3A_364 = arith.constant 256 : i32
    %mul3A_365 = arith.muli %add3A, %mul3A_364 : i32
    %add3A_366 = arith.constant 8 : i32
    %add3A_367 = arith.addi %mul3A_365, %add3A_366 : i32
    %multiple_of3A_368 = tpu.assume_multiple %add3A_367, 4 : i32
    %mul3A_369 = arith.constant 128 : i32
    %mul3A_370 = arith.muli %add3A, %mul3A_369 : i32
    %add3A_371 = arith.constant 4 : i32
    %add3A_372 = arith.addi %mul3A_370, %add3A_371 : i32
    %multiple_of3A_373 = tpu.assume_multiple %add3A_372, 2 : i32
    %dma_start3A_374 = arith.constant 0 : i32
    %dma_start3A_375 = arith.constant 0 : i32
    %dma_start3A_376 = arith.constant 0 : i32
    %dma_start3A_377 = tpu.memref_slice %arg8[%dma_start3A_374, %dma_start3A_375, %dma_start3A_376] : memref<2x4x100xi32, #tpu.memory_space<vmem>> -> memref<1x4x100xi32, #tpu.memory_space<vmem>>
    %dma_start3A_378 = tpu.memref_squeeze %dma_start3A_377 : memref<1x4x100xi32, #tpu.memory_space<vmem>> -> memref<4x100xi32, #tpu.memory_space<vmem>>
    %dma_start3A_379 = arith.constant 0 : i32
    %dma_start3A_380 = tpu.memref_slice %arg2[%multiple_of3A_368, %dma_start3A_379] : memref<8192x100xi32, #tpu.memory_space<hbm>> -> memref<4x100xi32, #tpu.memory_space<hbm>>
    %dma_start3A_381 = arith.constant 0 : i32
    %dma_start3A_382 = arith.constant 0 : i32
    %dma_start3A_383 = tpu.memref_slice %arg8[%dma_start3A_374, %dma_start3A_381, %dma_start3A_382] : memref<2x4x100xi32, #tpu.memory_space<vmem>> -> memref<1x4x100xi32, #tpu.memory_space<vmem>>
    %dma_start3A_384 = tpu.memref_squeeze %dma_start3A_383 : memref<1x4x100xi32, #tpu.memory_space<vmem>> -> memref<4x100xi32, #tpu.memory_space<vmem>>
    %dma_start3A_385 = arith.constant 0 : i32
    %dma_start3A_386 = tpu.memref_slice %arg2[%multiple_of3A_368, %dma_start3A_385] : memref<8192x100xi32, #tpu.memory_space<hbm>> -> memref<4x100xi32, #tpu.memory_space<hbm>>
    tpu.enqueue_dma source(%dma_start3A_386 : memref<4x100xi32, #tpu.memory_space<hbm>>) target(%dma_start3A_384 : memref<4x100xi32, #tpu.memory_space<vmem>>) target_semaphore(%arg14 : memref<!tpu.dma_semaphore, #tpu.memory_space<semaphore_mem>>)
    %dma_start3A_387 = arith.constant 0 : i32
    %dma_start3A_388 = arith.constant 0 : i32
    %dma_start3A_389 = tpu.memref_slice %arg9[%dma_start3A_387, %dma_start3A_388] : memref<2x400xi32, #tpu.memory_space<vmem>> -> memref<1x400xi32, #tpu.memory_space<vmem>>
    %dma_start3A_390 = tpu.memref_squeeze %dma_start3A_389 : memref<1x400xi32, #tpu.memory_space<vmem>> -> memref<400xi32, #tpu.memory_space<vmem>>
    %dma_start3A_391 = tpu.memref_slice %arg3[%multiple_of3A_363] : memref<819200xi32, #tpu.memory_space<hbm>> -> memref<400xi32, #tpu.memory_space<hbm>>
    %dma_start3A_392 = arith.constant 0 : i32
    %dma_start3A_393 = tpu.memref_slice %arg9[%dma_start3A_387, %dma_start3A_392] : memref<2x400xi32, #tpu.memory_space<vmem>> -> memref<1x400xi32, #tpu.memory_space<vmem>>
    %dma_start3A_394 = tpu.memref_squeeze %dma_start3A_393 : memref<1x400xi32, #tpu.memory_space<vmem>> -> memref<400xi32, #tpu.memory_space<vmem>>
    %dma_start3A_395 = tpu.memref_slice %arg3[%multiple_of3A_363] : memref<819200xi32, #tpu.memory_space<hbm>> -> memref<400xi32, #tpu.memory_space<hbm>>
    tpu.enqueue_dma source(%dma_start3A_395 : memref<400xi32, #tpu.memory_space<hbm>>) target(%dma_start3A_394 : memref<400xi32, #tpu.memory_space<vmem>>) target_semaphore(%arg14 : memref<!tpu.dma_semaphore, #tpu.memory_space<semaphore_mem>>)
    %dma_start3A_396 = arith.constant 0 : i32
    %dma_start3A_397 = arith.constant 0 : i32
    %dma_start3A_398 = tpu.memref_slice %arg10[%dma_start3A_396, %dma_start3A_397] : memref<2x400xi32, #tpu.memory_space<vmem>> -> memref<1x400xi32, #tpu.memory_space<vmem>>
    %dma_start3A_399 = tpu.memref_squeeze %dma_start3A_398 : memref<1x400xi32, #tpu.memory_space<vmem>> -> memref<400xi32, #tpu.memory_space<vmem>>
    %dma_start3A_400 = tpu.memref_slice %arg4[%multiple_of3A_363] : memref<819200xi32, #tpu.memory_space<hbm>> -> memref<400xi32, #tpu.memory_space<hbm>>
    %dma_start3A_401 = arith.constant 0 : i32
    %dma_start3A_402 = tpu.memref_slice %arg10[%dma_start3A_396, %dma_start3A_401] : memref<2x400xi32, #tpu.memory_space<vmem>> -> memref<1x400xi32, #tpu.memory_space<vmem>>
    %dma_start3A_403 = tpu.memref_squeeze %dma_start3A_402 : memref<1x400xi32, #tpu.memory_space<vmem>> -> memref<400xi32, #tpu.memory_space<vmem>>
    %dma_start3A_404 = tpu.memref_slice %arg4[%multiple_of3A_363] : memref<819200xi32, #tpu.memory_space<hbm>> -> memref<400xi32, #tpu.memory_space<hbm>>
    tpu.enqueue_dma source(%dma_start3A_404 : memref<400xi32, #tpu.memory_space<hbm>>) target(%dma_start3A_403 : memref<400xi32, #tpu.memory_space<vmem>>) target_semaphore(%arg14 : memref<!tpu.dma_semaphore, #tpu.memory_space<semaphore_mem>>)
    %mul3A_405 = arith.constant 25600 : i32
    %mul3A_406 = arith.muli %add3A, %mul3A_405 : i32
    %add3A_407 = arith.constant 0 : i32
    %add3A_408 = arith.addi %mul3A_406, %add3A_407 : i32
    %multiple_of3A_409 = tpu.assume_multiple %add3A_408, 400 : i32
    %mul3A_410 = arith.constant 256 : i32
    %mul3A_411 = arith.muli %add3A, %mul3A_410 : i32
    %add3A_412 = arith.constant 0 : i32
    %add3A_413 = arith.addi %mul3A_411, %add3A_412 : i32
    %multiple_of3A_414 = tpu.assume_multiple %add3A_413, 4 : i32
    %mul3A_415 = arith.constant 128 : i32
    %mul3A_416 = arith.muli %add3A, %mul3A_415 : i32
    %add3A_417 = arith.constant 0 : i32
    %add3A_418 = arith.addi %mul3A_416, %add3A_417 : i32
    %multiple_of3A_419 = tpu.assume_multiple %add3A_418, 2 : i32
    %dma_start3A_420 = arith.constant 0 : i32
    %dma_start3A_421 = arith.constant 0 : i32
    %dma_start3A_422 = arith.constant 0 : i32
    %dma_start3A_423 = arith.constant 0 : i32
    %dma_start3A_424 = tpu.memref_slice %arg13[%dma_start3A_420, %dma_start3A_421, %dma_start3A_422, %dma_start3A_423] : memref<2x2x200x60xf32, #tpu.memory_space<vmem>> -> memref<1x2x200x60xf32, #tpu.memory_space<vmem>>
    %dma_start3A_425 = tpu.memref_squeeze %dma_start3A_424 : memref<1x2x200x60xf32, #tpu.memory_space<vmem>> -> memref<2x200x60xf32, #tpu.memory_space<vmem>>
    %dma_start3A_426 = arith.constant 0 : i32
    %dma_start3A_427 = arith.constant 0 : i32
    %dma_start3A_428 = tpu.memref_slice %arg7[%multiple_of3A_419, %dma_start3A_426, %dma_start3A_427] : memref<4096x200x60xf32, #tpu.memory_space<hbm>> -> memref<2x200x60xf32, #tpu.memory_space<hbm>>
    %dma_start3A_429 = arith.constant 0 : i32
    %dma_start3A_430 = arith.constant 0 : i32
    %dma_start3A_431 = tpu.memref_slice %arg7[%multiple_of3A_419, %dma_start3A_429, %dma_start3A_430] : memref<4096x200x60xf32, #tpu.memory_space<hbm>> -> memref<2x200x60xf32, #tpu.memory_space<hbm>>
    %dma_start3A_432 = arith.constant 0 : i32
    %dma_start3A_433 = arith.constant 0 : i32
    %dma_start3A_434 = arith.constant 0 : i32
    %dma_start3A_435 = tpu.memref_slice %arg13[%dma_start3A_420, %dma_start3A_432, %dma_start3A_433, %dma_start3A_434] : memref<2x2x200x60xf32, #tpu.memory_space<vmem>> -> memref<1x2x200x60xf32, #tpu.memory_space<vmem>>
    %dma_start3A_436 = tpu.memref_squeeze %dma_start3A_435 : memref<1x2x200x60xf32, #tpu.memory_space<vmem>> -> memref<2x200x60xf32, #tpu.memory_space<vmem>>
    tpu.enqueue_dma source(%dma_start3A_436 : memref<2x200x60xf32, #tpu.memory_space<vmem>>) target(%dma_start3A_431 : memref<2x200x60xf32, #tpu.memory_space<hbm>>) target_semaphore(%arg16 : memref<!tpu.dma_semaphore, #tpu.memory_space<semaphore_mem>>)
    %dma_start3A_437 = arith.constant 0 : i32
    %dma_start3A_438 = arith.constant 0 : i32
    %dma_start3A_439 = arith.constant 0 : i32
    %dma_start3A_440 = arith.constant 0 : i32
    %dma_start3A_441 = tpu.memref_slice %arg12[%dma_start3A_437, %dma_start3A_438, %dma_start3A_439, %dma_start3A_440] : memref<2x2x200x56xf32, #tpu.memory_space<vmem>> -> memref<1x2x200x56xf32, #tpu.memory_space<vmem>>
    %dma_start3A_442 = tpu.memref_squeeze %dma_start3A_441 : memref<1x2x200x56xf32, #tpu.memory_space<vmem>> -> memref<2x200x56xf32, #tpu.memory_space<vmem>>
    %dma_start3A_443 = arith.constant 0 : i32
    %dma_start3A_444 = arith.constant 0 : i32
    %dma_start3A_445 = tpu.memref_slice %arg7[%multiple_of3A_419, %dma_start3A_443, %dma_start3A_444] : memref<4096x200x60xf32, #tpu.memory_space<hbm>> -> memref<2x200x56xf32, #tpu.memory_space<hbm>>
    %dma_start3A_446 = arith.constant 0 : i32
    %dma_start3A_447 = arith.constant 0 : i32
    %dma_start3A_448 = tpu.memref_slice %arg7[%multiple_of3A_419, %dma_start3A_446, %dma_start3A_447] : memref<4096x200x60xf32, #tpu.memory_space<hbm>> -> memref<2x200x56xf32, #tpu.memory_space<hbm>>
    %dma_start3A_449 = arith.constant 0 : i32
    %dma_start3A_450 = arith.constant 0 : i32
    %dma_start3A_451 = arith.constant 0 : i32
    %dma_start3A_452 = tpu.memref_slice %arg12[%dma_start3A_437, %dma_start3A_449, %dma_start3A_450, %dma_start3A_451] : memref<2x2x200x56xf32, #tpu.memory_space<vmem>> -> memref<1x2x200x56xf32, #tpu.memory_space<vmem>>
    %dma_start3A_453 = tpu.memref_squeeze %dma_start3A_452 : memref<1x2x200x56xf32, #tpu.memory_space<vmem>> -> memref<2x200x56xf32, #tpu.memory_space<vmem>>
    tpu.enqueue_dma source(%dma_start3A_453 : memref<2x200x56xf32, #tpu.memory_space<vmem>>) target(%dma_start3A_448 : memref<2x200x56xf32, #tpu.memory_space<hbm>>) target_semaphore(%arg16 : memref<!tpu.dma_semaphore, #tpu.memory_space<semaphore_mem>>)
    %dma_wait3A_454 = arith.constant 1 : i32
    %dma_wait3A_455 = arith.constant 0 : i32
    %dma_wait3A_456 = arith.constant 0 : i32
    %dma_wait3A_457 = arith.constant 0 : i32
    %dma_wait3A_458 = tpu.memref_slice %arg12[%dma_wait3A_454, %dma_wait3A_455, %dma_wait3A_456, %dma_wait3A_457] : memref<2x2x200x56xf32, #tpu.memory_space<vmem>> -> memref<1x1x200x56xf32, #tpu.memory_space<vmem>>
    %dma_wait3A_459 = tpu.memref_squeeze %dma_wait3A_458 : memref<1x1x200x56xf32, #tpu.memory_space<vmem>> -> memref<200x56xf32, #tpu.memory_space<vmem>>
    %dma_wait3A_460 = arith.constant 0 : i32
    %dma_wait3A_461 = arith.constant 0 : i32
    %dma_wait3A_462 = tpu.memref_slice %dma_wait3A_459[%dma_wait3A_460, %dma_wait3A_461] : memref<200x56xf32, #tpu.memory_space<vmem>> -> memref<100x56xf32, #tpu.memory_space<vmem>>
    %dma_wait3A_463 = arith.constant 0 : i32
    %dma_wait3A_464 = arith.constant 0 : i32
    %dma_wait3A_465 = tpu.memref_slice %arg5[%dma_wait3A_463, %dma_wait3A_464] : memref<100002x56xf32, #tpu.memory_space<hbm>> -> memref<100x56xf32, #tpu.memory_space<hbm>>
    %dma_wait3A_466 = arith.constant 0 : i32
    %dma_wait3A_467 = arith.constant 0 : i32
    %dma_wait3A_468 = tpu.memref_slice %arg12[%dma_wait3A_454, %dma_wait3A_455, %dma_wait3A_466, %dma_wait3A_467] : memref<2x2x200x56xf32, #tpu.memory_space<vmem>> -> memref<1x1x200x56xf32, #tpu.memory_space<vmem>>
    %dma_wait3A_469 = tpu.memref_squeeze %dma_wait3A_468 : memref<1x1x200x56xf32, #tpu.memory_space<vmem>> -> memref<200x56xf32, #tpu.memory_space<vmem>>
    %dma_wait3A_470 = arith.constant 0 : i32
    %dma_wait3A_471 = arith.constant 0 : i32
    %dma_wait3A_472 = tpu.memref_slice %dma_wait3A_469[%dma_wait3A_470, %dma_wait3A_471] : memref<200x56xf32, #tpu.memory_space<vmem>> -> memref<100x56xf32, #tpu.memory_space<vmem>>
    %dma_wait3A_473 = arith.constant 0 : i32
    %dma_wait3A_474 = arith.constant 0 : i32
    %dma_wait3A_475 = tpu.memref_slice %arg5[%dma_wait3A_473, %dma_wait3A_474] : memref<100002x56xf32, #tpu.memory_space<hbm>> -> memref<100x56xf32, #tpu.memory_space<hbm>>
    tpu.wait_dma2 semaphore(%arg15 : memref<!tpu.dma_semaphore, #tpu.memory_space<semaphore_mem>>) src(%dma_wait3A_475 : memref<100x56xf32, #tpu.memory_space<hbm>>) dst(%dma_wait3A_472 : memref<100x56xf32, #tpu.memory_space<vmem>>)
    %dma_wait3A_476 = arith.constant 1 : i32
    %dma_wait3A_477 = arith.constant 0 : i32
    %dma_wait3A_478 = arith.constant 0 : i32
    %dma_wait3A_479 = arith.constant 0 : i32
    %dma_wait3A_480 = tpu.memref_slice %arg12[%dma_wait3A_476, %dma_wait3A_477, %dma_wait3A_478, %dma_wait3A_479] : memref<2x2x200x56xf32, #tpu.memory_space<vmem>> -> memref<1x1x200x56xf32, #tpu.memory_space<vmem>>
    %dma_wait3A_481 = tpu.memref_squeeze %dma_wait3A_480 : memref<1x1x200x56xf32, #tpu.memory_space<vmem>> -> memref<200x56xf32, #tpu.memory_space<vmem>>
    %dma_wait3A_482 = arith.constant 100 : i32
    %dma_wait3A_483 = arith.constant 0 : i32
    %dma_wait3A_484 = tpu.memref_slice %dma_wait3A_481[%dma_wait3A_482, %dma_wait3A_483] : memref<200x56xf32, #tpu.memory_space<vmem>> -> memref<100x56xf32, #tpu.memory_space<vmem>>
    %dma_wait3A_485 = arith.constant 0 : i32
    %dma_wait3A_486 = arith.constant 0 : i32
    %dma_wait3A_487 = tpu.memref_slice %arg5[%dma_wait3A_485, %dma_wait3A_486] : memref<100002x56xf32, #tpu.memory_space<hbm>> -> memref<100x56xf32, #tpu.memory_space<hbm>>
    %dma_wait3A_488 = arith.constant 0 : i32
    %dma_wait3A_489 = arith.constant 0 : i32
    %dma_wait3A_490 = tpu.memref_slice %arg12[%dma_wait3A_476, %dma_wait3A_477, %dma_wait3A_488, %dma_wait3A_489] : memref<2x2x200x56xf32, #tpu.memory_space<vmem>> -> memref<1x1x200x56xf32, #tpu.memory_space<vmem>>
    %dma_wait3A_491 = tpu.memref_squeeze %dma_wait3A_490 : memref<1x1x200x56xf32, #tpu.memory_space<vmem>> -> memref<200x56xf32, #tpu.memory_space<vmem>>
    %dma_wait3A_492 = arith.constant 100 : i32
    %dma_wait3A_493 = arith.constant 0 : i32
    %dma_wait3A_494 = tpu.memref_slice %dma_wait3A_491[%dma_wait3A_492, %dma_wait3A_493] : memref<200x56xf32, #tpu.memory_space<vmem>> -> memref<100x56xf32, #tpu.memory_space<vmem>>
    %dma_wait3A_495 = arith.constant 0 : i32
    %dma_wait3A_496 = arith.constant 0 : i32
    %dma_wait3A_497 = tpu.memref_slice %arg5[%dma_wait3A_495, %dma_wait3A_496] : memref<100002x56xf32, #tpu.memory_space<hbm>> -> memref<100x56xf32, #tpu.memory_space<hbm>>
    tpu.wait_dma2 semaphore(%arg15 : memref<!tpu.dma_semaphore, #tpu.memory_space<semaphore_mem>>) src(%dma_wait3A_497 : memref<100x56xf32, #tpu.memory_space<hbm>>) dst(%dma_wait3A_494 : memref<100x56xf32, #tpu.memory_space<vmem>>)
    %dma_wait3A_498 = arith.constant 1 : i32
    %dma_wait3A_499 = arith.constant 1 : i32
    %dma_wait3A_500 = arith.constant 0 : i32
    %dma_wait3A_501 = arith.constant 0 : i32
    %dma_wait3A_502 = tpu.memref_slice %arg12[%dma_wait3A_498, %dma_wait3A_499, %dma_wait3A_500, %dma_wait3A_501] : memref<2x2x200x56xf32, #tpu.memory_space<vmem>> -> memref<1x1x200x56xf32, #tpu.memory_space<vmem>>
    %dma_wait3A_503 = tpu.memref_squeeze %dma_wait3A_502 : memref<1x1x200x56xf32, #tpu.memory_space<vmem>> -> memref<200x56xf32, #tpu.memory_space<vmem>>
    %dma_wait3A_504 = arith.constant 0 : i32
    %dma_wait3A_505 = arith.constant 0 : i32
    %dma_wait3A_506 = tpu.memref_slice %dma_wait3A_503[%dma_wait3A_504, %dma_wait3A_505] : memref<200x56xf32, #tpu.memory_space<vmem>> -> memref<100x56xf32, #tpu.memory_space<vmem>>
    %dma_wait3A_507 = arith.constant 0 : i32
    %dma_wait3A_508 = arith.constant 0 : i32
    %dma_wait3A_509 = tpu.memref_slice %arg5[%dma_wait3A_507, %dma_wait3A_508] : memref<100002x56xf32, #tpu.memory_space<hbm>> -> memref<100x56xf32, #tpu.memory_space<hbm>>
    %dma_wait3A_510 = arith.constant 0 : i32
    %dma_wait3A_511 = arith.constant 0 : i32
    %dma_wait3A_512 = tpu.memref_slice %arg12[%dma_wait3A_498, %dma_wait3A_499, %dma_wait3A_510, %dma_wait3A_511] : memref<2x2x200x56xf32, #tpu.memory_space<vmem>> -> memref<1x1x200x56xf32, #tpu.memory_space<vmem>>
    %dma_wait3A_513 = tpu.memref_squeeze %dma_wait3A_512 : memref<1x1x200x56xf32, #tpu.memory_space<vmem>> -> memref<200x56xf32, #tpu.memory_space<vmem>>
    %dma_wait3A_514 = arith.constant 0 : i32
    %dma_wait3A_515 = arith.constant 0 : i32
    %dma_wait3A_516 = tpu.memref_slice %dma_wait3A_513[%dma_wait3A_514, %dma_wait3A_515] : memref<200x56xf32, #tpu.memory_space<vmem>> -> memref<100x56xf32, #tpu.memory_space<vmem>>
    %dma_wait3A_517 = arith.constant 0 : i32
    %dma_wait3A_518 = arith.constant 0 : i32
    %dma_wait3A_519 = tpu.memref_slice %arg5[%dma_wait3A_517, %dma_wait3A_518] : memref<100002x56xf32, #tpu.memory_space<hbm>> -> memref<100x56xf32, #tpu.memory_space<hbm>>
    tpu.wait_dma2 semaphore(%arg15 : memref<!tpu.dma_semaphore, #tpu.memory_space<semaphore_mem>>) src(%dma_wait3A_519 : memref<100x56xf32, #tpu.memory_space<hbm>>) dst(%dma_wait3A_516 : memref<100x56xf32, #tpu.memory_space<vmem>>)
    %dma_wait3A_520 = arith.constant 1 : i32
    %dma_wait3A_521 = arith.constant 1 : i32
    %dma_wait3A_522 = arith.constant 0 : i32
    %dma_wait3A_523 = arith.constant 0 : i32
    %dma_wait3A_524 = tpu.memref_slice %arg12[%dma_wait3A_520, %dma_wait3A_521, %dma_wait3A_522, %dma_wait3A_523] : memref<2x2x200x56xf32, #tpu.memory_space<vmem>> -> memref<1x1x200x56xf32, #tpu.memory_space<vmem>>
    %dma_wait3A_525 = tpu.memref_squeeze %dma_wait3A_524 : memref<1x1x200x56xf32, #tpu.memory_space<vmem>> -> memref<200x56xf32, #tpu.memory_space<vmem>>
    %dma_wait3A_526 = arith.constant 100 : i32
    %dma_wait3A_527 = arith.constant 0 : i32
    %dma_wait3A_528 = tpu.memref_slice %dma_wait3A_525[%dma_wait3A_526, %dma_wait3A_527] : memref<200x56xf32, #tpu.memory_space<vmem>> -> memref<100x56xf32, #tpu.memory_space<vmem>>
    %dma_wait3A_529 = arith.constant 0 : i32
    %dma_wait3A_530 = arith.constant 0 : i32
    %dma_wait3A_531 = tpu.memref_slice %arg5[%dma_wait3A_529, %dma_wait3A_530] : memref<100002x56xf32, #tpu.memory_space<hbm>> -> memref<100x56xf32, #tpu.memory_space<hbm>>
    %dma_wait3A_532 = arith.constant 0 : i32
    %dma_wait3A_533 = arith.constant 0 : i32
    %dma_wait3A_534 = tpu.memref_slice %arg12[%dma_wait3A_520, %dma_wait3A_521, %dma_wait3A_532, %dma_wait3A_533] : memref<2x2x200x56xf32, #tpu.memory_space<vmem>> -> memref<1x1x200x56xf32, #tpu.memory_space<vmem>>
    %dma_wait3A_535 = tpu.memref_squeeze %dma_wait3A_534 : memref<1x1x200x56xf32, #tpu.memory_space<vmem>> -> memref<200x56xf32, #tpu.memory_space<vmem>>
    %dma_wait3A_536 = arith.constant 100 : i32
    %dma_wait3A_537 = arith.constant 0 : i32
    %dma_wait3A_538 = tpu.memref_slice %dma_wait3A_535[%dma_wait3A_536, %dma_wait3A_537] : memref<200x56xf32, #tpu.memory_space<vmem>> -> memref<100x56xf32, #tpu.memory_space<vmem>>
    %dma_wait3A_539 = arith.constant 0 : i32
    %dma_wait3A_540 = arith.constant 0 : i32
    %dma_wait3A_541 = tpu.memref_slice %arg5[%dma_wait3A_539, %dma_wait3A_540] : memref<100002x56xf32, #tpu.memory_space<hbm>> -> memref<100x56xf32, #tpu.memory_space<hbm>>
    tpu.wait_dma2 semaphore(%arg15 : memref<!tpu.dma_semaphore, #tpu.memory_space<semaphore_mem>>) src(%dma_wait3A_541 : memref<100x56xf32, #tpu.memory_space<hbm>>) dst(%dma_wait3A_538 : memref<100x56xf32, #tpu.memory_space<vmem>>)
    %dma_wait3A_542 = arith.constant 0 : i32
    %dma_wait3A_543 = arith.constant 0 : i32
    %dma_wait3A_544 = arith.constant 0 : i32
    %dma_wait3A_545 = tpu.memref_slice %arg8[%dma_wait3A_542, %dma_wait3A_543, %dma_wait3A_544] : memref<2x4x100xi32, #tpu.memory_space<vmem>> -> memref<1x4x100xi32, #tpu.memory_space<vmem>>
    %dma_wait3A_546 = tpu.memref_squeeze %dma_wait3A_545 : memref<1x4x100xi32, #tpu.memory_space<vmem>> -> memref<4x100xi32, #tpu.memory_space<vmem>>
    %dma_wait3A_547 = arith.constant 0 : i32
    %dma_wait3A_548 = arith.constant 0 : i32
    %dma_wait3A_549 = tpu.memref_slice %arg2[%dma_wait3A_547, %dma_wait3A_548] : memref<8192x100xi32, #tpu.memory_space<hbm>> -> memref<4x100xi32, #tpu.memory_space<hbm>>
    %dma_wait3A_550 = arith.constant 0 : i32
    %dma_wait3A_551 = arith.constant 0 : i32
    %dma_wait3A_552 = tpu.memref_slice %arg8[%dma_wait3A_542, %dma_wait3A_550, %dma_wait3A_551] : memref<2x4x100xi32, #tpu.memory_space<vmem>> -> memref<1x4x100xi32, #tpu.memory_space<vmem>>
    %dma_wait3A_553 = tpu.memref_squeeze %dma_wait3A_552 : memref<1x4x100xi32, #tpu.memory_space<vmem>> -> memref<4x100xi32, #tpu.memory_space<vmem>>
    %dma_wait3A_554 = arith.constant 0 : i32
    %dma_wait3A_555 = arith.constant 0 : i32
    %dma_wait3A_556 = tpu.memref_slice %arg2[%dma_wait3A_554, %dma_wait3A_555] : memref<8192x100xi32, #tpu.memory_space<hbm>> -> memref<4x100xi32, #tpu.memory_space<hbm>>
    tpu.wait_dma2 semaphore(%arg14 : memref<!tpu.dma_semaphore, #tpu.memory_space<semaphore_mem>>) src(%dma_wait3A_556 : memref<4x100xi32, #tpu.memory_space<hbm>>) dst(%dma_wait3A_553 : memref<4x100xi32, #tpu.memory_space<vmem>>)
    %dma_wait3A_557 = arith.constant 0 : i32
    %dma_wait3A_558 = arith.constant 0 : i32
    %dma_wait3A_559 = tpu.memref_slice %arg9[%dma_wait3A_557, %dma_wait3A_558] : memref<2x400xi32, #tpu.memory_space<vmem>> -> memref<1x400xi32, #tpu.memory_space<vmem>>
    %dma_wait3A_560 = tpu.memref_squeeze %dma_wait3A_559 : memref<1x400xi32, #tpu.memory_space<vmem>> -> memref<400xi32, #tpu.memory_space<vmem>>
    %dma_wait3A_561 = arith.constant 0 : i32
    %dma_wait3A_562 = tpu.memref_slice %arg3[%dma_wait3A_561] : memref<819200xi32, #tpu.memory_space<hbm>> -> memref<400xi32, #tpu.memory_space<hbm>>
    %dma_wait3A_563 = arith.constant 0 : i32
    %dma_wait3A_564 = tpu.memref_slice %arg9[%dma_wait3A_557, %dma_wait3A_563] : memref<2x400xi32, #tpu.memory_space<vmem>> -> memref<1x400xi32, #tpu.memory_space<vmem>>
    %dma_wait3A_565 = tpu.memref_squeeze %dma_wait3A_564 : memref<1x400xi32, #tpu.memory_space<vmem>> -> memref<400xi32, #tpu.memory_space<vmem>>
    %dma_wait3A_566 = arith.constant 0 : i32
    %dma_wait3A_567 = tpu.memref_slice %arg3[%dma_wait3A_566] : memref<819200xi32, #tpu.memory_space<hbm>> -> memref<400xi32, #tpu.memory_space<hbm>>
    tpu.wait_dma2 semaphore(%arg14 : memref<!tpu.dma_semaphore, #tpu.memory_space<semaphore_mem>>) src(%dma_wait3A_567 : memref<400xi32, #tpu.memory_space<hbm>>) dst(%dma_wait3A_565 : memref<400xi32, #tpu.memory_space<vmem>>)
    %dma_wait3A_568 = arith.constant 0 : i32
    %dma_wait3A_569 = arith.constant 0 : i32
    %dma_wait3A_570 = tpu.memref_slice %arg10[%dma_wait3A_568, %dma_wait3A_569] : memref<2x400xi32, #tpu.memory_space<vmem>> -> memref<1x400xi32, #tpu.memory_space<vmem>>
    %dma_wait3A_571 = tpu.memref_squeeze %dma_wait3A_570 : memref<1x400xi32, #tpu.memory_space<vmem>> -> memref<400xi32, #tpu.memory_space<vmem>>
    %dma_wait3A_572 = arith.constant 0 : i32
    %dma_wait3A_573 = tpu.memref_slice %arg4[%dma_wait3A_572] : memref<819200xi32, #tpu.memory_space<hbm>> -> memref<400xi32, #tpu.memory_space<hbm>>
    %dma_wait3A_574 = arith.constant 0 : i32
    %dma_wait3A_575 = tpu.memref_slice %arg10[%dma_wait3A_568, %dma_wait3A_574] : memref<2x400xi32, #tpu.memory_space<vmem>> -> memref<1x400xi32, #tpu.memory_space<vmem>>
    %dma_wait3A_576 = tpu.memref_squeeze %dma_wait3A_575 : memref<1x400xi32, #tpu.memory_space<vmem>> -> memref<400xi32, #tpu.memory_space<vmem>>
    %dma_wait3A_577 = arith.constant 0 : i32
    %dma_wait3A_578 = tpu.memref_slice %arg4[%dma_wait3A_577] : memref<819200xi32, #tpu.memory_space<hbm>> -> memref<400xi32, #tpu.memory_space<hbm>>
    tpu.wait_dma2 semaphore(%arg14 : memref<!tpu.dma_semaphore, #tpu.memory_space<semaphore_mem>>) src(%dma_wait3A_578 : memref<400xi32, #tpu.memory_space<hbm>>) dst(%dma_wait3A_576 : memref<400xi32, #tpu.memory_space<vmem>>)
    %dma_wait3A_579 = arith.constant 0 : i32
    %dma_wait3A_580 = arith.constant 0 : i32
    %dma_wait3A_581 = arith.constant 0 : i32
    %dma_wait3A_582 = arith.constant 0 : i32
    %dma_wait3A_583 = tpu.memref_slice %arg13[%dma_wait3A_579, %dma_wait3A_580, %dma_wait3A_581, %dma_wait3A_582] : memref<2x2x200x60xf32, #tpu.memory_space<vmem>> -> memref<1x2x200x60xf32, #tpu.memory_space<vmem>>
    %dma_wait3A_584 = tpu.memref_squeeze %dma_wait3A_583 : memref<1x2x200x60xf32, #tpu.memory_space<vmem>> -> memref<2x200x60xf32, #tpu.memory_space<vmem>>
    %dma_wait3A_585 = arith.constant 0 : i32
    %dma_wait3A_586 = arith.constant 0 : i32
    %dma_wait3A_587 = arith.constant 0 : i32
    %dma_wait3A_588 = tpu.memref_slice %arg7[%dma_wait3A_585, %dma_wait3A_586, %dma_wait3A_587] : memref<4096x200x60xf32, #tpu.memory_space<hbm>> -> memref<2x200x60xf32, #tpu.memory_space<hbm>>
    %dma_wait3A_589 = arith.constant 0 : i32
    %dma_wait3A_590 = arith.constant 0 : i32
    %dma_wait3A_591 = arith.constant 0 : i32
    %dma_wait3A_592 = tpu.memref_slice %arg7[%dma_wait3A_589, %dma_wait3A_590, %dma_wait3A_591] : memref<4096x200x60xf32, #tpu.memory_space<hbm>> -> memref<2x200x60xf32, #tpu.memory_space<hbm>>
    %dma_wait3A_593 = arith.constant 0 : i32
    %dma_wait3A_594 = arith.constant 0 : i32
    %dma_wait3A_595 = arith.constant 0 : i32
    %dma_wait3A_596 = tpu.memref_slice %arg13[%dma_wait3A_579, %dma_wait3A_593, %dma_wait3A_594, %dma_wait3A_595] : memref<2x2x200x60xf32, #tpu.memory_space<vmem>> -> memref<1x2x200x60xf32, #tpu.memory_space<vmem>>
    %dma_wait3A_597 = tpu.memref_squeeze %dma_wait3A_596 : memref<1x2x200x60xf32, #tpu.memory_space<vmem>> -> memref<2x200x60xf32, #tpu.memory_space<vmem>>
    tpu.wait_dma2 semaphore(%arg16 : memref<!tpu.dma_semaphore, #tpu.memory_space<semaphore_mem>>) src(%dma_wait3A_597 : memref<2x200x60xf32, #tpu.memory_space<vmem>>) dst(%dma_wait3A_592 : memref<2x200x60xf32, #tpu.memory_space<hbm>>)
    %dma_wait3A_598 = arith.constant 0 : i32
    %dma_wait3A_599 = arith.constant 0 : i32
    %dma_wait3A_600 = arith.constant 0 : i32
    %dma_wait3A_601 = arith.constant 0 : i32
    %dma_wait3A_602 = tpu.memref_slice %arg12[%dma_wait3A_598, %dma_wait3A_599, %dma_wait3A_600, %dma_wait3A_601] : memref<2x2x200x56xf32, #tpu.memory_space<vmem>> -> memref<1x2x200x56xf32, #tpu.memory_space<vmem>>
    %dma_wait3A_603 = tpu.memref_squeeze %dma_wait3A_602 : memref<1x2x200x56xf32, #tpu.memory_space<vmem>> -> memref<2x200x56xf32, #tpu.memory_space<vmem>>
    %dma_wait3A_604 = arith.constant 0 : i32
    %dma_wait3A_605 = arith.constant 0 : i32
    %dma_wait3A_606 = arith.constant 0 : i32
    %dma_wait3A_607 = tpu.memref_slice %arg7[%dma_wait3A_604, %dma_wait3A_605, %dma_wait3A_606] : memref<4096x200x60xf32, #tpu.memory_space<hbm>> -> memref<2x200x56xf32, #tpu.memory_space<hbm>>
    %dma_wait3A_608 = arith.constant 0 : i32
    %dma_wait3A_609 = arith.constant 0 : i32
    %dma_wait3A_610 = arith.constant 0 : i32
    %dma_wait3A_611 = tpu.memref_slice %arg7[%dma_wait3A_608, %dma_wait3A_609, %dma_wait3A_610] : memref<4096x200x60xf32, #tpu.memory_space<hbm>> -> memref<2x200x56xf32, #tpu.memory_space<hbm>>
    %dma_wait3A_612 = arith.constant 0 : i32
    %dma_wait3A_613 = arith.constant 0 : i32
    %dma_wait3A_614 = arith.constant 0 : i32
    %dma_wait3A_615 = tpu.memref_slice %arg12[%dma_wait3A_598, %dma_wait3A_612, %dma_wait3A_613, %dma_wait3A_614] : memref<2x2x200x56xf32, #tpu.memory_space<vmem>> -> memref<1x2x200x56xf32, #tpu.memory_space<vmem>>
    %dma_wait3A_616 = tpu.memref_squeeze %dma_wait3A_615 : memref<1x2x200x56xf32, #tpu.memory_space<vmem>> -> memref<2x200x56xf32, #tpu.memory_space<vmem>>
    tpu.wait_dma2 semaphore(%arg16 : memref<!tpu.dma_semaphore, #tpu.memory_space<semaphore_mem>>) src(%dma_wait3A_616 : memref<2x200x56xf32, #tpu.memory_space<vmem>>) dst(%dma_wait3A_611 : memref<2x200x56xf32, #tpu.memory_space<hbm>>)
    %dma_start3A_617 = arith.constant 0 : i32
    %dma_start3A_618 = arith.constant 0 : i32
    %dma_start3A_619 = arith.constant 0 : i32
    %dma_start3A_620 = arith.constant 0 : i32
    %dma_start3A_621 = arith.constant 0 : i32
    %dma_start3A_622 = arith.constant 0 : i32
    %dma_start3A_623 = tpu.memref_slice %arg12[%dma_start3A_619, %dma_start3A_620, %dma_start3A_621, %dma_start3A_622] : memref<2x2x200x56xf32, #tpu.memory_space<vmem>> -> memref<1x1x200x56xf32, #tpu.memory_space<vmem>>
    %dma_start3A_624 = tpu.memref_squeeze %dma_start3A_623 : memref<1x1x200x56xf32, #tpu.memory_space<vmem>> -> memref<200x56xf32, #tpu.memory_space<vmem>>
    %dma_start3A_625 = arith.constant 0 : i32
    %dma_start3A_626 = arith.constant 0 : i32
    %dma_start3A_627 = tpu.memref_slice %dma_start3A_624[%dma_start3A_625, %dma_start3A_626] : memref<200x56xf32, #tpu.memory_space<vmem>> -> memref<100x56xf32, #tpu.memory_space<vmem>>
    %dma_start3A_628 = arith.constant 0 : i32
    %dma_start3A_629 = arith.constant 0 : i32
    %dma_start3A_630 = tpu.memref_slice %arg8[%dma_start3A_617, %dma_start3A_628, %dma_start3A_629] : memref<2x4x100xi32, #tpu.memory_space<vmem>> -> memref<1x4x100xi32, #tpu.memory_space<vmem>>
    %dma_start3A_631 = tpu.memref_squeeze %dma_start3A_630 : memref<1x4x100xi32, #tpu.memory_space<vmem>> -> memref<4x100xi32, #tpu.memory_space<vmem>>
    %dma_start3A_632 = arith.constant 0 : i32
    %dma_start3A_633 = tpu.memref_slice %dma_start3A_631[%dma_start3A_618, %dma_start3A_632] : memref<4x100xi32, #tpu.memory_space<vmem>> -> memref<1x100xi32, #tpu.memory_space<vmem>>
    %dma_start3A_634 = tpu.memref_squeeze %dma_start3A_633 : memref<1x100xi32, #tpu.memory_space<vmem>> -> memref<100xi32, #tpu.memory_space<vmem>>
    %dma_start3A_635 = arith.constant 0 : i32
    %dma_start3A_636 = arith.constant 0 : i32
    %dma_start3A_637 = tpu.memref_slice %arg5[%dma_start3A_635, %dma_start3A_636] : memref<100002x56xf32, #tpu.memory_space<hbm>> -> memref<100002x56xf32, #tpu.memory_space<hbm>>
    tpu.enqueue_indirect_dma source(%dma_start3A_637 : memref<100002x56xf32, #tpu.memory_space<hbm>>) target(%dma_start3A_627 : memref<100x56xf32, #tpu.memory_space<vmem>>) offsets(%dma_start3A_634 : memref<100xi32, #tpu.memory_space<vmem>>) semaphore(%arg15 : memref<!tpu.dma_semaphore, #tpu.memory_space<semaphore_mem>>)
    %dma_start3A_638 = arith.constant 0 : i32
    %dma_start3A_639 = arith.constant 1 : i32
    %dma_start3A_640 = arith.constant 0 : i32
    %dma_start3A_641 = arith.constant 0 : i32
    %dma_start3A_642 = arith.constant 0 : i32
    %dma_start3A_643 = arith.constant 0 : i32
    %dma_start3A_644 = tpu.memref_slice %arg12[%dma_start3A_640, %dma_start3A_641, %dma_start3A_642, %dma_start3A_643] : memref<2x2x200x56xf32, #tpu.memory_space<vmem>> -> memref<1x1x200x56xf32, #tpu.memory_space<vmem>>
    %dma_start3A_645 = tpu.memref_squeeze %dma_start3A_644 : memref<1x1x200x56xf32, #tpu.memory_space<vmem>> -> memref<200x56xf32, #tpu.memory_space<vmem>>
    %dma_start3A_646 = arith.constant 100 : i32
    %dma_start3A_647 = arith.constant 0 : i32
    %dma_start3A_648 = tpu.memref_slice %dma_start3A_645[%dma_start3A_646, %dma_start3A_647] : memref<200x56xf32, #tpu.memory_space<vmem>> -> memref<100x56xf32, #tpu.memory_space<vmem>>
    %dma_start3A_649 = arith.constant 0 : i32
    %dma_start3A_650 = arith.constant 0 : i32
    %dma_start3A_651 = tpu.memref_slice %arg8[%dma_start3A_638, %dma_start3A_649, %dma_start3A_650] : memref<2x4x100xi32, #tpu.memory_space<vmem>> -> memref<1x4x100xi32, #tpu.memory_space<vmem>>
    %dma_start3A_652 = tpu.memref_squeeze %dma_start3A_651 : memref<1x4x100xi32, #tpu.memory_space<vmem>> -> memref<4x100xi32, #tpu.memory_space<vmem>>
    %dma_start3A_653 = arith.constant 0 : i32
    %dma_start3A_654 = tpu.memref_slice %dma_start3A_652[%dma_start3A_639, %dma_start3A_653] : memref<4x100xi32, #tpu.memory_space<vmem>> -> memref<1x100xi32, #tpu.memory_space<vmem>>
    %dma_start3A_655 = tpu.memref_squeeze %dma_start3A_654 : memref<1x100xi32, #tpu.memory_space<vmem>> -> memref<100xi32, #tpu.memory_space<vmem>>
    %dma_start3A_656 = arith.constant 0 : i32
    %dma_start3A_657 = arith.constant 0 : i32
    %dma_start3A_658 = tpu.memref_slice %arg5[%dma_start3A_656, %dma_start3A_657] : memref<100002x56xf32, #tpu.memory_space<hbm>> -> memref<100002x56xf32, #tpu.memory_space<hbm>>
    tpu.enqueue_indirect_dma source(%dma_start3A_658 : memref<100002x56xf32, #tpu.memory_space<hbm>>) target(%dma_start3A_648 : memref<100x56xf32, #tpu.memory_space<vmem>>) offsets(%dma_start3A_655 : memref<100xi32, #tpu.memory_space<vmem>>) semaphore(%arg15 : memref<!tpu.dma_semaphore, #tpu.memory_space<semaphore_mem>>)
    %dma_start3A_659 = arith.constant 0 : i32
    %dma_start3A_660 = arith.constant 2 : i32
    %dma_start3A_661 = arith.constant 0 : i32
    %dma_start3A_662 = arith.constant 1 : i32
    %dma_start3A_663 = arith.constant 0 : i32
    %dma_start3A_664 = arith.constant 0 : i32
    %dma_start3A_665 = tpu.memref_slice %arg12[%dma_start3A_661, %dma_start3A_662, %dma_start3A_663, %dma_start3A_664] : memref<2x2x200x56xf32, #tpu.memory_space<vmem>> -> memref<1x1x200x56xf32, #tpu.memory_space<vmem>>
    %dma_start3A_666 = tpu.memref_squeeze %dma_start3A_665 : memref<1x1x200x56xf32, #tpu.memory_space<vmem>> -> memref<200x56xf32, #tpu.memory_space<vmem>>
    %dma_start3A_667 = arith.constant 0 : i32
    %dma_start3A_668 = arith.constant 0 : i32
    %dma_start3A_669 = tpu.memref_slice %dma_start3A_666[%dma_start3A_667, %dma_start3A_668] : memref<200x56xf32, #tpu.memory_space<vmem>> -> memref<100x56xf32, #tpu.memory_space<vmem>>
    %dma_start3A_670 = arith.constant 0 : i32
    %dma_start3A_671 = arith.constant 0 : i32
    %dma_start3A_672 = tpu.memref_slice %arg8[%dma_start3A_659, %dma_start3A_670, %dma_start3A_671] : memref<2x4x100xi32, #tpu.memory_space<vmem>> -> memref<1x4x100xi32, #tpu.memory_space<vmem>>
    %dma_start3A_673 = tpu.memref_squeeze %dma_start3A_672 : memref<1x4x100xi32, #tpu.memory_space<vmem>> -> memref<4x100xi32, #tpu.memory_space<vmem>>
    %dma_start3A_674 = arith.constant 0 : i32
    %dma_start3A_675 = tpu.memref_slice %dma_start3A_673[%dma_start3A_660, %dma_start3A_674] : memref<4x100xi32, #tpu.memory_space<vmem>> -> memref<1x100xi32, #tpu.memory_space<vmem>>
    %dma_start3A_676 = tpu.memref_squeeze %dma_start3A_675 : memref<1x100xi32, #tpu.memory_space<vmem>> -> memref<100xi32, #tpu.memory_space<vmem>>
    %dma_start3A_677 = arith.constant 0 : i32
    %dma_start3A_678 = arith.constant 0 : i32
    %dma_start3A_679 = tpu.memref_slice %arg5[%dma_start3A_677, %dma_start3A_678] : memref<100002x56xf32, #tpu.memory_space<hbm>> -> memref<100002x56xf32, #tpu.memory_space<hbm>>
    tpu.enqueue_indirect_dma source(%dma_start3A_679 : memref<100002x56xf32, #tpu.memory_space<hbm>>) target(%dma_start3A_669 : memref<100x56xf32, #tpu.memory_space<vmem>>) offsets(%dma_start3A_676 : memref<100xi32, #tpu.memory_space<vmem>>) semaphore(%arg15 : memref<!tpu.dma_semaphore, #tpu.memory_space<semaphore_mem>>)
    %dma_start3A_680 = arith.constant 0 : i32
    %dma_start3A_681 = arith.constant 3 : i32
    %dma_start3A_682 = arith.constant 0 : i32
    %dma_start3A_683 = arith.constant 1 : i32
    %dma_start3A_684 = arith.constant 0 : i32
    %dma_start3A_685 = arith.constant 0 : i32
    %dma_start3A_686 = tpu.memref_slice %arg12[%dma_start3A_682, %dma_start3A_683, %dma_start3A_684, %dma_start3A_685] : memref<2x2x200x56xf32, #tpu.memory_space<vmem>> -> memref<1x1x200x56xf32, #tpu.memory_space<vmem>>
    %dma_start3A_687 = tpu.memref_squeeze %dma_start3A_686 : memref<1x1x200x56xf32, #tpu.memory_space<vmem>> -> memref<200x56xf32, #tpu.memory_space<vmem>>
    %dma_start3A_688 = arith.constant 100 : i32
    %dma_start3A_689 = arith.constant 0 : i32
    %dma_start3A_690 = tpu.memref_slice %dma_start3A_687[%dma_start3A_688, %dma_start3A_689] : memref<200x56xf32, #tpu.memory_space<vmem>> -> memref<100x56xf32, #tpu.memory_space<vmem>>
    %dma_start3A_691 = arith.constant 0 : i32
    %dma_start3A_692 = arith.constant 0 : i32
    %dma_start3A_693 = tpu.memref_slice %arg8[%dma_start3A_680, %dma_start3A_691, %dma_start3A_692] : memref<2x4x100xi32, #tpu.memory_space<vmem>> -> memref<1x4x100xi32, #tpu.memory_space<vmem>>
    %dma_start3A_694 = tpu.memref_squeeze %dma_start3A_693 : memref<1x4x100xi32, #tpu.memory_space<vmem>> -> memref<4x100xi32, #tpu.memory_space<vmem>>
    %dma_start3A_695 = arith.constant 0 : i32
    %dma_start3A_696 = tpu.memref_slice %dma_start3A_694[%dma_start3A_681, %dma_start3A_695] : memref<4x100xi32, #tpu.memory_space<vmem>> -> memref<1x100xi32, #tpu.memory_space<vmem>>
    %dma_start3A_697 = tpu.memref_squeeze %dma_start3A_696 : memref<1x100xi32, #tpu.memory_space<vmem>> -> memref<100xi32, #tpu.memory_space<vmem>>
    %dma_start3A_698 = arith.constant 0 : i32
    %dma_start3A_699 = arith.constant 0 : i32
    %dma_start3A_700 = tpu.memref_slice %arg5[%dma_start3A_698, %dma_start3A_699] : memref<100002x56xf32, #tpu.memory_space<hbm>> -> memref<100002x56xf32, #tpu.memory_space<hbm>>
    tpu.enqueue_indirect_dma source(%dma_start3A_700 : memref<100002x56xf32, #tpu.memory_space<hbm>>) target(%dma_start3A_690 : memref<100x56xf32, #tpu.memory_space<vmem>>) offsets(%dma_start3A_697 : memref<100xi32, #tpu.memory_space<vmem>>) semaphore(%arg15 : memref<!tpu.dma_semaphore, #tpu.memory_space<semaphore_mem>>)
    %scan3A_701 = arith.constant 0 : i32
    %scan3A_702 = arith.constant 0 : i32
    %scan3A_703 = arith.constant 25 : i32
    %scan3A_704 = arith.addi %scan3A_702, %scan3A_703 : i32
    %scan3A_705 = arith.constant 1 : i32
    scf.for %scan3A_1329 = %scan3A_702 to %scan3A_704 step %scan3A_705  : i32 {
      %mul3A_1330 = arith.constant 16 : i32
      %mul3A_1331 = arith.muli %scan3A_1329, %mul3A_1330 : i32
      %multiple_of3A_1332 = tpu.assume_multiple %mul3A_1331, 16 : i32
      %mul3A_1333 = arith.constant 16 : i32
      %mul3A_1334 = arith.muli %scan3A_1329, %mul3A_1333 : i32
      %add3A_1335 = vector.broadcast %mul3A_1334 : i32 to vector<16xi32>
      %add3A_1336 = arith.addi %add3A_1335, %iota3A : vector<16xi32>
      %jit3A = arith.constant 200 : i32
      %div3A = vector.broadcast %jit3A : i32 to vector<16xi32>
      %div3A_1337 = arith.divsi %add3A_1336, %div3A : vector<16xi32>
      %sign3A = arith.constant 0 : i32
      %sign3A_1338 = vector.broadcast %sign3A : i32 to vector<16xi32>
      %sign3A_1339 = arith.cmpi sgt, %add3A_1336, %sign3A_1338 : vector<16xi32>
      %sign3A_1340 = arith.extui %sign3A_1339 : vector<16xi1> to vector<16xi32>
      %sign3A_1341 = arith.constant 0 : i32
      %sign3A_1342 = vector.broadcast %sign3A_1341 : i32 to vector<16xi32>
      %sign3A_1343 = arith.cmpi slt, %add3A_1336, %sign3A_1342 : vector<16xi32>
      %sign3A_1344 = arith.extui %sign3A_1343 : vector<16xi1> to vector<16xi32>
      %sign3A_1345 = arith.subi %sign3A_1340, %sign3A_1344 : vector<16xi32>
      %sign3A_1346 = arith.constant 0 : i32
      %sign3A_1347 = arith.cmpi sgt, %jit3A, %sign3A_1346 : i32
      %sign3A_1348 = arith.extui %sign3A_1347 : i1 to i32
      %sign3A_1349 = arith.constant 0 : i32
      %sign3A_1350 = arith.cmpi slt, %jit3A, %sign3A_1349 : i32
      %sign3A_1351 = arith.extui %sign3A_1350 : i1 to i32
      %sign3A_1352 = arith.subi %sign3A_1348, %sign3A_1351 : i32
      %ne3A = vector.broadcast %sign3A_1352 : i32 to vector<16xi32>
      %ne3A_1353 = arith.cmpi ne, %sign3A_1345, %ne3A : vector<16xi32>
      %rem3A = vector.broadcast %jit3A : i32 to vector<16xi32>
      %rem3A_1354 = arith.remsi %add3A_1336, %rem3A : vector<16xi32>
      %ne3A_1355 = arith.constant 0 : i32
      %ne3A_1356 = vector.broadcast %ne3A_1355 : i32 to vector<16xi32>
      %ne3A_1357 = arith.cmpi ne, %rem3A_1354, %ne3A_1356 : vector<16xi32>
      %and3A = arith.andi %ne3A_1353, %ne3A_1357 : vector<16xi1>
      %sub3A = arith.constant 1 : i32
      %sub3A_1358 = vector.broadcast %sub3A : i32 to vector<16xi32>
      %sub3A_1359 = arith.subi %div3A_1337, %sub3A_1358 : vector<16xi32>
      %select_n3A = arith.select %and3A, %sub3A_1359, %div3A_1337 : vector<16xi1>, vector<16xi32>
      %mul3A_1360 = arith.constant 200 : i32
      %mul3A_1361 = vector.broadcast %mul3A_1360 : i32 to vector<16xi32>
      %mul3A_1362 = arith.muli %select_n3A, %mul3A_1361 : vector<16xi32>
      %sub3A_1363 = arith.subi %add3A_1336, %mul3A_1362 : vector<16xi32>
      %get3A = arith.constant 1 : i32
      %get3A_1364 = arith.constant 0 : i32
      %get3A_1365 = tpu.memref_slice %arg9[%get3A, %get3A_1364] : memref<2x400xi32, #tpu.memory_space<vmem>> -> memref<1x400xi32, #tpu.memory_space<vmem>>
      %get3A_1366 = tpu.memref_squeeze %get3A_1365 : memref<1x400xi32, #tpu.memory_space<vmem>> -> memref<400xi32, #tpu.memory_space<vmem>>
      %get3A_1367 = arith.index_cast %multiple_of3A_1332 : i32 to index
      %get3A_1368 = tpu.vector_load %get3A_1366[%get3A_1367] {strides = array<i32>} : memref<400xi32, #tpu.memory_space<vmem>>, vector<16xi32>,
      %get3A_1369 = arith.constant 1 : i32
      %get3A_1370 = arith.constant 0 : i32
      %get3A_1371 = tpu.memref_slice %arg10[%get3A_1369, %get3A_1370] : memref<2x400xi32, #tpu.memory_space<vmem>> -> memref<1x400xi32, #tpu.memory_space<vmem>>
      %get3A_1372 = tpu.memref_squeeze %get3A_1371 : memref<1x400xi32, #tpu.memory_space<vmem>> -> memref<400xi32, #tpu.memory_space<vmem>>
      %get3A_1373 = arith.index_cast %multiple_of3A_1332 : i32 to index
      %get3A_1374 = tpu.vector_load %get3A_1372[%get3A_1373] {strides = array<i32>} : memref<400xi32, #tpu.memory_space<vmem>>, vector<16xi32>,
      %mul3A_1375 = arith.constant 5 : i32
      %mul3A_1376 = vector.broadcast %mul3A_1375 : i32 to vector<16xi32>
      %mul3A_1377 = arith.muli %get3A_1368, %mul3A_1376 : vector<16xi32>
      %add3A_1378 = arith.constant 0 : i32
      %add3A_1379 = vector.broadcast %add3A_1378 : i32 to vector<16xi32>
      %add3A_1380 = arith.addi %mul3A_1377, %add3A_1379 : vector<16xi32>
      %gather3A = tpu.vector_load_idx %arg11[%add3A_1380] : memref<4000xf32, #tpu.memory_space<vmem>>[vector<16xi32>], vector<16xf32>,
      %broadcast_in_dim3A = arith.constant 50 : i32
      %broadcast_in_dim3A_1381 = vector.broadcast %broadcast_in_dim3A : i32 to vector<16xi32>
      %scatter3A = arith.constant 1 : i32
      %scatter3A_1382 = arith.constant 0 : i32
      %scatter3A_1383 = arith.constant 0 : i32
      %scatter3A_1384 = arith.constant 0 : i32
      %scatter3A_1385 = tpu.memref_slice %arg12[%scatter3A, %scatter3A_1382, %scatter3A_1383, %scatter3A_1384] : memref<2x2x200x56xf32, #tpu.memory_space<vmem>> -> memref<1x2x200x56xf32, #tpu.memory_space<vmem>>
      %scatter3A_1386 = tpu.memref_squeeze %scatter3A_1385 : memref<1x2x200x56xf32, #tpu.memory_space<vmem>> -> memref<2x200x56xf32, #tpu.memory_space<vmem>>
      tpu.vector_store_idx %scatter3A_1386[%select_n3A, %sub3A_1363, %broadcast_in_dim3A_1381], %gather3A : memref<2x200x56xf32, #tpu.memory_space<vmem>>[vector<16xi32>, vector<16xi32>, vector<16xi32>], vector<16xf32>,
      %mul3A_1387 = arith.constant 5 : i32
      %mul3A_1388 = vector.broadcast %mul3A_1387 : i32 to vector<16xi32>
      %mul3A_1389 = arith.muli %get3A_1374, %mul3A_1388 : vector<16xi32>
      %add3A_1390 = arith.constant 2000 : i32
      %add3A_1391 = vector.broadcast %add3A_1390 : i32 to vector<16xi32>
      %add3A_1392 = arith.addi %add3A_1391, %mul3A_1389 : vector<16xi32>
      %add3A_1393 = arith.constant 0 : i32
      %add3A_1394 = vector.broadcast %add3A_1393 : i32 to vector<16xi32>
      %add3A_1395 = arith.addi %add3A_1392, %add3A_1394 : vector<16xi32>
      %gather3A_1396 = tpu.vector_load_idx %arg11[%add3A_1395] : memref<4000xf32, #tpu.memory_space<vmem>>[vector<16xi32>], vector<16xf32>,
      %broadcast_in_dim3A_1397 = arith.constant 55 : i32
      %broadcast_in_dim3A_1398 = vector.broadcast %broadcast_in_dim3A_1397 : i32 to vector<16xi32>
      %scatter3A_1399 = arith.constant 1 : i32
      %scatter3A_1400 = arith.constant 0 : i32
      %scatter3A_1401 = arith.constant 0 : i32
      %scatter3A_1402 = arith.constant 0 : i32
      %scatter3A_1403 = tpu.memref_slice %arg12[%scatter3A_1399, %scatter3A_1400, %scatter3A_1401, %scatter3A_1402] : memref<2x2x200x56xf32, #tpu.memory_space<vmem>> -> memref<1x2x200x56xf32, #tpu.memory_space<vmem>>
      %scatter3A_1404 = tpu.memref_squeeze %scatter3A_1403 : memref<1x2x200x56xf32, #tpu.memory_space<vmem>> -> memref<2x200x56xf32, #tpu.memory_space<vmem>>
      tpu.vector_store_idx %scatter3A_1404[%select_n3A, %sub3A_1363, %broadcast_in_dim3A_1398], %gather3A_1396 : memref<2x200x56xf32, #tpu.memory_space<vmem>>[vector<16xi32>, vector<16xi32>, vector<16xi32>], vector<16xf32>,
      %mul3A_1405 = arith.constant 5 : i32
      %mul3A_1406 = vector.broadcast %mul3A_1405 : i32 to vector<16xi32>
      %mul3A_1407 = arith.muli %get3A_1368, %mul3A_1406 : vector<16xi32>
      %add3A_1408 = arith.constant 1 : i32
      %add3A_1409 = vector.broadcast %add3A_1408 : i32 to vector<16xi32>
      %add3A_1410 = arith.addi %mul3A_1407, %add3A_1409 : vector<16xi32>
      %gather3A_1411 = tpu.vector_load_idx %arg11[%add3A_1410] : memref<4000xf32, #tpu.memory_space<vmem>>[vector<16xi32>], vector<16xf32>,
      %broadcast_in_dim3A_1412 = arith.constant 51 : i32
      %broadcast_in_dim3A_1413 = vector.broadcast %broadcast_in_dim3A_1412 : i32 to vector<16xi32>
      %scatter3A_1414 = arith.constant 1 : i32
      %scatter3A_1415 = arith.constant 0 : i32
      %scatter3A_1416 = arith.constant 0 : i32
      %scatter3A_1417 = arith.constant 0 : i32
      %scatter3A_1418 = tpu.memref_slice %arg12[%scatter3A_1414, %scatter3A_1415, %scatter3A_1416, %scatter3A_1417] : memref<2x2x200x56xf32, #tpu.memory_space<vmem>> -> memref<1x2x200x56xf32, #tpu.memory_space<vmem>>
      %scatter3A_1419 = tpu.memref_squeeze %scatter3A_1418 : memref<1x2x200x56xf32, #tpu.memory_space<vmem>> -> memref<2x200x56xf32, #tpu.memory_space<vmem>>
      tpu.vector_store_idx %scatter3A_1419[%select_n3A, %sub3A_1363, %broadcast_in_dim3A_1413], %gather3A_1411 : memref<2x200x56xf32, #tpu.memory_space<vmem>>[vector<16xi32>, vector<16xi32>, vector<16xi32>], vector<16xf32>,
      %mul3A_1420 = arith.constant 5 : i32
      %mul3A_1421 = vector.broadcast %mul3A_1420 : i32 to vector<16xi32>
      %mul3A_1422 = arith.muli %get3A_1374, %mul3A_1421 : vector<16xi32>
      %add3A_1423 = arith.constant 2000 : i32
      %add3A_1424 = vector.broadcast %add3A_1423 : i32 to vector<16xi32>
      %add3A_1425 = arith.addi %add3A_1424, %mul3A_1422 : vector<16xi32>
      %add3A_1426 = arith.constant 1 : i32
      %add3A_1427 = vector.broadcast %add3A_1426 : i32 to vector<16xi32>
      %add3A_1428 = arith.addi %add3A_1425, %add3A_1427 : vector<16xi32>
      %gather3A_1429 = tpu.vector_load_idx %arg11[%add3A_1428] : memref<4000xf32, #tpu.memory_space<vmem>>[vector<16xi32>], vector<16xf32>,
      %broadcast_in_dim3A_1430 = arith.constant 56 : i32
      %broadcast_in_dim3A_1431 = vector.broadcast %broadcast_in_dim3A_1430 : i32 to vector<16xi32>
      %scatter3A_1432 = arith.constant 1 : i32
      %scatter3A_1433 = arith.constant 0 : i32
      %scatter3A_1434 = arith.constant 0 : i32
      %scatter3A_1435 = arith.constant 0 : i32
      %scatter3A_1436 = tpu.memref_slice %arg13[%scatter3A_1432, %scatter3A_1433, %scatter3A_1434, %scatter3A_1435] : memref<2x2x200x60xf32, #tpu.memory_space<vmem>> -> memref<1x2x200x60xf32, #tpu.memory_space<vmem>>
      %scatter3A_1437 = tpu.memref_squeeze %scatter3A_1436 : memref<1x2x200x60xf32, #tpu.memory_space<vmem>> -> memref<2x200x60xf32, #tpu.memory_space<vmem>>
      tpu.vector_store_idx %scatter3A_1437[%select_n3A, %sub3A_1363, %broadcast_in_dim3A_1431], %gather3A_1429 : memref<2x200x60xf32, #tpu.memory_space<vmem>>[vector<16xi32>, vector<16xi32>, vector<16xi32>], vector<16xf32>,
      %mul3A_1438 = arith.constant 5 : i32
      %mul3A_1439 = vector.broadcast %mul3A_1438 : i32 to vector<16xi32>
      %mul3A_1440 = arith.muli %get3A_1368, %mul3A_1439 : vector<16xi32>
      %add3A_1441 = arith.constant 2 : i32
      %add3A_1442 = vector.broadcast %add3A_1441 : i32 to vector<16xi32>
      %add3A_1443 = arith.addi %mul3A_1440, %add3A_1442 : vector<16xi32>
      %gather3A_1444 = tpu.vector_load_idx %arg11[%add3A_1443] : memref<4000xf32, #tpu.memory_space<vmem>>[vector<16xi32>], vector<16xf32>,
      %broadcast_in_dim3A_1445 = arith.constant 52 : i32
      %broadcast_in_dim3A_1446 = vector.broadcast %broadcast_in_dim3A_1445 : i32 to vector<16xi32>
      %scatter3A_1447 = arith.constant 1 : i32
      %scatter3A_1448 = arith.constant 0 : i32
      %scatter3A_1449 = arith.constant 0 : i32
      %scatter3A_1450 = arith.constant 0 : i32
      %scatter3A_1451 = tpu.memref_slice %arg12[%scatter3A_1447, %scatter3A_1448, %scatter3A_1449, %scatter3A_1450] : memref<2x2x200x56xf32, #tpu.memory_space<vmem>> -> memref<1x2x200x56xf32, #tpu.memory_space<vmem>>
      %scatter3A_1452 = tpu.memref_squeeze %scatter3A_1451 : memref<1x2x200x56xf32, #tpu.memory_space<vmem>> -> memref<2x200x56xf32, #tpu.memory_space<vmem>>
      tpu.vector_store_idx %scatter3A_1452[%select_n3A, %sub3A_1363, %broadcast_in_dim3A_1446], %gather3A_1444 : memref<2x200x56xf32, #tpu.memory_space<vmem>>[vector<16xi32>, vector<16xi32>, vector<16xi32>], vector<16xf32>,
      %mul3A_1453 = arith.constant 5 : i32
      %mul3A_1454 = vector.broadcast %mul3A_1453 : i32 to vector<16xi32>
      %mul3A_1455 = arith.muli %get3A_1374, %mul3A_1454 : vector<16xi32>
      %add3A_1456 = arith.constant 2000 : i32
      %add3A_1457 = vector.broadcast %add3A_1456 : i32 to vector<16xi32>
      %add3A_1458 = arith.addi %add3A_1457, %mul3A_1455 : vector<16xi32>
      %add3A_1459 = arith.constant 2 : i32
      %add3A_1460 = vector.broadcast %add3A_1459 : i32 to vector<16xi32>
      %add3A_1461 = arith.addi %add3A_1458, %add3A_1460 : vector<16xi32>
      %gather3A_1462 = tpu.vector_load_idx %arg11[%add3A_1461] : memref<4000xf32, #tpu.memory_space<vmem>>[vector<16xi32>], vector<16xf32>,
      %broadcast_in_dim3A_1463 = arith.constant 57 : i32
      %broadcast_in_dim3A_1464 = vector.broadcast %broadcast_in_dim3A_1463 : i32 to vector<16xi32>
      %scatter3A_1465 = arith.constant 1 : i32
      %scatter3A_1466 = arith.constant 0 : i32
      %scatter3A_1467 = arith.constant 0 : i32
      %scatter3A_1468 = arith.constant 0 : i32
      %scatter3A_1469 = tpu.memref_slice %arg13[%scatter3A_1465, %scatter3A_1466, %scatter3A_1467, %scatter3A_1468] : memref<2x2x200x60xf32, #tpu.memory_space<vmem>> -> memref<1x2x200x60xf32, #tpu.memory_space<vmem>>
      %scatter3A_1470 = tpu.memref_squeeze %scatter3A_1469 : memref<1x2x200x60xf32, #tpu.memory_space<vmem>> -> memref<2x200x60xf32, #tpu.memory_space<vmem>>
      tpu.vector_store_idx %scatter3A_1470[%select_n3A, %sub3A_1363, %broadcast_in_dim3A_1464], %gather3A_1462 : memref<2x200x60xf32, #tpu.memory_space<vmem>>[vector<16xi32>, vector<16xi32>, vector<16xi32>], vector<16xf32>,
      %mul3A_1471 = arith.constant 5 : i32
      %mul3A_1472 = vector.broadcast %mul3A_1471 : i32 to vector<16xi32>
      %mul3A_1473 = arith.muli %get3A_1368, %mul3A_1472 : vector<16xi32>
      %add3A_1474 = arith.constant 3 : i32
      %add3A_1475 = vector.broadcast %add3A_1474 : i32 to vector<16xi32>
      %add3A_1476 = arith.addi %mul3A_1473, %add3A_1475 : vector<16xi32>
      %gather3A_1477 = tpu.vector_load_idx %arg11[%add3A_1476] : memref<4000xf32, #tpu.memory_space<vmem>>[vector<16xi32>], vector<16xf32>,
      %broadcast_in_dim3A_1478 = arith.constant 53 : i32
      %broadcast_in_dim3A_1479 = vector.broadcast %broadcast_in_dim3A_1478 : i32 to vector<16xi32>
      %scatter3A_1480 = arith.constant 1 : i32
      %scatter3A_1481 = arith.constant 0 : i32
      %scatter3A_1482 = arith.constant 0 : i32
      %scatter3A_1483 = arith.constant 0 : i32
      %scatter3A_1484 = tpu.memref_slice %arg12[%scatter3A_1480, %scatter3A_1481, %scatter3A_1482, %scatter3A_1483] : memref<2x2x200x56xf32, #tpu.memory_space<vmem>> -> memref<1x2x200x56xf32, #tpu.memory_space<vmem>>
      %scatter3A_1485 = tpu.memref_squeeze %scatter3A_1484 : memref<1x2x200x56xf32, #tpu.memory_space<vmem>> -> memref<2x200x56xf32, #tpu.memory_space<vmem>>
      tpu.vector_store_idx %scatter3A_1485[%select_n3A, %sub3A_1363, %broadcast_in_dim3A_1479], %gather3A_1477 : memref<2x200x56xf32, #tpu.memory_space<vmem>>[vector<16xi32>, vector<16xi32>, vector<16xi32>], vector<16xf32>,
      %mul3A_1486 = arith.constant 5 : i32
      %mul3A_1487 = vector.broadcast %mul3A_1486 : i32 to vector<16xi32>
      %mul3A_1488 = arith.muli %get3A_1374, %mul3A_1487 : vector<16xi32>
      %add3A_1489 = arith.constant 2000 : i32
      %add3A_1490 = vector.broadcast %add3A_1489 : i32 to vector<16xi32>
      %add3A_1491 = arith.addi %add3A_1490, %mul3A_1488 : vector<16xi32>
      %add3A_1492 = arith.constant 3 : i32
      %add3A_1493 = vector.broadcast %add3A_1492 : i32 to vector<16xi32>
      %add3A_1494 = arith.addi %add3A_1491, %add3A_1493 : vector<16xi32>
      %gather3A_1495 = tpu.vector_load_idx %arg11[%add3A_1494] : memref<4000xf32, #tpu.memory_space<vmem>>[vector<16xi32>], vector<16xf32>,
      %broadcast_in_dim3A_1496 = arith.constant 58 : i32
      %broadcast_in_dim3A_1497 = vector.broadcast %broadcast_in_dim3A_1496 : i32 to vector<16xi32>
      %scatter3A_1498 = arith.constant 1 : i32
      %scatter3A_1499 = arith.constant 0 : i32
      %scatter3A_1500 = arith.constant 0 : i32
      %scatter3A_1501 = arith.constant 0 : i32
      %scatter3A_1502 = tpu.memref_slice %arg13[%scatter3A_1498, %scatter3A_1499, %scatter3A_1500, %scatter3A_1501] : memref<2x2x200x60xf32, #tpu.memory_space<vmem>> -> memref<1x2x200x60xf32, #tpu.memory_space<vmem>>
      %scatter3A_1503 = tpu.memref_squeeze %scatter3A_1502 : memref<1x2x200x60xf32, #tpu.memory_space<vmem>> -> memref<2x200x60xf32, #tpu.memory_space<vmem>>
      tpu.vector_store_idx %scatter3A_1503[%select_n3A, %sub3A_1363, %broadcast_in_dim3A_1497], %gather3A_1495 : memref<2x200x60xf32, #tpu.memory_space<vmem>>[vector<16xi32>, vector<16xi32>, vector<16xi32>], vector<16xf32>,
      %mul3A_1504 = arith.constant 5 : i32
      %mul3A_1505 = vector.broadcast %mul3A_1504 : i32 to vector<16xi32>
      %mul3A_1506 = arith.muli %get3A_1368, %mul3A_1505 : vector<16xi32>
      %add3A_1507 = arith.constant 4 : i32
      %add3A_1508 = vector.broadcast %add3A_1507 : i32 to vector<16xi32>
      %add3A_1509 = arith.addi %mul3A_1506, %add3A_1508 : vector<16xi32>
      %gather3A_1510 = tpu.vector_load_idx %arg11[%add3A_1509] : memref<4000xf32, #tpu.memory_space<vmem>>[vector<16xi32>], vector<16xf32>,
      %broadcast_in_dim3A_1511 = arith.constant 54 : i32
      %broadcast_in_dim3A_1512 = vector.broadcast %broadcast_in_dim3A_1511 : i32 to vector<16xi32>
      %scatter3A_1513 = arith.constant 1 : i32
      %scatter3A_1514 = arith.constant 0 : i32
      %scatter3A_1515 = arith.constant 0 : i32
      %scatter3A_1516 = arith.constant 0 : i32
      %scatter3A_1517 = tpu.memref_slice %arg12[%scatter3A_1513, %scatter3A_1514, %scatter3A_1515, %scatter3A_1516] : memref<2x2x200x56xf32, #tpu.memory_space<vmem>> -> memref<1x2x200x56xf32, #tpu.memory_space<vmem>>
      %scatter3A_1518 = tpu.memref_squeeze %scatter3A_1517 : memref<1x2x200x56xf32, #tpu.memory_space<vmem>> -> memref<2x200x56xf32, #tpu.memory_space<vmem>>
      tpu.vector_store_idx %scatter3A_1518[%select_n3A, %sub3A_1363, %broadcast_in_dim3A_1512], %gather3A_1510 : memref<2x200x56xf32, #tpu.memory_space<vmem>>[vector<16xi32>, vector<16xi32>, vector<16xi32>], vector<16xf32>,
      %mul3A_1519 = arith.constant 5 : i32
      %mul3A_1520 = vector.broadcast %mul3A_1519 : i32 to vector<16xi32>
      %mul3A_1521 = arith.muli %get3A_1374, %mul3A_1520 : vector<16xi32>
      %add3A_1522 = arith.constant 2000 : i32
      %add3A_1523 = vector.broadcast %add3A_1522 : i32 to vector<16xi32>
      %add3A_1524 = arith.addi %add3A_1523, %mul3A_1521 : vector<16xi32>
      %add3A_1525 = arith.constant 4 : i32
      %add3A_1526 = vector.broadcast %add3A_1525 : i32 to vector<16xi32>
      %add3A_1527 = arith.addi %add3A_1524, %add3A_1526 : vector<16xi32>
      %gather3A_1528 = tpu.vector_load_idx %arg11[%add3A_1527] : memref<4000xf32, #tpu.memory_space<vmem>>[vector<16xi32>], vector<16xf32>,
      %broadcast_in_dim3A_1529 = arith.constant 59 : i32
      %broadcast_in_dim3A_1530 = vector.broadcast %broadcast_in_dim3A_1529 : i32 to vector<16xi32>
      %scatter3A_1531 = arith.constant 1 : i32
      %scatter3A_1532 = arith.constant 0 : i32
      %scatter3A_1533 = arith.constant 0 : i32
      %scatter3A_1534 = arith.constant 0 : i32
      %scatter3A_1535 = tpu.memref_slice %arg13[%scatter3A_1531, %scatter3A_1532, %scatter3A_1533, %scatter3A_1534] : memref<2x2x200x60xf32, #tpu.memory_space<vmem>> -> memref<1x2x200x60xf32, #tpu.memory_space<vmem>>
      %scatter3A_1536 = tpu.memref_squeeze %scatter3A_1535 : memref<1x2x200x60xf32, #tpu.memory_space<vmem>> -> memref<2x200x60xf32, #tpu.memory_space<vmem>>
      tpu.vector_store_idx %scatter3A_1536[%select_n3A, %sub3A_1363, %broadcast_in_dim3A_1530], %gather3A_1528 : memref<2x200x60xf32, #tpu.memory_space<vmem>>[vector<16xi32>, vector<16xi32>, vector<16xi32>], vector<16xf32>,
    }
    %scan3A_706 = arith.constant 25 : i32
    %mul3A_707 = arith.constant 25600 : i32
    %mul3A_708 = arith.muli %add3A, %mul3A_707 : i32
    %add3A_709 = arith.constant 1200 : i32
    %add3A_710 = arith.addi %mul3A_708, %add3A_709 : i32
    %multiple_of3A_711 = tpu.assume_multiple %add3A_710, 400 : i32
    %mul3A_712 = arith.constant 256 : i32
    %mul3A_713 = arith.muli %add3A, %mul3A_712 : i32
    %add3A_714 = arith.constant 12 : i32
    %add3A_715 = arith.addi %mul3A_713, %add3A_714 : i32
    %multiple_of3A_716 = tpu.assume_multiple %add3A_715, 4 : i32
    %mul3A_717 = arith.constant 128 : i32
    %mul3A_718 = arith.muli %add3A, %mul3A_717 : i32
    %add3A_719 = arith.constant 6 : i32
    %add3A_720 = arith.addi %mul3A_718, %add3A_719 : i32
    %multiple_of3A_721 = tpu.assume_multiple %add3A_720, 2 : i32
    %dma_start3A_722 = arith.constant 1 : i32
    %dma_start3A_723 = arith.constant 0 : i32
    %dma_start3A_724 = arith.constant 0 : i32
    %dma_start3A_725 = tpu.memref_slice %arg8[%dma_start3A_722, %dma_start3A_723, %dma_start3A_724] : memref<2x4x100xi32, #tpu.memory_space<vmem>> -> memref<1x4x100xi32, #tpu.memory_space<vmem>>
    %dma_start3A_726 = tpu.memref_squeeze %dma_start3A_725 : memref<1x4x100xi32, #tpu.memory_space<vmem>> -> memref<4x100xi32, #tpu.memory_space<vmem>>
    %dma_start3A_727 = arith.constant 0 : i32
    %dma_start3A_728 = tpu.memref_slice %arg2[%multiple_of3A_716, %dma_start3A_727] : memref<8192x100xi32, #tpu.memory_space<hbm>> -> memref<4x100xi32, #tpu.memory_space<hbm>>
    %dma_start3A_729 = arith.constant 0 : i32
    %dma_start3A_730 = arith.constant 0 : i32
    %dma_start3A_731 = tpu.memref_slice %arg8[%dma_start3A_722, %dma_start3A_729, %dma_start3A_730] : memref<2x4x100xi32, #tpu.memory_space<vmem>> -> memref<1x4x100xi32, #tpu.memory_space<vmem>>
    %dma_start3A_732 = tpu.memref_squeeze %dma_start3A_731 : memref<1x4x100xi32, #tpu.memory_space<vmem>> -> memref<4x100xi32, #tpu.memory_space<vmem>>
    %dma_start3A_733 = arith.constant 0 : i32
    %dma_start3A_734 = tpu.memref_slice %arg2[%multiple_of3A_716, %dma_start3A_733] : memref<8192x100xi32, #tpu.memory_space<hbm>> -> memref<4x100xi32, #tpu.memory_space<hbm>>
    tpu.enqueue_dma source(%dma_start3A_734 : memref<4x100xi32, #tpu.memory_space<hbm>>) target(%dma_start3A_732 : memref<4x100xi32, #tpu.memory_space<vmem>>) target_semaphore(%arg14 : memref<!tpu.dma_semaphore, #tpu.memory_space<semaphore_mem>>)
    %dma_start3A_735 = arith.constant 1 : i32
    %dma_start3A_736 = arith.constant 0 : i32
    %dma_start3A_737 = tpu.memref_slice %arg9[%dma_start3A_735, %dma_start3A_736] : memref<2x400xi32, #tpu.memory_space<vmem>> -> memref<1x400xi32, #tpu.memory_space<vmem>>
    %dma_start3A_738 = tpu.memref_squeeze %dma_start3A_737 : memref<1x400xi32, #tpu.memory_space<vmem>> -> memref<400xi32, #tpu.memory_space<vmem>>
    %dma_start3A_739 = tpu.memref_slice %arg3[%multiple_of3A_711] : memref<819200xi32, #tpu.memory_space<hbm>> -> memref<400xi32, #tpu.memory_space<hbm>>
    %dma_start3A_740 = arith.constant 0 : i32
    %dma_start3A_741 = tpu.memref_slice %arg9[%dma_start3A_735, %dma_start3A_740] : memref<2x400xi32, #tpu.memory_space<vmem>> -> memref<1x400xi32, #tpu.memory_space<vmem>>
    %dma_start3A_742 = tpu.memref_squeeze %dma_start3A_741 : memref<1x400xi32, #tpu.memory_space<vmem>> -> memref<400xi32, #tpu.memory_space<vmem>>
    %dma_start3A_743 = tpu.memref_slice %arg3[%multiple_of3A_711] : memref<819200xi32, #tpu.memory_space<hbm>> -> memref<400xi32, #tpu.memory_space<hbm>>
    tpu.enqueue_dma source(%dma_start3A_743 : memref<400xi32, #tpu.memory_space<hbm>>) target(%dma_start3A_742 : memref<400xi32, #tpu.memory_space<vmem>>) target_semaphore(%arg14 : memref<!tpu.dma_semaphore, #tpu.memory_space<semaphore_mem>>)
    %dma_start3A_744 = arith.constant 1 : i32
    %dma_start3A_745 = arith.constant 0 : i32
    %dma_start3A_746 = tpu.memref_slice %arg10[%dma_start3A_744, %dma_start3A_745] : memref<2x400xi32, #tpu.memory_space<vmem>> -> memref<1x400xi32, #tpu.memory_space<vmem>>
    %dma_start3A_747 = tpu.memref_squeeze %dma_start3A_746 : memref<1x400xi32, #tpu.memory_space<vmem>> -> memref<400xi32, #tpu.memory_space<vmem>>
    %dma_start3A_748 = tpu.memref_slice %arg4[%multiple_of3A_711] : memref<819200xi32, #tpu.memory_space<hbm>> -> memref<400xi32, #tpu.memory_space<hbm>>
    %dma_start3A_749 = arith.constant 0 : i32
    %dma_start3A_750 = tpu.memref_slice %arg10[%dma_start3A_744, %dma_start3A_749] : memref<2x400xi32, #tpu.memory_space<vmem>> -> memref<1x400xi32, #tpu.memory_space<vmem>>
    %dma_start3A_751 = tpu.memref_squeeze %dma_start3A_750 : memref<1x400xi32, #tpu.memory_space<vmem>> -> memref<400xi32, #tpu.memory_space<vmem>>
    %dma_start3A_752 = tpu.memref_slice %arg4[%multiple_of3A_711] : memref<819200xi32, #tpu.memory_space<hbm>> -> memref<400xi32, #tpu.memory_space<hbm>>
    tpu.enqueue_dma source(%dma_start3A_752 : memref<400xi32, #tpu.memory_space<hbm>>) target(%dma_start3A_751 : memref<400xi32, #tpu.memory_space<vmem>>) target_semaphore(%arg14 : memref<!tpu.dma_semaphore, #tpu.memory_space<semaphore_mem>>)
    %mul3A_753 = arith.constant 25600 : i32
    %mul3A_754 = arith.muli %add3A, %mul3A_753 : i32
    %add3A_755 = arith.constant 400 : i32
    %add3A_756 = arith.addi %mul3A_754, %add3A_755 : i32
    %multiple_of3A_757 = tpu.assume_multiple %add3A_756, 400 : i32
    %mul3A_758 = arith.constant 256 : i32
    %mul3A_759 = arith.muli %add3A, %mul3A_758 : i32
    %add3A_760 = arith.constant 4 : i32
    %add3A_761 = arith.addi %mul3A_759, %add3A_760 : i32
    %multiple_of3A_762 = tpu.assume_multiple %add3A_761, 4 : i32
    %mul3A_763 = arith.constant 128 : i32
    %mul3A_764 = arith.muli %add3A, %mul3A_763 : i32
    %add3A_765 = arith.constant 2 : i32
    %add3A_766 = arith.addi %mul3A_764, %add3A_765 : i32
    %multiple_of3A_767 = tpu.assume_multiple %add3A_766, 2 : i32
    %dma_start3A_768 = arith.constant 1 : i32
    %dma_start3A_769 = arith.constant 0 : i32
    %dma_start3A_770 = arith.constant 0 : i32
    %dma_start3A_771 = arith.constant 0 : i32
    %dma_start3A_772 = tpu.memref_slice %arg13[%dma_start3A_768, %dma_start3A_769, %dma_start3A_770, %dma_start3A_771] : memref<2x2x200x60xf32, #tpu.memory_space<vmem>> -> memref<1x2x200x60xf32, #tpu.memory_space<vmem>>
    %dma_start3A_773 = tpu.memref_squeeze %dma_start3A_772 : memref<1x2x200x60xf32, #tpu.memory_space<vmem>> -> memref<2x200x60xf32, #tpu.memory_space<vmem>>
    %dma_start3A_774 = arith.constant 0 : i32
    %dma_start3A_775 = arith.constant 0 : i32
    %dma_start3A_776 = tpu.memref_slice %arg7[%multiple_of3A_767, %dma_start3A_774, %dma_start3A_775] : memref<4096x200x60xf32, #tpu.memory_space<hbm>> -> memref<2x200x60xf32, #tpu.memory_space<hbm>>
    %dma_start3A_777 = arith.constant 0 : i32
    %dma_start3A_778 = arith.constant 0 : i32
    %dma_start3A_779 = tpu.memref_slice %arg7[%multiple_of3A_767, %dma_start3A_777, %dma_start3A_778] : memref<4096x200x60xf32, #tpu.memory_space<hbm>> -> memref<2x200x60xf32, #tpu.memory_space<hbm>>
    %dma_start3A_780 = arith.constant 0 : i32
    %dma_start3A_781 = arith.constant 0 : i32
    %dma_start3A_782 = arith.constant 0 : i32
    %dma_start3A_783 = tpu.memref_slice %arg13[%dma_start3A_768, %dma_start3A_780, %dma_start3A_781, %dma_start3A_782] : memref<2x2x200x60xf32, #tpu.memory_space<vmem>> -> memref<1x2x200x60xf32, #tpu.memory_space<vmem>>
    %dma_start3A_784 = tpu.memref_squeeze %dma_start3A_783 : memref<1x2x200x60xf32, #tpu.memory_space<vmem>> -> memref<2x200x60xf32, #tpu.memory_space<vmem>>
    tpu.enqueue_dma source(%dma_start3A_784 : memref<2x200x60xf32, #tpu.memory_space<vmem>>) target(%dma_start3A_779 : memref<2x200x60xf32, #tpu.memory_space<hbm>>) target_semaphore(%arg16 : memref<!tpu.dma_semaphore, #tpu.memory_space<semaphore_mem>>)
    %dma_start3A_785 = arith.constant 1 : i32
    %dma_start3A_786 = arith.constant 0 : i32
    %dma_start3A_787 = arith.constant 0 : i32
    %dma_start3A_788 = arith.constant 0 : i32
    %dma_start3A_789 = tpu.memref_slice %arg12[%dma_start3A_785, %dma_start3A_786, %dma_start3A_787, %dma_start3A_788] : memref<2x2x200x56xf32, #tpu.memory_space<vmem>> -> memref<1x2x200x56xf32, #tpu.memory_space<vmem>>
    %dma_start3A_790 = tpu.memref_squeeze %dma_start3A_789 : memref<1x2x200x56xf32, #tpu.memory_space<vmem>> -> memref<2x200x56xf32, #tpu.memory_space<vmem>>
    %dma_start3A_791 = arith.constant 0 : i32
    %dma_start3A_792 = arith.constant 0 : i32
    %dma_start3A_793 = tpu.memref_slice %arg7[%multiple_of3A_767, %dma_start3A_791, %dma_start3A_792] : memref<4096x200x60xf32, #tpu.memory_space<hbm>> -> memref<2x200x56xf32, #tpu.memory_space<hbm>>
    %dma_start3A_794 = arith.constant 0 : i32
    %dma_start3A_795 = arith.constant 0 : i32
    %dma_start3A_796 = tpu.memref_slice %arg7[%multiple_of3A_767, %dma_start3A_794, %dma_start3A_795] : memref<4096x200x60xf32, #tpu.memory_space<hbm>> -> memref<2x200x56xf32, #tpu.memory_space<hbm>>
    %dma_start3A_797 = arith.constant 0 : i32
    %dma_start3A_798 = arith.constant 0 : i32
    %dma_start3A_799 = arith.constant 0 : i32
    %dma_start3A_800 = tpu.memref_slice %arg12[%dma_start3A_785, %dma_start3A_797, %dma_start3A_798, %dma_start3A_799] : memref<2x2x200x56xf32, #tpu.memory_space<vmem>> -> memref<1x2x200x56xf32, #tpu.memory_space<vmem>>
    %dma_start3A_801 = tpu.memref_squeeze %dma_start3A_800 : memref<1x2x200x56xf32, #tpu.memory_space<vmem>> -> memref<2x200x56xf32, #tpu.memory_space<vmem>>
    tpu.enqueue_dma source(%dma_start3A_801 : memref<2x200x56xf32, #tpu.memory_space<vmem>>) target(%dma_start3A_796 : memref<2x200x56xf32, #tpu.memory_space<hbm>>) target_semaphore(%arg16 : memref<!tpu.dma_semaphore, #tpu.memory_space<semaphore_mem>>)
    %scan3A_802 = arith.constant 0 : i32
    %scan3A_803 = arith.constant 1 : i32
    %scan3A_804 = arith.constant 30 : i32
    %scan3A_805 = arith.addi %scan3A_803, %scan3A_804 : i32
    %scan3A_806 = arith.constant 1 : i32
    scf.for %scan3A_1329 = %scan3A_803 to %scan3A_805 step %scan3A_806  : i32 {
      %mul3A_1330 = arith.constant 2 : i32
      %mul3A_1331 = arith.muli %mul3A_1330, %scan3A_1329 : i32
      %dma_wait3A_1332 = arith.constant 0 : i32
      %dma_wait3A_1333 = arith.constant 0 : i32
      %dma_wait3A_1334 = arith.constant 0 : i32
      %dma_wait3A_1335 = arith.constant 0 : i32
      %dma_wait3A_1336 = tpu.memref_slice %arg12[%dma_wait3A_1332, %dma_wait3A_1333, %dma_wait3A_1334, %dma_wait3A_1335] : memref<2x2x200x56xf32, #tpu.memory_space<vmem>> -> memref<1x1x200x56xf32, #tpu.memory_space<vmem>>
      %dma_wait3A_1337 = tpu.memref_squeeze %dma_wait3A_1336 : memref<1x1x200x56xf32, #tpu.memory_space<vmem>> -> memref<200x56xf32, #tpu.memory_space<vmem>>
      %dma_wait3A_1338 = arith.constant 0 : i32
      %dma_wait3A_1339 = arith.constant 0 : i32
      %dma_wait3A_1340 = tpu.memref_slice %dma_wait3A_1337[%dma_wait3A_1338, %dma_wait3A_1339] : memref<200x56xf32, #tpu.memory_space<vmem>> -> memref<100x56xf32, #tpu.memory_space<vmem>>
      %dma_wait3A_1341 = arith.constant 0 : i32
      %dma_wait3A_1342 = arith.constant 0 : i32
      %dma_wait3A_1343 = tpu.memref_slice %arg5[%dma_wait3A_1341, %dma_wait3A_1342] : memref<100002x56xf32, #tpu.memory_space<hbm>> -> memref<100x56xf32, #tpu.memory_space<hbm>>
      %dma_wait3A_1344 = arith.constant 0 : i32
      %dma_wait3A_1345 = arith.constant 0 : i32
      %dma_wait3A_1346 = tpu.memref_slice %arg12[%dma_wait3A_1332, %dma_wait3A_1333, %dma_wait3A_1344, %dma_wait3A_1345] : memref<2x2x200x56xf32, #tpu.memory_space<vmem>> -> memref<1x1x200x56xf32, #tpu.memory_space<vmem>>
      %dma_wait3A_1347 = tpu.memref_squeeze %dma_wait3A_1346 : memref<1x1x200x56xf32, #tpu.memory_space<vmem>> -> memref<200x56xf32, #tpu.memory_space<vmem>>
      %dma_wait3A_1348 = arith.constant 0 : i32
      %dma_wait3A_1349 = arith.constant 0 : i32
      %dma_wait3A_1350 = tpu.memref_slice %dma_wait3A_1347[%dma_wait3A_1348, %dma_wait3A_1349] : memref<200x56xf32, #tpu.memory_space<vmem>> -> memref<100x56xf32, #tpu.memory_space<vmem>>
      %dma_wait3A_1351 = arith.constant 0 : i32
      %dma_wait3A_1352 = arith.constant 0 : i32
      %dma_wait3A_1353 = tpu.memref_slice %arg5[%dma_wait3A_1351, %dma_wait3A_1352] : memref<100002x56xf32, #tpu.memory_space<hbm>> -> memref<100x56xf32, #tpu.memory_space<hbm>>
      tpu.wait_dma2 semaphore(%arg15 : memref<!tpu.dma_semaphore, #tpu.memory_space<semaphore_mem>>) src(%dma_wait3A_1353 : memref<100x56xf32, #tpu.memory_space<hbm>>) dst(%dma_wait3A_1350 : memref<100x56xf32, #tpu.memory_space<vmem>>)
      %dma_wait3A_1354 = arith.constant 0 : i32
      %dma_wait3A_1355 = arith.constant 0 : i32
      %dma_wait3A_1356 = arith.constant 0 : i32
      %dma_wait3A_1357 = arith.constant 0 : i32
      %dma_wait3A_1358 = tpu.memref_slice %arg12[%dma_wait3A_1354, %dma_wait3A_1355, %dma_wait3A_1356, %dma_wait3A_1357] : memref<2x2x200x56xf32, #tpu.memory_space<vmem>> -> memref<1x1x200x56xf32, #tpu.memory_space<vmem>>
      %dma_wait3A_1359 = tpu.memref_squeeze %dma_wait3A_1358 : memref<1x1x200x56xf32, #tpu.memory_space<vmem>> -> memref<200x56xf32, #tpu.memory_space<vmem>>
      %dma_wait3A_1360 = arith.constant 100 : i32
      %dma_wait3A_1361 = arith.constant 0 : i32
      %dma_wait3A_1362 = tpu.memref_slice %dma_wait3A_1359[%dma_wait3A_1360, %dma_wait3A_1361] : memref<200x56xf32, #tpu.memory_space<vmem>> -> memref<100x56xf32, #tpu.memory_space<vmem>>
      %dma_wait3A_1363 = arith.constant 0 : i32
      %dma_wait3A_1364 = arith.constant 0 : i32
      %dma_wait3A_1365 = tpu.memref_slice %arg5[%dma_wait3A_1363, %dma_wait3A_1364] : memref<100002x56xf32, #tpu.memory_space<hbm>> -> memref<100x56xf32, #tpu.memory_space<hbm>>
      %dma_wait3A_1366 = arith.constant 0 : i32
      %dma_wait3A_1367 = arith.constant 0 : i32
      %dma_wait3A_1368 = tpu.memref_slice %arg12[%dma_wait3A_1354, %dma_wait3A_1355, %dma_wait3A_1366, %dma_wait3A_1367] : memref<2x2x200x56xf32, #tpu.memory_space<vmem>> -> memref<1x1x200x56xf32, #tpu.memory_space<vmem>>
      %dma_wait3A_1369 = tpu.memref_squeeze %dma_wait3A_1368 : memref<1x1x200x56xf32, #tpu.memory_space<vmem>> -> memref<200x56xf32, #tpu.memory_space<vmem>>
      %dma_wait3A_1370 = arith.constant 100 : i32
      %dma_wait3A_1371 = arith.constant 0 : i32
      %dma_wait3A_1372 = tpu.memref_slice %dma_wait3A_1369[%dma_wait3A_1370, %dma_wait3A_1371] : memref<200x56xf32, #tpu.memory_space<vmem>> -> memref<100x56xf32, #tpu.memory_space<vmem>>
      %dma_wait3A_1373 = arith.constant 0 : i32
      %dma_wait3A_1374 = arith.constant 0 : i32
      %dma_wait3A_1375 = tpu.memref_slice %arg5[%dma_wait3A_1373, %dma_wait3A_1374] : memref<100002x56xf32, #tpu.memory_space<hbm>> -> memref<100x56xf32, #tpu.memory_space<hbm>>
      tpu.wait_dma2 semaphore(%arg15 : memref<!tpu.dma_semaphore, #tpu.memory_space<semaphore_mem>>) src(%dma_wait3A_1375 : memref<100x56xf32, #tpu.memory_space<hbm>>) dst(%dma_wait3A_1372 : memref<100x56xf32, #tpu.memory_space<vmem>>)
      %dma_wait3A_1376 = arith.constant 0 : i32
      %dma_wait3A_1377 = arith.constant 1 : i32
      %dma_wait3A_1378 = arith.constant 0 : i32
      %dma_wait3A_1379 = arith.constant 0 : i32
      %dma_wait3A_1380 = tpu.memref_slice %arg12[%dma_wait3A_1376, %dma_wait3A_1377, %dma_wait3A_1378, %dma_wait3A_1379] : memref<2x2x200x56xf32, #tpu.memory_space<vmem>> -> memref<1x1x200x56xf32, #tpu.memory_space<vmem>>
      %dma_wait3A_1381 = tpu.memref_squeeze %dma_wait3A_1380 : memref<1x1x200x56xf32, #tpu.memory_space<vmem>> -> memref<200x56xf32, #tpu.memory_space<vmem>>
      %dma_wait3A_1382 = arith.constant 0 : i32
      %dma_wait3A_1383 = arith.constant 0 : i32
      %dma_wait3A_1384 = tpu.memref_slice %dma_wait3A_1381[%dma_wait3A_1382, %dma_wait3A_1383] : memref<200x56xf32, #tpu.memory_space<vmem>> -> memref<100x56xf32, #tpu.memory_space<vmem>>
      %dma_wait3A_1385 = arith.constant 0 : i32
      %dma_wait3A_1386 = arith.constant 0 : i32
      %dma_wait3A_1387 = tpu.memref_slice %arg5[%dma_wait3A_1385, %dma_wait3A_1386] : memref<100002x56xf32, #tpu.memory_space<hbm>> -> memref<100x56xf32, #tpu.memory_space<hbm>>
      %dma_wait3A_1388 = arith.constant 0 : i32
      %dma_wait3A_1389 = arith.constant 0 : i32
      %dma_wait3A_1390 = tpu.memref_slice %arg12[%dma_wait3A_1376, %dma_wait3A_1377, %dma_wait3A_1388, %dma_wait3A_1389] : memref<2x2x200x56xf32, #tpu.memory_space<vmem>> -> memref<1x1x200x56xf32, #tpu.memory_space<vmem>>
      %dma_wait3A_1391 = tpu.memref_squeeze %dma_wait3A_1390 : memref<1x1x200x56xf32, #tpu.memory_space<vmem>> -> memref<200x56xf32, #tpu.memory_space<vmem>>
      %dma_wait3A_1392 = arith.constant 0 : i32
      %dma_wait3A_1393 = arith.constant 0 : i32
      %dma_wait3A_1394 = tpu.memref_slice %dma_wait3A_1391[%dma_wait3A_1392, %dma_wait3A_1393] : memref<200x56xf32, #tpu.memory_space<vmem>> -> memref<100x56xf32, #tpu.memory_space<vmem>>
      %dma_wait3A_1395 = arith.constant 0 : i32
      %dma_wait3A_1396 = arith.constant 0 : i32
      %dma_wait3A_1397 = tpu.memref_slice %arg5[%dma_wait3A_1395, %dma_wait3A_1396] : memref<100002x56xf32, #tpu.memory_space<hbm>> -> memref<100x56xf32, #tpu.memory_space<hbm>>
      tpu.wait_dma2 semaphore(%arg15 : memref<!tpu.dma_semaphore, #tpu.memory_space<semaphore_mem>>) src(%dma_wait3A_1397 : memref<100x56xf32, #tpu.memory_space<hbm>>) dst(%dma_wait3A_1394 : memref<100x56xf32, #tpu.memory_space<vmem>>)
      %dma_wait3A_1398 = arith.constant 0 : i32
      %dma_wait3A_1399 = arith.constant 1 : i32
      %dma_wait3A_1400 = arith.constant 0 : i32
      %dma_wait3A_1401 = arith.constant 0 : i32
      %dma_wait3A_1402 = tpu.memref_slice %arg12[%dma_wait3A_1398, %dma_wait3A_1399, %dma_wait3A_1400, %dma_wait3A_1401] : memref<2x2x200x56xf32, #tpu.memory_space<vmem>> -> memref<1x1x200x56xf32, #tpu.memory_space<vmem>>
      %dma_wait3A_1403 = tpu.memref_squeeze %dma_wait3A_1402 : memref<1x1x200x56xf32, #tpu.memory_space<vmem>> -> memref<200x56xf32, #tpu.memory_space<vmem>>
      %dma_wait3A_1404 = arith.constant 100 : i32
      %dma_wait3A_1405 = arith.constant 0 : i32
      %dma_wait3A_1406 = tpu.memref_slice %dma_wait3A_1403[%dma_wait3A_1404, %dma_wait3A_1405] : memref<200x56xf32, #tpu.memory_space<vmem>> -> memref<100x56xf32, #tpu.memory_space<vmem>>
      %dma_wait3A_1407 = arith.constant 0 : i32
      %dma_wait3A_1408 = arith.constant 0 : i32
      %dma_wait3A_1409 = tpu.memref_slice %arg5[%dma_wait3A_1407, %dma_wait3A_1408] : memref<100002x56xf32, #tpu.memory_space<hbm>> -> memref<100x56xf32, #tpu.memory_space<hbm>>
      %dma_wait3A_1410 = arith.constant 0 : i32
      %dma_wait3A_1411 = arith.constant 0 : i32
      %dma_wait3A_1412 = tpu.memref_slice %arg12[%dma_wait3A_1398, %dma_wait3A_1399, %dma_wait3A_1410, %dma_wait3A_1411] : memref<2x2x200x56xf32, #tpu.memory_space<vmem>> -> memref<1x1x200x56xf32, #tpu.memory_space<vmem>>
      %dma_wait3A_1413 = tpu.memref_squeeze %dma_wait3A_1412 : memref<1x1x200x56xf32, #tpu.memory_space<vmem>> -> memref<200x56xf32, #tpu.memory_space<vmem>>
      %dma_wait3A_1414 = arith.constant 100 : i32
      %dma_wait3A_1415 = arith.constant 0 : i32
      %dma_wait3A_1416 = tpu.memref_slice %dma_wait3A_1413[%dma_wait3A_1414, %dma_wait3A_1415] : memref<200x56xf32, #tpu.memory_space<vmem>> -> memref<100x56xf32, #tpu.memory_space<vmem>>
      %dma_wait3A_1417 = arith.constant 0 : i32
      %dma_wait3A_1418 = arith.constant 0 : i32
      %dma_wait3A_1419 = tpu.memref_slice %arg5[%dma_wait3A_1417, %dma_wait3A_1418] : memref<100002x56xf32, #tpu.memory_space<hbm>> -> memref<100x56xf32, #tpu.memory_space<hbm>>
      tpu.wait_dma2 semaphore(%arg15 : memref<!tpu.dma_semaphore, #tpu.memory_space<semaphore_mem>>) src(%dma_wait3A_1419 : memref<100x56xf32, #tpu.memory_space<hbm>>) dst(%dma_wait3A_1416 : memref<100x56xf32, #tpu.memory_space<vmem>>)
      %dma_wait3A_1420 = arith.constant 1 : i32
      %dma_wait3A_1421 = arith.constant 0 : i32
      %dma_wait3A_1422 = arith.constant 0 : i32
      %dma_wait3A_1423 = tpu.memref_slice %arg8[%dma_wait3A_1420, %dma_wait3A_1421, %dma_wait3A_1422] : memref<2x4x100xi32, #tpu.memory_space<vmem>> -> memref<1x4x100xi32, #tpu.memory_space<vmem>>
      %dma_wait3A_1424 = tpu.memref_squeeze %dma_wait3A_1423 : memref<1x4x100xi32, #tpu.memory_space<vmem>> -> memref<4x100xi32, #tpu.memory_space<vmem>>
      %dma_wait3A_1425 = arith.constant 0 : i32
      %dma_wait3A_1426 = arith.constant 0 : i32
      %dma_wait3A_1427 = tpu.memref_slice %arg2[%dma_wait3A_1425, %dma_wait3A_1426] : memref<8192x100xi32, #tpu.memory_space<hbm>> -> memref<4x100xi32, #tpu.memory_space<hbm>>
      %dma_wait3A_1428 = arith.constant 0 : i32
      %dma_wait3A_1429 = arith.constant 0 : i32
      %dma_wait3A_1430 = tpu.memref_slice %arg8[%dma_wait3A_1420, %dma_wait3A_1428, %dma_wait3A_1429] : memref<2x4x100xi32, #tpu.memory_space<vmem>> -> memref<1x4x100xi32, #tpu.memory_space<vmem>>
      %dma_wait3A_1431 = tpu.memref_squeeze %dma_wait3A_1430 : memref<1x4x100xi32, #tpu.memory_space<vmem>> -> memref<4x100xi32, #tpu.memory_space<vmem>>
      %dma_wait3A_1432 = arith.constant 0 : i32
      %dma_wait3A_1433 = arith.constant 0 : i32
      %dma_wait3A_1434 = tpu.memref_slice %arg2[%dma_wait3A_1432, %dma_wait3A_1433] : memref<8192x100xi32, #tpu.memory_space<hbm>> -> memref<4x100xi32, #tpu.memory_space<hbm>>
      tpu.wait_dma2 semaphore(%arg14 : memref<!tpu.dma_semaphore, #tpu.memory_space<semaphore_mem>>) src(%dma_wait3A_1434 : memref<4x100xi32, #tpu.memory_space<hbm>>) dst(%dma_wait3A_1431 : memref<4x100xi32, #tpu.memory_space<vmem>>)
      %dma_wait3A_1435 = arith.constant 1 : i32
      %dma_wait3A_1436 = arith.constant 0 : i32
      %dma_wait3A_1437 = tpu.memref_slice %arg9[%dma_wait3A_1435, %dma_wait3A_1436] : memref<2x400xi32, #tpu.memory_space<vmem>> -> memref<1x400xi32, #tpu.memory_space<vmem>>
      %dma_wait3A_1438 = tpu.memref_squeeze %dma_wait3A_1437 : memref<1x400xi32, #tpu.memory_space<vmem>> -> memref<400xi32, #tpu.memory_space<vmem>>
      %dma_wait3A_1439 = arith.constant 0 : i32
      %dma_wait3A_1440 = tpu.memref_slice %arg3[%dma_wait3A_1439] : memref<819200xi32, #tpu.memory_space<hbm>> -> memref<400xi32, #tpu.memory_space<hbm>>
      %dma_wait3A_1441 = arith.constant 0 : i32
      %dma_wait3A_1442 = tpu.memref_slice %arg9[%dma_wait3A_1435, %dma_wait3A_1441] : memref<2x400xi32, #tpu.memory_space<vmem>> -> memref<1x400xi32, #tpu.memory_space<vmem>>
      %dma_wait3A_1443 = tpu.memref_squeeze %dma_wait3A_1442 : memref<1x400xi32, #tpu.memory_space<vmem>> -> memref<400xi32, #tpu.memory_space<vmem>>
      %dma_wait3A_1444 = arith.constant 0 : i32
      %dma_wait3A_1445 = tpu.memref_slice %arg3[%dma_wait3A_1444] : memref<819200xi32, #tpu.memory_space<hbm>> -> memref<400xi32, #tpu.memory_space<hbm>>
      tpu.wait_dma2 semaphore(%arg14 : memref<!tpu.dma_semaphore, #tpu.memory_space<semaphore_mem>>) src(%dma_wait3A_1445 : memref<400xi32, #tpu.memory_space<hbm>>) dst(%dma_wait3A_1443 : memref<400xi32, #tpu.memory_space<vmem>>)
      %dma_wait3A_1446 = arith.constant 1 : i32
      %dma_wait3A_1447 = arith.constant 0 : i32
      %dma_wait3A_1448 = tpu.memref_slice %arg10[%dma_wait3A_1446, %dma_wait3A_1447] : memref<2x400xi32, #tpu.memory_space<vmem>> -> memref<1x400xi32, #tpu.memory_space<vmem>>
      %dma_wait3A_1449 = tpu.memref_squeeze %dma_wait3A_1448 : memref<1x400xi32, #tpu.memory_space<vmem>> -> memref<400xi32, #tpu.memory_space<vmem>>
      %dma_wait3A_1450 = arith.constant 0 : i32
      %dma_wait3A_1451 = tpu.memref_slice %arg4[%dma_wait3A_1450] : memref<819200xi32, #tpu.memory_space<hbm>> -> memref<400xi32, #tpu.memory_space<hbm>>
      %dma_wait3A_1452 = arith.constant 0 : i32
      %dma_wait3A_1453 = tpu.memref_slice %arg10[%dma_wait3A_1446, %dma_wait3A_1452] : memref<2x400xi32, #tpu.memory_space<vmem>> -> memref<1x400xi32, #tpu.memory_space<vmem>>
      %dma_wait3A_1454 = tpu.memref_squeeze %dma_wait3A_1453 : memref<1x400xi32, #tpu.memory_space<vmem>> -> memref<400xi32, #tpu.memory_space<vmem>>
      %dma_wait3A_1455 = arith.constant 0 : i32
      %dma_wait3A_1456 = tpu.memref_slice %arg4[%dma_wait3A_1455] : memref<819200xi32, #tpu.memory_space<hbm>> -> memref<400xi32, #tpu.memory_space<hbm>>
      tpu.wait_dma2 semaphore(%arg14 : memref<!tpu.dma_semaphore, #tpu.memory_space<semaphore_mem>>) src(%dma_wait3A_1456 : memref<400xi32, #tpu.memory_space<hbm>>) dst(%dma_wait3A_1454 : memref<400xi32, #tpu.memory_space<vmem>>)
      %dma_wait3A_1457 = arith.constant 0 : i32
      %dma_wait3A_1458 = arith.constant 0 : i32
      %dma_wait3A_1459 = arith.constant 0 : i32
      %dma_wait3A_1460 = arith.constant 0 : i32
      %dma_wait3A_1461 = tpu.memref_slice %arg13[%dma_wait3A_1457, %dma_wait3A_1458, %dma_wait3A_1459, %dma_wait3A_1460] : memref<2x2x200x60xf32, #tpu.memory_space<vmem>> -> memref<1x2x200x60xf32, #tpu.memory_space<vmem>>
      %dma_wait3A_1462 = tpu.memref_squeeze %dma_wait3A_1461 : memref<1x2x200x60xf32, #tpu.memory_space<vmem>> -> memref<2x200x60xf32, #tpu.memory_space<vmem>>
      %dma_wait3A_1463 = arith.constant 0 : i32
      %dma_wait3A_1464 = arith.constant 0 : i32
      %dma_wait3A_1465 = arith.constant 0 : i32
      %dma_wait3A_1466 = tpu.memref_slice %arg7[%dma_wait3A_1463, %dma_wait3A_1464, %dma_wait3A_1465] : memref<4096x200x60xf32, #tpu.memory_space<hbm>> -> memref<2x200x60xf32, #tpu.memory_space<hbm>>
      %dma_wait3A_1467 = arith.constant 0 : i32
      %dma_wait3A_1468 = arith.constant 0 : i32
      %dma_wait3A_1469 = arith.constant 0 : i32
      %dma_wait3A_1470 = tpu.memref_slice %arg7[%dma_wait3A_1467, %dma_wait3A_1468, %dma_wait3A_1469] : memref<4096x200x60xf32, #tpu.memory_space<hbm>> -> memref<2x200x60xf32, #tpu.memory_space<hbm>>
      %dma_wait3A_1471 = arith.constant 0 : i32
      %dma_wait3A_1472 = arith.constant 0 : i32
      %dma_wait3A_1473 = arith.constant 0 : i32
      %dma_wait3A_1474 = tpu.memref_slice %arg13[%dma_wait3A_1457, %dma_wait3A_1471, %dma_wait3A_1472, %dma_wait3A_1473] : memref<2x2x200x60xf32, #tpu.memory_space<vmem>> -> memref<1x2x200x60xf32, #tpu.memory_space<vmem>>
      %dma_wait3A_1475 = tpu.memref_squeeze %dma_wait3A_1474 : memref<1x2x200x60xf32, #tpu.memory_space<vmem>> -> memref<2x200x60xf32, #tpu.memory_space<vmem>>
      tpu.wait_dma2 semaphore(%arg16 : memref<!tpu.dma_semaphore, #tpu.memory_space<semaphore_mem>>) src(%dma_wait3A_1475 : memref<2x200x60xf32, #tpu.memory_space<vmem>>) dst(%dma_wait3A_1470 : memref<2x200x60xf32, #tpu.memory_space<hbm>>)
      %dma_wait3A_1476 = arith.constant 0 : i32
      %dma_wait3A_1477 = arith.constant 0 : i32
      %dma_wait3A_1478 = arith.constant 0 : i32
      %dma_wait3A_1479 = arith.constant 0 : i32
      %dma_wait3A_1480 = tpu.memref_slice %arg12[%dma_wait3A_1476, %dma_wait3A_1477, %dma_wait3A_1478, %dma_wait3A_1479] : memref<2x2x200x56xf32, #tpu.memory_space<vmem>> -> memref<1x2x200x56xf32, #tpu.memory_space<vmem>>
      %dma_wait3A_1481 = tpu.memref_squeeze %dma_wait3A_1480 : memref<1x2x200x56xf32, #tpu.memory_space<vmem>> -> memref<2x200x56xf32, #tpu.memory_space<vmem>>
      %dma_wait3A_1482 = arith.constant 0 : i32
      %dma_wait3A_1483 = arith.constant 0 : i32
      %dma_wait3A_1484 = arith.constant 0 : i32
      %dma_wait3A_1485 = tpu.memref_slice %arg7[%dma_wait3A_1482, %dma_wait3A_1483, %dma_wait3A_1484] : memref<4096x200x60xf32, #tpu.memory_space<hbm>> -> memref<2x200x56xf32, #tpu.memory_space<hbm>>
      %dma_wait3A_1486 = arith.constant 0 : i32
      %dma_wait3A_1487 = arith.constant 0 : i32
      %dma_wait3A_1488 = arith.constant 0 : i32
      %dma_wait3A_1489 = tpu.memref_slice %arg7[%dma_wait3A_1486, %dma_wait3A_1487, %dma_wait3A_1488] : memref<4096x200x60xf32, #tpu.memory_space<hbm>> -> memref<2x200x56xf32, #tpu.memory_space<hbm>>
      %dma_wait3A_1490 = arith.constant 0 : i32
      %dma_wait3A_1491 = arith.constant 0 : i32
      %dma_wait3A_1492 = arith.constant 0 : i32
      %dma_wait3A_1493 = tpu.memref_slice %arg12[%dma_wait3A_1476, %dma_wait3A_1490, %dma_wait3A_1491, %dma_wait3A_1492] : memref<2x2x200x56xf32, #tpu.memory_space<vmem>> -> memref<1x2x200x56xf32, #tpu.memory_space<vmem>>
      %dma_wait3A_1494 = tpu.memref_squeeze %dma_wait3A_1493 : memref<1x2x200x56xf32, #tpu.memory_space<vmem>> -> memref<2x200x56xf32, #tpu.memory_space<vmem>>
      tpu.wait_dma2 semaphore(%arg16 : memref<!tpu.dma_semaphore, #tpu.memory_space<semaphore_mem>>) src(%dma_wait3A_1494 : memref<2x200x56xf32, #tpu.memory_space<vmem>>) dst(%dma_wait3A_1489 : memref<2x200x56xf32, #tpu.memory_space<hbm>>)
      %dma_start3A_1495 = arith.constant 1 : i32
      %dma_start3A_1496 = arith.constant 0 : i32
      %dma_start3A_1497 = arith.constant 1 : i32
      %dma_start3A_1498 = arith.constant 0 : i32
      %dma_start3A_1499 = arith.constant 0 : i32
      %dma_start3A_1500 = arith.constant 0 : i32
      %dma_start3A_1501 = tpu.memref_slice %arg12[%dma_start3A_1497, %dma_start3A_1498, %dma_start3A_1499, %dma_start3A_1500] : memref<2x2x200x56xf32, #tpu.memory_space<vmem>> -> memref<1x1x200x56xf32, #tpu.memory_space<vmem>>
      %dma_start3A_1502 = tpu.memref_squeeze %dma_start3A_1501 : memref<1x1x200x56xf32, #tpu.memory_space<vmem>> -> memref<200x56xf32, #tpu.memory_space<vmem>>
      %dma_start3A_1503 = arith.constant 0 : i32
      %dma_start3A_1504 = arith.constant 0 : i32
      %dma_start3A_1505 = tpu.memref_slice %dma_start3A_1502[%dma_start3A_1503, %dma_start3A_1504] : memref<200x56xf32, #tpu.memory_space<vmem>> -> memref<100x56xf32, #tpu.memory_space<vmem>>
      %dma_start3A_1506 = arith.constant 0 : i32
      %dma_start3A_1507 = arith.constant 0 : i32
      %dma_start3A_1508 = tpu.memref_slice %arg8[%dma_start3A_1495, %dma_start3A_1506, %dma_start3A_1507] : memref<2x4x100xi32, #tpu.memory_space<vmem>> -> memref<1x4x100xi32, #tpu.memory_space<vmem>>
      %dma_start3A_1509 = tpu.memref_squeeze %dma_start3A_1508 : memref<1x4x100xi32, #tpu.memory_space<vmem>> -> memref<4x100xi32, #tpu.memory_space<vmem>>
      %dma_start3A_1510 = arith.constant 0 : i32
      %dma_start3A_1511 = tpu.memref_slice %dma_start3A_1509[%dma_start3A_1496, %dma_start3A_1510] : memref<4x100xi32, #tpu.memory_space<vmem>> -> memref<1x100xi32, #tpu.memory_space<vmem>>
      %dma_start3A_1512 = tpu.memref_squeeze %dma_start3A_1511 : memref<1x100xi32, #tpu.memory_space<vmem>> -> memref<100xi32, #tpu.memory_space<vmem>>
      %dma_start3A_1513 = arith.constant 0 : i32
      %dma_start3A_1514 = arith.constant 0 : i32
      %dma_start3A_1515 = tpu.memref_slice %arg5[%dma_start3A_1513, %dma_start3A_1514] : memref<100002x56xf32, #tpu.memory_space<hbm>> -> memref<100002x56xf32, #tpu.memory_space<hbm>>
      tpu.enqueue_indirect_dma source(%dma_start3A_1515 : memref<100002x56xf32, #tpu.memory_space<hbm>>) target(%dma_start3A_1505 : memref<100x56xf32, #tpu.memory_space<vmem>>) offsets(%dma_start3A_1512 : memref<100xi32, #tpu.memory_space<vmem>>) semaphore(%arg15 : memref<!tpu.dma_semaphore, #tpu.memory_space<semaphore_mem>>)
      %dma_start3A_1516 = arith.constant 1 : i32
      %dma_start3A_1517 = arith.constant 1 : i32
      %dma_start3A_1518 = arith.constant 1 : i32
      %dma_start3A_1519 = arith.constant 0 : i32
      %dma_start3A_1520 = arith.constant 0 : i32
      %dma_start3A_1521 = arith.constant 0 : i32
      %dma_start3A_1522 = tpu.memref_slice %arg12[%dma_start3A_1518, %dma_start3A_1519, %dma_start3A_1520, %dma_start3A_1521] : memref<2x2x200x56xf32, #tpu.memory_space<vmem>> -> memref<1x1x200x56xf32, #tpu.memory_space<vmem>>
      %dma_start3A_1523 = tpu.memref_squeeze %dma_start3A_1522 : memref<1x1x200x56xf32, #tpu.memory_space<vmem>> -> memref<200x56xf32, #tpu.memory_space<vmem>>
      %dma_start3A_1524 = arith.constant 100 : i32
      %dma_start3A_1525 = arith.constant 0 : i32
      %dma_start3A_1526 = tpu.memref_slice %dma_start3A_1523[%dma_start3A_1524, %dma_start3A_1525] : memref<200x56xf32, #tpu.memory_space<vmem>> -> memref<100x56xf32, #tpu.memory_space<vmem>>
      %dma_start3A_1527 = arith.constant 0 : i32
      %dma_start3A_1528 = arith.constant 0 : i32
      %dma_start3A_1529 = tpu.memref_slice %arg8[%dma_start3A_1516, %dma_start3A_1527, %dma_start3A_1528] : memref<2x4x100xi32, #tpu.memory_space<vmem>> -> memref<1x4x100xi32, #tpu.memory_space<vmem>>
      %dma_start3A_1530 = tpu.memref_squeeze %dma_start3A_1529 : memref<1x4x100xi32, #tpu.memory_space<vmem>> -> memref<4x100xi32, #tpu.memory_space<vmem>>
      %dma_start3A_1531 = arith.constant 0 : i32
      %dma_start3A_1532 = tpu.memref_slice %dma_start3A_1530[%dma_start3A_1517, %dma_start3A_1531] : memref<4x100xi32, #tpu.memory_space<vmem>> -> memref<1x100xi32, #tpu.memory_space<vmem>>
      %dma_start3A_1533 = tpu.memref_squeeze %dma_start3A_1532 : memref<1x100xi32, #tpu.memory_space<vmem>> -> memref<100xi32, #tpu.memory_space<vmem>>
      %dma_start3A_1534 = arith.constant 0 : i32
      %dma_start3A_1535 = arith.constant 0 : i32
      %dma_start3A_1536 = tpu.memref_slice %arg5[%dma_start3A_1534, %dma_start3A_1535] : memref<100002x56xf32, #tpu.memory_space<hbm>> -> memref<100002x56xf32, #tpu.memory_space<hbm>>
      tpu.enqueue_indirect_dma source(%dma_start3A_1536 : memref<100002x56xf32, #tpu.memory_space<hbm>>) target(%dma_start3A_1526 : memref<100x56xf32, #tpu.memory_space<vmem>>) offsets(%dma_start3A_1533 : memref<100xi32, #tpu.memory_space<vmem>>) semaphore(%arg15 : memref<!tpu.dma_semaphore, #tpu.memory_space<semaphore_mem>>)
      %dma_start3A_1537 = arith.constant 1 : i32
      %dma_start3A_1538 = arith.constant 2 : i32
      %dma_start3A_1539 = arith.constant 1 : i32
      %dma_start3A_1540 = arith.constant 1 : i32
      %dma_start3A_1541 = arith.constant 0 : i32
      %dma_start3A_1542 = arith.constant 0 : i32
      %dma_start3A_1543 = tpu.memref_slice %arg12[%dma_start3A_1539, %dma_start3A_1540, %dma_start3A_1541, %dma_start3A_1542] : memref<2x2x200x56xf32, #tpu.memory_space<vmem>> -> memref<1x1x200x56xf32, #tpu.memory_space<vmem>>
      %dma_start3A_1544 = tpu.memref_squeeze %dma_start3A_1543 : memref<1x1x200x56xf32, #tpu.memory_space<vmem>> -> memref<200x56xf32, #tpu.memory_space<vmem>>
      %dma_start3A_1545 = arith.constant 0 : i32
      %dma_start3A_1546 = arith.constant 0 : i32
      %dma_start3A_1547 = tpu.memref_slice %dma_start3A_1544[%dma_start3A_1545, %dma_start3A_1546] : memref<200x56xf32, #tpu.memory_space<vmem>> -> memref<100x56xf32, #tpu.memory_space<vmem>>
      %dma_start3A_1548 = arith.constant 0 : i32
      %dma_start3A_1549 = arith.constant 0 : i32
      %dma_start3A_1550 = tpu.memref_slice %arg8[%dma_start3A_1537, %dma_start3A_1548, %dma_start3A_1549] : memref<2x4x100xi32, #tpu.memory_space<vmem>> -> memref<1x4x100xi32, #tpu.memory_space<vmem>>
      %dma_start3A_1551 = tpu.memref_squeeze %dma_start3A_1550 : memref<1x4x100xi32, #tpu.memory_space<vmem>> -> memref<4x100xi32, #tpu.memory_space<vmem>>
      %dma_start3A_1552 = arith.constant 0 : i32
      %dma_start3A_1553 = tpu.memref_slice %dma_start3A_1551[%dma_start3A_1538, %dma_start3A_1552] : memref<4x100xi32, #tpu.memory_space<vmem>> -> memref<1x100xi32, #tpu.memory_space<vmem>>
      %dma_start3A_1554 = tpu.memref_squeeze %dma_start3A_1553 : memref<1x100xi32, #tpu.memory_space<vmem>> -> memref<100xi32, #tpu.memory_space<vmem>>
      %dma_start3A_1555 = arith.constant 0 : i32
      %dma_start3A_1556 = arith.constant 0 : i32
      %dma_start3A_1557 = tpu.memref_slice %arg5[%dma_start3A_1555, %dma_start3A_1556] : memref<100002x56xf32, #tpu.memory_space<hbm>> -> memref<100002x56xf32, #tpu.memory_space<hbm>>
      tpu.enqueue_indirect_dma source(%dma_start3A_1557 : memref<100002x56xf32, #tpu.memory_space<hbm>>) target(%dma_start3A_1547 : memref<100x56xf32, #tpu.memory_space<vmem>>) offsets(%dma_start3A_1554 : memref<100xi32, #tpu.memory_space<vmem>>) semaphore(%arg15 : memref<!tpu.dma_semaphore, #tpu.memory_space<semaphore_mem>>)
      %dma_start3A_1558 = arith.constant 1 : i32
      %dma_start3A_1559 = arith.constant 3 : i32
      %dma_start3A_1560 = arith.constant 1 : i32
      %dma_start3A_1561 = arith.constant 1 : i32
      %dma_start3A_1562 = arith.constant 0 : i32
      %dma_start3A_1563 = arith.constant 0 : i32
      %dma_start3A_1564 = tpu.memref_slice %arg12[%dma_start3A_1560, %dma_start3A_1561, %dma_start3A_1562, %dma_start3A_1563] : memref<2x2x200x56xf32, #tpu.memory_space<vmem>> -> memref<1x1x200x56xf32, #tpu.memory_space<vmem>>
      %dma_start3A_1565 = tpu.memref_squeeze %dma_start3A_1564 : memref<1x1x200x56xf32, #tpu.memory_space<vmem>> -> memref<200x56xf32, #tpu.memory_space<vmem>>
      %dma_start3A_1566 = arith.constant 100 : i32
      %dma_start3A_1567 = arith.constant 0 : i32
      %dma_start3A_1568 = tpu.memref_slice %dma_start3A_1565[%dma_start3A_1566, %dma_start3A_1567] : memref<200x56xf32, #tpu.memory_space<vmem>> -> memref<100x56xf32, #tpu.memory_space<vmem>>
      %dma_start3A_1569 = arith.constant 0 : i32
      %dma_start3A_1570 = arith.constant 0 : i32
      %dma_start3A_1571 = tpu.memref_slice %arg8[%dma_start3A_1558, %dma_start3A_1569, %dma_start3A_1570] : memref<2x4x100xi32, #tpu.memory_space<vmem>> -> memref<1x4x100xi32, #tpu.memory_space<vmem>>
      %dma_start3A_1572 = tpu.memref_squeeze %dma_start3A_1571 : memref<1x4x100xi32, #tpu.memory_space<vmem>> -> memref<4x100xi32, #tpu.memory_space<vmem>>
      %dma_start3A_1573 = arith.constant 0 : i32
      %dma_start3A_1574 = tpu.memref_slice %dma_start3A_1572[%dma_start3A_1559, %dma_start3A_1573] : memref<4x100xi32, #tpu.memory_space<vmem>> -> memref<1x100xi32, #tpu.memory_space<vmem>>
      %dma_start3A_1575 = tpu.memref_squeeze %dma_start3A_1574 : memref<1x100xi32, #tpu.memory_space<vmem>> -> memref<100xi32, #tpu.memory_space<vmem>>
      %dma_start3A_1576 = arith.constant 0 : i32
      %dma_start3A_1577 = arith.constant 0 : i32
      %dma_start3A_1578 = tpu.memref_slice %arg5[%dma_start3A_1576, %dma_start3A_1577] : memref<100002x56xf32, #tpu.memory_space<hbm>> -> memref<100002x56xf32, #tpu.memory_space<hbm>>
      tpu.enqueue_indirect_dma source(%dma_start3A_1578 : memref<100002x56xf32, #tpu.memory_space<hbm>>) target(%dma_start3A_1568 : memref<100x56xf32, #tpu.memory_space<vmem>>) offsets(%dma_start3A_1575 : memref<100xi32, #tpu.memory_space<vmem>>) semaphore(%arg15 : memref<!tpu.dma_semaphore, #tpu.memory_space<semaphore_mem>>)
      %scan3A_1579 = arith.constant 0 : i32
      %scan3A_1580 = arith.constant 0 : i32
      %scan3A_1581 = arith.constant 25 : i32
      %scan3A_1582 = arith.addi %scan3A_1580, %scan3A_1581 : i32
      %scan3A_1583 = arith.constant 1 : i32
      scf.for %scan3A_2046 = %scan3A_1580 to %scan3A_1582 step %scan3A_1583  : i32 {
        %mul3A_2047 = arith.constant 16 : i32
        %mul3A_2048 = arith.muli %scan3A_2046, %mul3A_2047 : i32
        %multiple_of3A_2049 = tpu.assume_multiple %mul3A_2048, 16 : i32
        %mul3A_2050 = arith.constant 16 : i32
        %mul3A_2051 = arith.muli %scan3A_2046, %mul3A_2050 : i32
        %add3A_2052 = vector.broadcast %mul3A_2051 : i32 to vector<16xi32>
        %add3A_2053 = arith.addi %add3A_2052, %iota3A : vector<16xi32>
        %jit3A = arith.constant 200 : i32
        %div3A = vector.broadcast %jit3A : i32 to vector<16xi32>
        %div3A_2054 = arith.divsi %add3A_2053, %div3A : vector<16xi32>
        %sign3A = arith.constant 0 : i32
        %sign3A_2055 = vector.broadcast %sign3A : i32 to vector<16xi32>
        %sign3A_2056 = arith.cmpi sgt, %add3A_2053, %sign3A_2055 : vector<16xi32>
        %sign3A_2057 = arith.extui %sign3A_2056 : vector<16xi1> to vector<16xi32>
        %sign3A_2058 = arith.constant 0 : i32
        %sign3A_2059 = vector.broadcast %sign3A_2058 : i32 to vector<16xi32>
        %sign3A_2060 = arith.cmpi slt, %add3A_2053, %sign3A_2059 : vector<16xi32>
        %sign3A_2061 = arith.extui %sign3A_2060 : vector<16xi1> to vector<16xi32>
        %sign3A_2062 = arith.subi %sign3A_2057, %sign3A_2061 : vector<16xi32>
        %sign3A_2063 = arith.constant 0 : i32
        %sign3A_2064 = arith.cmpi sgt, %jit3A, %sign3A_2063 : i32
        %sign3A_2065 = arith.extui %sign3A_2064 : i1 to i32
        %sign3A_2066 = arith.constant 0 : i32
        %sign3A_2067 = arith.cmpi slt, %jit3A, %sign3A_2066 : i32
        %sign3A_2068 = arith.extui %sign3A_2067 : i1 to i32
        %sign3A_2069 = arith.subi %sign3A_2065, %sign3A_2068 : i32
        %ne3A = vector.broadcast %sign3A_2069 : i32 to vector<16xi32>
        %ne3A_2070 = arith.cmpi ne, %sign3A_2062, %ne3A : vector<16xi32>
        %rem3A = vector.broadcast %jit3A : i32 to vector<16xi32>
        %rem3A_2071 = arith.remsi %add3A_2053, %rem3A : vector<16xi32>
        %ne3A_2072 = arith.constant 0 : i32
        %ne3A_2073 = vector.broadcast %ne3A_2072 : i32 to vector<16xi32>
        %ne3A_2074 = arith.cmpi ne, %rem3A_2071, %ne3A_2073 : vector<16xi32>
        %and3A = arith.andi %ne3A_2070, %ne3A_2074 : vector<16xi1>
        %sub3A = arith.constant 1 : i32
        %sub3A_2075 = vector.broadcast %sub3A : i32 to vector<16xi32>
        %sub3A_2076 = arith.subi %div3A_2054, %sub3A_2075 : vector<16xi32>
        %select_n3A = arith.select %and3A, %sub3A_2076, %div3A_2054 : vector<16xi1>, vector<16xi32>
        %mul3A_2077 = arith.constant 200 : i32
        %mul3A_2078 = vector.broadcast %mul3A_2077 : i32 to vector<16xi32>
        %mul3A_2079 = arith.muli %select_n3A, %mul3A_2078 : vector<16xi32>
        %sub3A_2080 = arith.subi %add3A_2053, %mul3A_2079 : vector<16xi32>
        %get3A = arith.constant 0 : i32
        %get3A_2081 = arith.constant 0 : i32
        %get3A_2082 = tpu.memref_slice %arg9[%get3A, %get3A_2081] : memref<2x400xi32, #tpu.memory_space<vmem>> -> memref<1x400xi32, #tpu.memory_space<vmem>>
        %get3A_2083 = tpu.memref_squeeze %get3A_2082 : memref<1x400xi32, #tpu.memory_space<vmem>> -> memref<400xi32, #tpu.memory_space<vmem>>
        %get3A_2084 = arith.index_cast %multiple_of3A_2049 : i32 to index
        %get3A_2085 = tpu.vector_load %get3A_2083[%get3A_2084] {strides = array<i32>} : memref<400xi32, #tpu.memory_space<vmem>>, vector<16xi32>,
        %get3A_2086 = arith.constant 0 : i32
        %get3A_2087 = arith.constant 0 : i32
        %get3A_2088 = tpu.memref_slice %arg10[%get3A_2086, %get3A_2087] : memref<2x400xi32, #tpu.memory_space<vmem>> -> memref<1x400xi32, #tpu.memory_space<vmem>>
        %get3A_2089 = tpu.memref_squeeze %get3A_2088 : memref<1x400xi32, #tpu.memory_space<vmem>> -> memref<400xi32, #tpu.memory_space<vmem>>
        %get3A_2090 = arith.index_cast %multiple_of3A_2049 : i32 to index
        %get3A_2091 = tpu.vector_load %get3A_2089[%get3A_2090] {strides = array<i32>} : memref<400xi32, #tpu.memory_space<vmem>>, vector<16xi32>,
        %mul3A_2092 = arith.constant 5 : i32
        %mul3A_2093 = vector.broadcast %mul3A_2092 : i32 to vector<16xi32>
        %mul3A_2094 = arith.muli %get3A_2085, %mul3A_2093 : vector<16xi32>
        %add3A_2095 = arith.constant 0 : i32
        %add3A_2096 = vector.broadcast %add3A_2095 : i32 to vector<16xi32>
        %add3A_2097 = arith.addi %mul3A_2094, %add3A_2096 : vector<16xi32>
        %gather3A = tpu.vector_load_idx %arg11[%add3A_2097] : memref<4000xf32, #tpu.memory_space<vmem>>[vector<16xi32>], vector<16xf32>,
        %broadcast_in_dim3A = arith.constant 50 : i32
        %broadcast_in_dim3A_2098 = vector.broadcast %broadcast_in_dim3A : i32 to vector<16xi32>
        %scatter3A = arith.constant 0 : i32
        %scatter3A_2099 = arith.constant 0 : i32
        %scatter3A_2100 = arith.constant 0 : i32
        %scatter3A_2101 = arith.constant 0 : i32
        %scatter3A_2102 = tpu.memref_slice %arg12[%scatter3A, %scatter3A_2099, %scatter3A_2100, %scatter3A_2101] : memref<2x2x200x56xf32, #tpu.memory_space<vmem>> -> memref<1x2x200x56xf32, #tpu.memory_space<vmem>>
        %scatter3A_2103 = tpu.memref_squeeze %scatter3A_2102 : memref<1x2x200x56xf32, #tpu.memory_space<vmem>> -> memref<2x200x56xf32, #tpu.memory_space<vmem>>
        tpu.vector_store_idx %scatter3A_2103[%select_n3A, %sub3A_2080, %broadcast_in_dim3A_2098], %gather3A : memref<2x200x56xf32, #tpu.memory_space<vmem>>[vector<16xi32>, vector<16xi32>, vector<16xi32>], vector<16xf32>,
        %mul3A_2104 = arith.constant 5 : i32
        %mul3A_2105 = vector.broadcast %mul3A_2104 : i32 to vector<16xi32>
        %mul3A_2106 = arith.muli %get3A_2091, %mul3A_2105 : vector<16xi32>
        %add3A_2107 = arith.constant 2000 : i32
        %add3A_2108 = vector.broadcast %add3A_2107 : i32 to vector<16xi32>
        %add3A_2109 = arith.addi %add3A_2108, %mul3A_2106 : vector<16xi32>
        %add3A_2110 = arith.constant 0 : i32
        %add3A_2111 = vector.broadcast %add3A_2110 : i32 to vector<16xi32>
        %add3A_2112 = arith.addi %add3A_2109, %add3A_2111 : vector<16xi32>
        %gather3A_2113 = tpu.vector_load_idx %arg11[%add3A_2112] : memref<4000xf32, #tpu.memory_space<vmem>>[vector<16xi32>], vector<16xf32>,
        %broadcast_in_dim3A_2114 = arith.constant 55 : i32
        %broadcast_in_dim3A_2115 = vector.broadcast %broadcast_in_dim3A_2114 : i32 to vector<16xi32>
        %scatter3A_2116 = arith.constant 0 : i32
        %scatter3A_2117 = arith.constant 0 : i32
        %scatter3A_2118 = arith.constant 0 : i32
        %scatter3A_2119 = arith.constant 0 : i32
        %scatter3A_2120 = tpu.memref_slice %arg12[%scatter3A_2116, %scatter3A_2117, %scatter3A_2118, %scatter3A_2119] : memref<2x2x200x56xf32, #tpu.memory_space<vmem>> -> memref<1x2x200x56xf32, #tpu.memory_space<vmem>>
        %scatter3A_2121 = tpu.memref_squeeze %scatter3A_2120 : memref<1x2x200x56xf32, #tpu.memory_space<vmem>> -> memref<2x200x56xf32, #tpu.memory_space<vmem>>
        tpu.vector_store_idx %scatter3A_2121[%select_n3A, %sub3A_2080, %broadcast_in_dim3A_2115], %gather3A_2113 : memref<2x200x56xf32, #tpu.memory_space<vmem>>[vector<16xi32>, vector<16xi32>, vector<16xi32>], vector<16xf32>,
        %mul3A_2122 = arith.constant 5 : i32
        %mul3A_2123 = vector.broadcast %mul3A_2122 : i32 to vector<16xi32>
        %mul3A_2124 = arith.muli %get3A_2085, %mul3A_2123 : vector<16xi32>
        %add3A_2125 = arith.constant 1 : i32
        %add3A_2126 = vector.broadcast %add3A_2125 : i32 to vector<16xi32>
        %add3A_2127 = arith.addi %mul3A_2124, %add3A_2126 : vector<16xi32>
        %gather3A_2128 = tpu.vector_load_idx %arg11[%add3A_2127] : memref<4000xf32, #tpu.memory_space<vmem>>[vector<16xi32>], vector<16xf32>,
        %broadcast_in_dim3A_2129 = arith.constant 51 : i32
        %broadcast_in_dim3A_2130 = vector.broadcast %broadcast_in_dim3A_2129 : i32 to vector<16xi32>
        %scatter3A_2131 = arith.constant 0 : i32
        %scatter3A_2132 = arith.constant 0 : i32
        %scatter3A_2133 = arith.constant 0 : i32
        %scatter3A_2134 = arith.constant 0 : i32
        %scatter3A_2135 = tpu.memref_slice %arg12[%scatter3A_2131, %scatter3A_2132, %scatter3A_2133, %scatter3A_2134] : memref<2x2x200x56xf32, #tpu.memory_space<vmem>> -> memref<1x2x200x56xf32, #tpu.memory_space<vmem>>
        %scatter3A_2136 = tpu.memref_squeeze %scatter3A_2135 : memref<1x2x200x56xf32, #tpu.memory_space<vmem>> -> memref<2x200x56xf32, #tpu.memory_space<vmem>>
        tpu.vector_store_idx %scatter3A_2136[%select_n3A, %sub3A_2080, %broadcast_in_dim3A_2130], %gather3A_2128 : memref<2x200x56xf32, #tpu.memory_space<vmem>>[vector<16xi32>, vector<16xi32>, vector<16xi32>], vector<16xf32>,
        %mul3A_2137 = arith.constant 5 : i32
        %mul3A_2138 = vector.broadcast %mul3A_2137 : i32 to vector<16xi32>
        %mul3A_2139 = arith.muli %get3A_2091, %mul3A_2138 : vector<16xi32>
        %add3A_2140 = arith.constant 2000 : i32
        %add3A_2141 = vector.broadcast %add3A_2140 : i32 to vector<16xi32>
        %add3A_2142 = arith.addi %add3A_2141, %mul3A_2139 : vector<16xi32>
        %add3A_2143 = arith.constant 1 : i32
        %add3A_2144 = vector.broadcast %add3A_2143 : i32 to vector<16xi32>
        %add3A_2145 = arith.addi %add3A_2142, %add3A_2144 : vector<16xi32>
        %gather3A_2146 = tpu.vector_load_idx %arg11[%add3A_2145] : memref<4000xf32, #tpu.memory_space<vmem>>[vector<16xi32>], vector<16xf32>,
        %broadcast_in_dim3A_2147 = arith.constant 56 : i32
        %broadcast_in_dim3A_2148 = vector.broadcast %broadcast_in_dim3A_2147 : i32 to vector<16xi32>
        %scatter3A_2149 = arith.constant 0 : i32
        %scatter3A_2150 = arith.constant 0 : i32
        %scatter3A_2151 = arith.constant 0 : i32
        %scatter3A_2152 = arith.constant 0 : i32
        %scatter3A_2153 = tpu.memref_slice %arg13[%scatter3A_2149, %scatter3A_2150, %scatter3A_2151, %scatter3A_2152] : memref<2x2x200x60xf32, #tpu.memory_space<vmem>> -> memref<1x2x200x60xf32, #tpu.memory_space<vmem>>
        %scatter3A_2154 = tpu.memref_squeeze %scatter3A_2153 : memref<1x2x200x60xf32, #tpu.memory_space<vmem>> -> memref<2x200x60xf32, #tpu.memory_space<vmem>>
        tpu.vector_store_idx %scatter3A_2154[%select_n3A, %sub3A_2080, %broadcast_in_dim3A_2148], %gather3A_2146 : memref<2x200x60xf32, #tpu.memory_space<vmem>>[vector<16xi32>, vector<16xi32>, vector<16xi32>], vector<16xf32>,
        %mul3A_2155 = arith.constant 5 : i32
        %mul3A_2156 = vector.broadcast %mul3A_2155 : i32 to vector<16xi32>
        %mul3A_2157 = arith.muli %get3A_2085, %mul3A_2156 : vector<16xi32>
        %add3A_2158 = arith.constant 2 : i32
        %add3A_2159 = vector.broadcast %add3A_2158 : i32 to vector<16xi32>
        %add3A_2160 = arith.addi %mul3A_2157, %add3A_2159 : vector<16xi32>
        %gather3A_2161 = tpu.vector_load_idx %arg11[%add3A_2160] : memref<4000xf32, #tpu.memory_space<vmem>>[vector<16xi32>], vector<16xf32>,
        %broadcast_in_dim3A_2162 = arith.constant 52 : i32
        %broadcast_in_dim3A_2163 = vector.broadcast %broadcast_in_dim3A_2162 : i32 to vector<16xi32>
        %scatter3A_2164 = arith.constant 0 : i32
        %scatter3A_2165 = arith.constant 0 : i32
        %scatter3A_2166 = arith.constant 0 : i32
        %scatter3A_2167 = arith.constant 0 : i32
        %scatter3A_2168 = tpu.memref_slice %arg12[%scatter3A_2164, %scatter3A_2165, %scatter3A_2166, %scatter3A_2167] : memref<2x2x200x56xf32, #tpu.memory_space<vmem>> -> memref<1x2x200x56xf32, #tpu.memory_space<vmem>>
        %scatter3A_2169 = tpu.memref_squeeze %scatter3A_2168 : memref<1x2x200x56xf32, #tpu.memory_space<vmem>> -> memref<2x200x56xf32, #tpu.memory_space<vmem>>
        tpu.vector_store_idx %scatter3A_2169[%select_n3A, %sub3A_2080, %broadcast_in_dim3A_2163], %gather3A_2161 : memref<2x200x56xf32, #tpu.memory_space<vmem>>[vector<16xi32>, vector<16xi32>, vector<16xi32>], vector<16xf32>,
        %mul3A_2170 = arith.constant 5 : i32
        %mul3A_2171 = vector.broadcast %mul3A_2170 : i32 to vector<16xi32>
        %mul3A_2172 = arith.muli %get3A_2091, %mul3A_2171 : vector<16xi32>
        %add3A_2173 = arith.constant 2000 : i32
        %add3A_2174 = vector.broadcast %add3A_2173 : i32 to vector<16xi32>
        %add3A_2175 = arith.addi %add3A_2174, %mul3A_2172 : vector<16xi32>
        %add3A_2176 = arith.constant 2 : i32
        %add3A_2177 = vector.broadcast %add3A_2176 : i32 to vector<16xi32>
        %add3A_2178 = arith.addi %add3A_2175, %add3A_2177 : vector<16xi32>
        %gather3A_2179 = tpu.vector_load_idx %arg11[%add3A_2178] : memref<4000xf32, #tpu.memory_space<vmem>>[vector<16xi32>], vector<16xf32>,
        %broadcast_in_dim3A_2180 = arith.constant 57 : i32
        %broadcast_in_dim3A_2181 = vector.broadcast %broadcast_in_dim3A_2180 : i32 to vector<16xi32>
        %scatter3A_2182 = arith.constant 0 : i32
        %scatter3A_2183 = arith.constant 0 : i32
        %scatter3A_2184 = arith.constant 0 : i32
        %scatter3A_2185 = arith.constant 0 : i32
        %scatter3A_2186 = tpu.memref_slice %arg13[%scatter3A_2182, %scatter3A_2183, %scatter3A_2184, %scatter3A_2185] : memref<2x2x200x60xf32, #tpu.memory_space<vmem>> -> memref<1x2x200x60xf32, #tpu.memory_space<vmem>>
        %scatter3A_2187 = tpu.memref_squeeze %scatter3A_2186 : memref<1x2x200x60xf32, #tpu.memory_space<vmem>> -> memref<2x200x60xf32, #tpu.memory_space<vmem>>
        tpu.vector_store_idx %scatter3A_2187[%select_n3A, %sub3A_2080, %broadcast_in_dim3A_2181], %gather3A_2179 : memref<2x200x60xf32, #tpu.memory_space<vmem>>[vector<16xi32>, vector<16xi32>, vector<16xi32>], vector<16xf32>,
        %mul3A_2188 = arith.constant 5 : i32
        %mul3A_2189 = vector.broadcast %mul3A_2188 : i32 to vector<16xi32>
        %mul3A_2190 = arith.muli %get3A_2085, %mul3A_2189 : vector<16xi32>
        %add3A_2191 = arith.constant 3 : i32
        %add3A_2192 = vector.broadcast %add3A_2191 : i32 to vector<16xi32>
        %add3A_2193 = arith.addi %mul3A_2190, %add3A_2192 : vector<16xi32>
        %gather3A_2194 = tpu.vector_load_idx %arg11[%add3A_2193] : memref<4000xf32, #tpu.memory_space<vmem>>[vector<16xi32>], vector<16xf32>,
        %broadcast_in_dim3A_2195 = arith.constant 53 : i32
        %broadcast_in_dim3A_2196 = vector.broadcast %broadcast_in_dim3A_2195 : i32 to vector<16xi32>
        %scatter3A_2197 = arith.constant 0 : i32
        %scatter3A_2198 = arith.constant 0 : i32
        %scatter3A_2199 = arith.constant 0 : i32
        %scatter3A_2200 = arith.constant 0 : i32
        %scatter3A_2201 = tpu.memref_slice %arg12[%scatter3A_2197, %scatter3A_2198, %scatter3A_2199, %scatter3A_2200] : memref<2x2x200x56xf32, #tpu.memory_space<vmem>> -> memref<1x2x200x56xf32, #tpu.memory_space<vmem>>
        %scatter3A_2202 = tpu.memref_squeeze %scatter3A_2201 : memref<1x2x200x56xf32, #tpu.memory_space<vmem>> -> memref<2x200x56xf32, #tpu.memory_space<vmem>>
        tpu.vector_store_idx %scatter3A_2202[%select_n3A, %sub3A_2080, %broadcast_in_dim3A_2196], %gather3A_2194 : memref<2x200x56xf32, #tpu.memory_space<vmem>>[vector<16xi32>, vector<16xi32>, vector<16xi32>], vector<16xf32>,
        %mul3A_2203 = arith.constant 5 : i32
        %mul3A_2204 = vector.broadcast %mul3A_2203 : i32 to vector<16xi32>
        %mul3A_2205 = arith.muli %get3A_2091, %mul3A_2204 : vector<16xi32>
        %add3A_2206 = arith.constant 2000 : i32
        %add3A_2207 = vector.broadcast %add3A_2206 : i32 to vector<16xi32>
        %add3A_2208 = arith.addi %add3A_2207, %mul3A_2205 : vector<16xi32>
        %add3A_2209 = arith.constant 3 : i32
        %add3A_2210 = vector.broadcast %add3A_2209 : i32 to vector<16xi32>
        %add3A_2211 = arith.addi %add3A_2208, %add3A_2210 : vector<16xi32>
        %gather3A_2212 = tpu.vector_load_idx %arg11[%add3A_2211] : memref<4000xf32, #tpu.memory_space<vmem>>[vector<16xi32>], vector<16xf32>,
        %broadcast_in_dim3A_2213 = arith.constant 58 : i32
        %broadcast_in_dim3A_2214 = vector.broadcast %broadcast_in_dim3A_2213 : i32 to vector<16xi32>
        %scatter3A_2215 = arith.constant 0 : i32
        %scatter3A_2216 = arith.constant 0 : i32
        %scatter3A_2217 = arith.constant 0 : i32
        %scatter3A_2218 = arith.constant 0 : i32
        %scatter3A_2219 = tpu.memref_slice %arg13[%scatter3A_2215, %scatter3A_2216, %scatter3A_2217, %scatter3A_2218] : memref<2x2x200x60xf32, #tpu.memory_space<vmem>> -> memref<1x2x200x60xf32, #tpu.memory_space<vmem>>
        %scatter3A_2220 = tpu.memref_squeeze %scatter3A_2219 : memref<1x2x200x60xf32, #tpu.memory_space<vmem>> -> memref<2x200x60xf32, #tpu.memory_space<vmem>>
        tpu.vector_store_idx %scatter3A_2220[%select_n3A, %sub3A_2080, %broadcast_in_dim3A_2214], %gather3A_2212 : memref<2x200x60xf32, #tpu.memory_space<vmem>>[vector<16xi32>, vector<16xi32>, vector<16xi32>], vector<16xf32>,
        %mul3A_2221 = arith.constant 5 : i32
        %mul3A_2222 = vector.broadcast %mul3A_2221 : i32 to vector<16xi32>
        %mul3A_2223 = arith.muli %get3A_2085, %mul3A_2222 : vector<16xi32>
        %add3A_2224 = arith.constant 4 : i32
        %add3A_2225 = vector.broadcast %add3A_2224 : i32 to vector<16xi32>
        %add3A_2226 = arith.addi %mul3A_2223, %add3A_2225 : vector<16xi32>
        %gather3A_2227 = tpu.vector_load_idx %arg11[%add3A_2226] : memref<4000xf32, #tpu.memory_space<vmem>>[vector<16xi32>], vector<16xf32>,
        %broadcast_in_dim3A_2228 = arith.constant 54 : i32
        %broadcast_in_dim3A_2229 = vector.broadcast %broadcast_in_dim3A_2228 : i32 to vector<16xi32>
        %scatter3A_2230 = arith.constant 0 : i32
        %scatter3A_2231 = arith.constant 0 : i32
        %scatter3A_2232 = arith.constant 0 : i32
        %scatter3A_2233 = arith.constant 0 : i32
        %scatter3A_2234 = tpu.memref_slice %arg12[%scatter3A_2230, %scatter3A_2231, %scatter3A_2232, %scatter3A_2233] : memref<2x2x200x56xf32, #tpu.memory_space<vmem>> -> memref<1x2x200x56xf32, #tpu.memory_space<vmem>>
        %scatter3A_2235 = tpu.memref_squeeze %scatter3A_2234 : memref<1x2x200x56xf32, #tpu.memory_space<vmem>> -> memref<2x200x56xf32, #tpu.memory_space<vmem>>
        tpu.vector_store_idx %scatter3A_2235[%select_n3A, %sub3A_2080, %broadcast_in_dim3A_2229], %gather3A_2227 : memref<2x200x56xf32, #tpu.memory_space<vmem>>[vector<16xi32>, vector<16xi32>, vector<16xi32>], vector<16xf32>,
        %mul3A_2236 = arith.constant 5 : i32
        %mul3A_2237 = vector.broadcast %mul3A_2236 : i32 to vector<16xi32>
        %mul3A_2238 = arith.muli %get3A_2091, %mul3A_2237 : vector<16xi32>
        %add3A_2239 = arith.constant 2000 : i32
        %add3A_2240 = vector.broadcast %add3A_2239 : i32 to vector<16xi32>
        %add3A_2241 = arith.addi %add3A_2240, %mul3A_2238 : vector<16xi32>
        %add3A_2242 = arith.constant 4 : i32
        %add3A_2243 = vector.broadcast %add3A_2242 : i32 to vector<16xi32>
        %add3A_2244 = arith.addi %add3A_2241, %add3A_2243 : vector<16xi32>
        %gather3A_2245 = tpu.vector_load_idx %arg11[%add3A_2244] : memref<4000xf32, #tpu.memory_space<vmem>>[vector<16xi32>], vector<16xf32>,
        %broadcast_in_dim3A_2246 = arith.constant 59 : i32
        %broadcast_in_dim3A_2247 = vector.broadcast %broadcast_in_dim3A_2246 : i32 to vector<16xi32>
        %scatter3A_2248 = arith.constant 0 : i32
        %scatter3A_2249 = arith.constant 0 : i32
        %scatter3A_2250 = arith.constant 0 : i32
        %scatter3A_2251 = arith.constant 0 : i32
        %scatter3A_2252 = tpu.memref_slice %arg13[%scatter3A_2248, %scatter3A_2249, %scatter3A_2250, %scatter3A_2251] : memref<2x2x200x60xf32, #tpu.memory_space<vmem>> -> memref<1x2x200x60xf32, #tpu.memory_space<vmem>>
        %scatter3A_2253 = tpu.memref_squeeze %scatter3A_2252 : memref<1x2x200x60xf32, #tpu.memory_space<vmem>> -> memref<2x200x60xf32, #tpu.memory_space<vmem>>
        tpu.vector_store_idx %scatter3A_2253[%select_n3A, %sub3A_2080, %broadcast_in_dim3A_2247], %gather3A_2245 : memref<2x200x60xf32, #tpu.memory_space<vmem>>[vector<16xi32>, vector<16xi32>, vector<16xi32>], vector<16xf32>,
      }
      %scan3A_1584 = arith.constant 25 : i32
      %add3A_1585 = arith.constant 2 : i32
      %add3A_1586 = arith.addi %mul3A_1331, %add3A_1585 : i32
      %mul3A_1587 = arith.constant 25600 : i32
      %mul3A_1588 = arith.muli %add3A, %mul3A_1587 : i32
      %mul3A_1589 = arith.constant 400 : i32
      %mul3A_1590 = arith.muli %add3A_1586, %mul3A_1589 : i32
      %add3A_1591 = arith.addi %mul3A_1588, %mul3A_1590 : i32
      %multiple_of3A_1592 = tpu.assume_multiple %add3A_1591, 400 : i32
      %mul3A_1593 = arith.constant 256 : i32
      %mul3A_1594 = arith.muli %add3A, %mul3A_1593 : i32
      %mul3A_1595 = arith.constant 4 : i32
      %mul3A_1596 = arith.muli %add3A_1586, %mul3A_1595 : i32
      %add3A_1597 = arith.addi %mul3A_1594, %mul3A_1596 : i32
      %multiple_of3A_1598 = tpu.assume_multiple %add3A_1597, 4 : i32
      %mul3A_1599 = arith.constant 128 : i32
      %mul3A_1600 = arith.muli %add3A, %mul3A_1599 : i32
      %mul3A_1601 = arith.constant 2 : i32
      %mul3A_1602 = arith.muli %add3A_1586, %mul3A_1601 : i32
      %add3A_1603 = arith.addi %mul3A_1600, %mul3A_1602 : i32
      %multiple_of3A_1604 = tpu.assume_multiple %add3A_1603, 2 : i32
      %dma_start3A_1605 = arith.constant 0 : i32
      %dma_start3A_1606 = arith.constant 0 : i32
      %dma_start3A_1607 = arith.constant 0 : i32
      %dma_start3A_1608 = tpu.memref_slice %arg8[%dma_start3A_1605, %dma_start3A_1606, %dma_start3A_1607] : memref<2x4x100xi32, #tpu.memory_space<vmem>> -> memref<1x4x100xi32, #tpu.memory_space<vmem>>
      %dma_start3A_1609 = tpu.memref_squeeze %dma_start3A_1608 : memref<1x4x100xi32, #tpu.memory_space<vmem>> -> memref<4x100xi32, #tpu.memory_space<vmem>>
      %dma_start3A_1610 = arith.constant 0 : i32
      %dma_start3A_1611 = tpu.memref_slice %arg2[%multiple_of3A_1598, %dma_start3A_1610] : memref<8192x100xi32, #tpu.memory_space<hbm>> -> memref<4x100xi32, #tpu.memory_space<hbm>>
      %dma_start3A_1612 = arith.constant 0 : i32
      %dma_start3A_1613 = arith.constant 0 : i32
      %dma_start3A_1614 = tpu.memref_slice %arg8[%dma_start3A_1605, %dma_start3A_1612, %dma_start3A_1613] : memref<2x4x100xi32, #tpu.memory_space<vmem>> -> memref<1x4x100xi32, #tpu.memory_space<vmem>>
      %dma_start3A_1615 = tpu.memref_squeeze %dma_start3A_1614 : memref<1x4x100xi32, #tpu.memory_space<vmem>> -> memref<4x100xi32, #tpu.memory_space<vmem>>
      %dma_start3A_1616 = arith.constant 0 : i32
      %dma_start3A_1617 = tpu.memref_slice %arg2[%multiple_of3A_1598, %dma_start3A_1616] : memref<8192x100xi32, #tpu.memory_space<hbm>> -> memref<4x100xi32, #tpu.memory_space<hbm>>
      tpu.enqueue_dma source(%dma_start3A_1617 : memref<4x100xi32, #tpu.memory_space<hbm>>) target(%dma_start3A_1615 : memref<4x100xi32, #tpu.memory_space<vmem>>) target_semaphore(%arg14 : memref<!tpu.dma_semaphore, #tpu.memory_space<semaphore_mem>>)
      %dma_start3A_1618 = arith.constant 0 : i32
      %dma_start3A_1619 = arith.constant 0 : i32
      %dma_start3A_1620 = tpu.memref_slice %arg9[%dma_start3A_1618, %dma_start3A_1619] : memref<2x400xi32, #tpu.memory_space<vmem>> -> memref<1x400xi32, #tpu.memory_space<vmem>>
      %dma_start3A_1621 = tpu.memref_squeeze %dma_start3A_1620 : memref<1x400xi32, #tpu.memory_space<vmem>> -> memref<400xi32, #tpu.memory_space<vmem>>
      %dma_start3A_1622 = tpu.memref_slice %arg3[%multiple_of3A_1592] : memref<819200xi32, #tpu.memory_space<hbm>> -> memref<400xi32, #tpu.memory_space<hbm>>
      %dma_start3A_1623 = arith.constant 0 : i32
      %dma_start3A_1624 = tpu.memref_slice %arg9[%dma_start3A_1618, %dma_start3A_1623] : memref<2x400xi32, #tpu.memory_space<vmem>> -> memref<1x400xi32, #tpu.memory_space<vmem>>
      %dma_start3A_1625 = tpu.memref_squeeze %dma_start3A_1624 : memref<1x400xi32, #tpu.memory_space<vmem>> -> memref<400xi32, #tpu.memory_space<vmem>>
      %dma_start3A_1626 = tpu.memref_slice %arg3[%multiple_of3A_1592] : memref<819200xi32, #tpu.memory_space<hbm>> -> memref<400xi32, #tpu.memory_space<hbm>>
      tpu.enqueue_dma source(%dma_start3A_1626 : memref<400xi32, #tpu.memory_space<hbm>>) target(%dma_start3A_1625 : memref<400xi32, #tpu.memory_space<vmem>>) target_semaphore(%arg14 : memref<!tpu.dma_semaphore, #tpu.memory_space<semaphore_mem>>)
      %dma_start3A_1627 = arith.constant 0 : i32
      %dma_start3A_1628 = arith.constant 0 : i32
      %dma_start3A_1629 = tpu.memref_slice %arg10[%dma_start3A_1627, %dma_start3A_1628] : memref<2x400xi32, #tpu.memory_space<vmem>> -> memref<1x400xi32, #tpu.memory_space<vmem>>
      %dma_start3A_1630 = tpu.memref_squeeze %dma_start3A_1629 : memref<1x400xi32, #tpu.memory_space<vmem>> -> memref<400xi32, #tpu.memory_space<vmem>>
      %dma_start3A_1631 = tpu.memref_slice %arg4[%multiple_of3A_1592] : memref<819200xi32, #tpu.memory_space<hbm>> -> memref<400xi32, #tpu.memory_space<hbm>>
      %dma_start3A_1632 = arith.constant 0 : i32
      %dma_start3A_1633 = tpu.memref_slice %arg10[%dma_start3A_1627, %dma_start3A_1632] : memref<2x400xi32, #tpu.memory_space<vmem>> -> memref<1x400xi32, #tpu.memory_space<vmem>>
      %dma_start3A_1634 = tpu.memref_squeeze %dma_start3A_1633 : memref<1x400xi32, #tpu.memory_space<vmem>> -> memref<400xi32, #tpu.memory_space<vmem>>
      %dma_start3A_1635 = tpu.memref_slice %arg4[%multiple_of3A_1592] : memref<819200xi32, #tpu.memory_space<hbm>> -> memref<400xi32, #tpu.memory_space<hbm>>
      tpu.enqueue_dma source(%dma_start3A_1635 : memref<400xi32, #tpu.memory_space<hbm>>) target(%dma_start3A_1634 : memref<400xi32, #tpu.memory_space<vmem>>) target_semaphore(%arg14 : memref<!tpu.dma_semaphore, #tpu.memory_space<semaphore_mem>>)
      %mul3A_1636 = arith.constant 25600 : i32
      %mul3A_1637 = arith.muli %add3A, %mul3A_1636 : i32
      %mul3A_1638 = arith.constant 400 : i32
      %mul3A_1639 = arith.muli %mul3A_1331, %mul3A_1638 : i32
      %add3A_1640 = arith.addi %mul3A_1637, %mul3A_1639 : i32
      %multiple_of3A_1641 = tpu.assume_multiple %add3A_1640, 400 : i32
      %mul3A_1642 = arith.constant 256 : i32
      %mul3A_1643 = arith.muli %add3A, %mul3A_1642 : i32
      %mul3A_1644 = arith.constant 4 : i32
      %mul3A_1645 = arith.muli %mul3A_1331, %mul3A_1644 : i32
      %add3A_1646 = arith.addi %mul3A_1643, %mul3A_1645 : i32
      %multiple_of3A_1647 = tpu.assume_multiple %add3A_1646, 4 : i32
      %mul3A_1648 = arith.constant 128 : i32
      %mul3A_1649 = arith.muli %add3A, %mul3A_1648 : i32
      %mul3A_1650 = arith.constant 2 : i32
      %mul3A_1651 = arith.muli %mul3A_1331, %mul3A_1650 : i32
      %add3A_1652 = arith.addi %mul3A_1649, %mul3A_1651 : i32
      %multiple_of3A_1653 = tpu.assume_multiple %add3A_1652, 2 : i32
      %dma_start3A_1654 = arith.constant 0 : i32
      %dma_start3A_1655 = arith.constant 0 : i32
      %dma_start3A_1656 = arith.constant 0 : i32
      %dma_start3A_1657 = arith.constant 0 : i32
      %dma_start3A_1658 = tpu.memref_slice %arg13[%dma_start3A_1654, %dma_start3A_1655, %dma_start3A_1656, %dma_start3A_1657] : memref<2x2x200x60xf32, #tpu.memory_space<vmem>> -> memref<1x2x200x60xf32, #tpu.memory_space<vmem>>
      %dma_start3A_1659 = tpu.memref_squeeze %dma_start3A_1658 : memref<1x2x200x60xf32, #tpu.memory_space<vmem>> -> memref<2x200x60xf32, #tpu.memory_space<vmem>>
      %dma_start3A_1660 = arith.constant 0 : i32
      %dma_start3A_1661 = arith.constant 0 : i32
      %dma_start3A_1662 = tpu.memref_slice %arg7[%multiple_of3A_1653, %dma_start3A_1660, %dma_start3A_1661] : memref<4096x200x60xf32, #tpu.memory_space<hbm>> -> memref<2x200x60xf32, #tpu.memory_space<hbm>>
      %dma_start3A_1663 = arith.constant 0 : i32
      %dma_start3A_1664 = arith.constant 0 : i32
      %dma_start3A_1665 = tpu.memref_slice %arg7[%multiple_of3A_1653, %dma_start3A_1663, %dma_start3A_1664] : memref<4096x200x60xf32, #tpu.memory_space<hbm>> -> memref<2x200x60xf32, #tpu.memory_space<hbm>>
      %dma_start3A_1666 = arith.constant 0 : i32
      %dma_start3A_1667 = arith.constant 0 : i32
      %dma_start3A_1668 = arith.constant 0 : i32
      %dma_start3A_1669 = tpu.memref_slice %arg13[%dma_start3A_1654, %dma_start3A_1666, %dma_start3A_1667, %dma_start3A_1668] : memref<2x2x200x60xf32, #tpu.memory_space<vmem>> -> memref<1x2x200x60xf32, #tpu.memory_space<vmem>>
      %dma_start3A_1670 = tpu.memref_squeeze %dma_start3A_1669 : memref<1x2x200x60xf32, #tpu.memory_space<vmem>> -> memref<2x200x60xf32, #tpu.memory_space<vmem>>
      tpu.enqueue_dma source(%dma_start3A_1670 : memref<2x200x60xf32, #tpu.memory_space<vmem>>) target(%dma_start3A_1665 : memref<2x200x60xf32, #tpu.memory_space<hbm>>) target_semaphore(%arg16 : memref<!tpu.dma_semaphore, #tpu.memory_space<semaphore_mem>>)
      %dma_start3A_1671 = arith.constant 0 : i32
      %dma_start3A_1672 = arith.constant 0 : i32
      %dma_start3A_1673 = arith.constant 0 : i32
      %dma_start3A_1674 = arith.constant 0 : i32
      %dma_start3A_1675 = tpu.memref_slice %arg12[%dma_start3A_1671, %dma_start3A_1672, %dma_start3A_1673, %dma_start3A_1674] : memref<2x2x200x56xf32, #tpu.memory_space<vmem>> -> memref<1x2x200x56xf32, #tpu.memory_space<vmem>>
      %dma_start3A_1676 = tpu.memref_squeeze %dma_start3A_1675 : memref<1x2x200x56xf32, #tpu.memory_space<vmem>> -> memref<2x200x56xf32, #tpu.memory_space<vmem>>
      %dma_start3A_1677 = arith.constant 0 : i32
      %dma_start3A_1678 = arith.constant 0 : i32
      %dma_start3A_1679 = tpu.memref_slice %arg7[%multiple_of3A_1653, %dma_start3A_1677, %dma_start3A_1678] : memref<4096x200x60xf32, #tpu.memory_space<hbm>> -> memref<2x200x56xf32, #tpu.memory_space<hbm>>
      %dma_start3A_1680 = arith.constant 0 : i32
      %dma_start3A_1681 = arith.constant 0 : i32
      %dma_start3A_1682 = tpu.memref_slice %arg7[%multiple_of3A_1653, %dma_start3A_1680, %dma_start3A_1681] : memref<4096x200x60xf32, #tpu.memory_space<hbm>> -> memref<2x200x56xf32, #tpu.memory_space<hbm>>
      %dma_start3A_1683 = arith.constant 0 : i32
      %dma_start3A_1684 = arith.constant 0 : i32
      %dma_start3A_1685 = arith.constant 0 : i32
      %dma_start3A_1686 = tpu.memref_slice %arg12[%dma_start3A_1671, %dma_start3A_1683, %dma_start3A_1684, %dma_start3A_1685] : memref<2x2x200x56xf32, #tpu.memory_space<vmem>> -> memref<1x2x200x56xf32, #tpu.memory_space<vmem>>
      %dma_start3A_1687 = tpu.memref_squeeze %dma_start3A_1686 : memref<1x2x200x56xf32, #tpu.memory_space<vmem>> -> memref<2x200x56xf32, #tpu.memory_space<vmem>>
      tpu.enqueue_dma source(%dma_start3A_1687 : memref<2x200x56xf32, #tpu.memory_space<vmem>>) target(%dma_start3A_1682 : memref<2x200x56xf32, #tpu.memory_space<hbm>>) target_semaphore(%arg16 : memref<!tpu.dma_semaphore, #tpu.memory_space<semaphore_mem>>)
      %add3A_1688 = arith.constant 1 : i32
      %add3A_1689 = arith.addi %mul3A_1331, %add3A_1688 : i32
      %dma_wait3A_1690 = arith.constant 1 : i32
      %dma_wait3A_1691 = arith.constant 0 : i32
      %dma_wait3A_1692 = arith.constant 0 : i32
      %dma_wait3A_1693 = arith.constant 0 : i32
      %dma_wait3A_1694 = tpu.memref_slice %arg12[%dma_wait3A_1690, %dma_wait3A_1691, %dma_wait3A_1692, %dma_wait3A_1693] : memref<2x2x200x56xf32, #tpu.memory_space<vmem>> -> memref<1x1x200x56xf32, #tpu.memory_space<vmem>>
      %dma_wait3A_1695 = tpu.memref_squeeze %dma_wait3A_1694 : memref<1x1x200x56xf32, #tpu.memory_space<vmem>> -> memref<200x56xf32, #tpu.memory_space<vmem>>
      %dma_wait3A_1696 = arith.constant 0 : i32
      %dma_wait3A_1697 = arith.constant 0 : i32
      %dma_wait3A_1698 = tpu.memref_slice %dma_wait3A_1695[%dma_wait3A_1696, %dma_wait3A_1697] : memref<200x56xf32, #tpu.memory_space<vmem>> -> memref<100x56xf32, #tpu.memory_space<vmem>>
      %dma_wait3A_1699 = arith.constant 0 : i32
      %dma_wait3A_1700 = arith.constant 0 : i32
      %dma_wait3A_1701 = tpu.memref_slice %arg5[%dma_wait3A_1699, %dma_wait3A_1700] : memref<100002x56xf32, #tpu.memory_space<hbm>> -> memref<100x56xf32, #tpu.memory_space<hbm>>
      %dma_wait3A_1702 = arith.constant 0 : i32
      %dma_wait3A_1703 = arith.constant 0 : i32
      %dma_wait3A_1704 = tpu.memref_slice %arg12[%dma_wait3A_1690, %dma_wait3A_1691, %dma_wait3A_1702, %dma_wait3A_1703] : memref<2x2x200x56xf32, #tpu.memory_space<vmem>> -> memref<1x1x200x56xf32, #tpu.memory_space<vmem>>
      %dma_wait3A_1705 = tpu.memref_squeeze %dma_wait3A_1704 : memref<1x1x200x56xf32, #tpu.memory_space<vmem>> -> memref<200x56xf32, #tpu.memory_space<vmem>>
      %dma_wait3A_1706 = arith.constant 0 : i32
      %dma_wait3A_1707 = arith.constant 0 : i32
      %dma_wait3A_1708 = tpu.memref_slice %dma_wait3A_1705[%dma_wait3A_1706, %dma_wait3A_1707] : memref<200x56xf32, #tpu.memory_space<vmem>> -> memref<100x56xf32, #tpu.memory_space<vmem>>
      %dma_wait3A_1709 = arith.constant 0 : i32
      %dma_wait3A_1710 = arith.constant 0 : i32
      %dma_wait3A_1711 = tpu.memref_slice %arg5[%dma_wait3A_1709, %dma_wait3A_1710] : memref<100002x56xf32, #tpu.memory_space<hbm>> -> memref<100x56xf32, #tpu.memory_space<hbm>>
      tpu.wait_dma2 semaphore(%arg15 : memref<!tpu.dma_semaphore, #tpu.memory_space<semaphore_mem>>) src(%dma_wait3A_1711 : memref<100x56xf32, #tpu.memory_space<hbm>>) dst(%dma_wait3A_1708 : memref<100x56xf32, #tpu.memory_space<vmem>>)
      %dma_wait3A_1712 = arith.constant 1 : i32
      %dma_wait3A_1713 = arith.constant 0 : i32
      %dma_wait3A_1714 = arith.constant 0 : i32
      %dma_wait3A_1715 = arith.constant 0 : i32
      %dma_wait3A_1716 = tpu.memref_slice %arg12[%dma_wait3A_1712, %dma_wait3A_1713, %dma_wait3A_1714, %dma_wait3A_1715] : memref<2x2x200x56xf32, #tpu.memory_space<vmem>> -> memref<1x1x200x56xf32, #tpu.memory_space<vmem>>
      %dma_wait3A_1717 = tpu.memref_squeeze %dma_wait3A_1716 : memref<1x1x200x56xf32, #tpu.memory_space<vmem>> -> memref<200x56xf32, #tpu.memory_space<vmem>>
      %dma_wait3A_1718 = arith.constant 100 : i32
      %dma_wait3A_1719 = arith.constant 0 : i32
      %dma_wait3A_1720 = tpu.memref_slice %dma_wait3A_1717[%dma_wait3A_1718, %dma_wait3A_1719] : memref<200x56xf32, #tpu.memory_space<vmem>> -> memref<100x56xf32, #tpu.memory_space<vmem>>
      %dma_wait3A_1721 = arith.constant 0 : i32
      %dma_wait3A_1722 = arith.constant 0 : i32
      %dma_wait3A_1723 = tpu.memref_slice %arg5[%dma_wait3A_1721, %dma_wait3A_1722] : memref<100002x56xf32, #tpu.memory_space<hbm>> -> memref<100x56xf32, #tpu.memory_space<hbm>>
      %dma_wait3A_1724 = arith.constant 0 : i32
      %dma_wait3A_1725 = arith.constant 0 : i32
      %dma_wait3A_1726 = tpu.memref_slice %arg12[%dma_wait3A_1712, %dma_wait3A_1713, %dma_wait3A_1724, %dma_wait3A_1725] : memref<2x2x200x56xf32, #tpu.memory_space<vmem>> -> memref<1x1x200x56xf32, #tpu.memory_space<vmem>>
      %dma_wait3A_1727 = tpu.memref_squeeze %dma_wait3A_1726 : memref<1x1x200x56xf32, #tpu.memory_space<vmem>> -> memref<200x56xf32, #tpu.memory_space<vmem>>
      %dma_wait3A_1728 = arith.constant 100 : i32
      %dma_wait3A_1729 = arith.constant 0 : i32
      %dma_wait3A_1730 = tpu.memref_slice %dma_wait3A_1727[%dma_wait3A_1728, %dma_wait3A_1729] : memref<200x56xf32, #tpu.memory_space<vmem>> -> memref<100x56xf32, #tpu.memory_space<vmem>>
      %dma_wait3A_1731 = arith.constant 0 : i32
      %dma_wait3A_1732 = arith.constant 0 : i32
      %dma_wait3A_1733 = tpu.memref_slice %arg5[%dma_wait3A_1731, %dma_wait3A_1732] : memref<100002x56xf32, #tpu.memory_space<hbm>> -> memref<100x56xf32, #tpu.memory_space<hbm>>
      tpu.wait_dma2 semaphore(%arg15 : memref<!tpu.dma_semaphore, #tpu.memory_space<semaphore_mem>>) src(%dma_wait3A_1733 : memref<100x56xf32, #tpu.memory_space<hbm>>) dst(%dma_wait3A_1730 : memref<100x56xf32, #tpu.memory_space<vmem>>)
      %dma_wait3A_1734 = arith.constant 1 : i32
      %dma_wait3A_1735 = arith.constant 1 : i32
      %dma_wait3A_1736 = arith.constant 0 : i32
      %dma_wait3A_1737 = arith.constant 0 : i32
      %dma_wait3A_1738 = tpu.memref_slice %arg12[%dma_wait3A_1734, %dma_wait3A_1735, %dma_wait3A_1736, %dma_wait3A_1737] : memref<2x2x200x56xf32, #tpu.memory_space<vmem>> -> memref<1x1x200x56xf32, #tpu.memory_space<vmem>>
      %dma_wait3A_1739 = tpu.memref_squeeze %dma_wait3A_1738 : memref<1x1x200x56xf32, #tpu.memory_space<vmem>> -> memref<200x56xf32, #tpu.memory_space<vmem>>
      %dma_wait3A_1740 = arith.constant 0 : i32
      %dma_wait3A_1741 = arith.constant 0 : i32
      %dma_wait3A_1742 = tpu.memref_slice %dma_wait3A_1739[%dma_wait3A_1740, %dma_wait3A_1741] : memref<200x56xf32, #tpu.memory_space<vmem>> -> memref<100x56xf32, #tpu.memory_space<vmem>>
      %dma_wait3A_1743 = arith.constant 0 : i32
      %dma_wait3A_1744 = arith.constant 0 : i32
      %dma_wait3A_1745 = tpu.memref_slice %arg5[%dma_wait3A_1743, %dma_wait3A_1744] : memref<100002x56xf32, #tpu.memory_space<hbm>> -> memref<100x56xf32, #tpu.memory_space<hbm>>
      %dma_wait3A_1746 = arith.constant 0 : i32
      %dma_wait3A_1747 = arith.constant 0 : i32
      %dma_wait3A_1748 = tpu.memref_slice %arg12[%dma_wait3A_1734, %dma_wait3A_1735, %dma_wait3A_1746, %dma_wait3A_1747] : memref<2x2x200x56xf32, #tpu.memory_space<vmem>> -> memref<1x1x200x56xf32, #tpu.memory_space<vmem>>
      %dma_wait3A_1749 = tpu.memref_squeeze %dma_wait3A_1748 : memref<1x1x200x56xf32, #tpu.memory_space<vmem>> -> memref<200x56xf32, #tpu.memory_space<vmem>>
      %dma_wait3A_1750 = arith.constant 0 : i32
      %dma_wait3A_1751 = arith.constant 0 : i32
      %dma_wait3A_1752 = tpu.memref_slice %dma_wait3A_1749[%dma_wait3A_1750, %dma_wait3A_1751] : memref<200x56xf32, #tpu.memory_space<vmem>> -> memref<100x56xf32, #tpu.memory_space<vmem>>
      %dma_wait3A_1753 = arith.constant 0 : i32
      %dma_wait3A_1754 = arith.constant 0 : i32
      %dma_wait3A_1755 = tpu.memref_slice %arg5[%dma_wait3A_1753, %dma_wait3A_1754] : memref<100002x56xf32, #tpu.memory_space<hbm>> -> memref<100x56xf32, #tpu.memory_space<hbm>>
      tpu.wait_dma2 semaphore(%arg15 : memref<!tpu.dma_semaphore, #tpu.memory_space<semaphore_mem>>) src(%dma_wait3A_1755 : memref<100x56xf32, #tpu.memory_space<hbm>>) dst(%dma_wait3A_1752 : memref<100x56xf32, #tpu.memory_space<vmem>>)
      %dma_wait3A_1756 = arith.constant 1 : i32
      %dma_wait3A_1757 = arith.constant 1 : i32
      %dma_wait3A_1758 = arith.constant 0 : i32
      %dma_wait3A_1759 = arith.constant 0 : i32
      %dma_wait3A_1760 = tpu.memref_slice %arg12[%dma_wait3A_1756, %dma_wait3A_1757, %dma_wait3A_1758, %dma_wait3A_1759] : memref<2x2x200x56xf32, #tpu.memory_space<vmem>> -> memref<1x1x200x56xf32, #tpu.memory_space<vmem>>
      %dma_wait3A_1761 = tpu.memref_squeeze %dma_wait3A_1760 : memref<1x1x200x56xf32, #tpu.memory_space<vmem>> -> memref<200x56xf32, #tpu.memory_space<vmem>>
      %dma_wait3A_1762 = arith.constant 100 : i32
      %dma_wait3A_1763 = arith.constant 0 : i32
      %dma_wait3A_1764 = tpu.memref_slice %dma_wait3A_1761[%dma_wait3A_1762, %dma_wait3A_1763] : memref<200x56xf32, #tpu.memory_space<vmem>> -> memref<100x56xf32, #tpu.memory_space<vmem>>
      %dma_wait3A_1765 = arith.constant 0 : i32
      %dma_wait3A_1766 = arith.constant 0 : i32
      %dma_wait3A_1767 = tpu.memref_slice %arg5[%dma_wait3A_1765, %dma_wait3A_1766] : memref<100002x56xf32, #tpu.memory_space<hbm>> -> memref<100x56xf32, #tpu.memory_space<hbm>>
      %dma_wait3A_1768 = arith.constant 0 : i32
      %dma_wait3A_1769 = arith.constant 0 : i32
      %dma_wait3A_1770 = tpu.memref_slice %arg12[%dma_wait3A_1756, %dma_wait3A_1757, %dma_wait3A_1768, %dma_wait3A_1769] : memref<2x2x200x56xf32, #tpu.memory_space<vmem>> -> memref<1x1x200x56xf32, #tpu.memory_space<vmem>>
      %dma_wait3A_1771 = tpu.memref_squeeze %dma_wait3A_1770 : memref<1x1x200x56xf32, #tpu.memory_space<vmem>> -> memref<200x56xf32, #tpu.memory_space<vmem>>
      %dma_wait3A_1772 = arith.constant 100 : i32
      %dma_wait3A_1773 = arith.constant 0 : i32
      %dma_wait3A_1774 = tpu.memref_slice %dma_wait3A_1771[%dma_wait3A_1772, %dma_wait3A_1773] : memref<200x56xf32, #tpu.memory_space<vmem>> -> memref<100x56xf32, #tpu.memory_space<vmem>>
      %dma_wait3A_1775 = arith.constant 0 : i32
      %dma_wait3A_1776 = arith.constant 0 : i32
      %dma_wait3A_1777 = tpu.memref_slice %arg5[%dma_wait3A_1775, %dma_wait3A_1776] : memref<100002x56xf32, #tpu.memory_space<hbm>> -> memref<100x56xf32, #tpu.memory_space<hbm>>
      tpu.wait_dma2 semaphore(%arg15 : memref<!tpu.dma_semaphore, #tpu.memory_space<semaphore_mem>>) src(%dma_wait3A_1777 : memref<100x56xf32, #tpu.memory_space<hbm>>) dst(%dma_wait3A_1774 : memref<100x56xf32, #tpu.memory_space<vmem>>)
      %dma_wait3A_1778 = arith.constant 0 : i32
      %dma_wait3A_1779 = arith.constant 0 : i32
      %dma_wait3A_1780 = arith.constant 0 : i32
      %dma_wait3A_1781 = tpu.memref_slice %arg8[%dma_wait3A_1778, %dma_wait3A_1779, %dma_wait3A_1780] : memref<2x4x100xi32, #tpu.memory_space<vmem>> -> memref<1x4x100xi32, #tpu.memory_space<vmem>>
      %dma_wait3A_1782 = tpu.memref_squeeze %dma_wait3A_1781 : memref<1x4x100xi32, #tpu.memory_space<vmem>> -> memref<4x100xi32, #tpu.memory_space<vmem>>
      %dma_wait3A_1783 = arith.constant 0 : i32
      %dma_wait3A_1784 = arith.constant 0 : i32
      %dma_wait3A_1785 = tpu.memref_slice %arg2[%dma_wait3A_1783, %dma_wait3A_1784] : memref<8192x100xi32, #tpu.memory_space<hbm>> -> memref<4x100xi32, #tpu.memory_space<hbm>>
      %dma_wait3A_1786 = arith.constant 0 : i32
      %dma_wait3A_1787 = arith.constant 0 : i32
      %dma_wait3A_1788 = tpu.memref_slice %arg8[%dma_wait3A_1778, %dma_wait3A_1786, %dma_wait3A_1787] : memref<2x4x100xi32, #tpu.memory_space<vmem>> -> memref<1x4x100xi32, #tpu.memory_space<vmem>>
      %dma_wait3A_1789 = tpu.memref_squeeze %dma_wait3A_1788 : memref<1x4x100xi32, #tpu.memory_space<vmem>> -> memref<4x100xi32, #tpu.memory_space<vmem>>
      %dma_wait3A_1790 = arith.constant 0 : i32
      %dma_wait3A_1791 = arith.constant 0 : i32
      %dma_wait3A_1792 = tpu.memref_slice %arg2[%dma_wait3A_1790, %dma_wait3A_1791] : memref<8192x100xi32, #tpu.memory_space<hbm>> -> memref<4x100xi32, #tpu.memory_space<hbm>>
      tpu.wait_dma2 semaphore(%arg14 : memref<!tpu.dma_semaphore, #tpu.memory_space<semaphore_mem>>) src(%dma_wait3A_1792 : memref<4x100xi32, #tpu.memory_space<hbm>>) dst(%dma_wait3A_1789 : memref<4x100xi32, #tpu.memory_space<vmem>>)
      %dma_wait3A_1793 = arith.constant 0 : i32
      %dma_wait3A_1794 = arith.constant 0 : i32
      %dma_wait3A_1795 = tpu.memref_slice %arg9[%dma_wait3A_1793, %dma_wait3A_1794] : memref<2x400xi32, #tpu.memory_space<vmem>> -> memref<1x400xi32, #tpu.memory_space<vmem>>
      %dma_wait3A_1796 = tpu.memref_squeeze %dma_wait3A_1795 : memref<1x400xi32, #tpu.memory_space<vmem>> -> memref<400xi32, #tpu.memory_space<vmem>>
      %dma_wait3A_1797 = arith.constant 0 : i32
      %dma_wait3A_1798 = tpu.memref_slice %arg3[%dma_wait3A_1797] : memref<819200xi32, #tpu.memory_space<hbm>> -> memref<400xi32, #tpu.memory_space<hbm>>
      %dma_wait3A_1799 = arith.constant 0 : i32
      %dma_wait3A_1800 = tpu.memref_slice %arg9[%dma_wait3A_1793, %dma_wait3A_1799] : memref<2x400xi32, #tpu.memory_space<vmem>> -> memref<1x400xi32, #tpu.memory_space<vmem>>
      %dma_wait3A_1801 = tpu.memref_squeeze %dma_wait3A_1800 : memref<1x400xi32, #tpu.memory_space<vmem>> -> memref<400xi32, #tpu.memory_space<vmem>>
      %dma_wait3A_1802 = arith.constant 0 : i32
      %dma_wait3A_1803 = tpu.memref_slice %arg3[%dma_wait3A_1802] : memref<819200xi32, #tpu.memory_space<hbm>> -> memref<400xi32, #tpu.memory_space<hbm>>
      tpu.wait_dma2 semaphore(%arg14 : memref<!tpu.dma_semaphore, #tpu.memory_space<semaphore_mem>>) src(%dma_wait3A_1803 : memref<400xi32, #tpu.memory_space<hbm>>) dst(%dma_wait3A_1801 : memref<400xi32, #tpu.memory_space<vmem>>)
      %dma_wait3A_1804 = arith.constant 0 : i32
      %dma_wait3A_1805 = arith.constant 0 : i32
      %dma_wait3A_1806 = tpu.memref_slice %arg10[%dma_wait3A_1804, %dma_wait3A_1805] : memref<2x400xi32, #tpu.memory_space<vmem>> -> memref<1x400xi32, #tpu.memory_space<vmem>>
      %dma_wait3A_1807 = tpu.memref_squeeze %dma_wait3A_1806 : memref<1x400xi32, #tpu.memory_space<vmem>> -> memref<400xi32, #tpu.memory_space<vmem>>
      %dma_wait3A_1808 = arith.constant 0 : i32
      %dma_wait3A_1809 = tpu.memref_slice %arg4[%dma_wait3A_1808] : memref<819200xi32, #tpu.memory_space<hbm>> -> memref<400xi32, #tpu.memory_space<hbm>>
      %dma_wait3A_1810 = arith.constant 0 : i32
      %dma_wait3A_1811 = tpu.memref_slice %arg10[%dma_wait3A_1804, %dma_wait3A_1810] : memref<2x400xi32, #tpu.memory_space<vmem>> -> memref<1x400xi32, #tpu.memory_space<vmem>>
      %dma_wait3A_1812 = tpu.memref_squeeze %dma_wait3A_1811 : memref<1x400xi32, #tpu.memory_space<vmem>> -> memref<400xi32, #tpu.memory_space<vmem>>
      %dma_wait3A_1813 = arith.constant 0 : i32
      %dma_wait3A_1814 = tpu.memref_slice %arg4[%dma_wait3A_1813] : memref<819200xi32, #tpu.memory_space<hbm>> -> memref<400xi32, #tpu.memory_space<hbm>>
      tpu.wait_dma2 semaphore(%arg14 : memref<!tpu.dma_semaphore, #tpu.memory_space<semaphore_mem>>) src(%dma_wait3A_1814 : memref<400xi32, #tpu.memory_space<hbm>>) dst(%dma_wait3A_1812 : memref<400xi32, #tpu.memory_space<vmem>>)
      %dma_wait3A_1815 = arith.constant 0 : i32
      %dma_wait3A_1816 = arith.constant 0 : i32
      %dma_wait3A_1817 = arith.constant 0 : i32
      %dma_wait3A_1818 = arith.constant 0 : i32
      %dma_wait3A_1819 = tpu.memref_slice %arg13[%dma_wait3A_1815, %dma_wait3A_1816, %dma_wait3A_1817, %dma_wait3A_1818] : memref<2x2x200x60xf32, #tpu.memory_space<vmem>> -> memref<1x2x200x60xf32, #tpu.memory_space<vmem>>
      %dma_wait3A_1820 = tpu.memref_squeeze %dma_wait3A_1819 : memref<1x2x200x60xf32, #tpu.memory_space<vmem>> -> memref<2x200x60xf32, #tpu.memory_space<vmem>>
      %dma_wait3A_1821 = arith.constant 0 : i32
      %dma_wait3A_1822 = arith.constant 0 : i32
      %dma_wait3A_1823 = arith.constant 0 : i32
      %dma_wait3A_1824 = tpu.memref_slice %arg7[%dma_wait3A_1821, %dma_wait3A_1822, %dma_wait3A_1823] : memref<4096x200x60xf32, #tpu.memory_space<hbm>> -> memref<2x200x60xf32, #tpu.memory_space<hbm>>
      %dma_wait3A_1825 = arith.constant 0 : i32
      %dma_wait3A_1826 = arith.constant 0 : i32
      %dma_wait3A_1827 = arith.constant 0 : i32
      %dma_wait3A_1828 = tpu.memref_slice %arg7[%dma_wait3A_1825, %dma_wait3A_1826, %dma_wait3A_1827] : memref<4096x200x60xf32, #tpu.memory_space<hbm>> -> memref<2x200x60xf32, #tpu.memory_space<hbm>>
      %dma_wait3A_1829 = arith.constant 0 : i32
      %dma_wait3A_1830 = arith.constant 0 : i32
      %dma_wait3A_1831 = arith.constant 0 : i32
      %dma_wait3A_1832 = tpu.memref_slice %arg13[%dma_wait3A_1815, %dma_wait3A_1829, %dma_wait3A_1830, %dma_wait3A_1831] : memref<2x2x200x60xf32, #tpu.memory_space<vmem>> -> memref<1x2x200x60xf32, #tpu.memory_space<vmem>>
      %dma_wait3A_1833 = tpu.memref_squeeze %dma_wait3A_1832 : memref<1x2x200x60xf32, #tpu.memory_space<vmem>> -> memref<2x200x60xf32, #tpu.memory_space<vmem>>
      tpu.wait_dma2 semaphore(%arg16 : memref<!tpu.dma_semaphore, #tpu.memory_space<semaphore_mem>>) src(%dma_wait3A_1833 : memref<2x200x60xf32, #tpu.memory_space<vmem>>) dst(%dma_wait3A_1828 : memref<2x200x60xf32, #tpu.memory_space<hbm>>)
      %dma_wait3A_1834 = arith.constant 0 : i32
      %dma_wait3A_1835 = arith.constant 0 : i32
      %dma_wait3A_1836 = arith.constant 0 : i32
      %dma_wait3A_1837 = arith.constant 0 : i32
      %dma_wait3A_1838 = tpu.memref_slice %arg12[%dma_wait3A_1834, %dma_wait3A_1835, %dma_wait3A_1836, %dma_wait3A_1837] : memref<2x2x200x56xf32, #tpu.memory_space<vmem>> -> memref<1x2x200x56xf32, #tpu.memory_space<vmem>>
      %dma_wait3A_1839 = tpu.memref_squeeze %dma_wait3A_1838 : memref<1x2x200x56xf32, #tpu.memory_space<vmem>> -> memref<2x200x56xf32, #tpu.memory_space<vmem>>
      %dma_wait3A_1840 = arith.constant 0 : i32
      %dma_wait3A_1841 = arith.constant 0 : i32
      %dma_wait3A_1842 = arith.constant 0 : i32
      %dma_wait3A_1843 = tpu.memref_slice %arg7[%dma_wait3A_1840, %dma_wait3A_1841, %dma_wait3A_1842] : memref<4096x200x60xf32, #tpu.memory_space<hbm>> -> memref<2x200x56xf32, #tpu.memory_space<hbm>>
      %dma_wait3A_1844 = arith.constant 0 : i32
      %dma_wait3A_1845 = arith.constant 0 : i32
      %dma_wait3A_1846 = arith.constant 0 : i32
      %dma_wait3A_1847 = tpu.memref_slice %arg7[%dma_wait3A_1844, %dma_wait3A_1845, %dma_wait3A_1846] : memref<4096x200x60xf32, #tpu.memory_space<hbm>> -> memref<2x200x56xf32, #tpu.memory_space<hbm>>
      %dma_wait3A_1848 = arith.constant 0 : i32
      %dma_wait3A_1849 = arith.constant 0 : i32
      %dma_wait3A_1850 = arith.constant 0 : i32
      %dma_wait3A_1851 = tpu.memref_slice %arg12[%dma_wait3A_1834, %dma_wait3A_1848, %dma_wait3A_1849, %dma_wait3A_1850] : memref<2x2x200x56xf32, #tpu.memory_space<vmem>> -> memref<1x2x200x56xf32, #tpu.memory_space<vmem>>
      %dma_wait3A_1852 = tpu.memref_squeeze %dma_wait3A_1851 : memref<1x2x200x56xf32, #tpu.memory_space<vmem>> -> memref<2x200x56xf32, #tpu.memory_space<vmem>>
      tpu.wait_dma2 semaphore(%arg16 : memref<!tpu.dma_semaphore, #tpu.memory_space<semaphore_mem>>) src(%dma_wait3A_1852 : memref<2x200x56xf32, #tpu.memory_space<vmem>>) dst(%dma_wait3A_1847 : memref<2x200x56xf32, #tpu.memory_space<hbm>>)
      %dma_start3A_1853 = arith.constant 0 : i32
      %dma_start3A_1854 = arith.constant 0 : i32
      %dma_start3A_1855 = arith.constant 0 : i32
      %dma_start3A_1856 = arith.constant 0 : i32
      %dma_start3A_1857 = arith.constant 0 : i32
      %dma_start3A_1858 = arith.constant 0 : i32
      %dma_start3A_1859 = tpu.memref_slice %arg12[%dma_start3A_1855, %dma_start3A_1856, %dma_start3A_1857, %dma_start3A_1858] : memref<2x2x200x56xf32, #tpu.memory_space<vmem>> -> memref<1x1x200x56xf32, #tpu.memory_space<vmem>>
      %dma_start3A_1860 = tpu.memref_squeeze %dma_start3A_1859 : memref<1x1x200x56xf32, #tpu.memory_space<vmem>> -> memref<200x56xf32, #tpu.memory_space<vmem>>
      %dma_start3A_1861 = arith.constant 0 : i32
      %dma_start3A_1862 = arith.constant 0 : i32
      %dma_start3A_1863 = tpu.memref_slice %dma_start3A_1860[%dma_start3A_1861, %dma_start3A_1862] : memref<200x56xf32, #tpu.memory_space<vmem>> -> memref<100x56xf32, #tpu.memory_space<vmem>>
      %dma_start3A_1864 = arith.constant 0 : i32
      %dma_start3A_1865 = arith.constant 0 : i32
      %dma_start3A_1866 = tpu.memref_slice %arg8[%dma_start3A_1853, %dma_start3A_1864, %dma_start3A_1865] : memref<2x4x100xi32, #tpu.memory_space<vmem>> -> memref<1x4x100xi32, #tpu.memory_space<vmem>>
      %dma_start3A_1867 = tpu.memref_squeeze %dma_start3A_1866 : memref<1x4x100xi32, #tpu.memory_space<vmem>> -> memref<4x100xi32, #tpu.memory_space<vmem>>
      %dma_start3A_1868 = arith.constant 0 : i32
      %dma_start3A_1869 = tpu.memref_slice %dma_start3A_1867[%dma_start3A_1854, %dma_start3A_1868] : memref<4x100xi32, #tpu.memory_space<vmem>> -> memref<1x100xi32, #tpu.memory_space<vmem>>
      %dma_start3A_1870 = tpu.memref_squeeze %dma_start3A_1869 : memref<1x100xi32, #tpu.memory_space<vmem>> -> memref<100xi32, #tpu.memory_space<vmem>>
      %dma_start3A_1871 = arith.constant 0 : i32
      %dma_start3A_1872 = arith.constant 0 : i32
      %dma_start3A_1873 = tpu.memref_slice %arg5[%dma_start3A_1871, %dma_start3A_1872] : memref<100002x56xf32, #tpu.memory_space<hbm>> -> memref<100002x56xf32, #tpu.memory_space<hbm>>
      tpu.enqueue_indirect_dma source(%dma_start3A_1873 : memref<100002x56xf32, #tpu.memory_space<hbm>>) target(%dma_start3A_1863 : memref<100x56xf32, #tpu.memory_space<vmem>>) offsets(%dma_start3A_1870 : memref<100xi32, #tpu.memory_space<vmem>>) semaphore(%arg15 : memref<!tpu.dma_semaphore, #tpu.memory_space<semaphore_mem>>)
      %dma_start3A_1874 = arith.constant 0 : i32
      %dma_start3A_1875 = arith.constant 1 : i32
      %dma_start3A_1876 = arith.constant 0 : i32
      %dma_start3A_1877 = arith.constant 0 : i32
      %dma_start3A_1878 = arith.constant 0 : i32
      %dma_start3A_1879 = arith.constant 0 : i32
      %dma_start3A_1880 = tpu.memref_slice %arg12[%dma_start3A_1876, %dma_start3A_1877, %dma_start3A_1878, %dma_start3A_1879] : memref<2x2x200x56xf32, #tpu.memory_space<vmem>> -> memref<1x1x200x56xf32, #tpu.memory_space<vmem>>
      %dma_start3A_1881 = tpu.memref_squeeze %dma_start3A_1880 : memref<1x1x200x56xf32, #tpu.memory_space<vmem>> -> memref<200x56xf32, #tpu.memory_space<vmem>>
      %dma_start3A_1882 = arith.constant 100 : i32
      %dma_start3A_1883 = arith.constant 0 : i32
      %dma_start3A_1884 = tpu.memref_slice %dma_start3A_1881[%dma_start3A_1882, %dma_start3A_1883] : memref<200x56xf32, #tpu.memory_space<vmem>> -> memref<100x56xf32, #tpu.memory_space<vmem>>
      %dma_start3A_1885 = arith.constant 0 : i32
      %dma_start3A_1886 = arith.constant 0 : i32
      %dma_start3A_1887 = tpu.memref_slice %arg8[%dma_start3A_1874, %dma_start3A_1885, %dma_start3A_1886] : memref<2x4x100xi32, #tpu.memory_space<vmem>> -> memref<1x4x100xi32, #tpu.memory_space<vmem>>
      %dma_start3A_1888 = tpu.memref_squeeze %dma_start3A_1887 : memref<1x4x100xi32, #tpu.memory_space<vmem>> -> memref<4x100xi32, #tpu.memory_space<vmem>>
      %dma_start3A_1889 = arith.constant 0 : i32
      %dma_start3A_1890 = tpu.memref_slice %dma_start3A_1888[%dma_start3A_1875, %dma_start3A_1889] : memref<4x100xi32, #tpu.memory_space<vmem>> -> memref<1x100xi32, #tpu.memory_space<vmem>>
      %dma_start3A_1891 = tpu.memref_squeeze %dma_start3A_1890 : memref<1x100xi32, #tpu.memory_space<vmem>> -> memref<100xi32, #tpu.memory_space<vmem>>
      %dma_start3A_1892 = arith.constant 0 : i32
      %dma_start3A_1893 = arith.constant 0 : i32
      %dma_start3A_1894 = tpu.memref_slice %arg5[%dma_start3A_1892, %dma_start3A_1893] : memref<100002x56xf32, #tpu.memory_space<hbm>> -> memref<100002x56xf32, #tpu.memory_space<hbm>>
      tpu.enqueue_indirect_dma source(%dma_start3A_1894 : memref<100002x56xf32, #tpu.memory_space<hbm>>) target(%dma_start3A_1884 : memref<100x56xf32, #tpu.memory_space<vmem>>) offsets(%dma_start3A_1891 : memref<100xi32, #tpu.memory_space<vmem>>) semaphore(%arg15 : memref<!tpu.dma_semaphore, #tpu.memory_space<semaphore_mem>>)
      %dma_start3A_1895 = arith.constant 0 : i32
      %dma_start3A_1896 = arith.constant 2 : i32
      %dma_start3A_1897 = arith.constant 0 : i32
      %dma_start3A_1898 = arith.constant 1 : i32
      %dma_start3A_1899 = arith.constant 0 : i32
      %dma_start3A_1900 = arith.constant 0 : i32
      %dma_start3A_1901 = tpu.memref_slice %arg12[%dma_start3A_1897, %dma_start3A_1898, %dma_start3A_1899, %dma_start3A_1900] : memref<2x2x200x56xf32, #tpu.memory_space<vmem>> -> memref<1x1x200x56xf32, #tpu.memory_space<vmem>>
      %dma_start3A_1902 = tpu.memref_squeeze %dma_start3A_1901 : memref<1x1x200x56xf32, #tpu.memory_space<vmem>> -> memref<200x56xf32, #tpu.memory_space<vmem>>
      %dma_start3A_1903 = arith.constant 0 : i32
      %dma_start3A_1904 = arith.constant 0 : i32
      %dma_start3A_1905 = tpu.memref_slice %dma_start3A_1902[%dma_start3A_1903, %dma_start3A_1904] : memref<200x56xf32, #tpu.memory_space<vmem>> -> memref<100x56xf32, #tpu.memory_space<vmem>>
      %dma_start3A_1906 = arith.constant 0 : i32
      %dma_start3A_1907 = arith.constant 0 : i32
      %dma_start3A_1908 = tpu.memref_slice %arg8[%dma_start3A_1895, %dma_start3A_1906, %dma_start3A_1907] : memref<2x4x100xi32, #tpu.memory_space<vmem>> -> memref<1x4x100xi32, #tpu.memory_space<vmem>>
      %dma_start3A_1909 = tpu.memref_squeeze %dma_start3A_1908 : memref<1x4x100xi32, #tpu.memory_space<vmem>> -> memref<4x100xi32, #tpu.memory_space<vmem>>
      %dma_start3A_1910 = arith.constant 0 : i32
      %dma_start3A_1911 = tpu.memref_slice %dma_start3A_1909[%dma_start3A_1896, %dma_start3A_1910] : memref<4x100xi32, #tpu.memory_space<vmem>> -> memref<1x100xi32, #tpu.memory_space<vmem>>
      %dma_start3A_1912 = tpu.memref_squeeze %dma_start3A_1911 : memref<1x100xi32, #tpu.memory_space<vmem>> -> memref<100xi32, #tpu.memory_space<vmem>>
      %dma_start3A_1913 = arith.constant 0 : i32
      %dma_start3A_1914 = arith.constant 0 : i32
      %dma_start3A_1915 = tpu.memref_slice %arg5[%dma_start3A_1913, %dma_start3A_1914] : memref<100002x56xf32, #tpu.memory_space<hbm>> -> memref<100002x56xf32, #tpu.memory_space<hbm>>
      tpu.enqueue_indirect_dma source(%dma_start3A_1915 : memref<100002x56xf32, #tpu.memory_space<hbm>>) target(%dma_start3A_1905 : memref<100x56xf32, #tpu.memory_space<vmem>>) offsets(%dma_start3A_1912 : memref<100xi32, #tpu.memory_space<vmem>>) semaphore(%arg15 : memref<!tpu.dma_semaphore, #tpu.memory_space<semaphore_mem>>)
      %dma_start3A_1916 = arith.constant 0 : i32
      %dma_start3A_1917 = arith.constant 3 : i32
      %dma_start3A_1918 = arith.constant 0 : i32
      %dma_start3A_1919 = arith.constant 1 : i32
      %dma_start3A_1920 = arith.constant 0 : i32
      %dma_start3A_1921 = arith.constant 0 : i32
      %dma_start3A_1922 = tpu.memref_slice %arg12[%dma_start3A_1918, %dma_start3A_1919, %dma_start3A_1920, %dma_start3A_1921] : memref<2x2x200x56xf32, #tpu.memory_space<vmem>> -> memref<1x1x200x56xf32, #tpu.memory_space<vmem>>
      %dma_start3A_1923 = tpu.memref_squeeze %dma_start3A_1922 : memref<1x1x200x56xf32, #tpu.memory_space<vmem>> -> memref<200x56xf32, #tpu.memory_space<vmem>>
      %dma_start3A_1924 = arith.constant 100 : i32
      %dma_start3A_1925 = arith.constant 0 : i32
      %dma_start3A_1926 = tpu.memref_slice %dma_start3A_1923[%dma_start3A_1924, %dma_start3A_1925] : memref<200x56xf32, #tpu.memory_space<vmem>> -> memref<100x56xf32, #tpu.memory_space<vmem>>
      %dma_start3A_1927 = arith.constant 0 : i32
      %dma_start3A_1928 = arith.constant 0 : i32
      %dma_start3A_1929 = tpu.memref_slice %arg8[%dma_start3A_1916, %dma_start3A_1927, %dma_start3A_1928] : memref<2x4x100xi32, #tpu.memory_space<vmem>> -> memref<1x4x100xi32, #tpu.memory_space<vmem>>
      %dma_start3A_1930 = tpu.memref_squeeze %dma_start3A_1929 : memref<1x4x100xi32, #tpu.memory_space<vmem>> -> memref<4x100xi32, #tpu.memory_space<vmem>>
      %dma_start3A_1931 = arith.constant 0 : i32
      %dma_start3A_1932 = tpu.memref_slice %dma_start3A_1930[%dma_start3A_1917, %dma_start3A_1931] : memref<4x100xi32, #tpu.memory_space<vmem>> -> memref<1x100xi32, #tpu.memory_space<vmem>>
      %dma_start3A_1933 = tpu.memref_squeeze %dma_start3A_1932 : memref<1x100xi32, #tpu.memory_space<vmem>> -> memref<100xi32, #tpu.memory_space<vmem>>
      %dma_start3A_1934 = arith.constant 0 : i32
      %dma_start3A_1935 = arith.constant 0 : i32
      %dma_start3A_1936 = tpu.memref_slice %arg5[%dma_start3A_1934, %dma_start3A_1935] : memref<100002x56xf32, #tpu.memory_space<hbm>> -> memref<100002x56xf32, #tpu.memory_space<hbm>>
      tpu.enqueue_indirect_dma source(%dma_start3A_1936 : memref<100002x56xf32, #tpu.memory_space<hbm>>) target(%dma_start3A_1926 : memref<100x56xf32, #tpu.memory_space<vmem>>) offsets(%dma_start3A_1933 : memref<100xi32, #tpu.memory_space<vmem>>) semaphore(%arg15 : memref<!tpu.dma_semaphore, #tpu.memory_space<semaphore_mem>>)
      %scan3A_1937 = arith.constant 0 : i32
      %scan3A_1938 = arith.constant 0 : i32
      %scan3A_1939 = arith.constant 25 : i32
      %scan3A_1940 = arith.addi %scan3A_1938, %scan3A_1939 : i32
      %scan3A_1941 = arith.constant 1 : i32
      scf.for %scan3A_2046 = %scan3A_1938 to %scan3A_1940 step %scan3A_1941  : i32 {
        %mul3A_2047 = arith.constant 16 : i32
        %mul3A_2048 = arith.muli %scan3A_2046, %mul3A_2047 : i32
        %multiple_of3A_2049 = tpu.assume_multiple %mul3A_2048, 16 : i32
        %mul3A_2050 = arith.constant 16 : i32
        %mul3A_2051 = arith.muli %scan3A_2046, %mul3A_2050 : i32
        %add3A_2052 = vector.broadcast %mul3A_2051 : i32 to vector<16xi32>
        %add3A_2053 = arith.addi %add3A_2052, %iota3A : vector<16xi32>
        %jit3A = arith.constant 200 : i32
        %div3A = vector.broadcast %jit3A : i32 to vector<16xi32>
        %div3A_2054 = arith.divsi %add3A_2053, %div3A : vector<16xi32>
        %sign3A = arith.constant 0 : i32
        %sign3A_2055 = vector.broadcast %sign3A : i32 to vector<16xi32>
        %sign3A_2056 = arith.cmpi sgt, %add3A_2053, %sign3A_2055 : vector<16xi32>
        %sign3A_2057 = arith.extui %sign3A_2056 : vector<16xi1> to vector<16xi32>
        %sign3A_2058 = arith.constant 0 : i32
        %sign3A_2059 = vector.broadcast %sign3A_2058 : i32 to vector<16xi32>
        %sign3A_2060 = arith.cmpi slt, %add3A_2053, %sign3A_2059 : vector<16xi32>
        %sign3A_2061 = arith.extui %sign3A_2060 : vector<16xi1> to vector<16xi32>
        %sign3A_2062 = arith.subi %sign3A_2057, %sign3A_2061 : vector<16xi32>
        %sign3A_2063 = arith.constant 0 : i32
        %sign3A_2064 = arith.cmpi sgt, %jit3A, %sign3A_2063 : i32
        %sign3A_2065 = arith.extui %sign3A_2064 : i1 to i32
        %sign3A_2066 = arith.constant 0 : i32
        %sign3A_2067 = arith.cmpi slt, %jit3A, %sign3A_2066 : i32
        %sign3A_2068 = arith.extui %sign3A_2067 : i1 to i32
        %sign3A_2069 = arith.subi %sign3A_2065, %sign3A_2068 : i32
        %ne3A = vector.broadcast %sign3A_2069 : i32 to vector<16xi32>
        %ne3A_2070 = arith.cmpi ne, %sign3A_2062, %ne3A : vector<16xi32>
        %rem3A = vector.broadcast %jit3A : i32 to vector<16xi32>
        %rem3A_2071 = arith.remsi %add3A_2053, %rem3A : vector<16xi32>
        %ne3A_2072 = arith.constant 0 : i32
        %ne3A_2073 = vector.broadcast %ne3A_2072 : i32 to vector<16xi32>
        %ne3A_2074 = arith.cmpi ne, %rem3A_2071, %ne3A_2073 : vector<16xi32>
        %and3A = arith.andi %ne3A_2070, %ne3A_2074 : vector<16xi1>
        %sub3A = arith.constant 1 : i32
        %sub3A_2075 = vector.broadcast %sub3A : i32 to vector<16xi32>
        %sub3A_2076 = arith.subi %div3A_2054, %sub3A_2075 : vector<16xi32>
        %select_n3A = arith.select %and3A, %sub3A_2076, %div3A_2054 : vector<16xi1>, vector<16xi32>
        %mul3A_2077 = arith.constant 200 : i32
        %mul3A_2078 = vector.broadcast %mul3A_2077 : i32 to vector<16xi32>
        %mul3A_2079 = arith.muli %select_n3A, %mul3A_2078 : vector<16xi32>
        %sub3A_2080 = arith.subi %add3A_2053, %mul3A_2079 : vector<16xi32>
        %get3A = arith.constant 1 : i32
        %get3A_2081 = arith.constant 0 : i32
        %get3A_2082 = tpu.memref_slice %arg9[%get3A, %get3A_2081] : memref<2x400xi32, #tpu.memory_space<vmem>> -> memref<1x400xi32, #tpu.memory_space<vmem>>
        %get3A_2083 = tpu.memref_squeeze %get3A_2082 : memref<1x400xi32, #tpu.memory_space<vmem>> -> memref<400xi32, #tpu.memory_space<vmem>>
        %get3A_2084 = arith.index_cast %multiple_of3A_2049 : i32 to index
        %get3A_2085 = tpu.vector_load %get3A_2083[%get3A_2084] {strides = array<i32>} : memref<400xi32, #tpu.memory_space<vmem>>, vector<16xi32>,
        %get3A_2086 = arith.constant 1 : i32
        %get3A_2087 = arith.constant 0 : i32
        %get3A_2088 = tpu.memref_slice %arg10[%get3A_2086, %get3A_2087] : memref<2x400xi32, #tpu.memory_space<vmem>> -> memref<1x400xi32, #tpu.memory_space<vmem>>
        %get3A_2089 = tpu.memref_squeeze %get3A_2088 : memref<1x400xi32, #tpu.memory_space<vmem>> -> memref<400xi32, #tpu.memory_space<vmem>>
        %get3A_2090 = arith.index_cast %multiple_of3A_2049 : i32 to index
        %get3A_2091 = tpu.vector_load %get3A_2089[%get3A_2090] {strides = array<i32>} : memref<400xi32, #tpu.memory_space<vmem>>, vector<16xi32>,
        %mul3A_2092 = arith.constant 5 : i32
        %mul3A_2093 = vector.broadcast %mul3A_2092 : i32 to vector<16xi32>
        %mul3A_2094 = arith.muli %get3A_2085, %mul3A_2093 : vector<16xi32>
        %add3A_2095 = arith.constant 0 : i32
        %add3A_2096 = vector.broadcast %add3A_2095 : i32 to vector<16xi32>
        %add3A_2097 = arith.addi %mul3A_2094, %add3A_2096 : vector<16xi32>
        %gather3A = tpu.vector_load_idx %arg11[%add3A_2097] : memref<4000xf32, #tpu.memory_space<vmem>>[vector<16xi32>], vector<16xf32>,
        %broadcast_in_dim3A = arith.constant 50 : i32
        %broadcast_in_dim3A_2098 = vector.broadcast %broadcast_in_dim3A : i32 to vector<16xi32>
        %scatter3A = arith.constant 1 : i32
        %scatter3A_2099 = arith.constant 0 : i32
        %scatter3A_2100 = arith.constant 0 : i32
        %scatter3A_2101 = arith.constant 0 : i32
        %scatter3A_2102 = tpu.memref_slice %arg12[%scatter3A, %scatter3A_2099, %scatter3A_2100, %scatter3A_2101] : memref<2x2x200x56xf32, #tpu.memory_space<vmem>> -> memref<1x2x200x56xf32, #tpu.memory_space<vmem>>
        %scatter3A_2103 = tpu.memref_squeeze %scatter3A_2102 : memref<1x2x200x56xf32, #tpu.memory_space<vmem>> -> memref<2x200x56xf32, #tpu.memory_space<vmem>>
        tpu.vector_store_idx %scatter3A_2103[%select_n3A, %sub3A_2080, %broadcast_in_dim3A_2098], %gather3A : memref<2x200x56xf32, #tpu.memory_space<vmem>>[vector<16xi32>, vector<16xi32>, vector<16xi32>], vector<16xf32>,
        %mul3A_2104 = arith.constant 5 : i32
        %mul3A_2105 = vector.broadcast %mul3A_2104 : i32 to vector<16xi32>
        %mul3A_2106 = arith.muli %get3A_2091, %mul3A_2105 : vector<16xi32>
        %add3A_2107 = arith.constant 2000 : i32
        %add3A_2108 = vector.broadcast %add3A_2107 : i32 to vector<16xi32>
        %add3A_2109 = arith.addi %add3A_2108, %mul3A_2106 : vector<16xi32>
        %add3A_2110 = arith.constant 0 : i32
        %add3A_2111 = vector.broadcast %add3A_2110 : i32 to vector<16xi32>
        %add3A_2112 = arith.addi %add3A_2109, %add3A_2111 : vector<16xi32>
        %gather3A_2113 = tpu.vector_load_idx %arg11[%add3A_2112] : memref<4000xf32, #tpu.memory_space<vmem>>[vector<16xi32>], vector<16xf32>,
        %broadcast_in_dim3A_2114 = arith.constant 55 : i32
        %broadcast_in_dim3A_2115 = vector.broadcast %broadcast_in_dim3A_2114 : i32 to vector<16xi32>
        %scatter3A_2116 = arith.constant 1 : i32
        %scatter3A_2117 = arith.constant 0 : i32
        %scatter3A_2118 = arith.constant 0 : i32
        %scatter3A_2119 = arith.constant 0 : i32
        %scatter3A_2120 = tpu.memref_slice %arg12[%scatter3A_2116, %scatter3A_2117, %scatter3A_2118, %scatter3A_2119] : memref<2x2x200x56xf32, #tpu.memory_space<vmem>> -> memref<1x2x200x56xf32, #tpu.memory_space<vmem>>
        %scatter3A_2121 = tpu.memref_squeeze %scatter3A_2120 : memref<1x2x200x56xf32, #tpu.memory_space<vmem>> -> memref<2x200x56xf32, #tpu.memory_space<vmem>>
        tpu.vector_store_idx %scatter3A_2121[%select_n3A, %sub3A_2080, %broadcast_in_dim3A_2115], %gather3A_2113 : memref<2x200x56xf32, #tpu.memory_space<vmem>>[vector<16xi32>, vector<16xi32>, vector<16xi32>], vector<16xf32>,
        %mul3A_2122 = arith.constant 5 : i32
        %mul3A_2123 = vector.broadcast %mul3A_2122 : i32 to vector<16xi32>
        %mul3A_2124 = arith.muli %get3A_2085, %mul3A_2123 : vector<16xi32>
        %add3A_2125 = arith.constant 1 : i32
        %add3A_2126 = vector.broadcast %add3A_2125 : i32 to vector<16xi32>
        %add3A_2127 = arith.addi %mul3A_2124, %add3A_2126 : vector<16xi32>
        %gather3A_2128 = tpu.vector_load_idx %arg11[%add3A_2127] : memref<4000xf32, #tpu.memory_space<vmem>>[vector<16xi32>], vector<16xf32>,
        %broadcast_in_dim3A_2129 = arith.constant 51 : i32
        %broadcast_in_dim3A_2130 = vector.broadcast %broadcast_in_dim3A_2129 : i32 to vector<16xi32>
        %scatter3A_2131 = arith.constant 1 : i32
        %scatter3A_2132 = arith.constant 0 : i32
        %scatter3A_2133 = arith.constant 0 : i32
        %scatter3A_2134 = arith.constant 0 : i32
        %scatter3A_2135 = tpu.memref_slice %arg12[%scatter3A_2131, %scatter3A_2132, %scatter3A_2133, %scatter3A_2134] : memref<2x2x200x56xf32, #tpu.memory_space<vmem>> -> memref<1x2x200x56xf32, #tpu.memory_space<vmem>>
        %scatter3A_2136 = tpu.memref_squeeze %scatter3A_2135 : memref<1x2x200x56xf32, #tpu.memory_space<vmem>> -> memref<2x200x56xf32, #tpu.memory_space<vmem>>
        tpu.vector_store_idx %scatter3A_2136[%select_n3A, %sub3A_2080, %broadcast_in_dim3A_2130], %gather3A_2128 : memref<2x200x56xf32, #tpu.memory_space<vmem>>[vector<16xi32>, vector<16xi32>, vector<16xi32>], vector<16xf32>,
        %mul3A_2137 = arith.constant 5 : i32
        %mul3A_2138 = vector.broadcast %mul3A_2137 : i32 to vector<16xi32>
        %mul3A_2139 = arith.muli %get3A_2091, %mul3A_2138 : vector<16xi32>
        %add3A_2140 = arith.constant 2000 : i32
        %add3A_2141 = vector.broadcast %add3A_2140 : i32 to vector<16xi32>
        %add3A_2142 = arith.addi %add3A_2141, %mul3A_2139 : vector<16xi32>
        %add3A_2143 = arith.constant 1 : i32
        %add3A_2144 = vector.broadcast %add3A_2143 : i32 to vector<16xi32>
        %add3A_2145 = arith.addi %add3A_2142, %add3A_2144 : vector<16xi32>
        %gather3A_2146 = tpu.vector_load_idx %arg11[%add3A_2145] : memref<4000xf32, #tpu.memory_space<vmem>>[vector<16xi32>], vector<16xf32>,
        %broadcast_in_dim3A_2147 = arith.constant 56 : i32
        %broadcast_in_dim3A_2148 = vector.broadcast %broadcast_in_dim3A_2147 : i32 to vector<16xi32>
        %scatter3A_2149 = arith.constant 1 : i32
        %scatter3A_2150 = arith.constant 0 : i32
        %scatter3A_2151 = arith.constant 0 : i32
        %scatter3A_2152 = arith.constant 0 : i32
        %scatter3A_2153 = tpu.memref_slice %arg13[%scatter3A_2149, %scatter3A_2150, %scatter3A_2151, %scatter3A_2152] : memref<2x2x200x60xf32, #tpu.memory_space<vmem>> -> memref<1x2x200x60xf32, #tpu.memory_space<vmem>>
        %scatter3A_2154 = tpu.memref_squeeze %scatter3A_2153 : memref<1x2x200x60xf32, #tpu.memory_space<vmem>> -> memref<2x200x60xf32, #tpu.memory_space<vmem>>
        tpu.vector_store_idx %scatter3A_2154[%select_n3A, %sub3A_2080, %broadcast_in_dim3A_2148], %gather3A_2146 : memref<2x200x60xf32, #tpu.memory_space<vmem>>[vector<16xi32>, vector<16xi32>, vector<16xi32>], vector<16xf32>,
        %mul3A_2155 = arith.constant 5 : i32
        %mul3A_2156 = vector.broadcast %mul3A_2155 : i32 to vector<16xi32>
        %mul3A_2157 = arith.muli %get3A_2085, %mul3A_2156 : vector<16xi32>
        %add3A_2158 = arith.constant 2 : i32
        %add3A_2159 = vector.broadcast %add3A_2158 : i32 to vector<16xi32>
        %add3A_2160 = arith.addi %mul3A_2157, %add3A_2159 : vector<16xi32>
        %gather3A_2161 = tpu.vector_load_idx %arg11[%add3A_2160] : memref<4000xf32, #tpu.memory_space<vmem>>[vector<16xi32>], vector<16xf32>,
        %broadcast_in_dim3A_2162 = arith.constant 52 : i32
        %broadcast_in_dim3A_2163 = vector.broadcast %broadcast_in_dim3A_2162 : i32 to vector<16xi32>
        %scatter3A_2164 = arith.constant 1 : i32
        %scatter3A_2165 = arith.constant 0 : i32
        %scatter3A_2166 = arith.constant 0 : i32
        %scatter3A_2167 = arith.constant 0 : i32
        %scatter3A_2168 = tpu.memref_slice %arg12[%scatter3A_2164, %scatter3A_2165, %scatter3A_2166, %scatter3A_2167] : memref<2x2x200x56xf32, #tpu.memory_space<vmem>> -> memref<1x2x200x56xf32, #tpu.memory_space<vmem>>
        %scatter3A_2169 = tpu.memref_squeeze %scatter3A_2168 : memref<1x2x200x56xf32, #tpu.memory_space<vmem>> -> memref<2x200x56xf32, #tpu.memory_space<vmem>>
        tpu.vector_store_idx %scatter3A_2169[%select_n3A, %sub3A_2080, %broadcast_in_dim3A_2163], %gather3A_2161 : memref<2x200x56xf32, #tpu.memory_space<vmem>>[vector<16xi32>, vector<16xi32>, vector<16xi32>], vector<16xf32>,
        %mul3A_2170 = arith.constant 5 : i32
        %mul3A_2171 = vector.broadcast %mul3A_2170 : i32 to vector<16xi32>
        %mul3A_2172 = arith.muli %get3A_2091, %mul3A_2171 : vector<16xi32>
        %add3A_2173 = arith.constant 2000 : i32
        %add3A_2174 = vector.broadcast %add3A_2173 : i32 to vector<16xi32>
        %add3A_2175 = arith.addi %add3A_2174, %mul3A_2172 : vector<16xi32>
        %add3A_2176 = arith.constant 2 : i32
        %add3A_2177 = vector.broadcast %add3A_2176 : i32 to vector<16xi32>
        %add3A_2178 = arith.addi %add3A_2175, %add3A_2177 : vector<16xi32>
        %gather3A_2179 = tpu.vector_load_idx %arg11[%add3A_2178] : memref<4000xf32, #tpu.memory_space<vmem>>[vector<16xi32>], vector<16xf32>,
        %broadcast_in_dim3A_2180 = arith.constant 57 : i32
        %broadcast_in_dim3A_2181 = vector.broadcast %broadcast_in_dim3A_2180 : i32 to vector<16xi32>
        %scatter3A_2182 = arith.constant 1 : i32
        %scatter3A_2183 = arith.constant 0 : i32
        %scatter3A_2184 = arith.constant 0 : i32
        %scatter3A_2185 = arith.constant 0 : i32
        %scatter3A_2186 = tpu.memref_slice %arg13[%scatter3A_2182, %scatter3A_2183, %scatter3A_2184, %scatter3A_2185] : memref<2x2x200x60xf32, #tpu.memory_space<vmem>> -> memref<1x2x200x60xf32, #tpu.memory_space<vmem>>
        %scatter3A_2187 = tpu.memref_squeeze %scatter3A_2186 : memref<1x2x200x60xf32, #tpu.memory_space<vmem>> -> memref<2x200x60xf32, #tpu.memory_space<vmem>>
        tpu.vector_store_idx %scatter3A_2187[%select_n3A, %sub3A_2080, %broadcast_in_dim3A_2181], %gather3A_2179 : memref<2x200x60xf32, #tpu.memory_space<vmem>>[vector<16xi32>, vector<16xi32>, vector<16xi32>], vector<16xf32>,
        %mul3A_2188 = arith.constant 5 : i32
        %mul3A_2189 = vector.broadcast %mul3A_2188 : i32 to vector<16xi32>
        %mul3A_2190 = arith.muli %get3A_2085, %mul3A_2189 : vector<16xi32>
        %add3A_2191 = arith.constant 3 : i32
        %add3A_2192 = vector.broadcast %add3A_2191 : i32 to vector<16xi32>
        %add3A_2193 = arith.addi %mul3A_2190, %add3A_2192 : vector<16xi32>
        %gather3A_2194 = tpu.vector_load_idx %arg11[%add3A_2193] : memref<4000xf32, #tpu.memory_space<vmem>>[vector<16xi32>], vector<16xf32>,
        %broadcast_in_dim3A_2195 = arith.constant 53 : i32
        %broadcast_in_dim3A_2196 = vector.broadcast %broadcast_in_dim3A_2195 : i32 to vector<16xi32>
        %scatter3A_2197 = arith.constant 1 : i32
        %scatter3A_2198 = arith.constant 0 : i32
        %scatter3A_2199 = arith.constant 0 : i32
        %scatter3A_2200 = arith.constant 0 : i32
        %scatter3A_2201 = tpu.memref_slice %arg12[%scatter3A_2197, %scatter3A_2198, %scatter3A_2199, %scatter3A_2200] : memref<2x2x200x56xf32, #tpu.memory_space<vmem>> -> memref<1x2x200x56xf32, #tpu.memory_space<vmem>>
        %scatter3A_2202 = tpu.memref_squeeze %scatter3A_2201 : memref<1x2x200x56xf32, #tpu.memory_space<vmem>> -> memref<2x200x56xf32, #tpu.memory_space<vmem>>
        tpu.vector_store_idx %scatter3A_2202[%select_n3A, %sub3A_2080, %broadcast_in_dim3A_2196], %gather3A_2194 : memref<2x200x56xf32, #tpu.memory_space<vmem>>[vector<16xi32>, vector<16xi32>, vector<16xi32>], vector<16xf32>,
        %mul3A_2203 = arith.constant 5 : i32
        %mul3A_2204 = vector.broadcast %mul3A_2203 : i32 to vector<16xi32>
        %mul3A_2205 = arith.muli %get3A_2091, %mul3A_2204 : vector<16xi32>
        %add3A_2206 = arith.constant 2000 : i32
        %add3A_2207 = vector.broadcast %add3A_2206 : i32 to vector<16xi32>
        %add3A_2208 = arith.addi %add3A_2207, %mul3A_2205 : vector<16xi32>
        %add3A_2209 = arith.constant 3 : i32
        %add3A_2210 = vector.broadcast %add3A_2209 : i32 to vector<16xi32>
        %add3A_2211 = arith.addi %add3A_2208, %add3A_2210 : vector<16xi32>
        %gather3A_2212 = tpu.vector_load_idx %arg11[%add3A_2211] : memref<4000xf32, #tpu.memory_space<vmem>>[vector<16xi32>], vector<16xf32>,
        %broadcast_in_dim3A_2213 = arith.constant 58 : i32
        %broadcast_in_dim3A_2214 = vector.broadcast %broadcast_in_dim3A_2213 : i32 to vector<16xi32>
        %scatter3A_2215 = arith.constant 1 : i32
        %scatter3A_2216 = arith.constant 0 : i32
        %scatter3A_2217 = arith.constant 0 : i32
        %scatter3A_2218 = arith.constant 0 : i32
        %scatter3A_2219 = tpu.memref_slice %arg13[%scatter3A_2215, %scatter3A_2216, %scatter3A_2217, %scatter3A_2218] : memref<2x2x200x60xf32, #tpu.memory_space<vmem>> -> memref<1x2x200x60xf32, #tpu.memory_space<vmem>>
        %scatter3A_2220 = tpu.memref_squeeze %scatter3A_2219 : memref<1x2x200x60xf32, #tpu.memory_space<vmem>> -> memref<2x200x60xf32, #tpu.memory_space<vmem>>
        tpu.vector_store_idx %scatter3A_2220[%select_n3A, %sub3A_2080, %broadcast_in_dim3A_2214], %gather3A_2212 : memref<2x200x60xf32, #tpu.memory_space<vmem>>[vector<16xi32>, vector<16xi32>, vector<16xi32>], vector<16xf32>,
        %mul3A_2221 = arith.constant 5 : i32
        %mul3A_2222 = vector.broadcast %mul3A_2221 : i32 to vector<16xi32>
        %mul3A_2223 = arith.muli %get3A_2085, %mul3A_2222 : vector<16xi32>
        %add3A_2224 = arith.constant 4 : i32
        %add3A_2225 = vector.broadcast %add3A_2224 : i32 to vector<16xi32>
        %add3A_2226 = arith.addi %mul3A_2223, %add3A_2225 : vector<16xi32>
        %gather3A_2227 = tpu.vector_load_idx %arg11[%add3A_2226] : memref<4000xf32, #tpu.memory_space<vmem>>[vector<16xi32>], vector<16xf32>,
        %broadcast_in_dim3A_2228 = arith.constant 54 : i32
        %broadcast_in_dim3A_2229 = vector.broadcast %broadcast_in_dim3A_2228 : i32 to vector<16xi32>
        %scatter3A_2230 = arith.constant 1 : i32
        %scatter3A_2231 = arith.constant 0 : i32
        %scatter3A_2232 = arith.constant 0 : i32
        %scatter3A_2233 = arith.constant 0 : i32
        %scatter3A_2234 = tpu.memref_slice %arg12[%scatter3A_2230, %scatter3A_2231, %scatter3A_2232, %scatter3A_2233] : memref<2x2x200x56xf32, #tpu.memory_space<vmem>> -> memref<1x2x200x56xf32, #tpu.memory_space<vmem>>
        %scatter3A_2235 = tpu.memref_squeeze %scatter3A_2234 : memref<1x2x200x56xf32, #tpu.memory_space<vmem>> -> memref<2x200x56xf32, #tpu.memory_space<vmem>>
        tpu.vector_store_idx %scatter3A_2235[%select_n3A, %sub3A_2080, %broadcast_in_dim3A_2229], %gather3A_2227 : memref<2x200x56xf32, #tpu.memory_space<vmem>>[vector<16xi32>, vector<16xi32>, vector<16xi32>], vector<16xf32>,
        %mul3A_2236 = arith.constant 5 : i32
        %mul3A_2237 = vector.broadcast %mul3A_2236 : i32 to vector<16xi32>
        %mul3A_2238 = arith.muli %get3A_2091, %mul3A_2237 : vector<16xi32>
        %add3A_2239 = arith.constant 2000 : i32
        %add3A_2240 = vector.broadcast %add3A_2239 : i32 to vector<16xi32>
        %add3A_2241 = arith.addi %add3A_2240, %mul3A_2238 : vector<16xi32>
        %add3A_2242 = arith.constant 4 : i32
        %add3A_2243 = vector.broadcast %add3A_2242 : i32 to vector<16xi32>
        %add3A_2244 = arith.addi %add3A_2241, %add3A_2243 : vector<16xi32>
        %gather3A_2245 = tpu.vector_load_idx %arg11[%add3A_2244] : memref<4000xf32, #tpu.memory_space<vmem>>[vector<16xi32>], vector<16xf32>,
        %broadcast_in_dim3A_2246 = arith.constant 59 : i32
        %broadcast_in_dim3A_2247 = vector.broadcast %broadcast_in_dim3A_2246 : i32 to vector<16xi32>
        %scatter3A_2248 = arith.constant 1 : i32
        %scatter3A_2249 = arith.constant 0 : i32
        %scatter3A_2250 = arith.constant 0 : i32
        %scatter3A_2251 = arith.constant 0 : i32
        %scatter3A_2252 = tpu.memref_slice %arg13[%scatter3A_2248, %scatter3A_2249, %scatter3A_2250, %scatter3A_2251] : memref<2x2x200x60xf32, #tpu.memory_space<vmem>> -> memref<1x2x200x60xf32, #tpu.memory_space<vmem>>
        %scatter3A_2253 = tpu.memref_squeeze %scatter3A_2252 : memref<1x2x200x60xf32, #tpu.memory_space<vmem>> -> memref<2x200x60xf32, #tpu.memory_space<vmem>>
        tpu.vector_store_idx %scatter3A_2253[%select_n3A, %sub3A_2080, %broadcast_in_dim3A_2247], %gather3A_2245 : memref<2x200x60xf32, #tpu.memory_space<vmem>>[vector<16xi32>, vector<16xi32>, vector<16xi32>], vector<16xf32>,
      }
      %scan3A_1942 = arith.constant 25 : i32
      %add3A_1943 = arith.constant 2 : i32
      %add3A_1944 = arith.addi %add3A_1689, %add3A_1943 : i32
      %mul3A_1945 = arith.constant 25600 : i32
      %mul3A_1946 = arith.muli %add3A, %mul3A_1945 : i32
      %mul3A_1947 = arith.constant 400 : i32
      %mul3A_1948 = arith.muli %add3A_1944, %mul3A_1947 : i32
      %add3A_1949 = arith.addi %mul3A_1946, %mul3A_1948 : i32
      %multiple_of3A_1950 = tpu.assume_multiple %add3A_1949, 400 : i32
      %mul3A_1951 = arith.constant 256 : i32
      %mul3A_1952 = arith.muli %add3A, %mul3A_1951 : i32
      %mul3A_1953 = arith.constant 4 : i32
      %mul3A_1954 = arith.muli %add3A_1944, %mul3A_1953 : i32
      %add3A_1955 = arith.addi %mul3A_1952, %mul3A_1954 : i32
      %multiple_of3A_1956 = tpu.assume_multiple %add3A_1955, 4 : i32
      %mul3A_1957 = arith.constant 128 : i32
      %mul3A_1958 = arith.muli %add3A, %mul3A_1957 : i32
      %mul3A_1959 = arith.constant 2 : i32
      %mul3A_1960 = arith.muli %add3A_1944, %mul3A_1959 : i32
      %add3A_1961 = arith.addi %mul3A_1958, %mul3A_1960 : i32
      %multiple_of3A_1962 = tpu.assume_multiple %add3A_1961, 2 : i32
      %dma_start3A_1963 = arith.constant 1 : i32
      %dma_start3A_1964 = arith.constant 0 : i32
      %dma_start3A_1965 = arith.constant 0 : i32
      %dma_start3A_1966 = tpu.memref_slice %arg8[%dma_start3A_1963, %dma_start3A_1964, %dma_start3A_1965] : memref<2x4x100xi32, #tpu.memory_space<vmem>> -> memref<1x4x100xi32, #tpu.memory_space<vmem>>
      %dma_start3A_1967 = tpu.memref_squeeze %dma_start3A_1966 : memref<1x4x100xi32, #tpu.memory_space<vmem>> -> memref<4x100xi32, #tpu.memory_space<vmem>>
      %dma_start3A_1968 = arith.constant 0 : i32
      %dma_start3A_1969 = tpu.memref_slice %arg2[%multiple_of3A_1956, %dma_start3A_1968] : memref<8192x100xi32, #tpu.memory_space<hbm>> -> memref<4x100xi32, #tpu.memory_space<hbm>>
      %dma_start3A_1970 = arith.constant 0 : i32
      %dma_start3A_1971 = arith.constant 0 : i32
      %dma_start3A_1972 = tpu.memref_slice %arg8[%dma_start3A_1963, %dma_start3A_1970, %dma_start3A_1971] : memref<2x4x100xi32, #tpu.memory_space<vmem>> -> memref<1x4x100xi32, #tpu.memory_space<vmem>>
      %dma_start3A_1973 = tpu.memref_squeeze %dma_start3A_1972 : memref<1x4x100xi32, #tpu.memory_space<vmem>> -> memref<4x100xi32, #tpu.memory_space<vmem>>
      %dma_start3A_1974 = arith.constant 0 : i32
      %dma_start3A_1975 = tpu.memref_slice %arg2[%multiple_of3A_1956, %dma_start3A_1974] : memref<8192x100xi32, #tpu.memory_space<hbm>> -> memref<4x100xi32, #tpu.memory_space<hbm>>
      tpu.enqueue_dma source(%dma_start3A_1975 : memref<4x100xi32, #tpu.memory_space<hbm>>) target(%dma_start3A_1973 : memref<4x100xi32, #tpu.memory_space<vmem>>) target_semaphore(%arg14 : memref<!tpu.dma_semaphore, #tpu.memory_space<semaphore_mem>>)
      %dma_start3A_1976 = arith.constant 1 : i32
      %dma_start3A_1977 = arith.constant 0 : i32
      %dma_start3A_1978 = tpu.memref_slice %arg9[%dma_start3A_1976, %dma_start3A_1977] : memref<2x400xi32, #tpu.memory_space<vmem>> -> memref<1x400xi32, #tpu.memory_space<vmem>>
      %dma_start3A_1979 = tpu.memref_squeeze %dma_start3A_1978 : memref<1x400xi32, #tpu.memory_space<vmem>> -> memref<400xi32, #tpu.memory_space<vmem>>
      %dma_start3A_1980 = tpu.memref_slice %arg3[%multiple_of3A_1950] : memref<819200xi32, #tpu.memory_space<hbm>> -> memref<400xi32, #tpu.memory_space<hbm>>
      %dma_start3A_1981 = arith.constant 0 : i32
      %dma_start3A_1982 = tpu.memref_slice %arg9[%dma_start3A_1976, %dma_start3A_1981] : memref<2x400xi32, #tpu.memory_space<vmem>> -> memref<1x400xi32, #tpu.memory_space<vmem>>
      %dma_start3A_1983 = tpu.memref_squeeze %dma_start3A_1982 : memref<1x400xi32, #tpu.memory_space<vmem>> -> memref<400xi32, #tpu.memory_space<vmem>>
      %dma_start3A_1984 = tpu.memref_slice %arg3[%multiple_of3A_1950] : memref<819200xi32, #tpu.memory_space<hbm>> -> memref<400xi32, #tpu.memory_space<hbm>>
      tpu.enqueue_dma source(%dma_start3A_1984 : memref<400xi32, #tpu.memory_space<hbm>>) target(%dma_start3A_1983 : memref<400xi32, #tpu.memory_space<vmem>>) target_semaphore(%arg14 : memref<!tpu.dma_semaphore, #tpu.memory_space<semaphore_mem>>)
      %dma_start3A_1985 = arith.constant 1 : i32
      %dma_start3A_1986 = arith.constant 0 : i32
      %dma_start3A_1987 = tpu.memref_slice %arg10[%dma_start3A_1985, %dma_start3A_1986] : memref<2x400xi32, #tpu.memory_space<vmem>> -> memref<1x400xi32, #tpu.memory_space<vmem>>
      %dma_start3A_1988 = tpu.memref_squeeze %dma_start3A_1987 : memref<1x400xi32, #tpu.memory_space<vmem>> -> memref<400xi32, #tpu.memory_space<vmem>>
      %dma_start3A_1989 = tpu.memref_slice %arg4[%multiple_of3A_1950] : memref<819200xi32, #tpu.memory_space<hbm>> -> memref<400xi32, #tpu.memory_space<hbm>>
      %dma_start3A_1990 = arith.constant 0 : i32
      %dma_start3A_1991 = tpu.memref_slice %arg10[%dma_start3A_1985, %dma_start3A_1990] : memref<2x400xi32, #tpu.memory_space<vmem>> -> memref<1x400xi32, #tpu.memory_space<vmem>>
      %dma_start3A_1992 = tpu.memref_squeeze %dma_start3A_1991 : memref<1x400xi32, #tpu.memory_space<vmem>> -> memref<400xi32, #tpu.memory_space<vmem>>
      %dma_start3A_1993 = tpu.memref_slice %arg4[%multiple_of3A_1950] : memref<819200xi32, #tpu.memory_space<hbm>> -> memref<400xi32, #tpu.memory_space<hbm>>
      tpu.enqueue_dma source(%dma_start3A_1993 : memref<400xi32, #tpu.memory_space<hbm>>) target(%dma_start3A_1992 : memref<400xi32, #tpu.memory_space<vmem>>) target_semaphore(%arg14 : memref<!tpu.dma_semaphore, #tpu.memory_space<semaphore_mem>>)
      %mul3A_1994 = arith.constant 25600 : i32
      %mul3A_1995 = arith.muli %add3A, %mul3A_1994 : i32
      %mul3A_1996 = arith.constant 400 : i32
      %mul3A_1997 = arith.muli %add3A_1689, %mul3A_1996 : i32
      %add3A_1998 = arith.addi %mul3A_1995, %mul3A_1997 : i32
      %multiple_of3A_1999 = tpu.assume_multiple %add3A_1998, 400 : i32
      %mul3A_2000 = arith.constant 256 : i32
      %mul3A_2001 = arith.muli %add3A, %mul3A_2000 : i32
      %mul3A_2002 = arith.constant 4 : i32
      %mul3A_2003 = arith.muli %add3A_1689, %mul3A_2002 : i32
      %add3A_2004 = arith.addi %mul3A_2001, %mul3A_2003 : i32
      %multiple_of3A_2005 = tpu.assume_multiple %add3A_2004, 4 : i32
      %mul3A_2006 = arith.constant 128 : i32
      %mul3A_2007 = arith.muli %add3A, %mul3A_2006 : i32
      %mul3A_2008 = arith.constant 2 : i32
      %mul3A_2009 = arith.muli %add3A_1689, %mul3A_2008 : i32
      %add3A_2010 = arith.addi %mul3A_2007, %mul3A_2009 : i32
      %multiple_of3A_2011 = tpu.assume_multiple %add3A_2010, 2 : i32
      %dma_start3A_2012 = arith.constant 1 : i32
      %dma_start3A_2013 = arith.constant 0 : i32
      %dma_start3A_2014 = arith.constant 0 : i32
      %dma_start3A_2015 = arith.constant 0 : i32
      %dma_start3A_2016 = tpu.memref_slice %arg13[%dma_start3A_2012, %dma_start3A_2013, %dma_start3A_2014, %dma_start3A_2015] : memref<2x2x200x60xf32, #tpu.memory_space<vmem>> -> memref<1x2x200x60xf32, #tpu.memory_space<vmem>>
      %dma_start3A_2017 = tpu.memref_squeeze %dma_start3A_2016 : memref<1x2x200x60xf32, #tpu.memory_space<vmem>> -> memref<2x200x60xf32, #tpu.memory_space<vmem>>
      %dma_start3A_2018 = arith.constant 0 : i32
      %dma_start3A_2019 = arith.constant 0 : i32
      %dma_start3A_2020 = tpu.memref_slice %arg7[%multiple_of3A_2011, %dma_start3A_2018, %dma_start3A_2019] : memref<4096x200x60xf32, #tpu.memory_space<hbm>> -> memref<2x200x60xf32, #tpu.memory_space<hbm>>
      %dma_start3A_2021 = arith.constant 0 : i32
      %dma_start3A_2022 = arith.constant 0 : i32
      %dma_start3A_2023 = tpu.memref_slice %arg7[%multiple_of3A_2011, %dma_start3A_2021, %dma_start3A_2022] : memref<4096x200x60xf32, #tpu.memory_space<hbm>> -> memref<2x200x60xf32, #tpu.memory_space<hbm>>
      %dma_start3A_2024 = arith.constant 0 : i32
      %dma_start3A_2025 = arith.constant 0 : i32
      %dma_start3A_2026 = arith.constant 0 : i32
      %dma_start3A_2027 = tpu.memref_slice %arg13[%dma_start3A_2012, %dma_start3A_2024, %dma_start3A_2025, %dma_start3A_2026] : memref<2x2x200x60xf32, #tpu.memory_space<vmem>> -> memref<1x2x200x60xf32, #tpu.memory_space<vmem>>
      %dma_start3A_2028 = tpu.memref_squeeze %dma_start3A_2027 : memref<1x2x200x60xf32, #tpu.memory_space<vmem>> -> memref<2x200x60xf32, #tpu.memory_space<vmem>>
      tpu.enqueue_dma source(%dma_start3A_2028 : memref<2x200x60xf32, #tpu.memory_space<vmem>>) target(%dma_start3A_2023 : memref<2x200x60xf32, #tpu.memory_space<hbm>>) target_semaphore(%arg16 : memref<!tpu.dma_semaphore, #tpu.memory_space<semaphore_mem>>)
      %dma_start3A_2029 = arith.constant 1 : i32
      %dma_start3A_2030 = arith.constant 0 : i32
      %dma_start3A_2031 = arith.constant 0 : i32
      %dma_start3A_2032 = arith.constant 0 : i32
      %dma_start3A_2033 = tpu.memref_slice %arg12[%dma_start3A_2029, %dma_start3A_2030, %dma_start3A_2031, %dma_start3A_2032] : memref<2x2x200x56xf32, #tpu.memory_space<vmem>> -> memref<1x2x200x56xf32, #tpu.memory_space<vmem>>
      %dma_start3A_2034 = tpu.memref_squeeze %dma_start3A_2033 : memref<1x2x200x56xf32, #tpu.memory_space<vmem>> -> memref<2x200x56xf32, #tpu.memory_space<vmem>>
      %dma_start3A_2035 = arith.constant 0 : i32
      %dma_start3A_2036 = arith.constant 0 : i32
      %dma_start3A_2037 = tpu.memref_slice %arg7[%multiple_of3A_2011, %dma_start3A_2035, %dma_start3A_2036] : memref<4096x200x60xf32, #tpu.memory_space<hbm>> -> memref<2x200x56xf32, #tpu.memory_space<hbm>>
      %dma_start3A_2038 = arith.constant 0 : i32
      %dma_start3A_2039 = arith.constant 0 : i32
      %dma_start3A_2040 = tpu.memref_slice %arg7[%multiple_of3A_2011, %dma_start3A_2038, %dma_start3A_2039] : memref<4096x200x60xf32, #tpu.memory_space<hbm>> -> memref<2x200x56xf32, #tpu.memory_space<hbm>>
      %dma_start3A_2041 = arith.constant 0 : i32
      %dma_start3A_2042 = arith.constant 0 : i32
      %dma_start3A_2043 = arith.constant 0 : i32
      %dma_start3A_2044 = tpu.memref_slice %arg12[%dma_start3A_2029, %dma_start3A_2041, %dma_start3A_2042, %dma_start3A_2043] : memref<2x2x200x56xf32, #tpu.memory_space<vmem>> -> memref<1x2x200x56xf32, #tpu.memory_space<vmem>>
      %dma_start3A_2045 = tpu.memref_squeeze %dma_start3A_2044 : memref<1x2x200x56xf32, #tpu.memory_space<vmem>> -> memref<2x200x56xf32, #tpu.memory_space<vmem>>
      tpu.enqueue_dma source(%dma_start3A_2045 : memref<2x200x56xf32, #tpu.memory_space<vmem>>) target(%dma_start3A_2040 : memref<2x200x56xf32, #tpu.memory_space<hbm>>) target_semaphore(%arg16 : memref<!tpu.dma_semaphore, #tpu.memory_space<semaphore_mem>>)
    }
    %scan3A_807 = arith.constant 30 : i32
    %dma_wait3A_808 = arith.constant 0 : i32
    %dma_wait3A_809 = arith.constant 0 : i32
    %dma_wait3A_810 = arith.constant 0 : i32
    %dma_wait3A_811 = arith.constant 0 : i32
    %dma_wait3A_812 = tpu.memref_slice %arg12[%dma_wait3A_808, %dma_wait3A_809, %dma_wait3A_810, %dma_wait3A_811] : memref<2x2x200x56xf32, #tpu.memory_space<vmem>> -> memref<1x1x200x56xf32, #tpu.memory_space<vmem>>
    %dma_wait3A_813 = tpu.memref_squeeze %dma_wait3A_812 : memref<1x1x200x56xf32, #tpu.memory_space<vmem>> -> memref<200x56xf32, #tpu.memory_space<vmem>>
    %dma_wait3A_814 = arith.constant 0 : i32
    %dma_wait3A_815 = arith.constant 0 : i32
    %dma_wait3A_816 = tpu.memref_slice %dma_wait3A_813[%dma_wait3A_814, %dma_wait3A_815] : memref<200x56xf32, #tpu.memory_space<vmem>> -> memref<100x56xf32, #tpu.memory_space<vmem>>
    %dma_wait3A_817 = arith.constant 0 : i32
    %dma_wait3A_818 = arith.constant 0 : i32
    %dma_wait3A_819 = tpu.memref_slice %arg5[%dma_wait3A_817, %dma_wait3A_818] : memref<100002x56xf32, #tpu.memory_space<hbm>> -> memref<100x56xf32, #tpu.memory_space<hbm>>
    %dma_wait3A_820 = arith.constant 0 : i32
    %dma_wait3A_821 = arith.constant 0 : i32
    %dma_wait3A_822 = tpu.memref_slice %arg12[%dma_wait3A_808, %dma_wait3A_809, %dma_wait3A_820, %dma_wait3A_821] : memref<2x2x200x56xf32, #tpu.memory_space<vmem>> -> memref<1x1x200x56xf32, #tpu.memory_space<vmem>>
    %dma_wait3A_823 = tpu.memref_squeeze %dma_wait3A_822 : memref<1x1x200x56xf32, #tpu.memory_space<vmem>> -> memref<200x56xf32, #tpu.memory_space<vmem>>
    %dma_wait3A_824 = arith.constant 0 : i32
    %dma_wait3A_825 = arith.constant 0 : i32
    %dma_wait3A_826 = tpu.memref_slice %dma_wait3A_823[%dma_wait3A_824, %dma_wait3A_825] : memref<200x56xf32, #tpu.memory_space<vmem>> -> memref<100x56xf32, #tpu.memory_space<vmem>>
    %dma_wait3A_827 = arith.constant 0 : i32
    %dma_wait3A_828 = arith.constant 0 : i32
    %dma_wait3A_829 = tpu.memref_slice %arg5[%dma_wait3A_827, %dma_wait3A_828] : memref<100002x56xf32, #tpu.memory_space<hbm>> -> memref<100x56xf32, #tpu.memory_space<hbm>>
    tpu.wait_dma2 semaphore(%arg15 : memref<!tpu.dma_semaphore, #tpu.memory_space<semaphore_mem>>) src(%dma_wait3A_829 : memref<100x56xf32, #tpu.memory_space<hbm>>) dst(%dma_wait3A_826 : memref<100x56xf32, #tpu.memory_space<vmem>>)
    %dma_wait3A_830 = arith.constant 0 : i32
    %dma_wait3A_831 = arith.constant 0 : i32
    %dma_wait3A_832 = arith.constant 0 : i32
    %dma_wait3A_833 = arith.constant 0 : i32
    %dma_wait3A_834 = tpu.memref_slice %arg12[%dma_wait3A_830, %dma_wait3A_831, %dma_wait3A_832, %dma_wait3A_833] : memref<2x2x200x56xf32, #tpu.memory_space<vmem>> -> memref<1x1x200x56xf32, #tpu.memory_space<vmem>>
    %dma_wait3A_835 = tpu.memref_squeeze %dma_wait3A_834 : memref<1x1x200x56xf32, #tpu.memory_space<vmem>> -> memref<200x56xf32, #tpu.memory_space<vmem>>
    %dma_wait3A_836 = arith.constant 100 : i32
    %dma_wait3A_837 = arith.constant 0 : i32
    %dma_wait3A_838 = tpu.memref_slice %dma_wait3A_835[%dma_wait3A_836, %dma_wait3A_837] : memref<200x56xf32, #tpu.memory_space<vmem>> -> memref<100x56xf32, #tpu.memory_space<vmem>>
    %dma_wait3A_839 = arith.constant 0 : i32
    %dma_wait3A_840 = arith.constant 0 : i32
    %dma_wait3A_841 = tpu.memref_slice %arg5[%dma_wait3A_839, %dma_wait3A_840] : memref<100002x56xf32, #tpu.memory_space<hbm>> -> memref<100x56xf32, #tpu.memory_space<hbm>>
    %dma_wait3A_842 = arith.constant 0 : i32
    %dma_wait3A_843 = arith.constant 0 : i32
    %dma_wait3A_844 = tpu.memref_slice %arg12[%dma_wait3A_830, %dma_wait3A_831, %dma_wait3A_842, %dma_wait3A_843] : memref<2x2x200x56xf32, #tpu.memory_space<vmem>> -> memref<1x1x200x56xf32, #tpu.memory_space<vmem>>
    %dma_wait3A_845 = tpu.memref_squeeze %dma_wait3A_844 : memref<1x1x200x56xf32, #tpu.memory_space<vmem>> -> memref<200x56xf32, #tpu.memory_space<vmem>>
    %dma_wait3A_846 = arith.constant 100 : i32
    %dma_wait3A_847 = arith.constant 0 : i32
    %dma_wait3A_848 = tpu.memref_slice %dma_wait3A_845[%dma_wait3A_846, %dma_wait3A_847] : memref<200x56xf32, #tpu.memory_space<vmem>> -> memref<100x56xf32, #tpu.memory_space<vmem>>
    %dma_wait3A_849 = arith.constant 0 : i32
    %dma_wait3A_850 = arith.constant 0 : i32
    %dma_wait3A_851 = tpu.memref_slice %arg5[%dma_wait3A_849, %dma_wait3A_850] : memref<100002x56xf32, #tpu.memory_space<hbm>> -> memref<100x56xf32, #tpu.memory_space<hbm>>
    tpu.wait_dma2 semaphore(%arg15 : memref<!tpu.dma_semaphore, #tpu.memory_space<semaphore_mem>>) src(%dma_wait3A_851 : memref<100x56xf32, #tpu.memory_space<hbm>>) dst(%dma_wait3A_848 : memref<100x56xf32, #tpu.memory_space<vmem>>)
    %dma_wait3A_852 = arith.constant 0 : i32
    %dma_wait3A_853 = arith.constant 1 : i32
    %dma_wait3A_854 = arith.constant 0 : i32
    %dma_wait3A_855 = arith.constant 0 : i32
    %dma_wait3A_856 = tpu.memref_slice %arg12[%dma_wait3A_852, %dma_wait3A_853, %dma_wait3A_854, %dma_wait3A_855] : memref<2x2x200x56xf32, #tpu.memory_space<vmem>> -> memref<1x1x200x56xf32, #tpu.memory_space<vmem>>
    %dma_wait3A_857 = tpu.memref_squeeze %dma_wait3A_856 : memref<1x1x200x56xf32, #tpu.memory_space<vmem>> -> memref<200x56xf32, #tpu.memory_space<vmem>>
    %dma_wait3A_858 = arith.constant 0 : i32
    %dma_wait3A_859 = arith.constant 0 : i32
    %dma_wait3A_860 = tpu.memref_slice %dma_wait3A_857[%dma_wait3A_858, %dma_wait3A_859] : memref<200x56xf32, #tpu.memory_space<vmem>> -> memref<100x56xf32, #tpu.memory_space<vmem>>
    %dma_wait3A_861 = arith.constant 0 : i32
    %dma_wait3A_862 = arith.constant 0 : i32
    %dma_wait3A_863 = tpu.memref_slice %arg5[%dma_wait3A_861, %dma_wait3A_862] : memref<100002x56xf32, #tpu.memory_space<hbm>> -> memref<100x56xf32, #tpu.memory_space<hbm>>
    %dma_wait3A_864 = arith.constant 0 : i32
    %dma_wait3A_865 = arith.constant 0 : i32
    %dma_wait3A_866 = tpu.memref_slice %arg12[%dma_wait3A_852, %dma_wait3A_853, %dma_wait3A_864, %dma_wait3A_865] : memref<2x2x200x56xf32, #tpu.memory_space<vmem>> -> memref<1x1x200x56xf32, #tpu.memory_space<vmem>>
    %dma_wait3A_867 = tpu.memref_squeeze %dma_wait3A_866 : memref<1x1x200x56xf32, #tpu.memory_space<vmem>> -> memref<200x56xf32, #tpu.memory_space<vmem>>
    %dma_wait3A_868 = arith.constant 0 : i32
    %dma_wait3A_869 = arith.constant 0 : i32
    %dma_wait3A_870 = tpu.memref_slice %dma_wait3A_867[%dma_wait3A_868, %dma_wait3A_869] : memref<200x56xf32, #tpu.memory_space<vmem>> -> memref<100x56xf32, #tpu.memory_space<vmem>>
    %dma_wait3A_871 = arith.constant 0 : i32
    %dma_wait3A_872 = arith.constant 0 : i32
    %dma_wait3A_873 = tpu.memref_slice %arg5[%dma_wait3A_871, %dma_wait3A_872] : memref<100002x56xf32, #tpu.memory_space<hbm>> -> memref<100x56xf32, #tpu.memory_space<hbm>>
    tpu.wait_dma2 semaphore(%arg15 : memref<!tpu.dma_semaphore, #tpu.memory_space<semaphore_mem>>) src(%dma_wait3A_873 : memref<100x56xf32, #tpu.memory_space<hbm>>) dst(%dma_wait3A_870 : memref<100x56xf32, #tpu.memory_space<vmem>>)
    %dma_wait3A_874 = arith.constant 0 : i32
    %dma_wait3A_875 = arith.constant 1 : i32
    %dma_wait3A_876 = arith.constant 0 : i32
    %dma_wait3A_877 = arith.constant 0 : i32
    %dma_wait3A_878 = tpu.memref_slice %arg12[%dma_wait3A_874, %dma_wait3A_875, %dma_wait3A_876, %dma_wait3A_877] : memref<2x2x200x56xf32, #tpu.memory_space<vmem>> -> memref<1x1x200x56xf32, #tpu.memory_space<vmem>>
    %dma_wait3A_879 = tpu.memref_squeeze %dma_wait3A_878 : memref<1x1x200x56xf32, #tpu.memory_space<vmem>> -> memref<200x56xf32, #tpu.memory_space<vmem>>
    %dma_wait3A_880 = arith.constant 100 : i32
    %dma_wait3A_881 = arith.constant 0 : i32
    %dma_wait3A_882 = tpu.memref_slice %dma_wait3A_879[%dma_wait3A_880, %dma_wait3A_881] : memref<200x56xf32, #tpu.memory_space<vmem>> -> memref<100x56xf32, #tpu.memory_space<vmem>>
    %dma_wait3A_883 = arith.constant 0 : i32
    %dma_wait3A_884 = arith.constant 0 : i32
    %dma_wait3A_885 = tpu.memref_slice %arg5[%dma_wait3A_883, %dma_wait3A_884] : memref<100002x56xf32, #tpu.memory_space<hbm>> -> memref<100x56xf32, #tpu.memory_space<hbm>>
    %dma_wait3A_886 = arith.constant 0 : i32
    %dma_wait3A_887 = arith.constant 0 : i32
    %dma_wait3A_888 = tpu.memref_slice %arg12[%dma_wait3A_874, %dma_wait3A_875, %dma_wait3A_886, %dma_wait3A_887] : memref<2x2x200x56xf32, #tpu.memory_space<vmem>> -> memref<1x1x200x56xf32, #tpu.memory_space<vmem>>
    %dma_wait3A_889 = tpu.memref_squeeze %dma_wait3A_888 : memref<1x1x200x56xf32, #tpu.memory_space<vmem>> -> memref<200x56xf32, #tpu.memory_space<vmem>>
    %dma_wait3A_890 = arith.constant 100 : i32
    %dma_wait3A_891 = arith.constant 0 : i32
    %dma_wait3A_892 = tpu.memref_slice %dma_wait3A_889[%dma_wait3A_890, %dma_wait3A_891] : memref<200x56xf32, #tpu.memory_space<vmem>> -> memref<100x56xf32, #tpu.memory_space<vmem>>
    %dma_wait3A_893 = arith.constant 0 : i32
    %dma_wait3A_894 = arith.constant 0 : i32
    %dma_wait3A_895 = tpu.memref_slice %arg5[%dma_wait3A_893, %dma_wait3A_894] : memref<100002x56xf32, #tpu.memory_space<hbm>> -> memref<100x56xf32, #tpu.memory_space<hbm>>
    tpu.wait_dma2 semaphore(%arg15 : memref<!tpu.dma_semaphore, #tpu.memory_space<semaphore_mem>>) src(%dma_wait3A_895 : memref<100x56xf32, #tpu.memory_space<hbm>>) dst(%dma_wait3A_892 : memref<100x56xf32, #tpu.memory_space<vmem>>)
    %dma_wait3A_896 = arith.constant 1 : i32
    %dma_wait3A_897 = arith.constant 0 : i32
    %dma_wait3A_898 = arith.constant 0 : i32
    %dma_wait3A_899 = tpu.memref_slice %arg8[%dma_wait3A_896, %dma_wait3A_897, %dma_wait3A_898] : memref<2x4x100xi32, #tpu.memory_space<vmem>> -> memref<1x4x100xi32, #tpu.memory_space<vmem>>
    %dma_wait3A_900 = tpu.memref_squeeze %dma_wait3A_899 : memref<1x4x100xi32, #tpu.memory_space<vmem>> -> memref<4x100xi32, #tpu.memory_space<vmem>>
    %dma_wait3A_901 = arith.constant 0 : i32
    %dma_wait3A_902 = arith.constant 0 : i32
    %dma_wait3A_903 = tpu.memref_slice %arg2[%dma_wait3A_901, %dma_wait3A_902] : memref<8192x100xi32, #tpu.memory_space<hbm>> -> memref<4x100xi32, #tpu.memory_space<hbm>>
    %dma_wait3A_904 = arith.constant 0 : i32
    %dma_wait3A_905 = arith.constant 0 : i32
    %dma_wait3A_906 = tpu.memref_slice %arg8[%dma_wait3A_896, %dma_wait3A_904, %dma_wait3A_905] : memref<2x4x100xi32, #tpu.memory_space<vmem>> -> memref<1x4x100xi32, #tpu.memory_space<vmem>>
    %dma_wait3A_907 = tpu.memref_squeeze %dma_wait3A_906 : memref<1x4x100xi32, #tpu.memory_space<vmem>> -> memref<4x100xi32, #tpu.memory_space<vmem>>
    %dma_wait3A_908 = arith.constant 0 : i32
    %dma_wait3A_909 = arith.constant 0 : i32
    %dma_wait3A_910 = tpu.memref_slice %arg2[%dma_wait3A_908, %dma_wait3A_909] : memref<8192x100xi32, #tpu.memory_space<hbm>> -> memref<4x100xi32, #tpu.memory_space<hbm>>
    tpu.wait_dma2 semaphore(%arg14 : memref<!tpu.dma_semaphore, #tpu.memory_space<semaphore_mem>>) src(%dma_wait3A_910 : memref<4x100xi32, #tpu.memory_space<hbm>>) dst(%dma_wait3A_907 : memref<4x100xi32, #tpu.memory_space<vmem>>)
    %dma_wait3A_911 = arith.constant 1 : i32
    %dma_wait3A_912 = arith.constant 0 : i32
    %dma_wait3A_913 = tpu.memref_slice %arg9[%dma_wait3A_911, %dma_wait3A_912] : memref<2x400xi32, #tpu.memory_space<vmem>> -> memref<1x400xi32, #tpu.memory_space<vmem>>
    %dma_wait3A_914 = tpu.memref_squeeze %dma_wait3A_913 : memref<1x400xi32, #tpu.memory_space<vmem>> -> memref<400xi32, #tpu.memory_space<vmem>>
    %dma_wait3A_915 = arith.constant 0 : i32
    %dma_wait3A_916 = tpu.memref_slice %arg3[%dma_wait3A_915] : memref<819200xi32, #tpu.memory_space<hbm>> -> memref<400xi32, #tpu.memory_space<hbm>>
    %dma_wait3A_917 = arith.constant 0 : i32
    %dma_wait3A_918 = tpu.memref_slice %arg9[%dma_wait3A_911, %dma_wait3A_917] : memref<2x400xi32, #tpu.memory_space<vmem>> -> memref<1x400xi32, #tpu.memory_space<vmem>>
    %dma_wait3A_919 = tpu.memref_squeeze %dma_wait3A_918 : memref<1x400xi32, #tpu.memory_space<vmem>> -> memref<400xi32, #tpu.memory_space<vmem>>
    %dma_wait3A_920 = arith.constant 0 : i32
    %dma_wait3A_921 = tpu.memref_slice %arg3[%dma_wait3A_920] : memref<819200xi32, #tpu.memory_space<hbm>> -> memref<400xi32, #tpu.memory_space<hbm>>
    tpu.wait_dma2 semaphore(%arg14 : memref<!tpu.dma_semaphore, #tpu.memory_space<semaphore_mem>>) src(%dma_wait3A_921 : memref<400xi32, #tpu.memory_space<hbm>>) dst(%dma_wait3A_919 : memref<400xi32, #tpu.memory_space<vmem>>)
    %dma_wait3A_922 = arith.constant 1 : i32
    %dma_wait3A_923 = arith.constant 0 : i32
    %dma_wait3A_924 = tpu.memref_slice %arg10[%dma_wait3A_922, %dma_wait3A_923] : memref<2x400xi32, #tpu.memory_space<vmem>> -> memref<1x400xi32, #tpu.memory_space<vmem>>
    %dma_wait3A_925 = tpu.memref_squeeze %dma_wait3A_924 : memref<1x400xi32, #tpu.memory_space<vmem>> -> memref<400xi32, #tpu.memory_space<vmem>>
    %dma_wait3A_926 = arith.constant 0 : i32
    %dma_wait3A_927 = tpu.memref_slice %arg4[%dma_wait3A_926] : memref<819200xi32, #tpu.memory_space<hbm>> -> memref<400xi32, #tpu.memory_space<hbm>>
    %dma_wait3A_928 = arith.constant 0 : i32
    %dma_wait3A_929 = tpu.memref_slice %arg10[%dma_wait3A_922, %dma_wait3A_928] : memref<2x400xi32, #tpu.memory_space<vmem>> -> memref<1x400xi32, #tpu.memory_space<vmem>>
    %dma_wait3A_930 = tpu.memref_squeeze %dma_wait3A_929 : memref<1x400xi32, #tpu.memory_space<vmem>> -> memref<400xi32, #tpu.memory_space<vmem>>
    %dma_wait3A_931 = arith.constant 0 : i32
    %dma_wait3A_932 = tpu.memref_slice %arg4[%dma_wait3A_931] : memref<819200xi32, #tpu.memory_space<hbm>> -> memref<400xi32, #tpu.memory_space<hbm>>
    tpu.wait_dma2 semaphore(%arg14 : memref<!tpu.dma_semaphore, #tpu.memory_space<semaphore_mem>>) src(%dma_wait3A_932 : memref<400xi32, #tpu.memory_space<hbm>>) dst(%dma_wait3A_930 : memref<400xi32, #tpu.memory_space<vmem>>)
    %dma_wait3A_933 = arith.constant 0 : i32
    %dma_wait3A_934 = arith.constant 0 : i32
    %dma_wait3A_935 = arith.constant 0 : i32
    %dma_wait3A_936 = arith.constant 0 : i32
    %dma_wait3A_937 = tpu.memref_slice %arg13[%dma_wait3A_933, %dma_wait3A_934, %dma_wait3A_935, %dma_wait3A_936] : memref<2x2x200x60xf32, #tpu.memory_space<vmem>> -> memref<1x2x200x60xf32, #tpu.memory_space<vmem>>
    %dma_wait3A_938 = tpu.memref_squeeze %dma_wait3A_937 : memref<1x2x200x60xf32, #tpu.memory_space<vmem>> -> memref<2x200x60xf32, #tpu.memory_space<vmem>>
    %dma_wait3A_939 = arith.constant 0 : i32
    %dma_wait3A_940 = arith.constant 0 : i32
    %dma_wait3A_941 = arith.constant 0 : i32
    %dma_wait3A_942 = tpu.memref_slice %arg7[%dma_wait3A_939, %dma_wait3A_940, %dma_wait3A_941] : memref<4096x200x60xf32, #tpu.memory_space<hbm>> -> memref<2x200x60xf32, #tpu.memory_space<hbm>>
    %dma_wait3A_943 = arith.constant 0 : i32
    %dma_wait3A_944 = arith.constant 0 : i32
    %dma_wait3A_945 = arith.constant 0 : i32
    %dma_wait3A_946 = tpu.memref_slice %arg7[%dma_wait3A_943, %dma_wait3A_944, %dma_wait3A_945] : memref<4096x200x60xf32, #tpu.memory_space<hbm>> -> memref<2x200x60xf32, #tpu.memory_space<hbm>>
    %dma_wait3A_947 = arith.constant 0 : i32
    %dma_wait3A_948 = arith.constant 0 : i32
    %dma_wait3A_949 = arith.constant 0 : i32
    %dma_wait3A_950 = tpu.memref_slice %arg13[%dma_wait3A_933, %dma_wait3A_947, %dma_wait3A_948, %dma_wait3A_949] : memref<2x2x200x60xf32, #tpu.memory_space<vmem>> -> memref<1x2x200x60xf32, #tpu.memory_space<vmem>>
    %dma_wait3A_951 = tpu.memref_squeeze %dma_wait3A_950 : memref<1x2x200x60xf32, #tpu.memory_space<vmem>> -> memref<2x200x60xf32, #tpu.memory_space<vmem>>
    tpu.wait_dma2 semaphore(%arg16 : memref<!tpu.dma_semaphore, #tpu.memory_space<semaphore_mem>>) src(%dma_wait3A_951 : memref<2x200x60xf32, #tpu.memory_space<vmem>>) dst(%dma_wait3A_946 : memref<2x200x60xf32, #tpu.memory_space<hbm>>)
    %dma_wait3A_952 = arith.constant 0 : i32
    %dma_wait3A_953 = arith.constant 0 : i32
    %dma_wait3A_954 = arith.constant 0 : i32
    %dma_wait3A_955 = arith.constant 0 : i32
    %dma_wait3A_956 = tpu.memref_slice %arg12[%dma_wait3A_952, %dma_wait3A_953, %dma_wait3A_954, %dma_wait3A_955] : memref<2x2x200x56xf32, #tpu.memory_space<vmem>> -> memref<1x2x200x56xf32, #tpu.memory_space<vmem>>
    %dma_wait3A_957 = tpu.memref_squeeze %dma_wait3A_956 : memref<1x2x200x56xf32, #tpu.memory_space<vmem>> -> memref<2x200x56xf32, #tpu.memory_space<vmem>>
    %dma_wait3A_958 = arith.constant 0 : i32
    %dma_wait3A_959 = arith.constant 0 : i32
    %dma_wait3A_960 = arith.constant 0 : i32
    %dma_wait3A_961 = tpu.memref_slice %arg7[%dma_wait3A_958, %dma_wait3A_959, %dma_wait3A_960] : memref<4096x200x60xf32, #tpu.memory_space<hbm>> -> memref<2x200x56xf32, #tpu.memory_space<hbm>>
    %dma_wait3A_962 = arith.constant 0 : i32
    %dma_wait3A_963 = arith.constant 0 : i32
    %dma_wait3A_964 = arith.constant 0 : i32
    %dma_wait3A_965 = tpu.memref_slice %arg7[%dma_wait3A_962, %dma_wait3A_963, %dma_wait3A_964] : memref<4096x200x60xf32, #tpu.memory_space<hbm>> -> memref<2x200x56xf32, #tpu.memory_space<hbm>>
    %dma_wait3A_966 = arith.constant 0 : i32
    %dma_wait3A_967 = arith.constant 0 : i32
    %dma_wait3A_968 = arith.constant 0 : i32
    %dma_wait3A_969 = tpu.memref_slice %arg12[%dma_wait3A_952, %dma_wait3A_966, %dma_wait3A_967, %dma_wait3A_968] : memref<2x2x200x56xf32, #tpu.memory_space<vmem>> -> memref<1x2x200x56xf32, #tpu.memory_space<vmem>>
    %dma_wait3A_970 = tpu.memref_squeeze %dma_wait3A_969 : memref<1x2x200x56xf32, #tpu.memory_space<vmem>> -> memref<2x200x56xf32, #tpu.memory_space<vmem>>
    tpu.wait_dma2 semaphore(%arg16 : memref<!tpu.dma_semaphore, #tpu.memory_space<semaphore_mem>>) src(%dma_wait3A_970 : memref<2x200x56xf32, #tpu.memory_space<vmem>>) dst(%dma_wait3A_965 : memref<2x200x56xf32, #tpu.memory_space<hbm>>)
    %dma_start3A_971 = arith.constant 1 : i32
    %dma_start3A_972 = arith.constant 0 : i32
    %dma_start3A_973 = arith.constant 1 : i32
    %dma_start3A_974 = arith.constant 0 : i32
    %dma_start3A_975 = arith.constant 0 : i32
    %dma_start3A_976 = arith.constant 0 : i32
    %dma_start3A_977 = tpu.memref_slice %arg12[%dma_start3A_973, %dma_start3A_974, %dma_start3A_975, %dma_start3A_976] : memref<2x2x200x56xf32, #tpu.memory_space<vmem>> -> memref<1x1x200x56xf32, #tpu.memory_space<vmem>>
    %dma_start3A_978 = tpu.memref_squeeze %dma_start3A_977 : memref<1x1x200x56xf32, #tpu.memory_space<vmem>> -> memref<200x56xf32, #tpu.memory_space<vmem>>
    %dma_start3A_979 = arith.constant 0 : i32
    %dma_start3A_980 = arith.constant 0 : i32
    %dma_start3A_981 = tpu.memref_slice %dma_start3A_978[%dma_start3A_979, %dma_start3A_980] : memref<200x56xf32, #tpu.memory_space<vmem>> -> memref<100x56xf32, #tpu.memory_space<vmem>>
    %dma_start3A_982 = arith.constant 0 : i32
    %dma_start3A_983 = arith.constant 0 : i32
    %dma_start3A_984 = tpu.memref_slice %arg8[%dma_start3A_971, %dma_start3A_982, %dma_start3A_983] : memref<2x4x100xi32, #tpu.memory_space<vmem>> -> memref<1x4x100xi32, #tpu.memory_space<vmem>>
    %dma_start3A_985 = tpu.memref_squeeze %dma_start3A_984 : memref<1x4x100xi32, #tpu.memory_space<vmem>> -> memref<4x100xi32, #tpu.memory_space<vmem>>
    %dma_start3A_986 = arith.constant 0 : i32
    %dma_start3A_987 = tpu.memref_slice %dma_start3A_985[%dma_start3A_972, %dma_start3A_986] : memref<4x100xi32, #tpu.memory_space<vmem>> -> memref<1x100xi32, #tpu.memory_space<vmem>>
    %dma_start3A_988 = tpu.memref_squeeze %dma_start3A_987 : memref<1x100xi32, #tpu.memory_space<vmem>> -> memref<100xi32, #tpu.memory_space<vmem>>
    %dma_start3A_989 = arith.constant 0 : i32
    %dma_start3A_990 = arith.constant 0 : i32
    %dma_start3A_991 = tpu.memref_slice %arg5[%dma_start3A_989, %dma_start3A_990] : memref<100002x56xf32, #tpu.memory_space<hbm>> -> memref<100002x56xf32, #tpu.memory_space<hbm>>
    tpu.enqueue_indirect_dma source(%dma_start3A_991 : memref<100002x56xf32, #tpu.memory_space<hbm>>) target(%dma_start3A_981 : memref<100x56xf32, #tpu.memory_space<vmem>>) offsets(%dma_start3A_988 : memref<100xi32, #tpu.memory_space<vmem>>) semaphore(%arg15 : memref<!tpu.dma_semaphore, #tpu.memory_space<semaphore_mem>>)
    %dma_start3A_992 = arith.constant 1 : i32
    %dma_start3A_993 = arith.constant 1 : i32
    %dma_start3A_994 = arith.constant 1 : i32
    %dma_start3A_995 = arith.constant 0 : i32
    %dma_start3A_996 = arith.constant 0 : i32
    %dma_start3A_997 = arith.constant 0 : i32
    %dma_start3A_998 = tpu.memref_slice %arg12[%dma_start3A_994, %dma_start3A_995, %dma_start3A_996, %dma_start3A_997] : memref<2x2x200x56xf32, #tpu.memory_space<vmem>> -> memref<1x1x200x56xf32, #tpu.memory_space<vmem>>
    %dma_start3A_999 = tpu.memref_squeeze %dma_start3A_998 : memref<1x1x200x56xf32, #tpu.memory_space<vmem>> -> memref<200x56xf32, #tpu.memory_space<vmem>>
    %dma_start3A_1000 = arith.constant 100 : i32
    %dma_start3A_1001 = arith.constant 0 : i32
    %dma_start3A_1002 = tpu.memref_slice %dma_start3A_999[%dma_start3A_1000, %dma_start3A_1001] : memref<200x56xf32, #tpu.memory_space<vmem>> -> memref<100x56xf32, #tpu.memory_space<vmem>>
    %dma_start3A_1003 = arith.constant 0 : i32
    %dma_start3A_1004 = arith.constant 0 : i32
    %dma_start3A_1005 = tpu.memref_slice %arg8[%dma_start3A_992, %dma_start3A_1003, %dma_start3A_1004] : memref<2x4x100xi32, #tpu.memory_space<vmem>> -> memref<1x4x100xi32, #tpu.memory_space<vmem>>
    %dma_start3A_1006 = tpu.memref_squeeze %dma_start3A_1005 : memref<1x4x100xi32, #tpu.memory_space<vmem>> -> memref<4x100xi32, #tpu.memory_space<vmem>>
    %dma_start3A_1007 = arith.constant 0 : i32
    %dma_start3A_1008 = tpu.memref_slice %dma_start3A_1006[%dma_start3A_993, %dma_start3A_1007] : memref<4x100xi32, #tpu.memory_space<vmem>> -> memref<1x100xi32, #tpu.memory_space<vmem>>
    %dma_start3A_1009 = tpu.memref_squeeze %dma_start3A_1008 : memref<1x100xi32, #tpu.memory_space<vmem>> -> memref<100xi32, #tpu.memory_space<vmem>>
    %dma_start3A_1010 = arith.constant 0 : i32
    %dma_start3A_1011 = arith.constant 0 : i32
    %dma_start3A_1012 = tpu.memref_slice %arg5[%dma_start3A_1010, %dma_start3A_1011] : memref<100002x56xf32, #tpu.memory_space<hbm>> -> memref<100002x56xf32, #tpu.memory_space<hbm>>
    tpu.enqueue_indirect_dma source(%dma_start3A_1012 : memref<100002x56xf32, #tpu.memory_space<hbm>>) target(%dma_start3A_1002 : memref<100x56xf32, #tpu.memory_space<vmem>>) offsets(%dma_start3A_1009 : memref<100xi32, #tpu.memory_space<vmem>>) semaphore(%arg15 : memref<!tpu.dma_semaphore, #tpu.memory_space<semaphore_mem>>)
    %dma_start3A_1013 = arith.constant 1 : i32
    %dma_start3A_1014 = arith.constant 2 : i32
    %dma_start3A_1015 = arith.constant 1 : i32
    %dma_start3A_1016 = arith.constant 1 : i32
    %dma_start3A_1017 = arith.constant 0 : i32
    %dma_start3A_1018 = arith.constant 0 : i32
    %dma_start3A_1019 = tpu.memref_slice %arg12[%dma_start3A_1015, %dma_start3A_1016, %dma_start3A_1017, %dma_start3A_1018] : memref<2x2x200x56xf32, #tpu.memory_space<vmem>> -> memref<1x1x200x56xf32, #tpu.memory_space<vmem>>
    %dma_start3A_1020 = tpu.memref_squeeze %dma_start3A_1019 : memref<1x1x200x56xf32, #tpu.memory_space<vmem>> -> memref<200x56xf32, #tpu.memory_space<vmem>>
    %dma_start3A_1021 = arith.constant 0 : i32
    %dma_start3A_1022 = arith.constant 0 : i32
    %dma_start3A_1023 = tpu.memref_slice %dma_start3A_1020[%dma_start3A_1021, %dma_start3A_1022] : memref<200x56xf32, #tpu.memory_space<vmem>> -> memref<100x56xf32, #tpu.memory_space<vmem>>
    %dma_start3A_1024 = arith.constant 0 : i32
    %dma_start3A_1025 = arith.constant 0 : i32
    %dma_start3A_1026 = tpu.memref_slice %arg8[%dma_start3A_1013, %dma_start3A_1024, %dma_start3A_1025] : memref<2x4x100xi32, #tpu.memory_space<vmem>> -> memref<1x4x100xi32, #tpu.memory_space<vmem>>
    %dma_start3A_1027 = tpu.memref_squeeze %dma_start3A_1026 : memref<1x4x100xi32, #tpu.memory_space<vmem>> -> memref<4x100xi32, #tpu.memory_space<vmem>>
    %dma_start3A_1028 = arith.constant 0 : i32
    %dma_start3A_1029 = tpu.memref_slice %dma_start3A_1027[%dma_start3A_1014, %dma_start3A_1028] : memref<4x100xi32, #tpu.memory_space<vmem>> -> memref<1x100xi32, #tpu.memory_space<vmem>>
    %dma_start3A_1030 = tpu.memref_squeeze %dma_start3A_1029 : memref<1x100xi32, #tpu.memory_space<vmem>> -> memref<100xi32, #tpu.memory_space<vmem>>
    %dma_start3A_1031 = arith.constant 0 : i32
    %dma_start3A_1032 = arith.constant 0 : i32
    %dma_start3A_1033 = tpu.memref_slice %arg5[%dma_start3A_1031, %dma_start3A_1032] : memref<100002x56xf32, #tpu.memory_space<hbm>> -> memref<100002x56xf32, #tpu.memory_space<hbm>>
    tpu.enqueue_indirect_dma source(%dma_start3A_1033 : memref<100002x56xf32, #tpu.memory_space<hbm>>) target(%dma_start3A_1023 : memref<100x56xf32, #tpu.memory_space<vmem>>) offsets(%dma_start3A_1030 : memref<100xi32, #tpu.memory_space<vmem>>) semaphore(%arg15 : memref<!tpu.dma_semaphore, #tpu.memory_space<semaphore_mem>>)
    %dma_start3A_1034 = arith.constant 1 : i32
    %dma_start3A_1035 = arith.constant 3 : i32
    %dma_start3A_1036 = arith.constant 1 : i32
    %dma_start3A_1037 = arith.constant 1 : i32
    %dma_start3A_1038 = arith.constant 0 : i32
    %dma_start3A_1039 = arith.constant 0 : i32
    %dma_start3A_1040 = tpu.memref_slice %arg12[%dma_start3A_1036, %dma_start3A_1037, %dma_start3A_1038, %dma_start3A_1039] : memref<2x2x200x56xf32, #tpu.memory_space<vmem>> -> memref<1x1x200x56xf32, #tpu.memory_space<vmem>>
    %dma_start3A_1041 = tpu.memref_squeeze %dma_start3A_1040 : memref<1x1x200x56xf32, #tpu.memory_space<vmem>> -> memref<200x56xf32, #tpu.memory_space<vmem>>
    %dma_start3A_1042 = arith.constant 100 : i32
    %dma_start3A_1043 = arith.constant 0 : i32
    %dma_start3A_1044 = tpu.memref_slice %dma_start3A_1041[%dma_start3A_1042, %dma_start3A_1043] : memref<200x56xf32, #tpu.memory_space<vmem>> -> memref<100x56xf32, #tpu.memory_space<vmem>>
    %dma_start3A_1045 = arith.constant 0 : i32
    %dma_start3A_1046 = arith.constant 0 : i32
    %dma_start3A_1047 = tpu.memref_slice %arg8[%dma_start3A_1034, %dma_start3A_1045, %dma_start3A_1046] : memref<2x4x100xi32, #tpu.memory_space<vmem>> -> memref<1x4x100xi32, #tpu.memory_space<vmem>>
    %dma_start3A_1048 = tpu.memref_squeeze %dma_start3A_1047 : memref<1x4x100xi32, #tpu.memory_space<vmem>> -> memref<4x100xi32, #tpu.memory_space<vmem>>
    %dma_start3A_1049 = arith.constant 0 : i32
    %dma_start3A_1050 = tpu.memref_slice %dma_start3A_1048[%dma_start3A_1035, %dma_start3A_1049] : memref<4x100xi32, #tpu.memory_space<vmem>> -> memref<1x100xi32, #tpu.memory_space<vmem>>
    %dma_start3A_1051 = tpu.memref_squeeze %dma_start3A_1050 : memref<1x100xi32, #tpu.memory_space<vmem>> -> memref<100xi32, #tpu.memory_space<vmem>>
    %dma_start3A_1052 = arith.constant 0 : i32
    %dma_start3A_1053 = arith.constant 0 : i32
    %dma_start3A_1054 = tpu.memref_slice %arg5[%dma_start3A_1052, %dma_start3A_1053] : memref<100002x56xf32, #tpu.memory_space<hbm>> -> memref<100002x56xf32, #tpu.memory_space<hbm>>
    tpu.enqueue_indirect_dma source(%dma_start3A_1054 : memref<100002x56xf32, #tpu.memory_space<hbm>>) target(%dma_start3A_1044 : memref<100x56xf32, #tpu.memory_space<vmem>>) offsets(%dma_start3A_1051 : memref<100xi32, #tpu.memory_space<vmem>>) semaphore(%arg15 : memref<!tpu.dma_semaphore, #tpu.memory_space<semaphore_mem>>)
    %scan3A_1055 = arith.constant 0 : i32
    %scan3A_1056 = arith.constant 0 : i32
    %scan3A_1057 = arith.constant 25 : i32
    %scan3A_1058 = arith.addi %scan3A_1056, %scan3A_1057 : i32
    %scan3A_1059 = arith.constant 1 : i32
    scf.for %scan3A_1329 = %scan3A_1056 to %scan3A_1058 step %scan3A_1059  : i32 {
      %mul3A_1330 = arith.constant 16 : i32
      %mul3A_1331 = arith.muli %scan3A_1329, %mul3A_1330 : i32
      %multiple_of3A_1332 = tpu.assume_multiple %mul3A_1331, 16 : i32
      %mul3A_1333 = arith.constant 16 : i32
      %mul3A_1334 = arith.muli %scan3A_1329, %mul3A_1333 : i32
      %add3A_1335 = vector.broadcast %mul3A_1334 : i32 to vector<16xi32>
      %add3A_1336 = arith.addi %add3A_1335, %iota3A : vector<16xi32>
      %jit3A = arith.constant 200 : i32
      %div3A = vector.broadcast %jit3A : i32 to vector<16xi32>
      %div3A_1337 = arith.divsi %add3A_1336, %div3A : vector<16xi32>
      %sign3A = arith.constant 0 : i32
      %sign3A_1338 = vector.broadcast %sign3A : i32 to vector<16xi32>
      %sign3A_1339 = arith.cmpi sgt, %add3A_1336, %sign3A_1338 : vector<16xi32>
      %sign3A_1340 = arith.extui %sign3A_1339 : vector<16xi1> to vector<16xi32>
      %sign3A_1341 = arith.constant 0 : i32
      %sign3A_1342 = vector.broadcast %sign3A_1341 : i32 to vector<16xi32>
      %sign3A_1343 = arith.cmpi slt, %add3A_1336, %sign3A_1342 : vector<16xi32>
      %sign3A_1344 = arith.extui %sign3A_1343 : vector<16xi1> to vector<16xi32>
      %sign3A_1345 = arith.subi %sign3A_1340, %sign3A_1344 : vector<16xi32>
      %sign3A_1346 = arith.constant 0 : i32
      %sign3A_1347 = arith.cmpi sgt, %jit3A, %sign3A_1346 : i32
      %sign3A_1348 = arith.extui %sign3A_1347 : i1 to i32
      %sign3A_1349 = arith.constant 0 : i32
      %sign3A_1350 = arith.cmpi slt, %jit3A, %sign3A_1349 : i32
      %sign3A_1351 = arith.extui %sign3A_1350 : i1 to i32
      %sign3A_1352 = arith.subi %sign3A_1348, %sign3A_1351 : i32
      %ne3A = vector.broadcast %sign3A_1352 : i32 to vector<16xi32>
      %ne3A_1353 = arith.cmpi ne, %sign3A_1345, %ne3A : vector<16xi32>
      %rem3A = vector.broadcast %jit3A : i32 to vector<16xi32>
      %rem3A_1354 = arith.remsi %add3A_1336, %rem3A : vector<16xi32>
      %ne3A_1355 = arith.constant 0 : i32
      %ne3A_1356 = vector.broadcast %ne3A_1355 : i32 to vector<16xi32>
      %ne3A_1357 = arith.cmpi ne, %rem3A_1354, %ne3A_1356 : vector<16xi32>
      %and3A = arith.andi %ne3A_1353, %ne3A_1357 : vector<16xi1>
      %sub3A = arith.constant 1 : i32
      %sub3A_1358 = vector.broadcast %sub3A : i32 to vector<16xi32>
      %sub3A_1359 = arith.subi %div3A_1337, %sub3A_1358 : vector<16xi32>
      %select_n3A = arith.select %and3A, %sub3A_1359, %div3A_1337 : vector<16xi1>, vector<16xi32>
      %mul3A_1360 = arith.constant 200 : i32
      %mul3A_1361 = vector.broadcast %mul3A_1360 : i32 to vector<16xi32>
      %mul3A_1362 = arith.muli %select_n3A, %mul3A_1361 : vector<16xi32>
      %sub3A_1363 = arith.subi %add3A_1336, %mul3A_1362 : vector<16xi32>
      %get3A = arith.constant 0 : i32
      %get3A_1364 = arith.constant 0 : i32
      %get3A_1365 = tpu.memref_slice %arg9[%get3A, %get3A_1364] : memref<2x400xi32, #tpu.memory_space<vmem>> -> memref<1x400xi32, #tpu.memory_space<vmem>>
      %get3A_1366 = tpu.memref_squeeze %get3A_1365 : memref<1x400xi32, #tpu.memory_space<vmem>> -> memref<400xi32, #tpu.memory_space<vmem>>
      %get3A_1367 = arith.index_cast %multiple_of3A_1332 : i32 to index
      %get3A_1368 = tpu.vector_load %get3A_1366[%get3A_1367] {strides = array<i32>} : memref<400xi32, #tpu.memory_space<vmem>>, vector<16xi32>,
      %get3A_1369 = arith.constant 0 : i32
      %get3A_1370 = arith.constant 0 : i32
      %get3A_1371 = tpu.memref_slice %arg10[%get3A_1369, %get3A_1370] : memref<2x400xi32, #tpu.memory_space<vmem>> -> memref<1x400xi32, #tpu.memory_space<vmem>>
      %get3A_1372 = tpu.memref_squeeze %get3A_1371 : memref<1x400xi32, #tpu.memory_space<vmem>> -> memref<400xi32, #tpu.memory_space<vmem>>
      %get3A_1373 = arith.index_cast %multiple_of3A_1332 : i32 to index
      %get3A_1374 = tpu.vector_load %get3A_1372[%get3A_1373] {strides = array<i32>} : memref<400xi32, #tpu.memory_space<vmem>>, vector<16xi32>,
      %mul3A_1375 = arith.constant 5 : i32
      %mul3A_1376 = vector.broadcast %mul3A_1375 : i32 to vector<16xi32>
      %mul3A_1377 = arith.muli %get3A_1368, %mul3A_1376 : vector<16xi32>
      %add3A_1378 = arith.constant 0 : i32
      %add3A_1379 = vector.broadcast %add3A_1378 : i32 to vector<16xi32>
      %add3A_1380 = arith.addi %mul3A_1377, %add3A_1379 : vector<16xi32>
      %gather3A = tpu.vector_load_idx %arg11[%add3A_1380] : memref<4000xf32, #tpu.memory_space<vmem>>[vector<16xi32>], vector<16xf32>,
      %broadcast_in_dim3A = arith.constant 50 : i32
      %broadcast_in_dim3A_1381 = vector.broadcast %broadcast_in_dim3A : i32 to vector<16xi32>
      %scatter3A = arith.constant 0 : i32
      %scatter3A_1382 = arith.constant 0 : i32
      %scatter3A_1383 = arith.constant 0 : i32
      %scatter3A_1384 = arith.constant 0 : i32
      %scatter3A_1385 = tpu.memref_slice %arg12[%scatter3A, %scatter3A_1382, %scatter3A_1383, %scatter3A_1384] : memref<2x2x200x56xf32, #tpu.memory_space<vmem>> -> memref<1x2x200x56xf32, #tpu.memory_space<vmem>>
      %scatter3A_1386 = tpu.memref_squeeze %scatter3A_1385 : memref<1x2x200x56xf32, #tpu.memory_space<vmem>> -> memref<2x200x56xf32, #tpu.memory_space<vmem>>
      tpu.vector_store_idx %scatter3A_1386[%select_n3A, %sub3A_1363, %broadcast_in_dim3A_1381], %gather3A : memref<2x200x56xf32, #tpu.memory_space<vmem>>[vector<16xi32>, vector<16xi32>, vector<16xi32>], vector<16xf32>,
      %mul3A_1387 = arith.constant 5 : i32
      %mul3A_1388 = vector.broadcast %mul3A_1387 : i32 to vector<16xi32>
      %mul3A_1389 = arith.muli %get3A_1374, %mul3A_1388 : vector<16xi32>
      %add3A_1390 = arith.constant 2000 : i32
      %add3A_1391 = vector.broadcast %add3A_1390 : i32 to vector<16xi32>
      %add3A_1392 = arith.addi %add3A_1391, %mul3A_1389 : vector<16xi32>
      %add3A_1393 = arith.constant 0 : i32
      %add3A_1394 = vector.broadcast %add3A_1393 : i32 to vector<16xi32>
      %add3A_1395 = arith.addi %add3A_1392, %add3A_1394 : vector<16xi32>
      %gather3A_1396 = tpu.vector_load_idx %arg11[%add3A_1395] : memref<4000xf32, #tpu.memory_space<vmem>>[vector<16xi32>], vector<16xf32>,
      %broadcast_in_dim3A_1397 = arith.constant 55 : i32
      %broadcast_in_dim3A_1398 = vector.broadcast %broadcast_in_dim3A_1397 : i32 to vector<16xi32>
      %scatter3A_1399 = arith.constant 0 : i32
      %scatter3A_1400 = arith.constant 0 : i32
      %scatter3A_1401 = arith.constant 0 : i32
      %scatter3A_1402 = arith.constant 0 : i32
      %scatter3A_1403 = tpu.memref_slice %arg12[%scatter3A_1399, %scatter3A_1400, %scatter3A_1401, %scatter3A_1402] : memref<2x2x200x56xf32, #tpu.memory_space<vmem>> -> memref<1x2x200x56xf32, #tpu.memory_space<vmem>>
      %scatter3A_1404 = tpu.memref_squeeze %scatter3A_1403 : memref<1x2x200x56xf32, #tpu.memory_space<vmem>> -> memref<2x200x56xf32, #tpu.memory_space<vmem>>
      tpu.vector_store_idx %scatter3A_1404[%select_n3A, %sub3A_1363, %broadcast_in_dim3A_1398], %gather3A_1396 : memref<2x200x56xf32, #tpu.memory_space<vmem>>[vector<16xi32>, vector<16xi32>, vector<16xi32>], vector<16xf32>,
      %mul3A_1405 = arith.constant 5 : i32
      %mul3A_1406 = vector.broadcast %mul3A_1405 : i32 to vector<16xi32>
      %mul3A_1407 = arith.muli %get3A_1368, %mul3A_1406 : vector<16xi32>
      %add3A_1408 = arith.constant 1 : i32
      %add3A_1409 = vector.broadcast %add3A_1408 : i32 to vector<16xi32>
      %add3A_1410 = arith.addi %mul3A_1407, %add3A_1409 : vector<16xi32>
      %gather3A_1411 = tpu.vector_load_idx %arg11[%add3A_1410] : memref<4000xf32, #tpu.memory_space<vmem>>[vector<16xi32>], vector<16xf32>,
      %broadcast_in_dim3A_1412 = arith.constant 51 : i32
      %broadcast_in_dim3A_1413 = vector.broadcast %broadcast_in_dim3A_1412 : i32 to vector<16xi32>
      %scatter3A_1414 = arith.constant 0 : i32
      %scatter3A_1415 = arith.constant 0 : i32
      %scatter3A_1416 = arith.constant 0 : i32
      %scatter3A_1417 = arith.constant 0 : i32
      %scatter3A_1418 = tpu.memref_slice %arg12[%scatter3A_1414, %scatter3A_1415, %scatter3A_1416, %scatter3A_1417] : memref<2x2x200x56xf32, #tpu.memory_space<vmem>> -> memref<1x2x200x56xf32, #tpu.memory_space<vmem>>
      %scatter3A_1419 = tpu.memref_squeeze %scatter3A_1418 : memref<1x2x200x56xf32, #tpu.memory_space<vmem>> -> memref<2x200x56xf32, #tpu.memory_space<vmem>>
      tpu.vector_store_idx %scatter3A_1419[%select_n3A, %sub3A_1363, %broadcast_in_dim3A_1413], %gather3A_1411 : memref<2x200x56xf32, #tpu.memory_space<vmem>>[vector<16xi32>, vector<16xi32>, vector<16xi32>], vector<16xf32>,
      %mul3A_1420 = arith.constant 5 : i32
      %mul3A_1421 = vector.broadcast %mul3A_1420 : i32 to vector<16xi32>
      %mul3A_1422 = arith.muli %get3A_1374, %mul3A_1421 : vector<16xi32>
      %add3A_1423 = arith.constant 2000 : i32
      %add3A_1424 = vector.broadcast %add3A_1423 : i32 to vector<16xi32>
      %add3A_1425 = arith.addi %add3A_1424, %mul3A_1422 : vector<16xi32>
      %add3A_1426 = arith.constant 1 : i32
      %add3A_1427 = vector.broadcast %add3A_1426 : i32 to vector<16xi32>
      %add3A_1428 = arith.addi %add3A_1425, %add3A_1427 : vector<16xi32>
      %gather3A_1429 = tpu.vector_load_idx %arg11[%add3A_1428] : memref<4000xf32, #tpu.memory_space<vmem>>[vector<16xi32>], vector<16xf32>,
      %broadcast_in_dim3A_1430 = arith.constant 56 : i32
      %broadcast_in_dim3A_1431 = vector.broadcast %broadcast_in_dim3A_1430 : i32 to vector<16xi32>
      %scatter3A_1432 = arith.constant 0 : i32
      %scatter3A_1433 = arith.constant 0 : i32
      %scatter3A_1434 = arith.constant 0 : i32
      %scatter3A_1435 = arith.constant 0 : i32
      %scatter3A_1436 = tpu.memref_slice %arg13[%scatter3A_1432, %scatter3A_1433, %scatter3A_1434, %scatter3A_1435] : memref<2x2x200x60xf32, #tpu.memory_space<vmem>> -> memref<1x2x200x60xf32, #tpu.memory_space<vmem>>
      %scatter3A_1437 = tpu.memref_squeeze %scatter3A_1436 : memref<1x2x200x60xf32, #tpu.memory_space<vmem>> -> memref<2x200x60xf32, #tpu.memory_space<vmem>>
      tpu.vector_store_idx %scatter3A_1437[%select_n3A, %sub3A_1363, %broadcast_in_dim3A_1431], %gather3A_1429 : memref<2x200x60xf32, #tpu.memory_space<vmem>>[vector<16xi32>, vector<16xi32>, vector<16xi32>], vector<16xf32>,
      %mul3A_1438 = arith.constant 5 : i32
      %mul3A_1439 = vector.broadcast %mul3A_1438 : i32 to vector<16xi32>
      %mul3A_1440 = arith.muli %get3A_1368, %mul3A_1439 : vector<16xi32>
      %add3A_1441 = arith.constant 2 : i32
      %add3A_1442 = vector.broadcast %add3A_1441 : i32 to vector<16xi32>
      %add3A_1443 = arith.addi %mul3A_1440, %add3A_1442 : vector<16xi32>
      %gather3A_1444 = tpu.vector_load_idx %arg11[%add3A_1443] : memref<4000xf32, #tpu.memory_space<vmem>>[vector<16xi32>], vector<16xf32>,
      %broadcast_in_dim3A_1445 = arith.constant 52 : i32
      %broadcast_in_dim3A_1446 = vector.broadcast %broadcast_in_dim3A_1445 : i32 to vector<16xi32>
      %scatter3A_1447 = arith.constant 0 : i32
      %scatter3A_1448 = arith.constant 0 : i32
      %scatter3A_1449 = arith.constant 0 : i32
      %scatter3A_1450 = arith.constant 0 : i32
      %scatter3A_1451 = tpu.memref_slice %arg12[%scatter3A_1447, %scatter3A_1448, %scatter3A_1449, %scatter3A_1450] : memref<2x2x200x56xf32, #tpu.memory_space<vmem>> -> memref<1x2x200x56xf32, #tpu.memory_space<vmem>>
      %scatter3A_1452 = tpu.memref_squeeze %scatter3A_1451 : memref<1x2x200x56xf32, #tpu.memory_space<vmem>> -> memref<2x200x56xf32, #tpu.memory_space<vmem>>
      tpu.vector_store_idx %scatter3A_1452[%select_n3A, %sub3A_1363, %broadcast_in_dim3A_1446], %gather3A_1444 : memref<2x200x56xf32, #tpu.memory_space<vmem>>[vector<16xi32>, vector<16xi32>, vector<16xi32>], vector<16xf32>,
      %mul3A_1453 = arith.constant 5 : i32
      %mul3A_1454 = vector.broadcast %mul3A_1453 : i32 to vector<16xi32>
      %mul3A_1455 = arith.muli %get3A_1374, %mul3A_1454 : vector<16xi32>
      %add3A_1456 = arith.constant 2000 : i32
      %add3A_1457 = vector.broadcast %add3A_1456 : i32 to vector<16xi32>
      %add3A_1458 = arith.addi %add3A_1457, %mul3A_1455 : vector<16xi32>
      %add3A_1459 = arith.constant 2 : i32
      %add3A_1460 = vector.broadcast %add3A_1459 : i32 to vector<16xi32>
      %add3A_1461 = arith.addi %add3A_1458, %add3A_1460 : vector<16xi32>
      %gather3A_1462 = tpu.vector_load_idx %arg11[%add3A_1461] : memref<4000xf32, #tpu.memory_space<vmem>>[vector<16xi32>], vector<16xf32>,
      %broadcast_in_dim3A_1463 = arith.constant 57 : i32
      %broadcast_in_dim3A_1464 = vector.broadcast %broadcast_in_dim3A_1463 : i32 to vector<16xi32>
      %scatter3A_1465 = arith.constant 0 : i32
      %scatter3A_1466 = arith.constant 0 : i32
      %scatter3A_1467 = arith.constant 0 : i32
      %scatter3A_1468 = arith.constant 0 : i32
      %scatter3A_1469 = tpu.memref_slice %arg13[%scatter3A_1465, %scatter3A_1466, %scatter3A_1467, %scatter3A_1468] : memref<2x2x200x60xf32, #tpu.memory_space<vmem>> -> memref<1x2x200x60xf32, #tpu.memory_space<vmem>>
      %scatter3A_1470 = tpu.memref_squeeze %scatter3A_1469 : memref<1x2x200x60xf32, #tpu.memory_space<vmem>> -> memref<2x200x60xf32, #tpu.memory_space<vmem>>
      tpu.vector_store_idx %scatter3A_1470[%select_n3A, %sub3A_1363, %broadcast_in_dim3A_1464], %gather3A_1462 : memref<2x200x60xf32, #tpu.memory_space<vmem>>[vector<16xi32>, vector<16xi32>, vector<16xi32>], vector<16xf32>,
      %mul3A_1471 = arith.constant 5 : i32
      %mul3A_1472 = vector.broadcast %mul3A_1471 : i32 to vector<16xi32>
      %mul3A_1473 = arith.muli %get3A_1368, %mul3A_1472 : vector<16xi32>
      %add3A_1474 = arith.constant 3 : i32
      %add3A_1475 = vector.broadcast %add3A_1474 : i32 to vector<16xi32>
      %add3A_1476 = arith.addi %mul3A_1473, %add3A_1475 : vector<16xi32>
      %gather3A_1477 = tpu.vector_load_idx %arg11[%add3A_1476] : memref<4000xf32, #tpu.memory_space<vmem>>[vector<16xi32>], vector<16xf32>,
      %broadcast_in_dim3A_1478 = arith.constant 53 : i32
      %broadcast_in_dim3A_1479 = vector.broadcast %broadcast_in_dim3A_1478 : i32 to vector<16xi32>
      %scatter3A_1480 = arith.constant 0 : i32
      %scatter3A_1481 = arith.constant 0 : i32
      %scatter3A_1482 = arith.constant 0 : i32
      %scatter3A_1483 = arith.constant 0 : i32
      %scatter3A_1484 = tpu.memref_slice %arg12[%scatter3A_1480, %scatter3A_1481, %scatter3A_1482, %scatter3A_1483] : memref<2x2x200x56xf32, #tpu.memory_space<vmem>> -> memref<1x2x200x56xf32, #tpu.memory_space<vmem>>
      %scatter3A_1485 = tpu.memref_squeeze %scatter3A_1484 : memref<1x2x200x56xf32, #tpu.memory_space<vmem>> -> memref<2x200x56xf32, #tpu.memory_space<vmem>>
      tpu.vector_store_idx %scatter3A_1485[%select_n3A, %sub3A_1363, %broadcast_in_dim3A_1479], %gather3A_1477 : memref<2x200x56xf32, #tpu.memory_space<vmem>>[vector<16xi32>, vector<16xi32>, vector<16xi32>], vector<16xf32>,
      %mul3A_1486 = arith.constant 5 : i32
      %mul3A_1487 = vector.broadcast %mul3A_1486 : i32 to vector<16xi32>
      %mul3A_1488 = arith.muli %get3A_1374, %mul3A_1487 : vector<16xi32>
      %add3A_1489 = arith.constant 2000 : i32
      %add3A_1490 = vector.broadcast %add3A_1489 : i32 to vector<16xi32>
      %add3A_1491 = arith.addi %add3A_1490, %mul3A_1488 : vector<16xi32>
      %add3A_1492 = arith.constant 3 : i32
      %add3A_1493 = vector.broadcast %add3A_1492 : i32 to vector<16xi32>
      %add3A_1494 = arith.addi %add3A_1491, %add3A_1493 : vector<16xi32>
      %gather3A_1495 = tpu.vector_load_idx %arg11[%add3A_1494] : memref<4000xf32, #tpu.memory_space<vmem>>[vector<16xi32>], vector<16xf32>,
      %broadcast_in_dim3A_1496 = arith.constant 58 : i32
      %broadcast_in_dim3A_1497 = vector.broadcast %broadcast_in_dim3A_1496 : i32 to vector<16xi32>
      %scatter3A_1498 = arith.constant 0 : i32
      %scatter3A_1499 = arith.constant 0 : i32
      %scatter3A_1500 = arith.constant 0 : i32
      %scatter3A_1501 = arith.constant 0 : i32
      %scatter3A_1502 = tpu.memref_slice %arg13[%scatter3A_1498, %scatter3A_1499, %scatter3A_1500, %scatter3A_1501] : memref<2x2x200x60xf32, #tpu.memory_space<vmem>> -> memref<1x2x200x60xf32, #tpu.memory_space<vmem>>
      %scatter3A_1503 = tpu.memref_squeeze %scatter3A_1502 : memref<1x2x200x60xf32, #tpu.memory_space<vmem>> -> memref<2x200x60xf32, #tpu.memory_space<vmem>>
      tpu.vector_store_idx %scatter3A_1503[%select_n3A, %sub3A_1363, %broadcast_in_dim3A_1497], %gather3A_1495 : memref<2x200x60xf32, #tpu.memory_space<vmem>>[vector<16xi32>, vector<16xi32>, vector<16xi32>], vector<16xf32>,
      %mul3A_1504 = arith.constant 5 : i32
      %mul3A_1505 = vector.broadcast %mul3A_1504 : i32 to vector<16xi32>
      %mul3A_1506 = arith.muli %get3A_1368, %mul3A_1505 : vector<16xi32>
      %add3A_1507 = arith.constant 4 : i32
      %add3A_1508 = vector.broadcast %add3A_1507 : i32 to vector<16xi32>
      %add3A_1509 = arith.addi %mul3A_1506, %add3A_1508 : vector<16xi32>
      %gather3A_1510 = tpu.vector_load_idx %arg11[%add3A_1509] : memref<4000xf32, #tpu.memory_space<vmem>>[vector<16xi32>], vector<16xf32>,
      %broadcast_in_dim3A_1511 = arith.constant 54 : i32
      %broadcast_in_dim3A_1512 = vector.broadcast %broadcast_in_dim3A_1511 : i32 to vector<16xi32>
      %scatter3A_1513 = arith.constant 0 : i32
      %scatter3A_1514 = arith.constant 0 : i32
      %scatter3A_1515 = arith.constant 0 : i32
      %scatter3A_1516 = arith.constant 0 : i32
      %scatter3A_1517 = tpu.memref_slice %arg12[%scatter3A_1513, %scatter3A_1514, %scatter3A_1515, %scatter3A_1516] : memref<2x2x200x56xf32, #tpu.memory_space<vmem>> -> memref<1x2x200x56xf32, #tpu.memory_space<vmem>>
      %scatter3A_1518 = tpu.memref_squeeze %scatter3A_1517 : memref<1x2x200x56xf32, #tpu.memory_space<vmem>> -> memref<2x200x56xf32, #tpu.memory_space<vmem>>
      tpu.vector_store_idx %scatter3A_1518[%select_n3A, %sub3A_1363, %broadcast_in_dim3A_1512], %gather3A_1510 : memref<2x200x56xf32, #tpu.memory_space<vmem>>[vector<16xi32>, vector<16xi32>, vector<16xi32>], vector<16xf32>,
      %mul3A_1519 = arith.constant 5 : i32
      %mul3A_1520 = vector.broadcast %mul3A_1519 : i32 to vector<16xi32>
      %mul3A_1521 = arith.muli %get3A_1374, %mul3A_1520 : vector<16xi32>
      %add3A_1522 = arith.constant 2000 : i32
      %add3A_1523 = vector.broadcast %add3A_1522 : i32 to vector<16xi32>
      %add3A_1524 = arith.addi %add3A_1523, %mul3A_1521 : vector<16xi32>
      %add3A_1525 = arith.constant 4 : i32
      %add3A_1526 = vector.broadcast %add3A_1525 : i32 to vector<16xi32>
      %add3A_1527 = arith.addi %add3A_1524, %add3A_1526 : vector<16xi32>
      %gather3A_1528 = tpu.vector_load_idx %arg11[%add3A_1527] : memref<4000xf32, #tpu.memory_space<vmem>>[vector<16xi32>], vector<16xf32>,
      %broadcast_in_dim3A_1529 = arith.constant 59 : i32
      %broadcast_in_dim3A_1530 = vector.broadcast %broadcast_in_dim3A_1529 : i32 to vector<16xi32>
      %scatter3A_1531 = arith.constant 0 : i32
      %scatter3A_1532 = arith.constant 0 : i32
      %scatter3A_1533 = arith.constant 0 : i32
      %scatter3A_1534 = arith.constant 0 : i32
      %scatter3A_1535 = tpu.memref_slice %arg13[%scatter3A_1531, %scatter3A_1532, %scatter3A_1533, %scatter3A_1534] : memref<2x2x200x60xf32, #tpu.memory_space<vmem>> -> memref<1x2x200x60xf32, #tpu.memory_space<vmem>>
      %scatter3A_1536 = tpu.memref_squeeze %scatter3A_1535 : memref<1x2x200x60xf32, #tpu.memory_space<vmem>> -> memref<2x200x60xf32, #tpu.memory_space<vmem>>
      tpu.vector_store_idx %scatter3A_1536[%select_n3A, %sub3A_1363, %broadcast_in_dim3A_1530], %gather3A_1528 : memref<2x200x60xf32, #tpu.memory_space<vmem>>[vector<16xi32>, vector<16xi32>, vector<16xi32>], vector<16xf32>,
    }
    %scan3A_1060 = arith.constant 25 : i32
    %mul3A_1061 = arith.constant 25600 : i32
    %mul3A_1062 = arith.muli %add3A, %mul3A_1061 : i32
    %add3A_1063 = arith.constant 24800 : i32
    %add3A_1064 = arith.addi %mul3A_1062, %add3A_1063 : i32
    %multiple_of3A_1065 = tpu.assume_multiple %add3A_1064, 400 : i32
    %mul3A_1066 = arith.constant 256 : i32
    %mul3A_1067 = arith.muli %add3A, %mul3A_1066 : i32
    %add3A_1068 = arith.constant 248 : i32
    %add3A_1069 = arith.addi %mul3A_1067, %add3A_1068 : i32
    %multiple_of3A_1070 = tpu.assume_multiple %add3A_1069, 4 : i32
    %mul3A_1071 = arith.constant 128 : i32
    %mul3A_1072 = arith.muli %add3A, %mul3A_1071 : i32
    %add3A_1073 = arith.constant 124 : i32
    %add3A_1074 = arith.addi %mul3A_1072, %add3A_1073 : i32
    %multiple_of3A_1075 = tpu.assume_multiple %add3A_1074, 2 : i32
    %dma_start3A_1076 = arith.constant 0 : i32
    %dma_start3A_1077 = arith.constant 0 : i32
    %dma_start3A_1078 = arith.constant 0 : i32
    %dma_start3A_1079 = arith.constant 0 : i32
    %dma_start3A_1080 = tpu.memref_slice %arg13[%dma_start3A_1076, %dma_start3A_1077, %dma_start3A_1078, %dma_start3A_1079] : memref<2x2x200x60xf32, #tpu.memory_space<vmem>> -> memref<1x2x200x60xf32, #tpu.memory_space<vmem>>
    %dma_start3A_1081 = tpu.memref_squeeze %dma_start3A_1080 : memref<1x2x200x60xf32, #tpu.memory_space<vmem>> -> memref<2x200x60xf32, #tpu.memory_space<vmem>>
    %dma_start3A_1082 = arith.constant 0 : i32
    %dma_start3A_1083 = arith.constant 0 : i32
    %dma_start3A_1084 = tpu.memref_slice %arg7[%multiple_of3A_1075, %dma_start3A_1082, %dma_start3A_1083] : memref<4096x200x60xf32, #tpu.memory_space<hbm>> -> memref<2x200x60xf32, #tpu.memory_space<hbm>>
    %dma_start3A_1085 = arith.constant 0 : i32
    %dma_start3A_1086 = arith.constant 0 : i32
    %dma_start3A_1087 = tpu.memref_slice %arg7[%multiple_of3A_1075, %dma_start3A_1085, %dma_start3A_1086] : memref<4096x200x60xf32, #tpu.memory_space<hbm>> -> memref<2x200x60xf32, #tpu.memory_space<hbm>>
    %dma_start3A_1088 = arith.constant 0 : i32
    %dma_start3A_1089 = arith.constant 0 : i32
    %dma_start3A_1090 = arith.constant 0 : i32
    %dma_start3A_1091 = tpu.memref_slice %arg13[%dma_start3A_1076, %dma_start3A_1088, %dma_start3A_1089, %dma_start3A_1090] : memref<2x2x200x60xf32, #tpu.memory_space<vmem>> -> memref<1x2x200x60xf32, #tpu.memory_space<vmem>>
    %dma_start3A_1092 = tpu.memref_squeeze %dma_start3A_1091 : memref<1x2x200x60xf32, #tpu.memory_space<vmem>> -> memref<2x200x60xf32, #tpu.memory_space<vmem>>
    tpu.enqueue_dma source(%dma_start3A_1092 : memref<2x200x60xf32, #tpu.memory_space<vmem>>) target(%dma_start3A_1087 : memref<2x200x60xf32, #tpu.memory_space<hbm>>) target_semaphore(%arg16 : memref<!tpu.dma_semaphore, #tpu.memory_space<semaphore_mem>>)
    %dma_start3A_1093 = arith.constant 0 : i32
    %dma_start3A_1094 = arith.constant 0 : i32
    %dma_start3A_1095 = arith.constant 0 : i32
    %dma_start3A_1096 = arith.constant 0 : i32
    %dma_start3A_1097 = tpu.memref_slice %arg12[%dma_start3A_1093, %dma_start3A_1094, %dma_start3A_1095, %dma_start3A_1096] : memref<2x2x200x56xf32, #tpu.memory_space<vmem>> -> memref<1x2x200x56xf32, #tpu.memory_space<vmem>>
    %dma_start3A_1098 = tpu.memref_squeeze %dma_start3A_1097 : memref<1x2x200x56xf32, #tpu.memory_space<vmem>> -> memref<2x200x56xf32, #tpu.memory_space<vmem>>
    %dma_start3A_1099 = arith.constant 0 : i32
    %dma_start3A_1100 = arith.constant 0 : i32
    %dma_start3A_1101 = tpu.memref_slice %arg7[%multiple_of3A_1075, %dma_start3A_1099, %dma_start3A_1100] : memref<4096x200x60xf32, #tpu.memory_space<hbm>> -> memref<2x200x56xf32, #tpu.memory_space<hbm>>
    %dma_start3A_1102 = arith.constant 0 : i32
    %dma_start3A_1103 = arith.constant 0 : i32
    %dma_start3A_1104 = tpu.memref_slice %arg7[%multiple_of3A_1075, %dma_start3A_1102, %dma_start3A_1103] : memref<4096x200x60xf32, #tpu.memory_space<hbm>> -> memref<2x200x56xf32, #tpu.memory_space<hbm>>
    %dma_start3A_1105 = arith.constant 0 : i32
    %dma_start3A_1106 = arith.constant 0 : i32
    %dma_start3A_1107 = arith.constant 0 : i32
    %dma_start3A_1108 = tpu.memref_slice %arg12[%dma_start3A_1093, %dma_start3A_1105, %dma_start3A_1106, %dma_start3A_1107] : memref<2x2x200x56xf32, #tpu.memory_space<vmem>> -> memref<1x2x200x56xf32, #tpu.memory_space<vmem>>
    %dma_start3A_1109 = tpu.memref_squeeze %dma_start3A_1108 : memref<1x2x200x56xf32, #tpu.memory_space<vmem>> -> memref<2x200x56xf32, #tpu.memory_space<vmem>>
    tpu.enqueue_dma source(%dma_start3A_1109 : memref<2x200x56xf32, #tpu.memory_space<vmem>>) target(%dma_start3A_1104 : memref<2x200x56xf32, #tpu.memory_space<hbm>>) target_semaphore(%arg16 : memref<!tpu.dma_semaphore, #tpu.memory_space<semaphore_mem>>)
    %dma_wait3A_1110 = arith.constant 1 : i32
    %dma_wait3A_1111 = arith.constant 0 : i32
    %dma_wait3A_1112 = arith.constant 0 : i32
    %dma_wait3A_1113 = arith.constant 0 : i32
    %dma_wait3A_1114 = tpu.memref_slice %arg12[%dma_wait3A_1110, %dma_wait3A_1111, %dma_wait3A_1112, %dma_wait3A_1113] : memref<2x2x200x56xf32, #tpu.memory_space<vmem>> -> memref<1x1x200x56xf32, #tpu.memory_space<vmem>>
    %dma_wait3A_1115 = tpu.memref_squeeze %dma_wait3A_1114 : memref<1x1x200x56xf32, #tpu.memory_space<vmem>> -> memref<200x56xf32, #tpu.memory_space<vmem>>
    %dma_wait3A_1116 = arith.constant 0 : i32
    %dma_wait3A_1117 = arith.constant 0 : i32
    %dma_wait3A_1118 = tpu.memref_slice %dma_wait3A_1115[%dma_wait3A_1116, %dma_wait3A_1117] : memref<200x56xf32, #tpu.memory_space<vmem>> -> memref<100x56xf32, #tpu.memory_space<vmem>>
    %dma_wait3A_1119 = arith.constant 0 : i32
    %dma_wait3A_1120 = arith.constant 0 : i32
    %dma_wait3A_1121 = tpu.memref_slice %arg5[%dma_wait3A_1119, %dma_wait3A_1120] : memref<100002x56xf32, #tpu.memory_space<hbm>> -> memref<100x56xf32, #tpu.memory_space<hbm>>
    %dma_wait3A_1122 = arith.constant 0 : i32
    %dma_wait3A_1123 = arith.constant 0 : i32
    %dma_wait3A_1124 = tpu.memref_slice %arg12[%dma_wait3A_1110, %dma_wait3A_1111, %dma_wait3A_1122, %dma_wait3A_1123] : memref<2x2x200x56xf32, #tpu.memory_space<vmem>> -> memref<1x1x200x56xf32, #tpu.memory_space<vmem>>
    %dma_wait3A_1125 = tpu.memref_squeeze %dma_wait3A_1124 : memref<1x1x200x56xf32, #tpu.memory_space<vmem>> -> memref<200x56xf32, #tpu.memory_space<vmem>>
    %dma_wait3A_1126 = arith.constant 0 : i32
    %dma_wait3A_1127 = arith.constant 0 : i32
    %dma_wait3A_1128 = tpu.memref_slice %dma_wait3A_1125[%dma_wait3A_1126, %dma_wait3A_1127] : memref<200x56xf32, #tpu.memory_space<vmem>> -> memref<100x56xf32, #tpu.memory_space<vmem>>
    %dma_wait3A_1129 = arith.constant 0 : i32
    %dma_wait3A_1130 = arith.constant 0 : i32
    %dma_wait3A_1131 = tpu.memref_slice %arg5[%dma_wait3A_1129, %dma_wait3A_1130] : memref<100002x56xf32, #tpu.memory_space<hbm>> -> memref<100x56xf32, #tpu.memory_space<hbm>>
    tpu.wait_dma2 semaphore(%arg15 : memref<!tpu.dma_semaphore, #tpu.memory_space<semaphore_mem>>) src(%dma_wait3A_1131 : memref<100x56xf32, #tpu.memory_space<hbm>>) dst(%dma_wait3A_1128 : memref<100x56xf32, #tpu.memory_space<vmem>>)
    %dma_wait3A_1132 = arith.constant 1 : i32
    %dma_wait3A_1133 = arith.constant 0 : i32
    %dma_wait3A_1134 = arith.constant 0 : i32
    %dma_wait3A_1135 = arith.constant 0 : i32
    %dma_wait3A_1136 = tpu.memref_slice %arg12[%dma_wait3A_1132, %dma_wait3A_1133, %dma_wait3A_1134, %dma_wait3A_1135] : memref<2x2x200x56xf32, #tpu.memory_space<vmem>> -> memref<1x1x200x56xf32, #tpu.memory_space<vmem>>
    %dma_wait3A_1137 = tpu.memref_squeeze %dma_wait3A_1136 : memref<1x1x200x56xf32, #tpu.memory_space<vmem>> -> memref<200x56xf32, #tpu.memory_space<vmem>>
    %dma_wait3A_1138 = arith.constant 100 : i32
    %dma_wait3A_1139 = arith.constant 0 : i32
    %dma_wait3A_1140 = tpu.memref_slice %dma_wait3A_1137[%dma_wait3A_1138, %dma_wait3A_1139] : memref<200x56xf32, #tpu.memory_space<vmem>> -> memref<100x56xf32, #tpu.memory_space<vmem>>
    %dma_wait3A_1141 = arith.constant 0 : i32
    %dma_wait3A_1142 = arith.constant 0 : i32
    %dma_wait3A_1143 = tpu.memref_slice %arg5[%dma_wait3A_1141, %dma_wait3A_1142] : memref<100002x56xf32, #tpu.memory_space<hbm>> -> memref<100x56xf32, #tpu.memory_space<hbm>>
    %dma_wait3A_1144 = arith.constant 0 : i32
    %dma_wait3A_1145 = arith.constant 0 : i32
    %dma_wait3A_1146 = tpu.memref_slice %arg12[%dma_wait3A_1132, %dma_wait3A_1133, %dma_wait3A_1144, %dma_wait3A_1145] : memref<2x2x200x56xf32, #tpu.memory_space<vmem>> -> memref<1x1x200x56xf32, #tpu.memory_space<vmem>>
    %dma_wait3A_1147 = tpu.memref_squeeze %dma_wait3A_1146 : memref<1x1x200x56xf32, #tpu.memory_space<vmem>> -> memref<200x56xf32, #tpu.memory_space<vmem>>
    %dma_wait3A_1148 = arith.constant 100 : i32
    %dma_wait3A_1149 = arith.constant 0 : i32
    %dma_wait3A_1150 = tpu.memref_slice %dma_wait3A_1147[%dma_wait3A_1148, %dma_wait3A_1149] : memref<200x56xf32, #tpu.memory_space<vmem>> -> memref<100x56xf32, #tpu.memory_space<vmem>>
    %dma_wait3A_1151 = arith.constant 0 : i32
    %dma_wait3A_1152 = arith.constant 0 : i32
    %dma_wait3A_1153 = tpu.memref_slice %arg5[%dma_wait3A_1151, %dma_wait3A_1152] : memref<100002x56xf32, #tpu.memory_space<hbm>> -> memref<100x56xf32, #tpu.memory_space<hbm>>
    tpu.wait_dma2 semaphore(%arg15 : memref<!tpu.dma_semaphore, #tpu.memory_space<semaphore_mem>>) src(%dma_wait3A_1153 : memref<100x56xf32, #tpu.memory_space<hbm>>) dst(%dma_wait3A_1150 : memref<100x56xf32, #tpu.memory_space<vmem>>)
    %dma_wait3A_1154 = arith.constant 1 : i32
    %dma_wait3A_1155 = arith.constant 1 : i32
    %dma_wait3A_1156 = arith.constant 0 : i32
    %dma_wait3A_1157 = arith.constant 0 : i32
    %dma_wait3A_1158 = tpu.memref_slice %arg12[%dma_wait3A_1154, %dma_wait3A_1155, %dma_wait3A_1156, %dma_wait3A_1157] : memref<2x2x200x56xf32, #tpu.memory_space<vmem>> -> memref<1x1x200x56xf32, #tpu.memory_space<vmem>>
    %dma_wait3A_1159 = tpu.memref_squeeze %dma_wait3A_1158 : memref<1x1x200x56xf32, #tpu.memory_space<vmem>> -> memref<200x56xf32, #tpu.memory_space<vmem>>
    %dma_wait3A_1160 = arith.constant 0 : i32
    %dma_wait3A_1161 = arith.constant 0 : i32
    %dma_wait3A_1162 = tpu.memref_slice %dma_wait3A_1159[%dma_wait3A_1160, %dma_wait3A_1161] : memref<200x56xf32, #tpu.memory_space<vmem>> -> memref<100x56xf32, #tpu.memory_space<vmem>>
    %dma_wait3A_1163 = arith.constant 0 : i32
    %dma_wait3A_1164 = arith.constant 0 : i32
    %dma_wait3A_1165 = tpu.memref_slice %arg5[%dma_wait3A_1163, %dma_wait3A_1164] : memref<100002x56xf32, #tpu.memory_space<hbm>> -> memref<100x56xf32, #tpu.memory_space<hbm>>
    %dma_wait3A_1166 = arith.constant 0 : i32
    %dma_wait3A_1167 = arith.constant 0 : i32
    %dma_wait3A_1168 = tpu.memref_slice %arg12[%dma_wait3A_1154, %dma_wait3A_1155, %dma_wait3A_1166, %dma_wait3A_1167] : memref<2x2x200x56xf32, #tpu.memory_space<vmem>> -> memref<1x1x200x56xf32, #tpu.memory_space<vmem>>
    %dma_wait3A_1169 = tpu.memref_squeeze %dma_wait3A_1168 : memref<1x1x200x56xf32, #tpu.memory_space<vmem>> -> memref<200x56xf32, #tpu.memory_space<vmem>>
    %dma_wait3A_1170 = arith.constant 0 : i32
    %dma_wait3A_1171 = arith.constant 0 : i32
    %dma_wait3A_1172 = tpu.memref_slice %dma_wait3A_1169[%dma_wait3A_1170, %dma_wait3A_1171] : memref<200x56xf32, #tpu.memory_space<vmem>> -> memref<100x56xf32, #tpu.memory_space<vmem>>
    %dma_wait3A_1173 = arith.constant 0 : i32
    %dma_wait3A_1174 = arith.constant 0 : i32
    %dma_wait3A_1175 = tpu.memref_slice %arg5[%dma_wait3A_1173, %dma_wait3A_1174] : memref<100002x56xf32, #tpu.memory_space<hbm>> -> memref<100x56xf32, #tpu.memory_space<hbm>>
    tpu.wait_dma2 semaphore(%arg15 : memref<!tpu.dma_semaphore, #tpu.memory_space<semaphore_mem>>) src(%dma_wait3A_1175 : memref<100x56xf32, #tpu.memory_space<hbm>>) dst(%dma_wait3A_1172 : memref<100x56xf32, #tpu.memory_space<vmem>>)
    %dma_wait3A_1176 = arith.constant 1 : i32
    %dma_wait3A_1177 = arith.constant 1 : i32
    %dma_wait3A_1178 = arith.constant 0 : i32
    %dma_wait3A_1179 = arith.constant 0 : i32
    %dma_wait3A_1180 = tpu.memref_slice %arg12[%dma_wait3A_1176, %dma_wait3A_1177, %dma_wait3A_1178, %dma_wait3A_1179] : memref<2x2x200x56xf32, #tpu.memory_space<vmem>> -> memref<1x1x200x56xf32, #tpu.memory_space<vmem>>
    %dma_wait3A_1181 = tpu.memref_squeeze %dma_wait3A_1180 : memref<1x1x200x56xf32, #tpu.memory_space<vmem>> -> memref<200x56xf32, #tpu.memory_space<vmem>>
    %dma_wait3A_1182 = arith.constant 100 : i32
    %dma_wait3A_1183 = arith.constant 0 : i32
    %dma_wait3A_1184 = tpu.memref_slice %dma_wait3A_1181[%dma_wait3A_1182, %dma_wait3A_1183] : memref<200x56xf32, #tpu.memory_space<vmem>> -> memref<100x56xf32, #tpu.memory_space<vmem>>
    %dma_wait3A_1185 = arith.constant 0 : i32
    %dma_wait3A_1186 = arith.constant 0 : i32
    %dma_wait3A_1187 = tpu.memref_slice %arg5[%dma_wait3A_1185, %dma_wait3A_1186] : memref<100002x56xf32, #tpu.memory_space<hbm>> -> memref<100x56xf32, #tpu.memory_space<hbm>>
    %dma_wait3A_1188 = arith.constant 0 : i32
    %dma_wait3A_1189 = arith.constant 0 : i32
    %dma_wait3A_1190 = tpu.memref_slice %arg12[%dma_wait3A_1176, %dma_wait3A_1177, %dma_wait3A_1188, %dma_wait3A_1189] : memref<2x2x200x56xf32, #tpu.memory_space<vmem>> -> memref<1x1x200x56xf32, #tpu.memory_space<vmem>>
    %dma_wait3A_1191 = tpu.memref_squeeze %dma_wait3A_1190 : memref<1x1x200x56xf32, #tpu.memory_space<vmem>> -> memref<200x56xf32, #tpu.memory_space<vmem>>
    %dma_wait3A_1192 = arith.constant 100 : i32
    %dma_wait3A_1193 = arith.constant 0 : i32
    %dma_wait3A_1194 = tpu.memref_slice %dma_wait3A_1191[%dma_wait3A_1192, %dma_wait3A_1193] : memref<200x56xf32, #tpu.memory_space<vmem>> -> memref<100x56xf32, #tpu.memory_space<vmem>>
    %dma_wait3A_1195 = arith.constant 0 : i32
    %dma_wait3A_1196 = arith.constant 0 : i32
    %dma_wait3A_1197 = tpu.memref_slice %arg5[%dma_wait3A_1195, %dma_wait3A_1196] : memref<100002x56xf32, #tpu.memory_space<hbm>> -> memref<100x56xf32, #tpu.memory_space<hbm>>
    tpu.wait_dma2 semaphore(%arg15 : memref<!tpu.dma_semaphore, #tpu.memory_space<semaphore_mem>>) src(%dma_wait3A_1197 : memref<100x56xf32, #tpu.memory_space<hbm>>) dst(%dma_wait3A_1194 : memref<100x56xf32, #tpu.memory_space<vmem>>)
    %dma_wait3A_1198 = arith.constant 0 : i32
    %dma_wait3A_1199 = arith.constant 0 : i32
    %dma_wait3A_1200 = arith.constant 0 : i32
    %dma_wait3A_1201 = arith.constant 0 : i32
    %dma_wait3A_1202 = tpu.memref_slice %arg13[%dma_wait3A_1198, %dma_wait3A_1199, %dma_wait3A_1200, %dma_wait3A_1201] : memref<2x2x200x60xf32, #tpu.memory_space<vmem>> -> memref<1x2x200x60xf32, #tpu.memory_space<vmem>>
    %dma_wait3A_1203 = tpu.memref_squeeze %dma_wait3A_1202 : memref<1x2x200x60xf32, #tpu.memory_space<vmem>> -> memref<2x200x60xf32, #tpu.memory_space<vmem>>
    %dma_wait3A_1204 = arith.constant 0 : i32
    %dma_wait3A_1205 = arith.constant 0 : i32
    %dma_wait3A_1206 = arith.constant 0 : i32
    %dma_wait3A_1207 = tpu.memref_slice %arg7[%dma_wait3A_1204, %dma_wait3A_1205, %dma_wait3A_1206] : memref<4096x200x60xf32, #tpu.memory_space<hbm>> -> memref<2x200x60xf32, #tpu.memory_space<hbm>>
    %dma_wait3A_1208 = arith.constant 0 : i32
    %dma_wait3A_1209 = arith.constant 0 : i32
    %dma_wait3A_1210 = arith.constant 0 : i32
    %dma_wait3A_1211 = tpu.memref_slice %arg7[%dma_wait3A_1208, %dma_wait3A_1209, %dma_wait3A_1210] : memref<4096x200x60xf32, #tpu.memory_space<hbm>> -> memref<2x200x60xf32, #tpu.memory_space<hbm>>
    %dma_wait3A_1212 = arith.constant 0 : i32
    %dma_wait3A_1213 = arith.constant 0 : i32
    %dma_wait3A_1214 = arith.constant 0 : i32
    %dma_wait3A_1215 = tpu.memref_slice %arg13[%dma_wait3A_1198, %dma_wait3A_1212, %dma_wait3A_1213, %dma_wait3A_1214] : memref<2x2x200x60xf32, #tpu.memory_space<vmem>> -> memref<1x2x200x60xf32, #tpu.memory_space<vmem>>
    %dma_wait3A_1216 = tpu.memref_squeeze %dma_wait3A_1215 : memref<1x2x200x60xf32, #tpu.memory_space<vmem>> -> memref<2x200x60xf32, #tpu.memory_space<vmem>>
    tpu.wait_dma2 semaphore(%arg16 : memref<!tpu.dma_semaphore, #tpu.memory_space<semaphore_mem>>) src(%dma_wait3A_1216 : memref<2x200x60xf32, #tpu.memory_space<vmem>>) dst(%dma_wait3A_1211 : memref<2x200x60xf32, #tpu.memory_space<hbm>>)
    %dma_wait3A_1217 = arith.constant 0 : i32
    %dma_wait3A_1218 = arith.constant 0 : i32
    %dma_wait3A_1219 = arith.constant 0 : i32
    %dma_wait3A_1220 = arith.constant 0 : i32
    %dma_wait3A_1221 = tpu.memref_slice %arg12[%dma_wait3A_1217, %dma_wait3A_1218, %dma_wait3A_1219, %dma_wait3A_1220] : memref<2x2x200x56xf32, #tpu.memory_space<vmem>> -> memref<1x2x200x56xf32, #tpu.memory_space<vmem>>
    %dma_wait3A_1222 = tpu.memref_squeeze %dma_wait3A_1221 : memref<1x2x200x56xf32, #tpu.memory_space<vmem>> -> memref<2x200x56xf32, #tpu.memory_space<vmem>>
    %dma_wait3A_1223 = arith.constant 0 : i32
    %dma_wait3A_1224 = arith.constant 0 : i32
    %dma_wait3A_1225 = arith.constant 0 : i32
    %dma_wait3A_1226 = tpu.memref_slice %arg7[%dma_wait3A_1223, %dma_wait3A_1224, %dma_wait3A_1225] : memref<4096x200x60xf32, #tpu.memory_space<hbm>> -> memref<2x200x56xf32, #tpu.memory_space<hbm>>
    %dma_wait3A_1227 = arith.constant 0 : i32
    %dma_wait3A_1228 = arith.constant 0 : i32
    %dma_wait3A_1229 = arith.constant 0 : i32
    %dma_wait3A_1230 = tpu.memref_slice %arg7[%dma_wait3A_1227, %dma_wait3A_1228, %dma_wait3A_1229] : memref<4096x200x60xf32, #tpu.memory_space<hbm>> -> memref<2x200x56xf32, #tpu.memory_space<hbm>>
    %dma_wait3A_1231 = arith.constant 0 : i32
    %dma_wait3A_1232 = arith.constant 0 : i32
    %dma_wait3A_1233 = arith.constant 0 : i32
    %dma_wait3A_1234 = tpu.memref_slice %arg12[%dma_wait3A_1217, %dma_wait3A_1231, %dma_wait3A_1232, %dma_wait3A_1233] : memref<2x2x200x56xf32, #tpu.memory_space<vmem>> -> memref<1x2x200x56xf32, #tpu.memory_space<vmem>>
    %dma_wait3A_1235 = tpu.memref_squeeze %dma_wait3A_1234 : memref<1x2x200x56xf32, #tpu.memory_space<vmem>> -> memref<2x200x56xf32, #tpu.memory_space<vmem>>
    tpu.wait_dma2 semaphore(%arg16 : memref<!tpu.dma_semaphore, #tpu.memory_space<semaphore_mem>>) src(%dma_wait3A_1235 : memref<2x200x56xf32, #tpu.memory_space<vmem>>) dst(%dma_wait3A_1230 : memref<2x200x56xf32, #tpu.memory_space<hbm>>)
    %scan3A_1236 = arith.constant 0 : i32
    %scan3A_1237 = arith.constant 0 : i32
    %scan3A_1238 = arith.constant 25 : i32
    %scan3A_1239 = arith.addi %scan3A_1237, %scan3A_1238 : i32
    %scan3A_1240 = arith.constant 1 : i32
    scf.for %scan3A_1329 = %scan3A_1237 to %scan3A_1239 step %scan3A_1240  : i32 {
      %mul3A_1330 = arith.constant 16 : i32
      %mul3A_1331 = arith.muli %scan3A_1329, %mul3A_1330 : i32
      %multiple_of3A_1332 = tpu.assume_multiple %mul3A_1331, 16 : i32
      %mul3A_1333 = arith.constant 16 : i32
      %mul3A_1334 = arith.muli %scan3A_1329, %mul3A_1333 : i32
      %add3A_1335 = vector.broadcast %mul3A_1334 : i32 to vector<16xi32>
      %add3A_1336 = arith.addi %add3A_1335, %iota3A : vector<16xi32>
      %jit3A = arith.constant 200 : i32
      %div3A = vector.broadcast %jit3A : i32 to vector<16xi32>
      %div3A_1337 = arith.divsi %add3A_1336, %div3A : vector<16xi32>
      %sign3A = arith.constant 0 : i32
      %sign3A_1338 = vector.broadcast %sign3A : i32 to vector<16xi32>
      %sign3A_1339 = arith.cmpi sgt, %add3A_1336, %sign3A_1338 : vector<16xi32>
      %sign3A_1340 = arith.extui %sign3A_1339 : vector<16xi1> to vector<16xi32>
      %sign3A_1341 = arith.constant 0 : i32
      %sign3A_1342 = vector.broadcast %sign3A_1341 : i32 to vector<16xi32>
      %sign3A_1343 = arith.cmpi slt, %add3A_1336, %sign3A_1342 : vector<16xi32>
      %sign3A_1344 = arith.extui %sign3A_1343 : vector<16xi1> to vector<16xi32>
      %sign3A_1345 = arith.subi %sign3A_1340, %sign3A_1344 : vector<16xi32>
      %sign3A_1346 = arith.constant 0 : i32
      %sign3A_1347 = arith.cmpi sgt, %jit3A, %sign3A_1346 : i32
      %sign3A_1348 = arith.extui %sign3A_1347 : i1 to i32
      %sign3A_1349 = arith.constant 0 : i32
      %sign3A_1350 = arith.cmpi slt, %jit3A, %sign3A_1349 : i32
      %sign3A_1351 = arith.extui %sign3A_1350 : i1 to i32
      %sign3A_1352 = arith.subi %sign3A_1348, %sign3A_1351 : i32
      %ne3A = vector.broadcast %sign3A_1352 : i32 to vector<16xi32>
      %ne3A_1353 = arith.cmpi ne, %sign3A_1345, %ne3A : vector<16xi32>
      %rem3A = vector.broadcast %jit3A : i32 to vector<16xi32>
      %rem3A_1354 = arith.remsi %add3A_1336, %rem3A : vector<16xi32>
      %ne3A_1355 = arith.constant 0 : i32
      %ne3A_1356 = vector.broadcast %ne3A_1355 : i32 to vector<16xi32>
      %ne3A_1357 = arith.cmpi ne, %rem3A_1354, %ne3A_1356 : vector<16xi32>
      %and3A = arith.andi %ne3A_1353, %ne3A_1357 : vector<16xi1>
      %sub3A = arith.constant 1 : i32
      %sub3A_1358 = vector.broadcast %sub3A : i32 to vector<16xi32>
      %sub3A_1359 = arith.subi %div3A_1337, %sub3A_1358 : vector<16xi32>
      %select_n3A = arith.select %and3A, %sub3A_1359, %div3A_1337 : vector<16xi1>, vector<16xi32>
      %mul3A_1360 = arith.constant 200 : i32
      %mul3A_1361 = vector.broadcast %mul3A_1360 : i32 to vector<16xi32>
      %mul3A_1362 = arith.muli %select_n3A, %mul3A_1361 : vector<16xi32>
      %sub3A_1363 = arith.subi %add3A_1336, %mul3A_1362 : vector<16xi32>
      %get3A = arith.constant 1 : i32
      %get3A_1364 = arith.constant 0 : i32
      %get3A_1365 = tpu.memref_slice %arg9[%get3A, %get3A_1364] : memref<2x400xi32, #tpu.memory_space<vmem>> -> memref<1x400xi32, #tpu.memory_space<vmem>>
      %get3A_1366 = tpu.memref_squeeze %get3A_1365 : memref<1x400xi32, #tpu.memory_space<vmem>> -> memref<400xi32, #tpu.memory_space<vmem>>
      %get3A_1367 = arith.index_cast %multiple_of3A_1332 : i32 to index
      %get3A_1368 = tpu.vector_load %get3A_1366[%get3A_1367] {strides = array<i32>} : memref<400xi32, #tpu.memory_space<vmem>>, vector<16xi32>,
      %get3A_1369 = arith.constant 1 : i32
      %get3A_1370 = arith.constant 0 : i32
      %get3A_1371 = tpu.memref_slice %arg10[%get3A_1369, %get3A_1370] : memref<2x400xi32, #tpu.memory_space<vmem>> -> memref<1x400xi32, #tpu.memory_space<vmem>>
      %get3A_1372 = tpu.memref_squeeze %get3A_1371 : memref<1x400xi32, #tpu.memory_space<vmem>> -> memref<400xi32, #tpu.memory_space<vmem>>
      %get3A_1373 = arith.index_cast %multiple_of3A_1332 : i32 to index
      %get3A_1374 = tpu.vector_load %get3A_1372[%get3A_1373] {strides = array<i32>} : memref<400xi32, #tpu.memory_space<vmem>>, vector<16xi32>,
      %mul3A_1375 = arith.constant 5 : i32
      %mul3A_1376 = vector.broadcast %mul3A_1375 : i32 to vector<16xi32>
      %mul3A_1377 = arith.muli %get3A_1368, %mul3A_1376 : vector<16xi32>
      %add3A_1378 = arith.constant 0 : i32
      %add3A_1379 = vector.broadcast %add3A_1378 : i32 to vector<16xi32>
      %add3A_1380 = arith.addi %mul3A_1377, %add3A_1379 : vector<16xi32>
      %gather3A = tpu.vector_load_idx %arg11[%add3A_1380] : memref<4000xf32, #tpu.memory_space<vmem>>[vector<16xi32>], vector<16xf32>,
      %broadcast_in_dim3A = arith.constant 50 : i32
      %broadcast_in_dim3A_1381 = vector.broadcast %broadcast_in_dim3A : i32 to vector<16xi32>
      %scatter3A = arith.constant 1 : i32
      %scatter3A_1382 = arith.constant 0 : i32
      %scatter3A_1383 = arith.constant 0 : i32
      %scatter3A_1384 = arith.constant 0 : i32
      %scatter3A_1385 = tpu.memref_slice %arg12[%scatter3A, %scatter3A_1382, %scatter3A_1383, %scatter3A_1384] : memref<2x2x200x56xf32, #tpu.memory_space<vmem>> -> memref<1x2x200x56xf32, #tpu.memory_space<vmem>>
      %scatter3A_1386 = tpu.memref_squeeze %scatter3A_1385 : memref<1x2x200x56xf32, #tpu.memory_space<vmem>> -> memref<2x200x56xf32, #tpu.memory_space<vmem>>
      tpu.vector_store_idx %scatter3A_1386[%select_n3A, %sub3A_1363, %broadcast_in_dim3A_1381], %gather3A : memref<2x200x56xf32, #tpu.memory_space<vmem>>[vector<16xi32>, vector<16xi32>, vector<16xi32>], vector<16xf32>,
      %mul3A_1387 = arith.constant 5 : i32
      %mul3A_1388 = vector.broadcast %mul3A_1387 : i32 to vector<16xi32>
      %mul3A_1389 = arith.muli %get3A_1374, %mul3A_1388 : vector<16xi32>
      %add3A_1390 = arith.constant 2000 : i32
      %add3A_1391 = vector.broadcast %add3A_1390 : i32 to vector<16xi32>
      %add3A_1392 = arith.addi %add3A_1391, %mul3A_1389 : vector<16xi32>
      %add3A_1393 = arith.constant 0 : i32
      %add3A_1394 = vector.broadcast %add3A_1393 : i32 to vector<16xi32>
      %add3A_1395 = arith.addi %add3A_1392, %add3A_1394 : vector<16xi32>
      %gather3A_1396 = tpu.vector_load_idx %arg11[%add3A_1395] : memref<4000xf32, #tpu.memory_space<vmem>>[vector<16xi32>], vector<16xf32>,
      %broadcast_in_dim3A_1397 = arith.constant 55 : i32
      %broadcast_in_dim3A_1398 = vector.broadcast %broadcast_in_dim3A_1397 : i32 to vector<16xi32>
      %scatter3A_1399 = arith.constant 1 : i32
      %scatter3A_1400 = arith.constant 0 : i32
      %scatter3A_1401 = arith.constant 0 : i32
      %scatter3A_1402 = arith.constant 0 : i32
      %scatter3A_1403 = tpu.memref_slice %arg12[%scatter3A_1399, %scatter3A_1400, %scatter3A_1401, %scatter3A_1402] : memref<2x2x200x56xf32, #tpu.memory_space<vmem>> -> memref<1x2x200x56xf32, #tpu.memory_space<vmem>>
      %scatter3A_1404 = tpu.memref_squeeze %scatter3A_1403 : memref<1x2x200x56xf32, #tpu.memory_space<vmem>> -> memref<2x200x56xf32, #tpu.memory_space<vmem>>
      tpu.vector_store_idx %scatter3A_1404[%select_n3A, %sub3A_1363, %broadcast_in_dim3A_1398], %gather3A_1396 : memref<2x200x56xf32, #tpu.memory_space<vmem>>[vector<16xi32>, vector<16xi32>, vector<16xi32>], vector<16xf32>,
      %mul3A_1405 = arith.constant 5 : i32
      %mul3A_1406 = vector.broadcast %mul3A_1405 : i32 to vector<16xi32>
      %mul3A_1407 = arith.muli %get3A_1368, %mul3A_1406 : vector<16xi32>
      %add3A_1408 = arith.constant 1 : i32
      %add3A_1409 = vector.broadcast %add3A_1408 : i32 to vector<16xi32>
      %add3A_1410 = arith.addi %mul3A_1407, %add3A_1409 : vector<16xi32>
      %gather3A_1411 = tpu.vector_load_idx %arg11[%add3A_1410] : memref<4000xf32, #tpu.memory_space<vmem>>[vector<16xi32>], vector<16xf32>,
      %broadcast_in_dim3A_1412 = arith.constant 51 : i32
      %broadcast_in_dim3A_1413 = vector.broadcast %broadcast_in_dim3A_1412 : i32 to vector<16xi32>
      %scatter3A_1414 = arith.constant 1 : i32
      %scatter3A_1415 = arith.constant 0 : i32
      %scatter3A_1416 = arith.constant 0 : i32
      %scatter3A_1417 = arith.constant 0 : i32
      %scatter3A_1418 = tpu.memref_slice %arg12[%scatter3A_1414, %scatter3A_1415, %scatter3A_1416, %scatter3A_1417] : memref<2x2x200x56xf32, #tpu.memory_space<vmem>> -> memref<1x2x200x56xf32, #tpu.memory_space<vmem>>
      %scatter3A_1419 = tpu.memref_squeeze %scatter3A_1418 : memref<1x2x200x56xf32, #tpu.memory_space<vmem>> -> memref<2x200x56xf32, #tpu.memory_space<vmem>>
      tpu.vector_store_idx %scatter3A_1419[%select_n3A, %sub3A_1363, %broadcast_in_dim3A_1413], %gather3A_1411 : memref<2x200x56xf32, #tpu.memory_space<vmem>>[vector<16xi32>, vector<16xi32>, vector<16xi32>], vector<16xf32>,
      %mul3A_1420 = arith.constant 5 : i32
      %mul3A_1421 = vector.broadcast %mul3A_1420 : i32 to vector<16xi32>
      %mul3A_1422 = arith.muli %get3A_1374, %mul3A_1421 : vector<16xi32>
      %add3A_1423 = arith.constant 2000 : i32
      %add3A_1424 = vector.broadcast %add3A_1423 : i32 to vector<16xi32>
      %add3A_1425 = arith.addi %add3A_1424, %mul3A_1422 : vector<16xi32>
      %add3A_1426 = arith.constant 1 : i32
      %add3A_1427 = vector.broadcast %add3A_1426 : i32 to vector<16xi32>
      %add3A_1428 = arith.addi %add3A_1425, %add3A_1427 : vector<16xi32>
      %gather3A_1429 = tpu.vector_load_idx %arg11[%add3A_1428] : memref<4000xf32, #tpu.memory_space<vmem>>[vector<16xi32>], vector<16xf32>,
      %broadcast_in_dim3A_1430 = arith.constant 56 : i32
      %broadcast_in_dim3A_1431 = vector.broadcast %broadcast_in_dim3A_1430 : i32 to vector<16xi32>
      %scatter3A_1432 = arith.constant 1 : i32
      %scatter3A_1433 = arith.constant 0 : i32
      %scatter3A_1434 = arith.constant 0 : i32
      %scatter3A_1435 = arith.constant 0 : i32
      %scatter3A_1436 = tpu.memref_slice %arg13[%scatter3A_1432, %scatter3A_1433, %scatter3A_1434, %scatter3A_1435] : memref<2x2x200x60xf32, #tpu.memory_space<vmem>> -> memref<1x2x200x60xf32, #tpu.memory_space<vmem>>
      %scatter3A_1437 = tpu.memref_squeeze %scatter3A_1436 : memref<1x2x200x60xf32, #tpu.memory_space<vmem>> -> memref<2x200x60xf32, #tpu.memory_space<vmem>>
      tpu.vector_store_idx %scatter3A_1437[%select_n3A, %sub3A_1363, %broadcast_in_dim3A_1431], %gather3A_1429 : memref<2x200x60xf32, #tpu.memory_space<vmem>>[vector<16xi32>, vector<16xi32>, vector<16xi32>], vector<16xf32>,
      %mul3A_1438 = arith.constant 5 : i32
      %mul3A_1439 = vector.broadcast %mul3A_1438 : i32 to vector<16xi32>
      %mul3A_1440 = arith.muli %get3A_1368, %mul3A_1439 : vector<16xi32>
      %add3A_1441 = arith.constant 2 : i32
      %add3A_1442 = vector.broadcast %add3A_1441 : i32 to vector<16xi32>
      %add3A_1443 = arith.addi %mul3A_1440, %add3A_1442 : vector<16xi32>
      %gather3A_1444 = tpu.vector_load_idx %arg11[%add3A_1443] : memref<4000xf32, #tpu.memory_space<vmem>>[vector<16xi32>], vector<16xf32>,
      %broadcast_in_dim3A_1445 = arith.constant 52 : i32
      %broadcast_in_dim3A_1446 = vector.broadcast %broadcast_in_dim3A_1445 : i32 to vector<16xi32>
      %scatter3A_1447 = arith.constant 1 : i32
      %scatter3A_1448 = arith.constant 0 : i32
      %scatter3A_1449 = arith.constant 0 : i32
      %scatter3A_1450 = arith.constant 0 : i32
      %scatter3A_1451 = tpu.memref_slice %arg12[%scatter3A_1447, %scatter3A_1448, %scatter3A_1449, %scatter3A_1450] : memref<2x2x200x56xf32, #tpu.memory_space<vmem>> -> memref<1x2x200x56xf32, #tpu.memory_space<vmem>>
      %scatter3A_1452 = tpu.memref_squeeze %scatter3A_1451 : memref<1x2x200x56xf32, #tpu.memory_space<vmem>> -> memref<2x200x56xf32, #tpu.memory_space<vmem>>
      tpu.vector_store_idx %scatter3A_1452[%select_n3A, %sub3A_1363, %broadcast_in_dim3A_1446], %gather3A_1444 : memref<2x200x56xf32, #tpu.memory_space<vmem>>[vector<16xi32>, vector<16xi32>, vector<16xi32>], vector<16xf32>,
      %mul3A_1453 = arith.constant 5 : i32
      %mul3A_1454 = vector.broadcast %mul3A_1453 : i32 to vector<16xi32>
      %mul3A_1455 = arith.muli %get3A_1374, %mul3A_1454 : vector<16xi32>
      %add3A_1456 = arith.constant 2000 : i32
      %add3A_1457 = vector.broadcast %add3A_1456 : i32 to vector<16xi32>
      %add3A_1458 = arith.addi %add3A_1457, %mul3A_1455 : vector<16xi32>
      %add3A_1459 = arith.constant 2 : i32
      %add3A_1460 = vector.broadcast %add3A_1459 : i32 to vector<16xi32>
      %add3A_1461 = arith.addi %add3A_1458, %add3A_1460 : vector<16xi32>
      %gather3A_1462 = tpu.vector_load_idx %arg11[%add3A_1461] : memref<4000xf32, #tpu.memory_space<vmem>>[vector<16xi32>], vector<16xf32>,
      %broadcast_in_dim3A_1463 = arith.constant 57 : i32
      %broadcast_in_dim3A_1464 = vector.broadcast %broadcast_in_dim3A_1463 : i32 to vector<16xi32>
      %scatter3A_1465 = arith.constant 1 : i32
      %scatter3A_1466 = arith.constant 0 : i32
      %scatter3A_1467 = arith.constant 0 : i32
      %scatter3A_1468 = arith.constant 0 : i32
      %scatter3A_1469 = tpu.memref_slice %arg13[%scatter3A_1465, %scatter3A_1466, %scatter3A_1467, %scatter3A_1468] : memref<2x2x200x60xf32, #tpu.memory_space<vmem>> -> memref<1x2x200x60xf32, #tpu.memory_space<vmem>>
      %scatter3A_1470 = tpu.memref_squeeze %scatter3A_1469 : memref<1x2x200x60xf32, #tpu.memory_space<vmem>> -> memref<2x200x60xf32, #tpu.memory_space<vmem>>
      tpu.vector_store_idx %scatter3A_1470[%select_n3A, %sub3A_1363, %broadcast_in_dim3A_1464], %gather3A_1462 : memref<2x200x60xf32, #tpu.memory_space<vmem>>[vector<16xi32>, vector<16xi32>, vector<16xi32>], vector<16xf32>,
      %mul3A_1471 = arith.constant 5 : i32
      %mul3A_1472 = vector.broadcast %mul3A_1471 : i32 to vector<16xi32>
      %mul3A_1473 = arith.muli %get3A_1368, %mul3A_1472 : vector<16xi32>
      %add3A_1474 = arith.constant 3 : i32
      %add3A_1475 = vector.broadcast %add3A_1474 : i32 to vector<16xi32>
      %add3A_1476 = arith.addi %mul3A_1473, %add3A_1475 : vector<16xi32>
      %gather3A_1477 = tpu.vector_load_idx %arg11[%add3A_1476] : memref<4000xf32, #tpu.memory_space<vmem>>[vector<16xi32>], vector<16xf32>,
      %broadcast_in_dim3A_1478 = arith.constant 53 : i32
      %broadcast_in_dim3A_1479 = vector.broadcast %broadcast_in_dim3A_1478 : i32 to vector<16xi32>
      %scatter3A_1480 = arith.constant 1 : i32
      %scatter3A_1481 = arith.constant 0 : i32
      %scatter3A_1482 = arith.constant 0 : i32
      %scatter3A_1483 = arith.constant 0 : i32
      %scatter3A_1484 = tpu.memref_slice %arg12[%scatter3A_1480, %scatter3A_1481, %scatter3A_1482, %scatter3A_1483] : memref<2x2x200x56xf32, #tpu.memory_space<vmem>> -> memref<1x2x200x56xf32, #tpu.memory_space<vmem>>
      %scatter3A_1485 = tpu.memref_squeeze %scatter3A_1484 : memref<1x2x200x56xf32, #tpu.memory_space<vmem>> -> memref<2x200x56xf32, #tpu.memory_space<vmem>>
      tpu.vector_store_idx %scatter3A_1485[%select_n3A, %sub3A_1363, %broadcast_in_dim3A_1479], %gather3A_1477 : memref<2x200x56xf32, #tpu.memory_space<vmem>>[vector<16xi32>, vector<16xi32>, vector<16xi32>], vector<16xf32>,
      %mul3A_1486 = arith.constant 5 : i32
      %mul3A_1487 = vector.broadcast %mul3A_1486 : i32 to vector<16xi32>
      %mul3A_1488 = arith.muli %get3A_1374, %mul3A_1487 : vector<16xi32>
      %add3A_1489 = arith.constant 2000 : i32
      %add3A_1490 = vector.broadcast %add3A_1489 : i32 to vector<16xi32>
      %add3A_1491 = arith.addi %add3A_1490, %mul3A_1488 : vector<16xi32>
      %add3A_1492 = arith.constant 3 : i32
      %add3A_1493 = vector.broadcast %add3A_1492 : i32 to vector<16xi32>
      %add3A_1494 = arith.addi %add3A_1491, %add3A_1493 : vector<16xi32>
      %gather3A_1495 = tpu.vector_load_idx %arg11[%add3A_1494] : memref<4000xf32, #tpu.memory_space<vmem>>[vector<16xi32>], vector<16xf32>,
      %broadcast_in_dim3A_1496 = arith.constant 58 : i32
      %broadcast_in_dim3A_1497 = vector.broadcast %broadcast_in_dim3A_1496 : i32 to vector<16xi32>
      %scatter3A_1498 = arith.constant 1 : i32
      %scatter3A_1499 = arith.constant 0 : i32
      %scatter3A_1500 = arith.constant 0 : i32
      %scatter3A_1501 = arith.constant 0 : i32
      %scatter3A_1502 = tpu.memref_slice %arg13[%scatter3A_1498, %scatter3A_1499, %scatter3A_1500, %scatter3A_1501] : memref<2x2x200x60xf32, #tpu.memory_space<vmem>> -> memref<1x2x200x60xf32, #tpu.memory_space<vmem>>
      %scatter3A_1503 = tpu.memref_squeeze %scatter3A_1502 : memref<1x2x200x60xf32, #tpu.memory_space<vmem>> -> memref<2x200x60xf32, #tpu.memory_space<vmem>>
      tpu.vector_store_idx %scatter3A_1503[%select_n3A, %sub3A_1363, %broadcast_in_dim3A_1497], %gather3A_1495 : memref<2x200x60xf32, #tpu.memory_space<vmem>>[vector<16xi32>, vector<16xi32>, vector<16xi32>], vector<16xf32>,
      %mul3A_1504 = arith.constant 5 : i32
      %mul3A_1505 = vector.broadcast %mul3A_1504 : i32 to vector<16xi32>
      %mul3A_1506 = arith.muli %get3A_1368, %mul3A_1505 : vector<16xi32>
      %add3A_1507 = arith.constant 4 : i32
      %add3A_1508 = vector.broadcast %add3A_1507 : i32 to vector<16xi32>
      %add3A_1509 = arith.addi %mul3A_1506, %add3A_1508 : vector<16xi32>
      %gather3A_1510 = tpu.vector_load_idx %arg11[%add3A_1509] : memref<4000xf32, #tpu.memory_space<vmem>>[vector<16xi32>], vector<16xf32>,
      %broadcast_in_dim3A_1511 = arith.constant 54 : i32
      %broadcast_in_dim3A_1512 = vector.broadcast %broadcast_in_dim3A_1511 : i32 to vector<16xi32>
      %scatter3A_1513 = arith.constant 1 : i32
      %scatter3A_1514 = arith.constant 0 : i32
      %scatter3A_1515 = arith.constant 0 : i32
      %scatter3A_1516 = arith.constant 0 : i32
      %scatter3A_1517 = tpu.memref_slice %arg12[%scatter3A_1513, %scatter3A_1514, %scatter3A_1515, %scatter3A_1516] : memref<2x2x200x56xf32, #tpu.memory_space<vmem>> -> memref<1x2x200x56xf32, #tpu.memory_space<vmem>>
      %scatter3A_1518 = tpu.memref_squeeze %scatter3A_1517 : memref<1x2x200x56xf32, #tpu.memory_space<vmem>> -> memref<2x200x56xf32, #tpu.memory_space<vmem>>
      tpu.vector_store_idx %scatter3A_1518[%select_n3A, %sub3A_1363, %broadcast_in_dim3A_1512], %gather3A_1510 : memref<2x200x56xf32, #tpu.memory_space<vmem>>[vector<16xi32>, vector<16xi32>, vector<16xi32>], vector<16xf32>,
      %mul3A_1519 = arith.constant 5 : i32
      %mul3A_1520 = vector.broadcast %mul3A_1519 : i32 to vector<16xi32>
      %mul3A_1521 = arith.muli %get3A_1374, %mul3A_1520 : vector<16xi32>
      %add3A_1522 = arith.constant 2000 : i32
      %add3A_1523 = vector.broadcast %add3A_1522 : i32 to vector<16xi32>
      %add3A_1524 = arith.addi %add3A_1523, %mul3A_1521 : vector<16xi32>
      %add3A_1525 = arith.constant 4 : i32
      %add3A_1526 = vector.broadcast %add3A_1525 : i32 to vector<16xi32>
      %add3A_1527 = arith.addi %add3A_1524, %add3A_1526 : vector<16xi32>
      %gather3A_1528 = tpu.vector_load_idx %arg11[%add3A_1527] : memref<4000xf32, #tpu.memory_space<vmem>>[vector<16xi32>], vector<16xf32>,
      %broadcast_in_dim3A_1529 = arith.constant 59 : i32
      %broadcast_in_dim3A_1530 = vector.broadcast %broadcast_in_dim3A_1529 : i32 to vector<16xi32>
      %scatter3A_1531 = arith.constant 1 : i32
      %scatter3A_1532 = arith.constant 0 : i32
      %scatter3A_1533 = arith.constant 0 : i32
      %scatter3A_1534 = arith.constant 0 : i32
      %scatter3A_1535 = tpu.memref_slice %arg13[%scatter3A_1531, %scatter3A_1532, %scatter3A_1533, %scatter3A_1534] : memref<2x2x200x60xf32, #tpu.memory_space<vmem>> -> memref<1x2x200x60xf32, #tpu.memory_space<vmem>>
      %scatter3A_1536 = tpu.memref_squeeze %scatter3A_1535 : memref<1x2x200x60xf32, #tpu.memory_space<vmem>> -> memref<2x200x60xf32, #tpu.memory_space<vmem>>
      tpu.vector_store_idx %scatter3A_1536[%select_n3A, %sub3A_1363, %broadcast_in_dim3A_1530], %gather3A_1528 : memref<2x200x60xf32, #tpu.memory_space<vmem>>[vector<16xi32>, vector<16xi32>, vector<16xi32>], vector<16xf32>,
    }
    %scan3A_1241 = arith.constant 25 : i32
    %mul3A_1242 = arith.constant 25600 : i32
    %mul3A_1243 = arith.muli %add3A, %mul3A_1242 : i32
    %add3A_1244 = arith.constant 25200 : i32
    %add3A_1245 = arith.addi %mul3A_1243, %add3A_1244 : i32
    %multiple_of3A_1246 = tpu.assume_multiple %add3A_1245, 400 : i32
    %mul3A_1247 = arith.constant 256 : i32
    %mul3A_1248 = arith.muli %add3A, %mul3A_1247 : i32
    %add3A_1249 = arith.constant 252 : i32
    %add3A_1250 = arith.addi %mul3A_1248, %add3A_1249 : i32
    %multiple_of3A_1251 = tpu.assume_multiple %add3A_1250, 4 : i32
    %mul3A_1252 = arith.constant 128 : i32
    %mul3A_1253 = arith.muli %add3A, %mul3A_1252 : i32
    %add3A_1254 = arith.constant 126 : i32
    %add3A_1255 = arith.addi %mul3A_1253, %add3A_1254 : i32
    %multiple_of3A_1256 = tpu.assume_multiple %add3A_1255, 2 : i32
    %dma_start3A_1257 = arith.constant 1 : i32
    %dma_start3A_1258 = arith.constant 0 : i32
    %dma_start3A_1259 = arith.constant 0 : i32
    %dma_start3A_1260 = arith.constant 0 : i32
    %dma_start3A_1261 = tpu.memref_slice %arg13[%dma_start3A_1257, %dma_start3A_1258, %dma_start3A_1259, %dma_start3A_1260] : memref<2x2x200x60xf32, #tpu.memory_space<vmem>> -> memref<1x2x200x60xf32, #tpu.memory_space<vmem>>
    %dma_start3A_1262 = tpu.memref_squeeze %dma_start3A_1261 : memref<1x2x200x60xf32, #tpu.memory_space<vmem>> -> memref<2x200x60xf32, #tpu.memory_space<vmem>>
    %dma_start3A_1263 = arith.constant 0 : i32
    %dma_start3A_1264 = arith.constant 0 : i32
    %dma_start3A_1265 = tpu.memref_slice %arg7[%multiple_of3A_1256, %dma_start3A_1263, %dma_start3A_1264] : memref<4096x200x60xf32, #tpu.memory_space<hbm>> -> memref<2x200x60xf32, #tpu.memory_space<hbm>>
    %dma_start3A_1266 = arith.constant 0 : i32
    %dma_start3A_1267 = arith.constant 0 : i32
    %dma_start3A_1268 = tpu.memref_slice %arg7[%multiple_of3A_1256, %dma_start3A_1266, %dma_start3A_1267] : memref<4096x200x60xf32, #tpu.memory_space<hbm>> -> memref<2x200x60xf32, #tpu.memory_space<hbm>>
    %dma_start3A_1269 = arith.constant 0 : i32
    %dma_start3A_1270 = arith.constant 0 : i32
    %dma_start3A_1271 = arith.constant 0 : i32
    %dma_start3A_1272 = tpu.memref_slice %arg13[%dma_start3A_1257, %dma_start3A_1269, %dma_start3A_1270, %dma_start3A_1271] : memref<2x2x200x60xf32, #tpu.memory_space<vmem>> -> memref<1x2x200x60xf32, #tpu.memory_space<vmem>>
    %dma_start3A_1273 = tpu.memref_squeeze %dma_start3A_1272 : memref<1x2x200x60xf32, #tpu.memory_space<vmem>> -> memref<2x200x60xf32, #tpu.memory_space<vmem>>
    tpu.enqueue_dma source(%dma_start3A_1273 : memref<2x200x60xf32, #tpu.memory_space<vmem>>) target(%dma_start3A_1268 : memref<2x200x60xf32, #tpu.memory_space<hbm>>) target_semaphore(%arg16 : memref<!tpu.dma_semaphore, #tpu.memory_space<semaphore_mem>>)
    %dma_start3A_1274 = arith.constant 1 : i32
    %dma_start3A_1275 = arith.constant 0 : i32
    %dma_start3A_1276 = arith.constant 0 : i32
    %dma_start3A_1277 = arith.constant 0 : i32
    %dma_start3A_1278 = tpu.memref_slice %arg12[%dma_start3A_1274, %dma_start3A_1275, %dma_start3A_1276, %dma_start3A_1277] : memref<2x2x200x56xf32, #tpu.memory_space<vmem>> -> memref<1x2x200x56xf32, #tpu.memory_space<vmem>>
    %dma_start3A_1279 = tpu.memref_squeeze %dma_start3A_1278 : memref<1x2x200x56xf32, #tpu.memory_space<vmem>> -> memref<2x200x56xf32, #tpu.memory_space<vmem>>
    %dma_start3A_1280 = arith.constant 0 : i32
    %dma_start3A_1281 = arith.constant 0 : i32
    %dma_start3A_1282 = tpu.memref_slice %arg7[%multiple_of3A_1256, %dma_start3A_1280, %dma_start3A_1281] : memref<4096x200x60xf32, #tpu.memory_space<hbm>> -> memref<2x200x56xf32, #tpu.memory_space<hbm>>
    %dma_start3A_1283 = arith.constant 0 : i32
    %dma_start3A_1284 = arith.constant 0 : i32
    %dma_start3A_1285 = tpu.memref_slice %arg7[%multiple_of3A_1256, %dma_start3A_1283, %dma_start3A_1284] : memref<4096x200x60xf32, #tpu.memory_space<hbm>> -> memref<2x200x56xf32, #tpu.memory_space<hbm>>
    %dma_start3A_1286 = arith.constant 0 : i32
    %dma_start3A_1287 = arith.constant 0 : i32
    %dma_start3A_1288 = arith.constant 0 : i32
    %dma_start3A_1289 = tpu.memref_slice %arg12[%dma_start3A_1274, %dma_start3A_1286, %dma_start3A_1287, %dma_start3A_1288] : memref<2x2x200x56xf32, #tpu.memory_space<vmem>> -> memref<1x2x200x56xf32, #tpu.memory_space<vmem>>
    %dma_start3A_1290 = tpu.memref_squeeze %dma_start3A_1289 : memref<1x2x200x56xf32, #tpu.memory_space<vmem>> -> memref<2x200x56xf32, #tpu.memory_space<vmem>>
    tpu.enqueue_dma source(%dma_start3A_1290 : memref<2x200x56xf32, #tpu.memory_space<vmem>>) target(%dma_start3A_1285 : memref<2x200x56xf32, #tpu.memory_space<hbm>>) target_semaphore(%arg16 : memref<!tpu.dma_semaphore, #tpu.memory_space<semaphore_mem>>)
    %dma_wait3A_1291 = arith.constant 0 : i32
    %dma_wait3A_1292 = arith.constant 0 : i32
    %dma_wait3A_1293 = arith.constant 0 : i32
    %dma_wait3A_1294 = arith.constant 0 : i32
    %dma_wait3A_1295 = tpu.memref_slice %arg13[%dma_wait3A_1291, %dma_wait3A_1292, %dma_wait3A_1293, %dma_wait3A_1294] : memref<2x2x200x60xf32, #tpu.memory_space<vmem>> -> memref<1x2x200x60xf32, #tpu.memory_space<vmem>>
    %dma_wait3A_1296 = tpu.memref_squeeze %dma_wait3A_1295 : memref<1x2x200x60xf32, #tpu.memory_space<vmem>> -> memref<2x200x60xf32, #tpu.memory_space<vmem>>
    %dma_wait3A_1297 = arith.constant 0 : i32
    %dma_wait3A_1298 = arith.constant 0 : i32
    %dma_wait3A_1299 = arith.constant 0 : i32
    %dma_wait3A_1300 = tpu.memref_slice %arg7[%dma_wait3A_1297, %dma_wait3A_1298, %dma_wait3A_1299] : memref<4096x200x60xf32, #tpu.memory_space<hbm>> -> memref<2x200x60xf32, #tpu.memory_space<hbm>>
    %dma_wait3A_1301 = arith.constant 0 : i32
    %dma_wait3A_1302 = arith.constant 0 : i32
    %dma_wait3A_1303 = arith.constant 0 : i32
    %dma_wait3A_1304 = tpu.memref_slice %arg7[%dma_wait3A_1301, %dma_wait3A_1302, %dma_wait3A_1303] : memref<4096x200x60xf32, #tpu.memory_space<hbm>> -> memref<2x200x60xf32, #tpu.memory_space<hbm>>
    %dma_wait3A_1305 = arith.constant 0 : i32
    %dma_wait3A_1306 = arith.constant 0 : i32
    %dma_wait3A_1307 = arith.constant 0 : i32
    %dma_wait3A_1308 = tpu.memref_slice %arg13[%dma_wait3A_1291, %dma_wait3A_1305, %dma_wait3A_1306, %dma_wait3A_1307] : memref<2x2x200x60xf32, #tpu.memory_space<vmem>> -> memref<1x2x200x60xf32, #tpu.memory_space<vmem>>
    %dma_wait3A_1309 = tpu.memref_squeeze %dma_wait3A_1308 : memref<1x2x200x60xf32, #tpu.memory_space<vmem>> -> memref<2x200x60xf32, #tpu.memory_space<vmem>>
    tpu.wait_dma2 semaphore(%arg16 : memref<!tpu.dma_semaphore, #tpu.memory_space<semaphore_mem>>) src(%dma_wait3A_1309 : memref<2x200x60xf32, #tpu.memory_space<vmem>>) dst(%dma_wait3A_1304 : memref<2x200x60xf32, #tpu.memory_space<hbm>>)
    %dma_wait3A_1310 = arith.constant 0 : i32
    %dma_wait3A_1311 = arith.constant 0 : i32
    %dma_wait3A_1312 = arith.constant 0 : i32
    %dma_wait3A_1313 = arith.constant 0 : i32
    %dma_wait3A_1314 = tpu.memref_slice %arg12[%dma_wait3A_1310, %dma_wait3A_1311, %dma_wait3A_1312, %dma_wait3A_1313] : memref<2x2x200x56xf32, #tpu.memory_space<vmem>> -> memref<1x2x200x56xf32, #tpu.memory_space<vmem>>
    %dma_wait3A_1315 = tpu.memref_squeeze %dma_wait3A_1314 : memref<1x2x200x56xf32, #tpu.memory_space<vmem>> -> memref<2x200x56xf32, #tpu.memory_space<vmem>>
    %dma_wait3A_1316 = arith.constant 0 : i32
    %dma_wait3A_1317 = arith.constant 0 : i32
    %dma_wait3A_1318 = arith.constant 0 : i32
    %dma_wait3A_1319 = tpu.memref_slice %arg7[%dma_wait3A_1316, %dma_wait3A_1317, %dma_wait3A_1318] : memref<4096x200x60xf32, #tpu.memory_space<hbm>> -> memref<2x200x56xf32, #tpu.memory_space<hbm>>
    %dma_wait3A_1320 = arith.constant 0 : i32
    %dma_wait3A_1321 = arith.constant 0 : i32
    %dma_wait3A_1322 = arith.constant 0 : i32
    %dma_wait3A_1323 = tpu.memref_slice %arg7[%dma_wait3A_1320, %dma_wait3A_1321, %dma_wait3A_1322] : memref<4096x200x60xf32, #tpu.memory_space<hbm>> -> memref<2x200x56xf32, #tpu.memory_space<hbm>>
    %dma_wait3A_1324 = arith.constant 0 : i32
    %dma_wait3A_1325 = arith.constant 0 : i32
    %dma_wait3A_1326 = arith.constant 0 : i32
    %dma_wait3A_1327 = tpu.memref_slice %arg12[%dma_wait3A_1310, %dma_wait3A_1324, %dma_wait3A_1325, %dma_wait3A_1326] : memref<2x2x200x56xf32, #tpu.memory_space<vmem>> -> memref<1x2x200x56xf32, #tpu.memory_space<vmem>>
    %dma_wait3A_1328 = tpu.memref_squeeze %dma_wait3A_1327 : memref<1x2x200x56xf32, #tpu.memory_space<vmem>> -> memref<2x200x56xf32, #tpu.memory_space<vmem>>
    tpu.wait_dma2 semaphore(%arg16 : memref<!tpu.dma_semaphore, #tpu.memory_space<semaphore_mem>>) src(%dma_wait3A_1328 : memref<2x200x56xf32, #tpu.memory_space<vmem>>) dst(%dma_wait3A_1323 : memref<2x200x56xf32, #tpu.memory_space<hbm>>)
    return
  }
}

</mosaic_0001>

<sc_bundles>
// kernel: _run.3.cloned.1.call-start
scs
__scs_entry_jumppad:
0x0: {  	(pc) =	sbr.rel $0x88, $3  }
0x1: {  	(tag) =	ssettag $0x0;
	lr =	simm.s32 $0x1  }
0x2: {  	[smem:$0x3F9B] =	sst lr;
	_ =	strace $0xD0000000  }
0x3: {  	_ = 	snop  }
0x4: {  	_ = 	snop  }
0x5: {  	_ = 	snop  }
0x6: {  	_ = 	snop  }
0x7: {  	_ = 	snop  }
__scs_overlays_trampoline_lowered:
0x8: {  	[smem:$0x3FAA] =	sst s0  }
0x9: {  	[smem:$0x3FAB] =	sst s1  }
0xa: {  	[smem:$0x3FAC] =	sst s2  }
0xb: {  	[smem:$0x3FAD] =	sst s3  }
0xc: {  	[smem:$0x3FAE] =	sst s4  }
0xd: {  	[smem:$0x3FAF] =	sst s5  }
0xe: {  	[smem:$0x3FB0] =	sst s6  }
0xf: {  	[smem:$0x3FB1] =	sst s7  }
0x10: {  	[smem:$0x3FB2] =	sst s8  }
0x11: {  	[smem:$0x3FB3] =	sst s9;
	s0 =	simm.s32 @!p0 $0x0  }
0x12: {  	s1 =	sld [smem:$0x3F99];
	s0 =	simm.s32 @p0 $0x1  }
0x13: {  	[smem:$0x3FB4] =	sst s0;
	s0 =	simm.s32 @!p1 $0x0  }
0x14: {  	s2 =	sld [smem:$0x3F98];
	s0 =	simm.s32 @p1 $0x1  }
0x15: {  	[smem:$0x3FB5] =	sst s0;
	s0 =	simm.s32 @!p2 $0x0  }
0x16: {  	s3 =	sld [smem:$0x3FDB];
	s0 =	simm.s32 @p2 $0x1  }
0x17: {  	s4 =	simm.s32 $0x1BF5;
	[smem:$0x3FB7] =	sst s0  }
0x18: {  	s0 =	sld [smem:$0x3F9A];
	_ =	swait.ge [sflag:s4], $0x0  }
0x19: {  	s7 =	sld [smem:$0x3F9B]  }
0x1a: {  	s8 =	sadd.s32 $0xFFFFE003, lr  }
0x1b: {  	s9 =	sadd.s32 $0xFFFFFEF7, lr;
	s5 =	simm.s32 $0xFFFFFFFF;
	p2 =	slt.u32 s8, $0xFFFFF086  }
0x1c: {  	p1 =	slt.u32 s9, $0xF7A;
	s5 =	simm.s32 @!p2 $0x0  }
0x1d: {  	s5 =	simm.s32 @p1 $0x1;
	p0 =	seq.s32 s7, s2  }
0x1e: {  	s7 =	smul.u32 @!p0 $0xF7A, s2;
	p2 =	seq.s32 @!p0 s5, $0x0  }
0x1f: {  	s9 =	smul.u32 $0xF7A, s1;
	s8 =	simm.s32 @!p0 $0x1BF5;
	p2 =	por !p2, p0  }
0x20: {  	[sflag:s8] =	ssyncset.s32 @!p0 $0xFFFFF086;
	s6 =	sadd.s32 @!p0 s3, s7;
	s7 =	simm.s32 @!p0 $0x108  }
0x21: {  	s3 =	sadd.s32 s3, s9;
	s6 =	sadd.s32 @!p0 $0x88, s6;
	s7 =	simm.s32 @p2 $0x1082  }
0x22: {  	[simem:s7], [sflag:s8] =	dma.local @!p0 [hbm:s6], $0xF7A  }
0x23: {  	s9 =	sor.u32 $0xD0000000, s2;
	s6 =	simm.s32 $0x108;
	_ =	swait.ge @!p0 [sflag:s8], $0x0  }
0x24: {  	s3 =	sadd.s32 $0x88, s3;
	s6 =	simm.s32 @!p1 $0x1082;
	[sflag:s4] =	ssyncset.s32 $0xFFFFF086  }
0x25: {  	[simem:s6], [sflag:s4] =	dma.local [hbm:s3], $0xF7A  }
0x26: {  	[smem:$0x3F9B] =	sst s1;
	(tag) =	ssettag s2;
	_ =	strace s9  }
0x27: {  	s1 =	sld [smem:$0x3FAB]  }
0x28: {  	s2 =	sld [smem:$0x3FAC]  }
0x29: {  	s4 =	sld [smem:$0x3FAE]  }
0x2a: {  	p0 =	seq.s32 s5, $0x0;
	s5 =	sld [smem:$0x3FAF]  }
0x2b: {  	s6 =	sld [smem:$0x3FB0]  }
0x2c: {  	s7 =	sld [smem:$0x3FB1]  }
0x2d: {  	s3 =	simm.s32 $0x108;
	s8 =	sld [smem:$0x3FB2]  }
0x2e: {  	s3 =	simm.s32 @!p0 $0x1082;
	s9 =	sld [smem:$0x3FB3]  }
0x2f: {  	lr =	sadd.s32 s0, s3;
	s0 =	sld [smem:$0x3FAA]  }
0x30: {  	s3 =	sld [smem:$0x3FAD]  }
0x31: {  	[smem:$0x3FB6] =	sst s10  }
0x32: {  	s10 =	sld [smem:$0x3FB4];
	_ =	sdelay $0x3  }
0x33: {  	p0 =	seq.s32 s10, $0x1;
	s10 =	sld [smem:$0x3FB6];
	_ =	sdelay $0x3  }
0x34: {  	[smem:$0x3FB6] =	sst s10  }
0x35: {  	s10 =	sld [smem:$0x3FB5];
	_ =	sdelay $0x3  }
0x36: {  	p1 =	seq.s32 s10, $0x1;
	s10 =	sld [smem:$0x3FB6];
	_ =	sdelay $0x3  }
0x37: {  	[smem:$0x3FB6] =	sst s10  }
0x38: {  	s10 =	sld [smem:$0x3FB7]  }
0x39: {  	_ = 	snop;
	(pc) =	sbr.ind lr, $3  }
0x3a: {  	_ = 	snop  }
0x3b: {  	_ = 	snop  }
0x3c: {  	p2 =	seq.s32 s10, $0x1;
	s10 =	sld [smem:$0x3FB6]  }
0x3d: {  	_ =	shalt  }
0x3e: {  	_ =	shalt  }
0x3f: {  	_ =	shalt  }
0x40: {  	_ =	shalt  }
0x41: {  	_ =	shalt  }
0x42: {  	_ =	shalt  }
0x43: {  	_ =	shalt  }
0x44: {  	_ =	shalt  }
0x45: {  	_ =	shalt  }
0x46: {  	_ =	shalt  }
0x47: {  	_ =	shalt  }
0x48: {  	_ =	shalt  }
0x49: {  	_ =	shalt  }
0x4a: {  	_ =	shalt  }
0x4b: {  	_ =	shalt  }
0x4c: {  	_ =	shalt  }
0x4d: {  	_ =	shalt  }
0x4e: {  	_ =	shalt  }
0x4f: {  	_ =	shalt  }
0x50: {  	_ =	shalt  }
0x51: {  	_ =	shalt  }
0x52: {  	_ =	shalt  }
0x53: {  	_ =	shalt  }
0x54: {  	_ =	shalt  }
0x55: {  	_ =	shalt  }
0x56: {  	_ =	shalt  }
0x57: {  	_ =	shalt  }
0x58: {  	_ =	shalt  }
0x59: {  	_ =	shalt  }
0x5a: {  	_ =	shalt  }
0x5b: {  	_ =	shalt  }
0x5c: {  	_ =	shalt  }
0x5d: {  	_ =	shalt  }
0x5e: {  	_ =	shalt  }
0x5f: {  	_ =	shalt  }
0x60: {  	_ =	shalt  }
0x61: {  	_ =	shalt  }
0x62: {  	_ =	shalt  }
0x63: {  	_ =	shalt  }
0x64: {  	_ =	shalt  }
0x65: {  	_ =	shalt  }
0x66: {  	_ =	shalt  }
0x67: {  	_ =	shalt  }
0x68: {  	_ =	shalt  }
0x69: {  	_ =	shalt  }
0x6a: {  	_ =	shalt  }
0x6b: {  	_ =	shalt  }
0x6c: {  	_ =	shalt  }
0x6d: {  	_ =	shalt  }
0x6e: {  	_ =	shalt  }
0x6f: {  	_ =	shalt  }
0x70: {  	_ =	shalt  }
0x71: {  	_ =	shalt  }
0x72: {  	_ =	shalt  }
0x73: {  	_ =	shalt  }
0x74: {  	_ =	shalt  }
0x75: {  	_ =	shalt  }
0x76: {  	_ =	shalt  }
0x77: {  	_ =	shalt  }
0x78: {  	_ =	shalt  }
0x79: {  	_ =	shalt  }
0x7a: {  	_ =	shalt  }
0x7b: {  	_ =	shalt  }
0x7c: {  	_ =	shalt  }
0x7d: {  	_ =	shalt  }
0x7e: {  	_ =	shalt  }
0x7f: {  	_ =	shalt  }
0x80: {  	_ =	shalt  }
0x81: {  	_ =	shalt  }
0x82: {  	_ =	shalt  }
0x83: {  	_ =	shalt  }
0x84: {  	_ =	shalt  }
0x85: {  	_ =	shalt  }
0x86: {  	_ =	shalt  }
0x87: {  	_ =	shalt  }
.Lfunc_end0:
.L_simem_size_0:
called_computation.1_lowered:
.L_overlay_start_0:
0x88: {  	s2 =	sld [smem:$0x3FD9]  }
0x89: {  	s3 =	sld [smem:$0x3FFE];
	_ =	sdelay $0x1  }
0x8a: {  	s1 =	srdreg.scid  }
0x8b: {  	s0 =	sand.u32 $0x1, s1  }
0x8c: {  	s17 =	sshll.u32 s0, $0xA;
	s2 =	sadd.s32 s3, s2  }
0x8d: {  	s2 =	sadd.s32 s2, s17  }
0x8e: {  	[smem:$0x3FC2] =	sst s2  }
0x8f: {  	_ = 	snop  }
0x90: {  	s2 =	sld [smem:$0x3FD0];
	(tm) =	ssettm $0x1  }
0x91: {  	s18 =	sld [smem:$0x3FFB];
	_ =	sdelay $0x3  }
0x92: {  	_ =	strace s18  }
0x93: {  	s3 =	sld [smem:$0x3FFC];
	_ =	sdelay $0x3  }
0x94: {  	_ =	strace s3  }
0x95: {  	s3 =	sld [smem:$0x3FFD];
	_ =	sdelay $0x3  }
0x96: {  	_ =	strace s3  }
0x97: {  	_ =	strace $0x8FFFFFFF  }
0x98: {  	s19 =	sld [smem:$0x3FDB];
	_ =	sdelay $0x1  }
0x99: {  	s4 =	simm.s32 $_scs_section_size  }
0x9a: {  	s5 =	simm.s32 $_size__tile_overlayer_lowered;
	s6 =	simm.s32 $_tile_overlayer_lowered  }
0x9b: {  	s22 =	simm.s32 $0x1BFF;
	s21 =	sshll.u32 s6, $0x1;
	s3 =	sadd.s32 s4, s19  }
0x9c: {  	s7 =	simm.s32 $0x0;
	s20 =	sshll.u32 s5, $0x1;
	s5 =	sadd.s32 s21, s3  }
0x9d: {  	[timem:s7], [sflag:s22] =	dma.local [hbm:s5], s20  }
0x9e: {  	_ =	swait.ge [sflag:s22], s20  }
0x9f: {  	s4 =	ssub.s32 $0x0, s20;
	[sflag:s22] =	ssyncset.done $0x0  }
0xa0: {  	[sflag:s22] =	ssyncadd.s32 s4;
	_ =	sdelay $0x1  }
0xa1: {  	s23 =	simm.s32 $0x1B8B  }
0xa2: {  	_ =	swait.ge [sflag:s23], $0x1  }
0xa3: {  	[sflag:s23] =	ssyncset.done $0x0  }
0xa4: {  	s25 =	simm.s32 $0x1B8E;
	s24 =	sld [smem:$0x3FFE];
	[sflag:s23] =	ssyncadd.s32 $0xFFFFFFFF  }
0xa5: {  	s26 =	simm.s32 $execute0_lowered;
	[smem:$0x3FD2] =	sst s25  }
0xa6: {  	s5 =	sshll.u32 s26, $0x1;
	_ =	strace $0x80000046;
	[dreg:$0x1] =	wrdreg $0xFFFFFFFF  }
0xa7: {  	s28 =	simm.s32 $_size_execute0_lowered;
	s3 =	sadd.s32 s3, s5;
	[dreg:$0x0] =	wrdreg $0x0  }
0xa8: {  	s5 =	sshll.u32 s28, $0x1;
	[dreg:$0x2] =	wrdreg s3  }
0xa9: {  	[dreg:$0x3] =	wrdreg s5  }
0xaa: {  	[dreg:$0x4] =	wrdreg $0xC0  }
0xab: {  	_ =	task [dreg:s7], $0x5FFFF  }
0xac: {  	[dreg:$0x1] =	wrdreg $0xFFFFFFFF  }
0xad: {  	[dreg:$0x0] =	wrdreg $0x60  }
0xae: {  	[dreg:$0x2] =	wrdreg s24  }
0xaf: {  	[dreg:$0x3] =	wrdreg s2  }
0xb0: {  	[dreg:$0x4] =	wrdreg $0x9  }
0xb1: {  	_ =	task.clear_ibuf [dreg:s7], $0x5FFFF;
	_ =	strace $0x90000046  }
0xb2: {  	s29 =	simm.s32 $0x9;
	_ =	strace $0x80000048  }
0xb3: {  	_ =	swait.ge [sflag:s29], $0x1  }
0xb4: {  	[sflag:s29] =	ssyncadd.s32 $0xFFFFFFFF  }
0xb5: {  	_ =	strace $0x90000048  }
0xb6: {  	_ =	sfence  }
0xb7: {  	s30 =	sld [smem:$0x0];
	_ =	sdelay $0x2  }
0xb8: {  	s31 =	sshll.u32 s1, $0xD;
	s1 =	sshrl.u32 s1, $0x2  }
0xb9: {  	s3 =	sand.u32 $0x4000, s31;
	s1 =	sadd.s32 s1, s30  }
0xba: {  	s0 =	sor.u32 s3, s0;
	s1 =	sshll.u32 s1, $0x11  }
0xbb: {  	s0 =	sor.u32 s1, s0  }
0xbc: {  	s0 =	sadd.s32 $0x8F2B, s0  }
0xbd: {  	[sflag:s0] =	ssyncadd.remote.s32 $0x1  }
0xbe: {  	_ =	sfence.sel $0xFFFF  }
0xbf: {  	[dreg:$0x0] =	wrdreg $0xFFFFFFFF;
	(pc) =	sbr.abs _section_cstart, $3  }
0xc0: {  	[dreg:$0x1] =	wrdreg $0xFFFFFFFF  }
0xc1: {  	_ =	task.clear_ibuf [dreg:s7], $0x2FFFF;
	_ =	strace $0x9FFFFFFF  }
0xc2: {  	(tm) =	ssettm $0x7FFFFFFF  }
0xc3: {  	_ =	shalt  }
tec
execute0_lowered:
.L_overlay_start_1:
0x0: {  	(tag) =	ssettag $0x1  }
0x1: {  	s0 =	rddreg [dreg:$0x0]  }
0x2: {  	s2 =	rddreg [dreg:$0x1];
	s3 =	simm.s32 $0x0;
	s1 =	srdreg.scid  }
0x3: {  	s4 =	stileid.u32;
	s30 =	simm.s32 $0x980;
	s31 =	simm.s32 $0xC820  }
0x4: {  	[smem:$0x7FF] =	sst s3;
	s1 =	sand.u32 $0x1, s1;
	s5 =	sshll.u32 s4, $0x1  }
0x5: {  	s4 =	sadd.s32 $0x2400, s0;
	s7 =	sadd.s32 $0x35400, s0;
	s8 =	sor.u32 s1, s5  }
0x6: {  	s9 =	sadd.s32 $0x4E400, s0;
	_ =	strace $0x80000047;
	s6 =	smul.u32 $0x6400, s8  }
0x7: {  	s5 =	sadd.s32 $0x1C400, s0;
	s1 =	ssub.s32 $0x2, s1;
	s11 =	smul.u32 $0xD00, s8  }
0x8: {  	[dreg:$0x3] =	wrdreg s9;
	s10 =	sshrl.u32 s1, $0x1;
	s20 =	smul.u32 $0x32000, s8  }
0x9: {  	s9 =	sadd.s32 $0x4E600, s0;
	s13 =	smul.u32 $0x190000, s8;
	s28 =	ssub.s32 s1, s10  }
0xa: {  	s10 =	sshll.u32 s8, $0x8;
	s14 =	sadd.s32 s4, s11;
	s0 =	smax.u32 s28, $0x1  }
0xb: {  	s29 =	sshrl.u32 s6, $0x3;
	s22 =	sadd.s32 s9, s20;
	[dreg:$0x11] =	wrdreg s0  }
0xc: {  	s23 =	sshrl.u32 s13, $0x3;
	s13 =	simm.s32 $0x38;
	[dreg:$0x4] =	wrdreg s14  }
0xd: {  	s16 =	sadd.s32 s5, s29;
	s17 =	sadd.s32 s7, s29;
	[dreg:$0xc] =	wrdreg s22  }
0xe: {  	s18 =	sor.u32 $0x32, s29;
	s12 =	sadd.s32 $0x34, s14;
	[dreg:$0x5] =	wrdreg s16  }
0xf: {  	s21 =	sor.u32 $0x64, s29;
	s1 =	sadd.s32 $0x96, s29;
	[dreg:$0x6] =	wrdreg s17  }
0x10: {  	s25 =	sadd.s32 s9, s23;
	s26 =	sadd.s32 $0x68, s14;
	[dreg:$0x7] =	wrdreg s12  }
0x11: {  	s28 =	sadd.s32 $0x9C, s14;
	s29 =	sadd.s32 $0xC80, s22;
	[dreg:$0x12] =	wrdreg s26  }
0x12: {  	s0 =	simm.s32 $0x64;
	s22 =	simm.s32 $0x2;
	[dreg:$0x13] =	wrdreg s28  }
0x13: {  	s14 =	simm.s32 $0x40;
	s19 =	sadd.s32 s5, s18;
	[dreg:$0x14] =	wrdreg s29  }
0x14: {  	s11 =	sadd.s32 s7, s18;
	s15 =	sadd.s32 s5, s21;
	[dreg:$0x8] =	wrdreg s19  }
0x15: {  	s24 =	sadd.s32 s5, s1;
	s1 =	sadd.s32 s7, s1;
	[dreg:$0x9] =	wrdreg s11  }
0x16: {  	s17 =	simm.s32 $0x1A0;
	s26 =	simm.s32 $0x70A0;
	[dreg:$0xa] =	wrdreg s15  }
0x17: {  	s16 =	simm.s32 $0x12C20;
	s12 =	simm.s32 $0x660;
	[dreg:$0xd] =	wrdreg s24  }
0x18: {  	s11 =	sadd.s32 s7, s21;
	s19 =	sshll.u32 s8, $0x7;
	[dreg:$0xe] =	wrdreg s1  }
0x19: {  	s8 =	sadd.s32 $0x30700, s25;
	s1 =	sadd.s32 $0x31380, s25;
	[dreg:$0xb] =	wrdreg s11  }
0x1a: {  	v0 =	vlaneseq.u32;
	s25 =	simm.s32 $0x1;
	s15 =	simm.s32 $0x3;
	[dreg:$0xf] =	wrdreg s8  }
0x1b: {  	v2 =	vimm.s32 $0x0;
	v1 =	vmul.u32 $0xFFFFFFFF, v0;
	[dreg:$0x10] =	wrdreg s1;
	s1 =	simm.s32 $0x1920;
	s11 =	simm.s32 $0x0  }
.LBB2_1:
0x1c: {  	[dreg:$0x15] =	wrdreg s11  }
0x1d: {  	s8 =	rddreg [dreg:$0x3];
	s23 =	simm.s32 $0x4  }
0x1e: {  	[tilespmem:s30], [sflag:$0x4] =	stream.linear.gather [hbm4b:s8+s3], $0xFA0, $0x38;
	[tilespmem:$0x19020] =	vst v63  }
0x1f: {  	_ =	swait.ge [sflag:s23], $0xFA0  }
0x20: {  	[sflag:s23] =	ssyncset.done $0x0  }
0x21: {  	s24 =	rddreg [dreg:$0x4];
	[sflag:s23] =	ssyncadd.s32 $0xFFFFF060  }
0x22: {  	[tilespmem:s3], [sflag:$0x4] =	stream.linear.gather [hbm4b:s24+s3], $0x1A0, $0x38;
	[tilespmem:$0x19020] =	vst v63  }
0x23: {  	_ =	swait.ge [sflag:s23], $0x1A0  }
0x24: {  	[sflag:s23] =	ssyncset.done $0x0  }
0x25: {  	s18 =	simm.s32 $0x340;
	s28 =	rddreg [dreg:$0x5];
	[sflag:s23] =	ssyncadd.s32 $0xFFFFFE60  }
0x26: {  	[tilespmem:s18], [sflag:$0x4] =	stream.linear.gather [hbm4b:s28+s3], $0x190, $0x38;
	[tilespmem:$0x19020] =	vst v63  }
0x27: {  	_ =	swait.ge [sflag:s23], $0x190  }
0x28: {  	[sflag:s23] =	ssyncset.done $0x0  }
0x29: {  	s20 =	simm.s32 $0x660;
	s29 =	rddreg [dreg:$0x6];
	[sflag:s23] =	ssyncadd.s32 $0xFFFFFE70  }
0x2a: {  	[tilespmem:s20], [sflag:$0x4] =	stream.linear.gather [hbm4b:s29+s3], $0x190, $0x38;
	[tilespmem:$0x19020] =	vst v63  }
0x2b: {  	_ =	swait.ge [sflag:s23], $0x190  }
0x2c: {  	[sflag:s23] =	ssyncset.done $0x0  }
0x2d: {  	[sflag:s23] =	ssyncadd.s32 $0xFFFFFE70  }
0x2e: {  	[tilespmem:s1], [sflag:$0x2] =	stream.indirect.gather [hbm4b:s2+s0], $0x38, s3, s0, $0xb8;
	[tilespmem:$0x19020] =	vst v63  }
0x2f: {  	s11 =	simm.s32 $0x68;
	s21 =	simm.s32 $0x2F00  }
0x30: {  	[tilespmem:s21], [sflag:$0x2] =	stream.indirect.gather [hbm4b:s2+s0], $0x38, s11, s0, $0xb8;
	[tilespmem:$0x19020] =	vst v63  }
0x31: {  	s24 =	simm.s32 $0x44E0;
	s23 =	simm.s32 $0xD0  }
0x32: {  	[tilespmem:s24], [sflag:$0x2] =	stream.indirect.gather [hbm4b:s2+s0], $0x38, s23, s0, $0xb8;
	[tilespmem:$0x19020] =	vst v63  }
0x33: {  	s28 =	simm.s32 $0x138;
	s29 =	simm.s32 $0x5AC0  }
0x34: {  	[tilespmem:s29], [sflag:$0x2] =	stream.indirect.gather [hbm4b:s2+s0], $0x38, s28, s0, $0xb8;
	[tilespmem:$0x19020] =	vst v63  }
0x35: {  	s21 =	rddreg [dreg:$0x7]  }
0x36: {  	[tilespmem:s17], [sflag:$0x1] =	stream.linear.gather [hbm4b:s21+s3], $0x1A0, $0x38;
	[tilespmem:$0x19020] =	vst v63  }
0x37: {  	s23 =	rddreg [dreg:$0x8];
	s24 =	simm.s32 $0x4D0  }
0x38: {  	[tilespmem:s24], [sflag:$0x1] =	stream.linear.gather [hbm4b:s23+s3], $0x190, $0x38;
	[tilespmem:$0x19020] =	vst v63  }
0x39: {  	s28 =	rddreg [dreg:$0x9];
	s29 =	simm.s32 $0x7F0  }
0x3a: {  	[tilespmem:s29], [sflag:$0x1] =	stream.linear.gather [hbm4b:s28+s3], $0x190, $0x38;
	[tilespmem:$0x19020] =	vst v63  }
0x3b: {  	_ =	swait.ge [sflag:s22], $0x15E0  }
0x3c: {  	[sflag:s22] =	ssyncset.done $0x0  }
0x3d: {  	[sflag:s22] =	ssyncadd.s32 $0xFFFFEA20  }
0x3e: {  	_ =	swait.ge [sflag:s22], $0x15E0  }
0x3f: {  	[sflag:s22] =	ssyncset.done $0x0  }
0x40: {  	[sflag:s22] =	ssyncadd.s32 $0xFFFFEA20  }
0x41: {  	_ =	swait.ge [sflag:s22], $0x15E0  }
0x42: {  	[sflag:s22] =	ssyncset.done $0x0  }
0x43: {  	[sflag:s22] =	ssyncadd.s32 $0xFFFFEA20  }
0x44: {  	_ =	swait.ge [sflag:s22], $0x15E0  }
0x45: {  	[sflag:s22] =	ssyncset.done $0x0  }
0x46: {  	[sflag:s22] =	ssyncadd.s32 $0xFFFFEA20  }
0x47: {  	_ =	swait.ge [sflag:s25], $0x1A0  }
0x48: {  	[sflag:s25] =	ssyncset.done $0x0  }
0x49: {  	[sflag:s25] =	ssyncadd.s32 $0xFFFFFE60  }
0x4a: {  	_ =	swait.ge [sflag:s25], $0x190  }
0x4b: {  	[sflag:s25] =	ssyncset.done $0x0  }
0x4c: {  	[sflag:s25] =	ssyncadd.s32 $0xFFFFFE70  }
0x4d: {  	_ =	swait.ge [sflag:s25], $0x190  }
0x4e: {  	[sflag:s25] =	ssyncset.done $0x0  }
0x4f: {  	[sflag:s25] =	ssyncadd.s32 $0xFFFFFE70  }
0x50: {  	[tilespmem:s26], [sflag:$0x2] =	stream.indirect.gather [hbm4b:s2+s0], $0x38, s17, s0, $0xb8;
	[tilespmem:$0x19020] =	vst v63  }
0x51: {  	s11 =	simm.s32 $0x208;
	s21 =	simm.s32 $0x8680  }
0x52: {  	v3 =	vor.u32 s3, v0;
	[tilespmem:s21], [sflag:$0x2] =	stream.indirect.gather [hbm4b:s2+s0], $0x38, s11, s0, $0xb8;
	[tilespmem:$0x19020] =	vst v63  }
0x53: {  	v4 =	vmulhi.u32 $0x51EB851F, v3;
	s23 =	simm.s32 $0x270;
	s24 =	simm.s32 $0x9C60  }
0x54: {  	[tilespmem:s24], [sflag:$0x2] =	stream.indirect.gather [hbm4b:s2+s0], $0x38, s23, s0, $0xb8;
	[tilespmem:$0x19020] =	vst v63  }
0x55: {  	v4 =	vshrl.u32 v4, $0x6;
	s28 =	simm.s32 $0x2D8;
	s29 =	simm.s32 $0xB240  }
0x56: {  	v5 =	vmov s3;
	v6 =	vmul.u32 $0xFFFFFF38, v4;
	[tilespmem:s29], [sflag:$0x2] =	stream.indirect.gather [hbm4b:s2+s0], $0x38, s28, s0, $0xb8;
	[tilespmem:$0x19020] =	vst v63  }
0x57: {  	v8 =	vsub.s32 v1, v5;
	v7 =	vld [tilespmem:s18+$0x0]  }
0x58: {  	vm0 =	veq.s32 v5, v0;
	vm1 =	vne.s32 v6, v8  }
0x59: {  	vm0 =	vmand vm0, vm1  }
0x5a: {  	v5 =	vsel vm0, $0xFFFFFFFF, v2  }
0x5b: {  	v4 =	vadd.s32 v5, v4  }
0x5c: {  	v6 =	vmul.u32 $0xFFFFFF38, v4;
	v5 =	vmul.u32 $0x5, v7;
	v7 =	vld [tilespmem:s20+$0x0];
	_ =	sdelay $0x1  }
0x5d: {  	v3 =	vadd.s32 v3, v6  }
0x5e: {  	v6 =	vmul.u32 $0x2BC0, v4;
	v8 =	vmul.u32 $0x38, v3;
	_ =	sdelay $0x1  }
0x5f: {  	v6 =	vadd.s32 v6, v8;
	v7 =	vmul.u32 $0x5, v7  }
0x60: {  	v9 =	vadd.s32 $0x32, v6;
	v8 =	vld.idx.msk [tilespmem:v5+s30+$0x0], $0xffff  }
0x61: {  	v10 =	vadd.s32 $0x7D0, v7;
	_ =	sdelay $0x3  }
0x62: {  	[tilespmem:v9+s1+$0x0] =	vst.idx.msk $0xffff, v8  }
0x63: {  	v60 =	vadd.s32 $0x37, v6;
	v8 =	vld.idx.msk [tilespmem:v10+s30+$0x0], $0xffff  }
0x64: {  	v61 =	vadd.s32 $0x1, v5;
	_ =	sdelay $0x3  }
0x65: {  	[tilespmem:v60+s1+$0x0] =	vst.idx.msk $0xffff, v8  }
0x66: {  	v62 =	vadd.s32 $0x33, v6;
	v8 =	vld.idx.msk [tilespmem:v61+s30+$0x0], $0xffff  }
0x67: {  	v63 =	vadd.s32 $0x7D1, v7;
	_ =	sdelay $0x1  }
0x68: {  	v4 =	vmul.u32 $0x3200, v4  }
0x69: {  	v3 =	vshll.u32 v3, $0x6  }
0x6a: {  	v11 =	vadd.s32 v4, v3;
	[tilespmem:v62+s1+$0x0] =	vst.idx.msk $0xffff, v8  }
0x6b: {  	v4 =	vor.u32 $0x38, v11;
	v3 =	vld.idx.msk [tilespmem:v63+s30+$0x0], $0xffff  }
0x6c: {  	v8 =	vadd.s32 $0x2, v5;
	_ =	sdelay $0x3  }
0x6d: {  	[tilespmem:v4+s31+$0x0] =	vst.idx.msk $0xffff, v3  }
0x6e: {  	v4 =	vadd.s32 $0x34, v6;
	v3 =	vld.idx.msk [tilespmem:v8+s30+$0x0], $0xffff  }
0x6f: {  	v8 =	vadd.s32 $0x7D2, v7;
	_ =	sdelay $0x3  }
0x70: {  	[tilespmem:v4+s1+$0x0] =	vst.idx.msk $0xffff, v3  }
0x71: {  	v4 =	vor.u32 $0x39, v11;
	v3 =	vld.idx.msk [tilespmem:v8+s30+$0x0], $0xffff  }
0x72: {  	v8 =	vadd.s32 $0x3, v5;
	_ =	sdelay $0x3  }
0x73: {  	[tilespmem:v4+s31+$0x0] =	vst.idx.msk $0xffff, v3  }
0x74: {  	v4 =	vadd.s32 $0x35, v6;
	v3 =	vld.idx.msk [tilespmem:v8+s30+$0x0], $0xffff  }
0x75: {  	v8 =	vadd.s32 $0x7D3, v7;
	_ =	sdelay $0x3  }
0x76: {  	[tilespmem:v4+s1+$0x0] =	vst.idx.msk $0xffff, v3  }
0x77: {  	v4 =	vor.u32 $0x3A, v11;
	v3 =	vld.idx.msk [tilespmem:v8+s30+$0x0], $0xffff  }
0x78: {  	v5 =	vadd.s32 $0x4, v5;
	_ =	sdelay $0x3  }
0x79: {  	[tilespmem:v4+s31+$0x0] =	vst.idx.msk $0xffff, v3  }
0x7a: {  	v4 =	vadd.s32 $0x36, v6;
	v3 =	vld.idx.msk [tilespmem:v5+s30+$0x0], $0xffff  }
0x7b: {  	v5 =	vadd.s32 $0x7D4, v7;
	_ =	sdelay $0x3  }
0x7c: {  	[tilespmem:v4+s1+$0x0] =	vst.idx.msk $0xffff, v3  }
0x7d: {  	v4 =	vld.idx.msk [tilespmem:v5+s30+$0x0], $0xffff;
	v5 =	vor.u32 $0x3B, v11  }
0x7e: {  	s18 =	simm.s32 $0x10  }
0x7f: {  	v3 =	vor.u32 s18, v0  }
0x80: {  	s21 =	simm.s32 $0x340;
	s11 =	simm.s32 $0x660;
	s24 =	simm.s32 $0x20;
	v6 =	vmulhi.u32 $0x51EB851F, v3  }
.LBB2_2:
0x81: {  	s21 =	sadd.s32 $0x10, s21  }
0x82: {  	[tilespmem:v5+s31+$0x0] =	vst.idx.msk $0xffff, v4;
	s11 =	sadd.s32 $0x10, s11;
	s20 =	smov.u32 s24;
	s23 =	sadd.s32 $0x10, s24;
	v6 =	vshrl.u32 v6, $0x6  }
0x83: {  	p0 =	sne.s32 s24, $0x180;
	v4 =	vmov s18;
	s18 =	smov.u32 s20;
	v5 =	vmul.u32 $0xFFFFFF38, v6;
	v7 =	vld [tilespmem:s21+$0x0]  }
0x84: {  	v8 =	vsub.s32 v1, v4  }
0x85: {  	vm0 =	veq.s32 v4, v0;
	vm1 =	vne.s32 v5, v8  }
0x86: {  	vm0 =	vmand vm0, vm1  }
0x87: {  	v4 =	vsel vm0, $0xFFFFFFFF, v2  }
0x88: {  	v4 =	vadd.s32 v4, v6;
	v5 =	vmul.u32 $0x5, v7  }
0x89: {  	v6 =	vmul.u32 $0xFFFFFF38, v4;
	v7 =	vld [tilespmem:s11+$0x0];
	_ =	sdelay $0x1  }
0x8a: {  	v3 =	vadd.s32 v3, v6;
	v6 =	vmul.u32 $0x3200, v4  }
0x8b: {  	v4 =	vmul.u32 $0x2BC0, v4;
	v8 =	vmul.u32 $0x38, v3;
	v3 =	vshll.u32 v3, $0x6  }
0x8c: {  	v3 =	vadd.s32 v6, v3  }
0x8d: {  	v6 =	vld.idx.msk [tilespmem:v5+s30+$0x0], $0xffff;
	v4 =	vadd.s32 v4, v8;
	v7 =	vmul.u32 $0x5, v7  }
0x8e: {  	v8 =	vadd.s32 $0x32, v4  }
0x8f: {  	v9 =	vadd.s32 $0x7D0, v7;
	_ =	sdelay $0x3  }
0x90: {  	[tilespmem:v8+s1+$0x0] =	vst.idx.msk $0xffff, v6  }
0x91: {  	v6 =	vld.idx.msk [tilespmem:v9+s30+$0x0], $0xffff  }
0x92: {  	v8 =	vadd.s32 $0x37, v4  }
0x93: {  	v9 =	vadd.s32 $0x1, v5;
	_ =	sdelay $0x3  }
0x94: {  	[tilespmem:v8+s1+$0x0] =	vst.idx.msk $0xffff, v6  }
0x95: {  	v6 =	vld.idx.msk [tilespmem:v9+s30+$0x0], $0xffff  }
0x96: {  	v8 =	vadd.s32 $0x33, v4  }
0x97: {  	v9 =	vadd.s32 $0x7D1, v7;
	_ =	sdelay $0x3  }
0x98: {  	[tilespmem:v8+s1+$0x0] =	vst.idx.msk $0xffff, v6  }
0x99: {  	v6 =	vld.idx.msk [tilespmem:v9+s30+$0x0], $0xffff  }
0x9a: {  	v8 =	vor.u32 $0x38, v3  }
0x9b: {  	v9 =	vadd.s32 $0x2, v5;
	_ =	sdelay $0x3  }
0x9c: {  	[tilespmem:v8+s31+$0x0] =	vst.idx.msk $0xffff, v6  }
0x9d: {  	v6 =	vld.idx.msk [tilespmem:v9+s30+$0x0], $0xffff  }
0x9e: {  	v8 =	vadd.s32 $0x34, v4  }
0x9f: {  	v9 =	vadd.s32 $0x7D2, v7;
	_ =	sdelay $0x3  }
0xa0: {  	[tilespmem:v8+s1+$0x0] =	vst.idx.msk $0xffff, v6  }
0xa1: {  	v6 =	vld.idx.msk [tilespmem:v9+s30+$0x0], $0xffff  }
0xa2: {  	v8 =	vor.u32 $0x39, v3  }
0xa3: {  	v9 =	vadd.s32 $0x3, v5;
	_ =	sdelay $0x3  }
0xa4: {  	[tilespmem:v8+s31+$0x0] =	vst.idx.msk $0xffff, v6  }
0xa5: {  	v6 =	vld.idx.msk [tilespmem:v9+s30+$0x0], $0xffff  }
0xa6: {  	v8 =	vadd.s32 $0x35, v4  }
0xa7: {  	v9 =	vadd.s32 $0x7D3, v7;
	_ =	sdelay $0x3  }
0xa8: {  	[tilespmem:v8+s1+$0x0] =	vst.idx.msk $0xffff, v6  }
0xa9: {  	v6 =	vld.idx.msk [tilespmem:v9+s30+$0x0], $0xffff  }
0xaa: {  	v8 =	vor.u32 $0x3A, v3  }
0xab: {  	v5 =	vadd.s32 $0x4, v5;
	_ =	sdelay $0x3  }
0xac: {  	[tilespmem:v8+s31+$0x0] =	vst.idx.msk $0xffff, v6  }
0xad: {  	v5 =	vld.idx.msk [tilespmem:v5+s30+$0x0], $0xffff  }
0xae: {  	v4 =	vadd.s32 $0x36, v4  }
0xaf: {  	v6 =	vadd.s32 $0x7D4, v7;
	_ =	sdelay $0x3  }
0xb0: {  	[tilespmem:v4+s1+$0x0] =	vst.idx.msk $0xffff, v5  }
.Ltmp0:
0xb1: {  	v4 =	vld.idx.msk [tilespmem:v6+s30+$0x0], $0xffff;
	(pc) =	sbr.rel @p0 .LBB2_2-.Ltmp0, $3  }
0xb2: {  	v5 =	vor.u32 $0x3B, v3;
	_ =	sdelay $0x1  }
0xb3: {  	v3 =	vor.u32 s18, v0  }
0xb4: {  	s24 =	smov.u32 s23;
	v6 =	vmulhi.u32 $0x51EB851F, v3  }
0xb5: {  	_ =	sdelay $0x2  }
0xb6: {  	v6 =	vshrl.u32 v6, $0x6  }
0xb7: {  	[tilespmem:v5+s31+$0x0] =	vst.idx.msk $0xffff, v4;
	s20 =	sadd.s32 $0x10, s21;
	v4 =	vmov s18;
	v5 =	vmul.u32 $0xFFFFFF38, v6  }
0xb8: {  	v7 =	vld [tilespmem:s20+$0x0];
	v8 =	vsub.s32 v1, v4  }
0xb9: {  	vm0 =	veq.s32 v4, v0;
	vm1 =	vne.s32 v5, v8  }
0xba: {  	vm0 =	vmand vm0, vm1  }
0xbb: {  	v4 =	vsel vm0, $0xFFFFFFFF, v2  }
0xbc: {  	s11 =	sadd.s32 $0x10, s11;
	v4 =	vadd.s32 v4, v6  }
0xbd: {  	v5 =	vmul.u32 $0x5, v7;
	v7 =	vld [tilespmem:s11+$0x0];
	v6 =	vmul.u32 $0xFFFFFF38, v4;
	_ =	sdelay $0x1  }
0xbe: {  	v3 =	vadd.s32 v3, v6  }
0xbf: {  	v6 =	vmul.u32 $0x2BC0, v4;
	v8 =	vmul.u32 $0x38, v3;
	_ =	sdelay $0x1  }
0xc0: {  	v7 =	vmul.u32 $0x5, v7;
	v6 =	vadd.s32 v6, v8  }
0xc1: {  	v8 =	vld.idx.msk [tilespmem:v5+s30+$0x0], $0xffff;
	v9 =	vadd.s32 $0x32, v6  }
0xc2: {  	v10 =	vadd.s32 $0x7D0, v7;
	_ =	sdelay $0x3  }
0xc3: {  	[tilespmem:v9+s1+$0x0] =	vst.idx.msk $0xffff, v8  }
0xc4: {  	v50 =	vadd.s32 $0x37, v6;
	v8 =	vld.idx.msk [tilespmem:v10+s30+$0x0], $0xffff  }
0xc5: {  	v51 =	vadd.s32 $0x1, v5;
	_ =	sdelay $0x3  }
0xc6: {  	[tilespmem:v50+s1+$0x0] =	vst.idx.msk $0xffff, v8  }
0xc7: {  	v52 =	vadd.s32 $0x33, v6;
	v8 =	vld.idx.msk [tilespmem:v51+s30+$0x0], $0xffff  }
0xc8: {  	v53 =	vadd.s32 $0x7D1, v7;
	_ =	sdelay $0x1  }
0xc9: {  	v4 =	vmul.u32 $0x3200, v4  }
0xca: {  	v3 =	vshll.u32 v3, $0x6  }
0xcb: {  	v3 =	vadd.s32 v4, v3;
	[tilespmem:v52+s1+$0x0] =	vst.idx.msk $0xffff, v8  }
0xcc: {  	v8 =	vor.u32 $0x38, v3;
	v4 =	vld.idx.msk [tilespmem:v53+s30+$0x0], $0xffff  }
0xcd: {  	v54 =	vadd.s32 $0x2, v5;
	_ =	sdelay $0x3  }
0xce: {  	[tilespmem:v8+s31+$0x0] =	vst.idx.msk $0xffff, v4  }
0xcf: {  	v8 =	vadd.s32 $0x34, v6;
	v4 =	vld.idx.msk [tilespmem:v54+s30+$0x0], $0xffff  }
0xd0: {  	v55 =	vadd.s32 $0x7D2, v7;
	_ =	sdelay $0x3  }
0xd1: {  	[tilespmem:v8+s1+$0x0] =	vst.idx.msk $0xffff, v4  }
0xd2: {  	v8 =	vor.u32 $0x39, v3;
	v4 =	vld.idx.msk [tilespmem:v55+s30+$0x0], $0xffff  }
0xd3: {  	v56 =	vadd.s32 $0x3, v5;
	_ =	sdelay $0x3  }
0xd4: {  	[tilespmem:v8+s31+$0x0] =	vst.idx.msk $0xffff, v4  }
0xd5: {  	v8 =	vadd.s32 $0x35, v6;
	v4 =	vld.idx.msk [tilespmem:v56+s30+$0x0], $0xffff  }
0xd6: {  	v57 =	vadd.s32 $0x7D3, v7;
	_ =	sdelay $0x3  }
0xd7: {  	[tilespmem:v8+s1+$0x0] =	vst.idx.msk $0xffff, v4  }
0xd8: {  	v8 =	vor.u32 $0x3A, v3;
	v4 =	vld.idx.msk [tilespmem:v57+s30+$0x0], $0xffff  }
0xd9: {  	v5 =	vadd.s32 $0x4, v5;
	_ =	sdelay $0x3  }
0xda: {  	[tilespmem:v8+s31+$0x0] =	vst.idx.msk $0xffff, v4  }
0xdb: {  	v4 =	vld.idx.msk [tilespmem:v5+s30+$0x0], $0xffff;
	v5 =	vadd.s32 $0x36, v6  }
0xdc: {  	v6 =	vadd.s32 $0x7D4, v7;
	_ =	sdelay $0x3  }
0xdd: {  	[tilespmem:v5+s1+$0x0] =	vst.idx.msk $0xffff, v4  }
0xde: {  	v3 =	vor.u32 $0x3B, v3;
	v4 =	vld.idx.msk [tilespmem:v6+s30+$0x0], $0xffff;
	_ =	sdelay $0x4  }
0xdf: {  	s8 =	rddreg [dreg:$0x12];
	s11 =	simm.s32 $0x0;
	[tilespmem:v3+s31+$0x0] =	vst.idx.msk $0xffff, v4  }
0xe0: {  	[tilespmem:s11], [sflag:$0x1] =	stream.linear.gather [hbm4b:s8+s11], $0x1A0, $0x38;
	[tilespmem:$0x19020] =	vst v63  }
0xe1: {  	s24 =	rddreg [dreg:$0xa];
	s28 =	simm.s32 $0x340  }
0xe2: {  	[tilespmem:s28], [sflag:$0x1] =	stream.linear.gather [hbm4b:s24+s11], $0x190, $0x38;
	[tilespmem:$0x19020] =	vst v63  }
0xe3: {  	s29 =	rddreg [dreg:$0xb]  }
0xe4: {  	[tilespmem:s12], [sflag:$0x1] =	stream.linear.gather [hbm4b:s29+s11], $0x190, $0x38;
	[tilespmem:$0x19020] =	vst v63  }
0xe5: {  	s18 =	rddreg [dreg:$0xc]  }
0xe6: {  	[hbm4b:s18+s11] =	stream.linear.scatter [tilespmem:s31], [sflag:$0x3], $0x6400, $0x38;
	[tilespmem:$0x19020] =	vst v63  }
0xe7: {  	_ = 	snop  }
0xe8: {  	[hbm4b:s18+s13] =	stream.strided.scatter [tilespmem:s1], [sflag:$0x3], $0x5780, s14, s13, $0x38;
	[tilespmem:$0x19020] =	vst v63  }
0xe9: {  	_ =	swait.ge [sflag:s22], $0x15E0  }
0xea: {  	[sflag:s22] =	ssyncset.done $0x0  }
0xeb: {  	[sflag:s22] =	ssyncadd.s32 $0xFFFFEA20  }
0xec: {  	_ =	swait.ge [sflag:s22], $0x15E0  }
0xed: {  	[sflag:s22] =	ssyncset.done $0x0  }
0xee: {  	[sflag:s22] =	ssyncadd.s32 $0xFFFFEA20  }
0xef: {  	_ =	swait.ge [sflag:s22], $0x15E0  }
0xf0: {  	[sflag:s22] =	ssyncset.done $0x0  }
0xf1: {  	[sflag:s22] =	ssyncadd.s32 $0xFFFFEA20  }
0xf2: {  	_ =	swait.ge [sflag:s22], $0x15E0  }
0xf3: {  	[sflag:s22] =	ssyncset.done $0x0  }
0xf4: {  	[sflag:s22] =	ssyncadd.s32 $0xFFFFEA20  }
0xf5: {  	_ =	swait.ge [sflag:s25], $0x1A0  }
0xf6: {  	[sflag:s25] =	ssyncset.done $0x0  }
0xf7: {  	[sflag:s25] =	ssyncadd.s32 $0xFFFFFE60  }
0xf8: {  	_ =	swait.ge [sflag:s25], $0x190  }
0xf9: {  	[sflag:s25] =	ssyncset.done $0x0  }
0xfa: {  	[sflag:s25] =	ssyncadd.s32 $0xFFFFFE70  }
0xfb: {  	_ =	swait.ge [sflag:s25], $0x190  }
0xfc: {  	[sflag:s25] =	ssyncset.done $0x0  }
0xfd: {  	[sflag:s25] =	ssyncadd.s32 $0xFFFFFE70  }
0xfe: {  	_ =	swait.ge [sflag:s15], $0x6400  }
0xff: {  	[sflag:s15] =	ssyncset.done $0x0  }
0x100: {  	[sflag:s15] =	ssyncadd.s32 $0xFFFF9C00  }
0x101: {  	_ =	swait.ge [sflag:s15], $0x5780  }
0x102: {  	[sflag:s15] =	ssyncset.done $0x0  }
0x103: {  	[sflag:s15] =	ssyncadd.s32 $0xFFFFA880  }
0x104: {  	[tilespmem:s1], [sflag:$0x2] =	stream.indirect.gather [hbm4b:s2+s0], $0x38, s11, s0, $0xb8;
	[tilespmem:$0x19020] =	vst v63  }
0x105: {  	s21 =	simm.s32 $0x2F00;
	s20 =	simm.s32 $0x68  }
0x106: {  	v3 =	vor.u32 s11, v0;
	[tilespmem:s21], [sflag:$0x2] =	stream.indirect.gather [hbm4b:s2+s0], $0x38, s20, s0, $0xb8;
	[tilespmem:$0x19020] =	vst v63  }
0x107: {  	s23 =	simm.s32 $0xD0;
	v4 =	vmulhi.u32 $0x51EB851F, v3;
	s24 =	simm.s32 $0x44E0  }
0x108: {  	[tilespmem:s24], [sflag:$0x2] =	stream.indirect.gather [hbm4b:s2+s0], $0x38, s23, s0, $0xb8;
	[tilespmem:$0x19020] =	vst v63  }
0x109: {  	s28 =	simm.s32 $0x138;
	v4 =	vshrl.u32 v4, $0x6;
	s29 =	simm.s32 $0x5AC0;
	s18 =	simm.s32 $0x4D0  }
0x10a: {  	v5 =	vmov s11;
	v6 =	vmul.u32 $0xFFFFFF38, v4;
	[tilespmem:s29], [sflag:$0x2] =	stream.indirect.gather [hbm4b:s2+s0], $0x38, s28, s0, $0xb8;
	[tilespmem:$0x19020] =	vst v63  }
0x10b: {  	v8 =	vsub.s32 v1, v5;
	v7 =	vld [tilespmem:s18+$0x0]  }
0x10c: {  	vm14 =	veq.s32 v5, v0;
	vm15 =	vne.s32 v6, v8  }
0x10d: {  	vm0 =	vmand vm14, vm15  }
0x10e: {  	v5 =	vsel vm0, $0xFFFFFFFF, v2  }
0x10f: {  	v4 =	vadd.s32 v5, v4;
	s21 =	simm.s32 $0x7F0  }
0x110: {  	v6 =	vmul.u32 $0xFFFFFF38, v4;
	v5 =	vmul.u32 $0x5, v7;
	v7 =	vld [tilespmem:s21+$0x0];
	_ =	sdelay $0x1  }
0x111: {  	v3 =	vadd.s32 v3, v6  }
0x112: {  	v6 =	vmul.u32 $0x2BC0, v4;
	v8 =	vmul.u32 $0x38, v3;
	_ =	sdelay $0x1  }
0x113: {  	v6 =	vadd.s32 v6, v8;
	v7 =	vmul.u32 $0x5, v7  }
0x114: {  	v58 =	vadd.s32 $0x32, v6;
	v8 =	vld.idx.msk [tilespmem:v5+s30+$0x0], $0xffff  }
0x115: {  	v59 =	vadd.s32 $0x7D0, v7;
	_ =	sdelay $0x3  }
0x116: {  	[tilespmem:v58+s26+$0x0] =	vst.idx.msk $0xffff, v8  }
0x117: {  	v60 =	vadd.s32 $0x37, v6;
	v8 =	vld.idx.msk [tilespmem:v59+s30+$0x0], $0xffff  }
0x118: {  	v61 =	vadd.s32 $0x1, v5;
	_ =	sdelay $0x3  }
0x119: {  	[tilespmem:v60+s26+$0x0] =	vst.idx.msk $0xffff, v8  }
0x11a: {  	v62 =	vadd.s32 $0x33, v6;
	v8 =	vld.idx.msk [tilespmem:v61+s30+$0x0], $0xffff  }
0x11b: {  	v63 =	vadd.s32 $0x7D1, v7;
	_ =	sdelay $0x1  }
0x11c: {  	v4 =	vmul.u32 $0x3200, v4  }
0x11d: {  	v3 =	vshll.u32 v3, $0x6  }
0x11e: {  	v11 =	vadd.s32 v4, v3;
	[tilespmem:v62+s26+$0x0] =	vst.idx.msk $0xffff, v8  }
0x11f: {  	v4 =	vor.u32 $0x38, v11;
	v3 =	vld.idx.msk [tilespmem:v63+s30+$0x0], $0xffff  }
0x120: {  	v8 =	vadd.s32 $0x2, v5;
	_ =	sdelay $0x3  }
0x121: {  	[tilespmem:v4+s16+$0x0] =	vst.idx.msk $0xffff, v3  }
0x122: {  	v4 =	vadd.s32 $0x34, v6;
	v3 =	vld.idx.msk [tilespmem:v8+s30+$0x0], $0xffff  }
0x123: {  	v8 =	vadd.s32 $0x7D2, v7;
	_ =	sdelay $0x3  }
0x124: {  	[tilespmem:v4+s26+$0x0] =	vst.idx.msk $0xffff, v3  }
0x125: {  	v4 =	vor.u32 $0x39, v11;
	v3 =	vld.idx.msk [tilespmem:v8+s30+$0x0], $0xffff  }
0x126: {  	v8 =	vadd.s32 $0x3, v5;
	_ =	sdelay $0x3  }
0x127: {  	[tilespmem:v4+s16+$0x0] =	vst.idx.msk $0xffff, v3  }
0x128: {  	v4 =	vadd.s32 $0x35, v6;
	v3 =	vld.idx.msk [tilespmem:v8+s30+$0x0], $0xffff  }
0x129: {  	v8 =	vadd.s32 $0x7D3, v7;
	_ =	sdelay $0x3  }
0x12a: {  	[tilespmem:v4+s26+$0x0] =	vst.idx.msk $0xffff, v3  }
0x12b: {  	v4 =	vor.u32 $0x3A, v11;
	v3 =	vld.idx.msk [tilespmem:v8+s30+$0x0], $0xffff  }
0x12c: {  	v5 =	vadd.s32 $0x4, v5;
	_ =	sdelay $0x3  }
0x12d: {  	[tilespmem:v4+s16+$0x0] =	vst.idx.msk $0xffff, v3  }
0x12e: {  	v4 =	vadd.s32 $0x36, v6;
	v3 =	vld.idx.msk [tilespmem:v5+s30+$0x0], $0xffff  }
0x12f: {  	v5 =	vadd.s32 $0x7D4, v7;
	_ =	sdelay $0x3  }
0x130: {  	[tilespmem:v4+s26+$0x0] =	vst.idx.msk $0xffff, v3  }
0x131: {  	v4 =	vld.idx.msk [tilespmem:v5+s30+$0x0], $0xffff;
	v5 =	vor.u32 $0x3B, v11  }
0x132: {  	s11 =	simm.s32 $0x10  }
0x133: {  	v3 =	vor.u32 s11, v0  }
0x134: {  	s24 =	simm.s32 $0x20;
	v6 =	vmulhi.u32 $0x51EB851F, v3  }
.LBB2_4:
0x135: {  	s18 =	sadd.s32 $0x10, s18  }
0x136: {  	[tilespmem:v5+s16+$0x0] =	vst.idx.msk $0xffff, v4;
	s21 =	sadd.s32 $0x10, s21;
	s20 =	smov.u32 s24;
	s23 =	sadd.s32 $0x10, s24;
	v6 =	vshrl.u32 v6, $0x6  }
0x137: {  	p0 =	sne.s32 s24, $0x180;
	v4 =	vmov s11;
	s11 =	smov.u32 s20;
	v5 =	vmul.u32 $0xFFFFFF38, v6;
	v7 =	vld [tilespmem:s18+$0x0]  }
0x138: {  	v8 =	vsub.s32 v1, v4  }
0x139: {  	vm0 =	veq.s32 v4, v0;
	vm1 =	vne.s32 v5, v8  }
0x13a: {  	vm0 =	vmand vm0, vm1  }
0x13b: {  	v4 =	vsel vm0, $0xFFFFFFFF, v2  }
0x13c: {  	v4 =	vadd.s32 v4, v6;
	v5 =	vmul.u32 $0x5, v7  }
0x13d: {  	v6 =	vmul.u32 $0xFFFFFF38, v4;
	v7 =	vld [tilespmem:s21+$0x0];
	_ =	sdelay $0x1  }
0x13e: {  	v3 =	vadd.s32 v3, v6;
	v6 =	vmul.u32 $0x3200, v4  }
0x13f: {  	v4 =	vmul.u32 $0x2BC0, v4;
	v8 =	vmul.u32 $0x38, v3;
	v3 =	vshll.u32 v3, $0x6  }
0x140: {  	v3 =	vadd.s32 v6, v3  }
0x141: {  	v6 =	vld.idx.msk [tilespmem:v5+s30+$0x0], $0xffff;
	v4 =	vadd.s32 v4, v8;
	v7 =	vmul.u32 $0x5, v7  }
0x142: {  	v8 =	vadd.s32 $0x32, v4  }
0x143: {  	v9 =	vadd.s32 $0x7D0, v7;
	_ =	sdelay $0x3  }
0x144: {  	[tilespmem:v8+s26+$0x0] =	vst.idx.msk $0xffff, v6  }
0x145: {  	v6 =	vld.idx.msk [tilespmem:v9+s30+$0x0], $0xffff  }
0x146: {  	v8 =	vadd.s32 $0x37, v4  }
0x147: {  	v9 =	vadd.s32 $0x1, v5;
	_ =	sdelay $0x3  }
0x148: {  	[tilespmem:v8+s26+$0x0] =	vst.idx.msk $0xffff, v6  }
0x149: {  	v6 =	vld.idx.msk [tilespmem:v9+s30+$0x0], $0xffff  }
0x14a: {  	v8 =	vadd.s32 $0x33, v4  }
0x14b: {  	v9 =	vadd.s32 $0x7D1, v7;
	_ =	sdelay $0x3  }
0x14c: {  	[tilespmem:v8+s26+$0x0] =	vst.idx.msk $0xffff, v6  }
0x14d: {  	v6 =	vld.idx.msk [tilespmem:v9+s30+$0x0], $0xffff  }
0x14e: {  	v8 =	vor.u32 $0x38, v3  }
0x14f: {  	v9 =	vadd.s32 $0x2, v5;
	_ =	sdelay $0x3  }
0x150: {  	[tilespmem:v8+s16+$0x0] =	vst.idx.msk $0xffff, v6  }
0x151: {  	v6 =	vld.idx.msk [tilespmem:v9+s30+$0x0], $0xffff  }
0x152: {  	v8 =	vadd.s32 $0x34, v4  }
0x153: {  	v9 =	vadd.s32 $0x7D2, v7;
	_ =	sdelay $0x3  }
0x154: {  	[tilespmem:v8+s26+$0x0] =	vst.idx.msk $0xffff, v6  }
0x155: {  	v6 =	vld.idx.msk [tilespmem:v9+s30+$0x0], $0xffff  }
0x156: {  	v8 =	vor.u32 $0x39, v3  }
0x157: {  	v9 =	vadd.s32 $0x3, v5;
	_ =	sdelay $0x3  }
0x158: {  	[tilespmem:v8+s16+$0x0] =	vst.idx.msk $0xffff, v6  }
0x159: {  	v6 =	vld.idx.msk [tilespmem:v9+s30+$0x0], $0xffff  }
0x15a: {  	v8 =	vadd.s32 $0x35, v4  }
0x15b: {  	v9 =	vadd.s32 $0x7D3, v7;
	_ =	sdelay $0x3  }
0x15c: {  	[tilespmem:v8+s26+$0x0] =	vst.idx.msk $0xffff, v6  }
0x15d: {  	v6 =	vld.idx.msk [tilespmem:v9+s30+$0x0], $0xffff  }
0x15e: {  	v8 =	vor.u32 $0x3A, v3  }
0x15f: {  	v5 =	vadd.s32 $0x4, v5;
	_ =	sdelay $0x3  }
0x160: {  	[tilespmem:v8+s16+$0x0] =	vst.idx.msk $0xffff, v6  }
0x161: {  	v5 =	vld.idx.msk [tilespmem:v5+s30+$0x0], $0xffff  }
0x162: {  	v4 =	vadd.s32 $0x36, v4  }
0x163: {  	v6 =	vadd.s32 $0x7D4, v7;
	_ =	sdelay $0x3  }
0x164: {  	[tilespmem:v4+s26+$0x0] =	vst.idx.msk $0xffff, v5  }
.Ltmp1:
0x165: {  	v4 =	vld.idx.msk [tilespmem:v6+s30+$0x0], $0xffff;
	(pc) =	sbr.rel @p0 .LBB2_4-.Ltmp1, $3  }
0x166: {  	v5 =	vor.u32 $0x3B, v3;
	_ =	sdelay $0x1  }
0x167: {  	v3 =	vor.u32 s11, v0  }
0x168: {  	s24 =	smov.u32 s23;
	v6 =	vmulhi.u32 $0x51EB851F, v3  }
0x169: {  	_ =	sdelay $0x2  }
0x16a: {  	v6 =	vshrl.u32 v6, $0x6  }
0x16b: {  	[tilespmem:v5+s16+$0x0] =	vst.idx.msk $0xffff, v4;
	s18 =	sadd.s32 $0x10, s18;
	v40 =	vmov s11;
	v41 =	vmul.u32 $0xFFFFFF38, v6  }
0x16c: {  	v7 =	vld [tilespmem:s18+$0x0];
	v8 =	vsub.s32 v1, v40  }
0x16d: {  	vm0 =	veq.s32 v40, v0;
	vm1 =	vne.s32 v41, v8  }
0x16e: {  	vm0 =	vmand vm0, vm1  }
0x16f: {  	v42 =	vsel vm0, $0xFFFFFFFF, v2  }
0x170: {  	s20 =	sadd.s32 $0x10, s21;
	v4 =	vadd.s32 v42, v6  }
0x171: {  	v44 =	vld [tilespmem:s20+$0x0];
	v43 =	vmul.u32 $0x5, v7;
	v6 =	vmul.u32 $0xFFFFFF38, v4;
	_ =	sdelay $0x1  }
0x172: {  	v3 =	vadd.s32 v3, v6  }
0x173: {  	v45 =	vmul.u32 $0x2BC0, v4;
	v46 =	vmul.u32 $0x38, v3;
	_ =	sdelay $0x1  }
0x174: {  	v7 =	vmul.u32 $0x5, v44;
	v6 =	vadd.s32 v45, v46  }
0x175: {  	v47 =	vld.idx.msk [tilespmem:v43+s30+$0x0], $0xffff;
	v9 =	vadd.s32 $0x32, v6  }
0x176: {  	v10 =	vadd.s32 $0x7D0, v7;
	_ =	sdelay $0x3  }
0x177: {  	[tilespmem:v9+s26+$0x0] =	vst.idx.msk $0xffff, v47  }
0x178: {  	v48 =	vadd.s32 $0x37, v6;
	v8 =	vld.idx.msk [tilespmem:v10+s30+$0x0], $0xffff  }
0x179: {  	v49 =	vadd.s32 $0x1, v43;
	_ =	sdelay $0x3  }
0x17a: {  	[tilespmem:v48+s26+$0x0] =	vst.idx.msk $0xffff, v8  }
0x17b: {  	v50 =	vadd.s32 $0x33, v6;
	v8 =	vld.idx.msk [tilespmem:v49+s30+$0x0], $0xffff  }
0x17c: {  	v51 =	vadd.s32 $0x7D1, v7;
	_ =	sdelay $0x1  }
0x17d: {  	v4 =	vmul.u32 $0x3200, v4  }
0x17e: {  	v3 =	vshll.u32 v3, $0x6  }
0x17f: {  	v3 =	vadd.s32 v4, v3;
	[tilespmem:v50+s26+$0x0] =	vst.idx.msk $0xffff, v8  }
0x180: {  	v53 =	vor.u32 $0x38, v3;
	v52 =	vld.idx.msk [tilespmem:v51+s30+$0x0], $0xffff  }
0x181: {  	v54 =	vadd.s32 $0x2, v43;
	_ =	sdelay $0x3  }
0x182: {  	[tilespmem:v53+s16+$0x0] =	vst.idx.msk $0xffff, v52  }
0x183: {  	v55 =	vadd.s32 $0x34, v6;
	v4 =	vld.idx.msk [tilespmem:v54+s30+$0x0], $0xffff  }
0x184: {  	v56 =	vadd.s32 $0x7D2, v7;
	_ =	sdelay $0x3  }
0x185: {  	[tilespmem:v55+s26+$0x0] =	vst.idx.msk $0xffff, v4  }
0x186: {  	v57 =	vor.u32 $0x39, v3;
	v4 =	vld.idx.msk [tilespmem:v56+s30+$0x0], $0xffff  }
0x187: {  	v58 =	vadd.s32 $0x3, v43;
	_ =	sdelay $0x3  }
0x188: {  	[tilespmem:v57+s16+$0x0] =	vst.idx.msk $0xffff, v4  }
0x189: {  	v59 =	vadd.s32 $0x35, v6;
	v4 =	vld.idx.msk [tilespmem:v58+s30+$0x0], $0xffff  }
0x18a: {  	v60 =	vadd.s32 $0x7D3, v7;
	_ =	sdelay $0x3  }
0x18b: {  	[tilespmem:v59+s26+$0x0] =	vst.idx.msk $0xffff, v4  }
0x18c: {  	v61 =	vor.u32 $0x3A, v3;
	v4 =	vld.idx.msk [tilespmem:v60+s30+$0x0], $0xffff  }
0x18d: {  	v5 =	vadd.s32 $0x4, v43;
	_ =	sdelay $0x3  }
0x18e: {  	[tilespmem:v61+s16+$0x0] =	vst.idx.msk $0xffff, v4  }
0x18f: {  	v62 =	vadd.s32 $0x36, v6;
	v4 =	vld.idx.msk [tilespmem:v5+s30+$0x0], $0xffff  }
0x190: {  	v63 =	vadd.s32 $0x7D4, v7;
	_ =	sdelay $0x3  }
0x191: {  	[tilespmem:v62+s26+$0x0] =	vst.idx.msk $0xffff, v4  }
0x192: {  	v3 =	vor.u32 $0x3B, v3;
	v4 =	vld.idx.msk [tilespmem:v63+s30+$0x0], $0xffff;
	_ =	sdelay $0x4  }
0x193: {  	s8 =	rddreg [dreg:$0x13];
	[tilespmem:v3+s16+$0x0] =	vst.idx.msk $0xffff, v4  }
0x194: {  	[tilespmem:s17], [sflag:$0x1] =	stream.linear.gather [hbm4b:s8+s3], $0x1A0, $0x38;
	[tilespmem:$0x19020] =	vst v63  }
0x195: {  	s21 =	rddreg [dreg:$0xd];
	s23 =	simm.s32 $0x4D0  }
0x196: {  	[tilespmem:s23], [sflag:$0x1] =	stream.linear.gather [hbm4b:s21+s3], $0x190, $0x38;
	[tilespmem:$0x19020] =	vst v63  }
0x197: {  	s24 =	rddreg [dreg:$0xe];
	s28 =	simm.s32 $0x7F0  }
0x198: {  	[tilespmem:s28], [sflag:$0x1] =	stream.linear.gather [hbm4b:s24+s3], $0x190, $0x38;
	[tilespmem:$0x19020] =	vst v63  }
0x199: {  	s29 =	rddreg [dreg:$0x14]  }
0x19a: {  	[hbm4b:s29+s3] =	stream.linear.scatter [tilespmem:s16], [sflag:$0x3], $0x6400, $0x38;
	[tilespmem:$0x19020] =	vst v63  }
0x19b: {  	s18 =	simm.s32 $0x1  }
0x19c: {  	[hbm4b:s29+s13] =	stream.strided.scatter [tilespmem:s26], [sflag:$0x3], $0x5780, s14, s13, $0x38;
	[tilespmem:$0x19020] =	vst v63  }
.LBB2_6:
0x19d: {  	_ =	swait.ge [sflag:s22], $0x15E0  }
0x19e: {  	[sflag:s22] =	ssyncset.done $0x0  }
0x19f: {  	[sflag:s22] =	ssyncadd.s32 $0xFFFFEA20  }
0x1a0: {  	_ =	swait.ge [sflag:s22], $0x15E0  }
0x1a1: {  	[sflag:s22] =	ssyncset.done $0x0  }
0x1a2: {  	[sflag:s22] =	ssyncadd.s32 $0xFFFFEA20  }
0x1a3: {  	_ =	swait.ge [sflag:s22], $0x15E0  }
0x1a4: {  	[sflag:s22] =	ssyncset.done $0x0  }
0x1a5: {  	[sflag:s22] =	ssyncadd.s32 $0xFFFFEA20  }
0x1a6: {  	_ =	swait.ge [sflag:s22], $0x15E0  }
0x1a7: {  	[sflag:s22] =	ssyncset.done $0x0  }
0x1a8: {  	[sflag:s22] =	ssyncadd.s32 $0xFFFFEA20  }
0x1a9: {  	_ =	swait.ge [sflag:s25], $0x1A0  }
0x1aa: {  	[sflag:s25] =	ssyncset.done $0x0  }
0x1ab: {  	[sflag:s25] =	ssyncadd.s32 $0xFFFFFE60  }
0x1ac: {  	_ =	swait.ge [sflag:s25], $0x190  }
0x1ad: {  	[sflag:s25] =	ssyncset.done $0x0  }
0x1ae: {  	[sflag:s25] =	ssyncadd.s32 $0xFFFFFE70  }
0x1af: {  	_ =	swait.ge [sflag:s25], $0x190  }
0x1b0: {  	[sflag:s25] =	ssyncset.done $0x0  }
0x1b1: {  	[sflag:s25] =	ssyncadd.s32 $0xFFFFFE70  }
0x1b2: {  	_ =	swait.ge [sflag:s15], $0x6400  }
0x1b3: {  	[sflag:s15] =	ssyncset.done $0x0  }
0x1b4: {  	[sflag:s15] =	ssyncadd.s32 $0xFFFF9C00  }
0x1b5: {  	_ =	swait.ge [sflag:s15], $0x5780  }
0x1b6: {  	[sflag:s15] =	ssyncset.done $0x0  }
0x1b7: {  	[sflag:s15] =	ssyncadd.s32 $0xFFFFA880  }
0x1b8: {  	[tilespmem:s26], [sflag:$0x2] =	stream.indirect.gather [hbm4b:s2+s0], $0x38, s17, s0, $0xb8;
	[tilespmem:$0x19020] =	vst v63  }
0x1b9: {  	s8 =	simm.s32 $0x208;
	s11 =	simm.s32 $0x8680  }
0x1ba: {  	[tilespmem:s11], [sflag:$0x2] =	stream.indirect.gather [hbm4b:s2+s0], $0x38, s8, s0, $0xb8;
	[tilespmem:$0x19020] =	vst v63  }
0x1bb: {  	s11 =	simm.s32 $0x0  }
0x1bc: {  	v3 =	vor.u32 s11, v0  }
0x1bd: {  	s23 =	simm.s32 $0x270;
	s20 =	simm.s32 $0x9C60;
	v4 =	vmulhi.u32 $0x51EB851F, v3  }
0x1be: {  	[tilespmem:s20], [sflag:$0x2] =	stream.indirect.gather [hbm4b:s2+s0], $0x38, s23, s0, $0xb8;
	[tilespmem:$0x19020] =	vst v63  }
0x1bf: {  	s24 =	simm.s32 $0x2D8;
	s29 =	simm.s32 $0xB240;
	s21 =	simm.s32 $0x340;
	v4 =	vshrl.u32 v4, $0x6  }
0x1c0: {  	v5 =	vmov s11;
	[tilespmem:s29], [sflag:$0x2] =	stream.indirect.gather [hbm4b:s2+s0], $0x38, s24, s0, $0xb8;
	v6 =	vmul.u32 $0xFFFFFF38, v4;
	[tilespmem:$0x19020] =	vst v63  }
0x1c1: {  	v8 =	vsub.s32 v1, v5;
	v7 =	vld [tilespmem:s21+$0x0]  }
0x1c2: {  	vm0 =	veq.s32 v5, v0;
	vm1 =	vne.s32 v6, v8  }
0x1c3: {  	vm0 =	vmand vm0, vm1  }
0x1c4: {  	v5 =	vsel vm0, $0xFFFFFFFF, v2  }
0x1c5: {  	s28 =	simm.s32 $0x660;
	v4 =	vadd.s32 v5, v4  }
0x1c6: {  	v5 =	vmul.u32 $0x5, v7;
	v7 =	vld [tilespmem:s28+$0x0];
	v6 =	vmul.u32 $0xFFFFFF38, v4;
	_ =	sdelay $0x1  }
0x1c7: {  	v3 =	vadd.s32 v3, v6  }
0x1c8: {  	v6 =	vmul.u32 $0x2BC0, v4;
	v8 =	vmul.u32 $0x38, v3;
	_ =	sdelay $0x1  }
0x1c9: {  	v7 =	vmul.u32 $0x5, v7;
	v6 =	vadd.s32 v6, v8  }
0x1ca: {  	v8 =	vld.idx.msk [tilespmem:v5+s30+$0x0], $0xffff;
	v9 =	vadd.s32 $0x32, v6  }
0x1cb: {  	v10 =	vadd.s32 $0x7D0, v7;
	_ =	sdelay $0x3  }
0x1cc: {  	[tilespmem:v9+s1+$0x0] =	vst.idx.msk $0xffff, v8  }
0x1cd: {  	v60 =	vadd.s32 $0x37, v6;
	v8 =	vld.idx.msk [tilespmem:v10+s30+$0x0], $0xffff  }
0x1ce: {  	v61 =	vadd.s32 $0x1, v5;
	_ =	sdelay $0x3  }
0x1cf: {  	[tilespmem:v60+s1+$0x0] =	vst.idx.msk $0xffff, v8  }
0x1d0: {  	v62 =	vadd.s32 $0x33, v6;
	v8 =	vld.idx.msk [tilespmem:v61+s30+$0x0], $0xffff  }
0x1d1: {  	v63 =	vadd.s32 $0x7D1, v7;
	_ =	sdelay $0x1  }
0x1d2: {  	v4 =	vmul.u32 $0x3200, v4  }
0x1d3: {  	v3 =	vshll.u32 v3, $0x6  }
0x1d4: {  	v11 =	vadd.s32 v4, v3;
	[tilespmem:v62+s1+$0x0] =	vst.idx.msk $0xffff, v8  }
0x1d5: {  	v4 =	vor.u32 $0x38, v11;
	v3 =	vld.idx.msk [tilespmem:v63+s30+$0x0], $0xffff  }
0x1d6: {  	v8 =	vadd.s32 $0x2, v5;
	_ =	sdelay $0x3  }
0x1d7: {  	[tilespmem:v4+s31+$0x0] =	vst.idx.msk $0xffff, v3  }
0x1d8: {  	v4 =	vadd.s32 $0x34, v6;
	v3 =	vld.idx.msk [tilespmem:v8+s30+$0x0], $0xffff  }
0x1d9: {  	v8 =	vadd.s32 $0x7D2, v7;
	_ =	sdelay $0x3  }
0x1da: {  	[tilespmem:v4+s1+$0x0] =	vst.idx.msk $0xffff, v3  }
0x1db: {  	v4 =	vor.u32 $0x39, v11;
	v3 =	vld.idx.msk [tilespmem:v8+s30+$0x0], $0xffff  }
0x1dc: {  	v8 =	vadd.s32 $0x3, v5;
	_ =	sdelay $0x3  }
0x1dd: {  	[tilespmem:v4+s31+$0x0] =	vst.idx.msk $0xffff, v3  }
0x1de: {  	v4 =	vadd.s32 $0x35, v6;
	v3 =	vld.idx.msk [tilespmem:v8+s30+$0x0], $0xffff  }
0x1df: {  	v8 =	vadd.s32 $0x7D3, v7;
	_ =	sdelay $0x3  }
0x1e0: {  	[tilespmem:v4+s1+$0x0] =	vst.idx.msk $0xffff, v3  }
0x1e1: {  	v4 =	vor.u32 $0x3A, v11;
	v3 =	vld.idx.msk [tilespmem:v8+s30+$0x0], $0xffff  }
0x1e2: {  	v5 =	vadd.s32 $0x4, v5;
	_ =	sdelay $0x3  }
0x1e3: {  	[tilespmem:v4+s31+$0x0] =	vst.idx.msk $0xffff, v3  }
0x1e4: {  	v4 =	vadd.s32 $0x36, v6;
	v3 =	vld.idx.msk [tilespmem:v5+s30+$0x0], $0xffff  }
0x1e5: {  	v5 =	vadd.s32 $0x7D4, v7;
	_ =	sdelay $0x3  }
0x1e6: {  	[tilespmem:v4+s1+$0x0] =	vst.idx.msk $0xffff, v3  }
0x1e7: {  	v4 =	vld.idx.msk [tilespmem:v5+s30+$0x0], $0xffff;
	v5 =	vor.u32 $0x3B, v11  }
0x1e8: {  	s11 =	simm.s32 $0x10  }
0x1e9: {  	v3 =	vor.u32 s11, v0  }
0x1ea: {  	s24 =	simm.s32 $0x20;
	v6 =	vmulhi.u32 $0x51EB851F, v3  }
.LBB2_7:
0x1eb: {  	s21 =	sadd.s32 $0x10, s21  }
0x1ec: {  	[tilespmem:v5+s31+$0x0] =	vst.idx.msk $0xffff, v4;
	s28 =	sadd.s32 $0x10, s28;
	s20 =	smov.u32 s24;
	s23 =	sadd.s32 $0x10, s24;
	v6 =	vshrl.u32 v6, $0x6  }
0x1ed: {  	p0 =	sne.s32 s24, $0x180;
	v4 =	vmov s11;
	s11 =	smov.u32 s20;
	v5 =	vmul.u32 $0xFFFFFF38, v6;
	v7 =	vld [tilespmem:s21+$0x0]  }
0x1ee: {  	v8 =	vsub.s32 v1, v4  }
0x1ef: {  	vm0 =	veq.s32 v4, v0;
	vm1 =	vne.s32 v5, v8  }
0x1f0: {  	vm0 =	vmand vm0, vm1  }
0x1f1: {  	v4 =	vsel vm0, $0xFFFFFFFF, v2  }
0x1f2: {  	v4 =	vadd.s32 v4, v6;
	v5 =	vmul.u32 $0x5, v7  }
0x1f3: {  	v6 =	vmul.u32 $0xFFFFFF38, v4;
	v7 =	vld [tilespmem:s28+$0x0];
	_ =	sdelay $0x1  }
0x1f4: {  	v3 =	vadd.s32 v3, v6;
	v6 =	vmul.u32 $0x3200, v4  }
0x1f5: {  	v4 =	vmul.u32 $0x2BC0, v4;
	v8 =	vmul.u32 $0x38, v3;
	v3 =	vshll.u32 v3, $0x6  }
0x1f6: {  	v3 =	vadd.s32 v6, v3  }
0x1f7: {  	v6 =	vld.idx.msk [tilespmem:v5+s30+$0x0], $0xffff;
	v4 =	vadd.s32 v4, v8;
	v7 =	vmul.u32 $0x5, v7  }
0x1f8: {  	v8 =	vadd.s32 $0x32, v4  }
0x1f9: {  	v9 =	vadd.s32 $0x7D0, v7;
	_ =	sdelay $0x3  }
0x1fa: {  	[tilespmem:v8+s1+$0x0] =	vst.idx.msk $0xffff, v6  }
0x1fb: {  	v6 =	vld.idx.msk [tilespmem:v9+s30+$0x0], $0xffff  }
0x1fc: {  	v8 =	vadd.s32 $0x37, v4  }
0x1fd: {  	v9 =	vadd.s32 $0x1, v5;
	_ =	sdelay $0x3  }
0x1fe: {  	[tilespmem:v8+s1+$0x0] =	vst.idx.msk $0xffff, v6  }
0x1ff: {  	v6 =	vld.idx.msk [tilespmem:v9+s30+$0x0], $0xffff  }
0x200: {  	v8 =	vadd.s32 $0x33, v4  }
0x201: {  	v9 =	vadd.s32 $0x7D1, v7;
	_ =	sdelay $0x3  }
0x202: {  	[tilespmem:v8+s1+$0x0] =	vst.idx.msk $0xffff, v6  }
0x203: {  	v6 =	vld.idx.msk [tilespmem:v9+s30+$0x0], $0xffff  }
0x204: {  	v8 =	vor.u32 $0x38, v3  }
0x205: {  	v9 =	vadd.s32 $0x2, v5;
	_ =	sdelay $0x3  }
0x206: {  	[tilespmem:v8+s31+$0x0] =	vst.idx.msk $0xffff, v6  }
0x207: {  	v6 =	vld.idx.msk [tilespmem:v9+s30+$0x0], $0xffff  }
0x208: {  	v8 =	vadd.s32 $0x34, v4  }
0x209: {  	v9 =	vadd.s32 $0x7D2, v7;
	_ =	sdelay $0x3  }
0x20a: {  	[tilespmem:v8+s1+$0x0] =	vst.idx.msk $0xffff, v6  }
0x20b: {  	v6 =	vld.idx.msk [tilespmem:v9+s30+$0x0], $0xffff  }
0x20c: {  	v8 =	vor.u32 $0x39, v3  }
0x20d: {  	v9 =	vadd.s32 $0x3, v5;
	_ =	sdelay $0x3  }
0x20e: {  	[tilespmem:v8+s31+$0x0] =	vst.idx.msk $0xffff, v6  }
0x20f: {  	v6 =	vld.idx.msk [tilespmem:v9+s30+$0x0], $0xffff  }
0x210: {  	v8 =	vadd.s32 $0x35, v4  }
0x211: {  	v9 =	vadd.s32 $0x7D3, v7;
	_ =	sdelay $0x3  }
0x212: {  	[tilespmem:v8+s1+$0x0] =	vst.idx.msk $0xffff, v6  }
0x213: {  	v6 =	vld.idx.msk [tilespmem:v9+s30+$0x0], $0xffff  }
0x214: {  	v8 =	vor.u32 $0x3A, v3  }
0x215: {  	v5 =	vadd.s32 $0x4, v5;
	_ =	sdelay $0x3  }
0x216: {  	[tilespmem:v8+s31+$0x0] =	vst.idx.msk $0xffff, v6  }
0x217: {  	v5 =	vld.idx.msk [tilespmem:v5+s30+$0x0], $0xffff  }
0x218: {  	v4 =	vadd.s32 $0x36, v4  }
0x219: {  	v6 =	vadd.s32 $0x7D4, v7;
	_ =	sdelay $0x3  }
0x21a: {  	[tilespmem:v4+s1+$0x0] =	vst.idx.msk $0xffff, v5  }
.Ltmp2:
0x21b: {  	v4 =	vld.idx.msk [tilespmem:v6+s30+$0x0], $0xffff;
	(pc) =	sbr.rel @p0 .LBB2_7-.Ltmp2, $3  }
0x21c: {  	v5 =	vor.u32 $0x3B, v3;
	_ =	sdelay $0x1  }
0x21d: {  	v3 =	vor.u32 s11, v0  }
0x21e: {  	s24 =	smov.u32 s23;
	v6 =	vmulhi.u32 $0x51EB851F, v3  }
0x21f: {  	_ =	sdelay $0x2  }
0x220: {  	v6 =	vshrl.u32 v6, $0x6  }
0x221: {  	[tilespmem:v5+s31+$0x0] =	vst.idx.msk $0xffff, v4;
	s20 =	sadd.s32 $0x10, s21;
	v4 =	vmov s11;
	v5 =	vmul.u32 $0xFFFFFF38, v6  }
0x222: {  	v7 =	vld [tilespmem:s20+$0x0];
	v8 =	vsub.s32 v1, v4  }
0x223: {  	vm0 =	veq.s32 v4, v0;
	vm1 =	vne.s32 v5, v8  }
0x224: {  	vm0 =	vmand vm0, vm1  }
0x225: {  	v4 =	vsel vm0, $0xFFFFFFFF, v2  }
0x226: {  	s8 =	sadd.s32 $0x10, s28;
	v4 =	vadd.s32 v4, v6  }
0x227: {  	v5 =	vmul.u32 $0x5, v7;
	v7 =	vld [tilespmem:s8+$0x0];
	v6 =	vmul.u32 $0xFFFFFF38, v4;
	_ =	sdelay $0x1  }
0x228: {  	v3 =	vadd.s32 v3, v6  }
0x229: {  	v6 =	vmul.u32 $0x2BC0, v4;
	v8 =	vmul.u32 $0x38, v3;
	_ =	sdelay $0x1  }
0x22a: {  	v7 =	vmul.u32 $0x5, v7;
	v6 =	vadd.s32 v6, v8  }
0x22b: {  	v8 =	vld.idx.msk [tilespmem:v5+s30+$0x0], $0xffff;
	v9 =	vadd.s32 $0x32, v6  }
0x22c: {  	v10 =	vadd.s32 $0x7D0, v7;
	_ =	sdelay $0x3  }
0x22d: {  	[tilespmem:v9+s1+$0x0] =	vst.idx.msk $0xffff, v8  }
0x22e: {  	v50 =	vadd.s32 $0x37, v6;
	v8 =	vld.idx.msk [tilespmem:v10+s30+$0x0], $0xffff  }
0x22f: {  	v51 =	vadd.s32 $0x1, v5;
	_ =	sdelay $0x3  }
0x230: {  	[tilespmem:v50+s1+$0x0] =	vst.idx.msk $0xffff, v8  }
0x231: {  	v52 =	vadd.s32 $0x33, v6;
	v8 =	vld.idx.msk [tilespmem:v51+s30+$0x0], $0xffff  }
0x232: {  	v53 =	vadd.s32 $0x7D1, v7;
	_ =	sdelay $0x1  }
0x233: {  	v4 =	vmul.u32 $0x3200, v4  }
0x234: {  	v3 =	vshll.u32 v3, $0x6  }
0x235: {  	v3 =	vadd.s32 v4, v3;
	[tilespmem:v52+s1+$0x0] =	vst.idx.msk $0xffff, v8  }
0x236: {  	v8 =	vor.u32 $0x38, v3;
	v4 =	vld.idx.msk [tilespmem:v53+s30+$0x0], $0xffff  }
0x237: {  	v54 =	vadd.s32 $0x2, v5;
	_ =	sdelay $0x3  }
0x238: {  	[tilespmem:v8+s31+$0x0] =	vst.idx.msk $0xffff, v4  }
0x239: {  	v8 =	vadd.s32 $0x34, v6;
	v4 =	vld.idx.msk [tilespmem:v54+s30+$0x0], $0xffff  }
0x23a: {  	v55 =	vadd.s32 $0x7D2, v7;
	_ =	sdelay $0x3  }
0x23b: {  	[tilespmem:v8+s1+$0x0] =	vst.idx.msk $0xffff, v4  }
0x23c: {  	v8 =	vor.u32 $0x39, v3;
	v4 =	vld.idx.msk [tilespmem:v55+s30+$0x0], $0xffff  }
0x23d: {  	v56 =	vadd.s32 $0x3, v5;
	_ =	sdelay $0x3  }
0x23e: {  	[tilespmem:v8+s31+$0x0] =	vst.idx.msk $0xffff, v4  }
0x23f: {  	v8 =	vadd.s32 $0x35, v6;
	v4 =	vld.idx.msk [tilespmem:v56+s30+$0x0], $0xffff  }
0x240: {  	v57 =	vadd.s32 $0x7D3, v7;
	_ =	sdelay $0x3  }
0x241: {  	[tilespmem:v8+s1+$0x0] =	vst.idx.msk $0xffff, v4  }
0x242: {  	v8 =	vor.u32 $0x3A, v3;
	v4 =	vld.idx.msk [tilespmem:v57+s30+$0x0], $0xffff  }
0x243: {  	v5 =	vadd.s32 $0x4, v5;
	_ =	sdelay $0x3  }
0x244: {  	[tilespmem:v8+s31+$0x0] =	vst.idx.msk $0xffff, v4  }
0x245: {  	v4 =	vld.idx.msk [tilespmem:v5+s30+$0x0], $0xffff;
	v5 =	vadd.s32 $0x36, v6  }
0x246: {  	v6 =	vadd.s32 $0x7D4, v7;
	_ =	sdelay $0x3  }
0x247: {  	s21 =	sshll.u32 s18, $0x1;
	[tilespmem:v5+s1+$0x0] =	vst.idx.msk $0xffff, v4  }
0x248: {  	s20 =	sadd.s32 $0x2, s21;
	v3 =	vor.u32 $0x3B, v3;
	v4 =	vld.idx.msk [tilespmem:v6+s30+$0x0], $0xffff  }
0x249: {  	s23 =	sshll.u32 s20, $0x2  }
0x24a: {  	s11 =	smul.u32 $0x190, s20;
	s20 =	sadd.s32 s10, s23  }
0x24b: {  	s20 =	smul.u32 $0xD, s20  }
0x24c: {  	s11 =	sadd.s32 s6, s11  }
0x24d: {  	s23 =	simm.s32 $0x0;
	s11 =	sshrl.u32 s11, $0x3;
	s20 =	sadd.s32 s4, s20;
	[tilespmem:v3+s31+$0x0] =	vst.idx.msk $0xffff, v4  }
0x24e: {  	[tilespmem:s23], [sflag:$0x1] =	stream.linear.gather [hbm4b:s20+s23], $0x1A0, $0x38;
	[tilespmem:$0x19020] =	vst v63  }
0x24f: {  	s28 =	sshll.u32 s18, $0x2;
	s24 =	sadd.s32 s5, s11;
	s8 =	simm.s32 $0x340  }
0x250: {  	[tilespmem:s8], [sflag:$0x1] =	stream.linear.gather [hbm4b:s24+s23], $0x190, $0x38;
	[tilespmem:$0x19020] =	vst v63  }
0x251: {  	s24 =	sadd.s32 s19, s28  }
0x252: {  	s11 =	sadd.s32 s7, s11;
	s20 =	smul.u32 $0x640, s24  }
0x253: {  	[tilespmem:s12], [sflag:$0x1] =	stream.linear.gather [hbm4b:s11+s23], $0x190, $0x38;
	[tilespmem:$0x19020] =	vst v63  }
0x254: {  	s8 =	sadd.s32 s9, s20  }
0x255: {  	[hbm4b:s8+s23] =	stream.linear.scatter [tilespmem:s31], [sflag:$0x3], $0x6400, $0x38;
	[tilespmem:$0x19020] =	vst v63  }
0x256: {  	_ = 	snop  }
0x257: {  	[hbm4b:s8+s13] =	stream.strided.scatter [tilespmem:s1], [sflag:$0x3], $0x5780, s14, s13, $0x38;
	[tilespmem:$0x19020] =	vst v63  }
0x258: {  	_ =	swait.ge [sflag:s22], $0x15E0  }
0x259: {  	[sflag:s22] =	ssyncset.done $0x0  }
0x25a: {  	[sflag:s22] =	ssyncadd.s32 $0xFFFFEA20  }
0x25b: {  	_ =	swait.ge [sflag:s22], $0x15E0  }
0x25c: {  	[sflag:s22] =	ssyncset.done $0x0  }
0x25d: {  	[sflag:s22] =	ssyncadd.s32 $0xFFFFEA20  }
0x25e: {  	_ =	swait.ge [sflag:s22], $0x15E0  }
0x25f: {  	[sflag:s22] =	ssyncset.done $0x0  }
0x260: {  	[sflag:s22] =	ssyncadd.s32 $0xFFFFEA20  }
0x261: {  	_ =	swait.ge [sflag:s22], $0x15E0  }
0x262: {  	[sflag:s22] =	ssyncset.done $0x0  }
0x263: {  	[sflag:s22] =	ssyncadd.s32 $0xFFFFEA20  }
0x264: {  	_ =	swait.ge [sflag:s25], $0x1A0  }
0x265: {  	[sflag:s25] =	ssyncset.done $0x0  }
0x266: {  	[sflag:s25] =	ssyncadd.s32 $0xFFFFFE60  }
0x267: {  	_ =	swait.ge [sflag:s25], $0x190  }
0x268: {  	[sflag:s25] =	ssyncset.done $0x0  }
0x269: {  	[sflag:s25] =	ssyncadd.s32 $0xFFFFFE70  }
0x26a: {  	_ =	swait.ge [sflag:s25], $0x190  }
0x26b: {  	[sflag:s25] =	ssyncset.done $0x0  }
0x26c: {  	[sflag:s25] =	ssyncadd.s32 $0xFFFFFE70  }
0x26d: {  	_ =	swait.ge [sflag:s15], $0x6400  }
0x26e: {  	[sflag:s15] =	ssyncset.done $0x0  }
0x26f: {  	[sflag:s15] =	ssyncadd.s32 $0xFFFF9C00  }
0x270: {  	_ =	swait.ge [sflag:s15], $0x5780  }
0x271: {  	[sflag:s15] =	ssyncset.done $0x0  }
0x272: {  	[sflag:s15] =	ssyncadd.s32 $0xFFFFA880  }
0x273: {  	[tilespmem:s1], [sflag:$0x2] =	stream.indirect.gather [hbm4b:s2+s0], $0x38, s23, s0, $0xb8;
	[tilespmem:$0x19020] =	vst v63  }
0x274: {  	s24 =	simm.s32 $0x2F00;
	s20 =	simm.s32 $0x68  }
0x275: {  	v3 =	vor.u32 s23, v0;
	[tilespmem:s24], [sflag:$0x2] =	stream.indirect.gather [hbm4b:s2+s0], $0x38, s20, s0, $0xb8;
	[tilespmem:$0x19020] =	vst v63  }
0x276: {  	v4 =	vmulhi.u32 $0x51EB851F, v3;
	s20 =	simm.s32 $0xD0;
	s24 =	simm.s32 $0x44E0  }
0x277: {  	[tilespmem:s24], [sflag:$0x2] =	stream.indirect.gather [hbm4b:s2+s0], $0x38, s20, s0, $0xb8;
	[tilespmem:$0x19020] =	vst v63  }
0x278: {  	v4 =	vshrl.u32 v4, $0x6;
	s11 =	simm.s32 $0x4D0;
	s20 =	simm.s32 $0x138;
	s24 =	simm.s32 $0x5AC0  }
0x279: {  	v5 =	vmov s23;
	v6 =	vmul.u32 $0xFFFFFF38, v4;
	[tilespmem:s24], [sflag:$0x2] =	stream.indirect.gather [hbm4b:s2+s0], $0x38, s20, s0, $0xb8;
	[tilespmem:$0x19020] =	vst v63  }
0x27a: {  	v8 =	vsub.s32 v1, v5;
	v7 =	vld [tilespmem:s11+$0x0]  }
0x27b: {  	vm14 =	veq.s32 v5, v0;
	vm15 =	vne.s32 v6, v8  }
0x27c: {  	vm0 =	vmand vm14, vm15  }
0x27d: {  	v5 =	vsel vm0, $0xFFFFFFFF, v2  }
0x27e: {  	v4 =	vadd.s32 v5, v4;
	s23 =	simm.s32 $0x7F0  }
0x27f: {  	v6 =	vmul.u32 $0xFFFFFF38, v4;
	v5 =	vmul.u32 $0x5, v7;
	v7 =	vld [tilespmem:s23+$0x0];
	_ =	sdelay $0x1  }
0x280: {  	v3 =	vadd.s32 v3, v6  }
0x281: {  	v6 =	vmul.u32 $0x2BC0, v4;
	v8 =	vmul.u32 $0x38, v3;
	_ =	sdelay $0x1  }
0x282: {  	v6 =	vadd.s32 v6, v8;
	v7 =	vmul.u32 $0x5, v7  }
0x283: {  	v58 =	vadd.s32 $0x32, v6;
	v8 =	vld.idx.msk [tilespmem:v5+s30+$0x0], $0xffff  }
0x284: {  	v59 =	vadd.s32 $0x7D0, v7;
	_ =	sdelay $0x3  }
0x285: {  	[tilespmem:v58+s26+$0x0] =	vst.idx.msk $0xffff, v8  }
0x286: {  	v60 =	vadd.s32 $0x37, v6;
	v8 =	vld.idx.msk [tilespmem:v59+s30+$0x0], $0xffff  }
0x287: {  	v61 =	vadd.s32 $0x1, v5;
	_ =	sdelay $0x3  }
0x288: {  	[tilespmem:v60+s26+$0x0] =	vst.idx.msk $0xffff, v8  }
0x289: {  	v62 =	vadd.s32 $0x33, v6;
	v8 =	vld.idx.msk [tilespmem:v61+s30+$0x0], $0xffff  }
0x28a: {  	v63 =	vadd.s32 $0x7D1, v7;
	_ =	sdelay $0x1  }
0x28b: {  	v4 =	vmul.u32 $0x3200, v4  }
0x28c: {  	v3 =	vshll.u32 v3, $0x6  }
0x28d: {  	v11 =	vadd.s32 v4, v3;
	[tilespmem:v62+s26+$0x0] =	vst.idx.msk $0xffff, v8  }
0x28e: {  	v4 =	vor.u32 $0x38, v11;
	v3 =	vld.idx.msk [tilespmem:v63+s30+$0x0], $0xffff  }
0x28f: {  	v8 =	vadd.s32 $0x2, v5;
	_ =	sdelay $0x3  }
0x290: {  	[tilespmem:v4+s16+$0x0] =	vst.idx.msk $0xffff, v3  }
0x291: {  	v4 =	vadd.s32 $0x34, v6;
	v3 =	vld.idx.msk [tilespmem:v8+s30+$0x0], $0xffff  }
0x292: {  	v8 =	vadd.s32 $0x7D2, v7;
	_ =	sdelay $0x3  }
0x293: {  	[tilespmem:v4+s26+$0x0] =	vst.idx.msk $0xffff, v3  }
0x294: {  	v4 =	vor.u32 $0x39, v11;
	v3 =	vld.idx.msk [tilespmem:v8+s30+$0x0], $0xffff  }
0x295: {  	v8 =	vadd.s32 $0x3, v5;
	_ =	sdelay $0x3  }
0x296: {  	[tilespmem:v4+s16+$0x0] =	vst.idx.msk $0xffff, v3  }
0x297: {  	v4 =	vadd.s32 $0x35, v6;
	v3 =	vld.idx.msk [tilespmem:v8+s30+$0x0], $0xffff  }
0x298: {  	v8 =	vadd.s32 $0x7D3, v7;
	_ =	sdelay $0x3  }
0x299: {  	[tilespmem:v4+s26+$0x0] =	vst.idx.msk $0xffff, v3  }
0x29a: {  	v4 =	vor.u32 $0x3A, v11;
	v3 =	vld.idx.msk [tilespmem:v8+s30+$0x0], $0xffff  }
0x29b: {  	v5 =	vadd.s32 $0x4, v5;
	_ =	sdelay $0x3  }
0x29c: {  	[tilespmem:v4+s16+$0x0] =	vst.idx.msk $0xffff, v3  }
0x29d: {  	v4 =	vadd.s32 $0x36, v6;
	v3 =	vld.idx.msk [tilespmem:v5+s30+$0x0], $0xffff  }
0x29e: {  	v5 =	vadd.s32 $0x7D4, v7;
	_ =	sdelay $0x3  }
0x29f: {  	[tilespmem:v4+s26+$0x0] =	vst.idx.msk $0xffff, v3  }
0x2a0: {  	v4 =	vld.idx.msk [tilespmem:v5+s30+$0x0], $0xffff;
	v5 =	vor.u32 $0x3B, v11  }
0x2a1: {  	s24 =	simm.s32 $0x10  }
0x2a2: {  	v3 =	vor.u32 s24, v0  }
0x2a3: {  	s29 =	simm.s32 $0x20;
	v6 =	vmulhi.u32 $0x51EB851F, v3  }
.LBB2_9:
0x2a4: {  	s11 =	sadd.s32 $0x10, s11  }
0x2a5: {  	[tilespmem:v5+s16+$0x0] =	vst.idx.msk $0xffff, v4;
	s23 =	sadd.s32 $0x10, s23;
	s8 =	smov.u32 s29;
	s20 =	sadd.s32 $0x10, s29;
	v6 =	vshrl.u32 v6, $0x6  }
0x2a6: {  	p0 =	sne.s32 s29, $0x180;
	v4 =	vmov s24;
	s24 =	smov.u32 s8;
	v5 =	vmul.u32 $0xFFFFFF38, v6;
	v7 =	vld [tilespmem:s11+$0x0]  }
0x2a7: {  	v8 =	vsub.s32 v1, v4  }
0x2a8: {  	vm0 =	veq.s32 v4, v0;
	vm1 =	vne.s32 v5, v8  }
0x2a9: {  	vm0 =	vmand vm0, vm1  }
0x2aa: {  	v4 =	vsel vm0, $0xFFFFFFFF, v2  }
0x2ab: {  	v4 =	vadd.s32 v4, v6;
	v5 =	vmul.u32 $0x5, v7  }
0x2ac: {  	v6 =	vmul.u32 $0xFFFFFF38, v4;
	v7 =	vld [tilespmem:s23+$0x0];
	_ =	sdelay $0x1  }
0x2ad: {  	v3 =	vadd.s32 v3, v6;
	v6 =	vmul.u32 $0x3200, v4  }
0x2ae: {  	v4 =	vmul.u32 $0x2BC0, v4;
	v8 =	vmul.u32 $0x38, v3;
	v3 =	vshll.u32 v3, $0x6  }
0x2af: {  	v3 =	vadd.s32 v6, v3  }
0x2b0: {  	v6 =	vld.idx.msk [tilespmem:v5+s30+$0x0], $0xffff;
	v4 =	vadd.s32 v4, v8;
	v7 =	vmul.u32 $0x5, v7  }
0x2b1: {  	v8 =	vadd.s32 $0x32, v4  }
0x2b2: {  	v9 =	vadd.s32 $0x7D0, v7;
	_ =	sdelay $0x3  }
0x2b3: {  	[tilespmem:v8+s26+$0x0] =	vst.idx.msk $0xffff, v6  }
0x2b4: {  	v6 =	vld.idx.msk [tilespmem:v9+s30+$0x0], $0xffff  }
0x2b5: {  	v8 =	vadd.s32 $0x37, v4  }
0x2b6: {  	v9 =	vadd.s32 $0x1, v5;
	_ =	sdelay $0x3  }
0x2b7: {  	[tilespmem:v8+s26+$0x0] =	vst.idx.msk $0xffff, v6  }
0x2b8: {  	v6 =	vld.idx.msk [tilespmem:v9+s30+$0x0], $0xffff  }
0x2b9: {  	v8 =	vadd.s32 $0x33, v4  }
0x2ba: {  	v9 =	vadd.s32 $0x7D1, v7;
	_ =	sdelay $0x3  }
0x2bb: {  	[tilespmem:v8+s26+$0x0] =	vst.idx.msk $0xffff, v6  }
0x2bc: {  	v6 =	vld.idx.msk [tilespmem:v9+s30+$0x0], $0xffff  }
0x2bd: {  	v8 =	vor.u32 $0x38, v3  }
0x2be: {  	v9 =	vadd.s32 $0x2, v5;
	_ =	sdelay $0x3  }
0x2bf: {  	[tilespmem:v8+s16+$0x0] =	vst.idx.msk $0xffff, v6  }
0x2c0: {  	v6 =	vld.idx.msk [tilespmem:v9+s30+$0x0], $0xffff  }
0x2c1: {  	v8 =	vadd.s32 $0x34, v4  }
0x2c2: {  	v9 =	vadd.s32 $0x7D2, v7;
	_ =	sdelay $0x3  }
0x2c3: {  	[tilespmem:v8+s26+$0x0] =	vst.idx.msk $0xffff, v6  }
0x2c4: {  	v6 =	vld.idx.msk [tilespmem:v9+s30+$0x0], $0xffff  }
0x2c5: {  	v8 =	vor.u32 $0x39, v3  }
0x2c6: {  	v9 =	vadd.s32 $0x3, v5;
	_ =	sdelay $0x3  }
0x2c7: {  	[tilespmem:v8+s16+$0x0] =	vst.idx.msk $0xffff, v6  }
0x2c8: {  	v6 =	vld.idx.msk [tilespmem:v9+s30+$0x0], $0xffff  }
0x2c9: {  	v8 =	vadd.s32 $0x35, v4  }
0x2ca: {  	v9 =	vadd.s32 $0x7D3, v7;
	_ =	sdelay $0x3  }
0x2cb: {  	[tilespmem:v8+s26+$0x0] =	vst.idx.msk $0xffff, v6  }
0x2cc: {  	v6 =	vld.idx.msk [tilespmem:v9+s30+$0x0], $0xffff  }
0x2cd: {  	v8 =	vor.u32 $0x3A, v3  }
0x2ce: {  	v5 =	vadd.s32 $0x4, v5;
	_ =	sdelay $0x3  }
0x2cf: {  	[tilespmem:v8+s16+$0x0] =	vst.idx.msk $0xffff, v6  }
0x2d0: {  	v5 =	vld.idx.msk [tilespmem:v5+s30+$0x0], $0xffff  }
0x2d1: {  	v4 =	vadd.s32 $0x36, v4  }
0x2d2: {  	v6 =	vadd.s32 $0x7D4, v7;
	_ =	sdelay $0x3  }
0x2d3: {  	[tilespmem:v4+s26+$0x0] =	vst.idx.msk $0xffff, v5  }
.Ltmp3:
0x2d4: {  	v4 =	vld.idx.msk [tilespmem:v6+s30+$0x0], $0xffff;
	(pc) =	sbr.rel @p0 .LBB2_9-.Ltmp3, $3  }
0x2d5: {  	v5 =	vor.u32 $0x3B, v3;
	_ =	sdelay $0x1  }
0x2d6: {  	v3 =	vor.u32 s24, v0  }
0x2d7: {  	s29 =	smov.u32 s20;
	v6 =	vmulhi.u32 $0x51EB851F, v3  }
0x2d8: {  	_ =	sdelay $0x2  }
0x2d9: {  	v6 =	vshrl.u32 v6, $0x6  }
0x2da: {  	[tilespmem:v5+s16+$0x0] =	vst.idx.msk $0xffff, v4;
	s8 =	sadd.s32 $0x10, s11;
	v40 =	vmov s24;
	v41 =	vmul.u32 $0xFFFFFF38, v6  }
0x2db: {  	v7 =	vld [tilespmem:s8+$0x0];
	v8 =	vsub.s32 v1, v40  }
0x2dc: {  	vm0 =	veq.s32 v40, v0;
	vm1 =	vne.s32 v41, v8  }
0x2dd: {  	vm0 =	vmand vm0, vm1  }
0x2de: {  	v42 =	vsel vm0, $0xFFFFFFFF, v2  }
0x2df: {  	s11 =	sadd.s32 $0x10, s23;
	v4 =	vadd.s32 v42, v6  }
0x2e0: {  	v44 =	vld [tilespmem:s11+$0x0];
	v43 =	vmul.u32 $0x5, v7;
	v6 =	vmul.u32 $0xFFFFFF38, v4;
	_ =	sdelay $0x1  }
0x2e1: {  	v3 =	vadd.s32 v3, v6  }
0x2e2: {  	v45 =	vmul.u32 $0x2BC0, v4;
	v46 =	vmul.u32 $0x38, v3;
	_ =	sdelay $0x1  }
0x2e3: {  	v7 =	vmul.u32 $0x5, v44;
	v6 =	vadd.s32 v45, v46  }
0x2e4: {  	v47 =	vld.idx.msk [tilespmem:v43+s30+$0x0], $0xffff;
	v9 =	vadd.s32 $0x32, v6  }
0x2e5: {  	v10 =	vadd.s32 $0x7D0, v7;
	_ =	sdelay $0x3  }
0x2e6: {  	[tilespmem:v9+s26+$0x0] =	vst.idx.msk $0xffff, v47  }
0x2e7: {  	v48 =	vadd.s32 $0x37, v6;
	v8 =	vld.idx.msk [tilespmem:v10+s30+$0x0], $0xffff  }
0x2e8: {  	v49 =	vadd.s32 $0x1, v43;
	_ =	sdelay $0x3  }
0x2e9: {  	[tilespmem:v48+s26+$0x0] =	vst.idx.msk $0xffff, v8  }
0x2ea: {  	v50 =	vadd.s32 $0x33, v6;
	v8 =	vld.idx.msk [tilespmem:v49+s30+$0x0], $0xffff  }
0x2eb: {  	v51 =	vadd.s32 $0x7D1, v7;
	_ =	sdelay $0x1  }
0x2ec: {  	v4 =	vmul.u32 $0x3200, v4  }
0x2ed: {  	v3 =	vshll.u32 v3, $0x6  }
0x2ee: {  	v3 =	vadd.s32 v4, v3;
	[tilespmem:v50+s26+$0x0] =	vst.idx.msk $0xffff, v8  }
0x2ef: {  	v53 =	vor.u32 $0x38, v3;
	v52 =	vld.idx.msk [tilespmem:v51+s30+$0x0], $0xffff  }
0x2f0: {  	v54 =	vadd.s32 $0x2, v43;
	_ =	sdelay $0x3  }
0x2f1: {  	[tilespmem:v53+s16+$0x0] =	vst.idx.msk $0xffff, v52  }
0x2f2: {  	v55 =	vadd.s32 $0x34, v6;
	v4 =	vld.idx.msk [tilespmem:v54+s30+$0x0], $0xffff  }
0x2f3: {  	v56 =	vadd.s32 $0x7D2, v7;
	_ =	sdelay $0x3  }
0x2f4: {  	[tilespmem:v55+s26+$0x0] =	vst.idx.msk $0xffff, v4  }
0x2f5: {  	v57 =	vor.u32 $0x39, v3;
	v4 =	vld.idx.msk [tilespmem:v56+s30+$0x0], $0xffff  }
0x2f6: {  	v58 =	vadd.s32 $0x3, v43;
	_ =	sdelay $0x3  }
0x2f7: {  	[tilespmem:v57+s16+$0x0] =	vst.idx.msk $0xffff, v4  }
0x2f8: {  	v59 =	vadd.s32 $0x35, v6;
	v4 =	vld.idx.msk [tilespmem:v58+s30+$0x0], $0xffff  }
0x2f9: {  	v60 =	vadd.s32 $0x7D3, v7;
	_ =	sdelay $0x3  }
0x2fa: {  	[tilespmem:v59+s26+$0x0] =	vst.idx.msk $0xffff, v4  }
0x2fb: {  	v61 =	vor.u32 $0x3A, v3;
	v4 =	vld.idx.msk [tilespmem:v60+s30+$0x0], $0xffff  }
0x2fc: {  	v5 =	vadd.s32 $0x4, v43;
	_ =	sdelay $0x3  }
0x2fd: {  	[tilespmem:v61+s16+$0x0] =	vst.idx.msk $0xffff, v4  }
0x2fe: {  	v62 =	vadd.s32 $0x36, v6;
	v4 =	vld.idx.msk [tilespmem:v5+s30+$0x0], $0xffff  }
0x2ff: {  	v63 =	vadd.s32 $0x7D4, v7;
	_ =	sdelay $0x3  }
0x300: {  	[tilespmem:v62+s26+$0x0] =	vst.idx.msk $0xffff, v4  }
0x301: {  	s20 =	sadd.s32 $0x3, s21;
	v3 =	vor.u32 $0x3B, v3;
	v4 =	vld.idx.msk [tilespmem:v63+s30+$0x0], $0xffff  }
0x302: {  	s21 =	sshll.u32 s20, $0x2  }
0x303: {  	s8 =	smul.u32 $0x190, s20;
	s11 =	sadd.s32 s10, s21  }
0x304: {  	s11 =	smul.u32 $0xD, s11  }
0x305: {  	s24 =	sadd.s32 s28, s19;
	s8 =	sadd.s32 s6, s8  }
0x306: {  	s28 =	simm.s32 $0x7F0;
	s8 =	sshrl.u32 s8, $0x3;
	s11 =	sadd.s32 s4, s11;
	[tilespmem:v3+s16+$0x0] =	vst.idx.msk $0xffff, v4  }
0x307: {  	[tilespmem:s17], [sflag:$0x1] =	stream.linear.gather [hbm4b:s11+s3], $0x1A0, $0x38;
	[tilespmem:$0x19020] =	vst v63  }
0x308: {  	s18 =	sadd.s32 $0x1, s18;
	s20 =	simm.s32 $0x4D0;
	s23 =	sadd.s32 s5, s8  }
0x309: {  	[tilespmem:s20], [sflag:$0x1] =	stream.linear.gather [hbm4b:s23+s3], $0x190, $0x38;
	[tilespmem:$0x19020] =	vst v63  }
0x30a: {  	p0 =	sne.s32 s18, $0x1F;
	s8 =	sadd.s32 s7, s8;
	s11 =	smul.u32 $0x640, s24  }
0x30b: {  	[tilespmem:s28], [sflag:$0x1] =	stream.linear.gather [hbm4b:s8+s3], $0x190, $0x38;
	[tilespmem:$0x19020] =	vst v63  }
.Ltmp4:
0x30c: {  	s29 =	sadd.s32 s9, s11;
	(pc) =	sbr.rel @p0 .LBB2_6-.Ltmp4, $4  }
0x30d: {  	s8 =	sadd.s32 $0xC80, s29  }
0x30e: {  	[hbm4b:s8+s3] =	stream.linear.scatter [tilespmem:s16], [sflag:$0x3], $0x6400, $0x38;
	[tilespmem:$0x19020] =	vst v63  }
0x30f: {  	_ = 	snop  }
0x310: {  	[hbm4b:s8+s13] =	stream.strided.scatter [tilespmem:s26], [sflag:$0x3], $0x5780, s14, s13, $0x38;
	[tilespmem:$0x19020] =	vst v63  }
0x311: {  	_ =	swait.ge [sflag:s22], $0x15E0  }
0x312: {  	[sflag:s22] =	ssyncset.done $0x0  }
0x313: {  	[sflag:s22] =	ssyncadd.s32 $0xFFFFEA20  }
0x314: {  	_ =	swait.ge [sflag:s22], $0x15E0  }
0x315: {  	[sflag:s22] =	ssyncset.done $0x0  }
0x316: {  	[sflag:s22] =	ssyncadd.s32 $0xFFFFEA20  }
0x317: {  	_ =	swait.ge [sflag:s22], $0x15E0  }
0x318: {  	[sflag:s22] =	ssyncset.done $0x0  }
0x319: {  	[sflag:s22] =	ssyncadd.s32 $0xFFFFEA20  }
0x31a: {  	_ =	swait.ge [sflag:s22], $0x15E0  }
0x31b: {  	[sflag:s22] =	ssyncset.done $0x0  }
0x31c: {  	[sflag:s22] =	ssyncadd.s32 $0xFFFFEA20  }
0x31d: {  	_ =	swait.ge [sflag:s25], $0x1A0  }
0x31e: {  	[sflag:s25] =	ssyncset.done $0x0  }
0x31f: {  	[sflag:s25] =	ssyncadd.s32 $0xFFFFFE60  }
0x320: {  	_ =	swait.ge [sflag:s25], $0x190  }
0x321: {  	[sflag:s25] =	ssyncset.done $0x0  }
0x322: {  	[sflag:s25] =	ssyncadd.s32 $0xFFFFFE70  }
0x323: {  	_ =	swait.ge [sflag:s25], $0x190  }
0x324: {  	[sflag:s25] =	ssyncset.done $0x0  }
0x325: {  	[sflag:s25] =	ssyncadd.s32 $0xFFFFFE70  }
0x326: {  	_ =	swait.ge [sflag:s15], $0x6400  }
0x327: {  	[sflag:s15] =	ssyncset.done $0x0  }
0x328: {  	[sflag:s15] =	ssyncadd.s32 $0xFFFF9C00  }
0x329: {  	_ =	swait.ge [sflag:s15], $0x5780  }
0x32a: {  	[sflag:s15] =	ssyncset.done $0x0  }
0x32b: {  	[sflag:s15] =	ssyncadd.s32 $0xFFFFA880  }
0x32c: {  	[tilespmem:s26], [sflag:$0x2] =	stream.indirect.gather [hbm4b:s2+s0], $0x38, s17, s0, $0xb8;
	[tilespmem:$0x19020] =	vst v63  }
0x32d: {  	s8 =	simm.s32 $0x208;
	s11 =	simm.s32 $0x8680;
	s23 =	simm.s32 $0x0  }
0x32e: {  	v3 =	vor.u32 s23, v0;
	[tilespmem:s11], [sflag:$0x2] =	stream.indirect.gather [hbm4b:s2+s0], $0x38, s8, s0, $0xb8;
	[tilespmem:$0x19020] =	vst v63  }
0x32f: {  	s24 =	simm.s32 $0x270;
	s18 =	simm.s32 $0x9C60;
	v4 =	vmulhi.u32 $0x51EB851F, v3  }
0x330: {  	[tilespmem:s18], [sflag:$0x2] =	stream.indirect.gather [hbm4b:s2+s0], $0x38, s24, s0, $0xb8;
	[tilespmem:$0x19020] =	vst v63  }
0x331: {  	s28 =	simm.s32 $0x2D8;
	s29 =	simm.s32 $0xB240;
	v4 =	vshrl.u32 v4, $0x6;
	s11 =	simm.s32 $0x340  }
0x332: {  	v5 =	vmov s23;
	v6 =	vmul.u32 $0xFFFFFF38, v4;
	[tilespmem:s29], [sflag:$0x2] =	stream.indirect.gather [hbm4b:s2+s0], $0x38, s28, s0, $0xb8;
	[tilespmem:$0x19020] =	vst v63  }
0x333: {  	v8 =	vsub.s32 v1, v5;
	v7 =	vld [tilespmem:s11+$0x0]  }
0x334: {  	vm0 =	veq.s32 v5, v0;
	vm1 =	vne.s32 v6, v8  }
0x335: {  	vm0 =	vmand vm0, vm1  }
0x336: {  	v5 =	vsel vm0, $0xFFFFFFFF, v2  }
0x337: {  	v4 =	vadd.s32 v5, v4;
	s18 =	simm.s32 $0x660  }
0x338: {  	v6 =	vmul.u32 $0xFFFFFF38, v4;
	v5 =	vmul.u32 $0x5, v7;
	v7 =	vld [tilespmem:s18+$0x0];
	_ =	sdelay $0x1  }
0x339: {  	v3 =	vadd.s32 v3, v6  }
0x33a: {  	v6 =	vmul.u32 $0x2BC0, v4;
	v8 =	vmul.u32 $0x38, v3;
	_ =	sdelay $0x1  }
0x33b: {  	v6 =	vadd.s32 v6, v8;
	v7 =	vmul.u32 $0x5, v7  }
0x33c: {  	v9 =	vadd.s32 $0x32, v6;
	v8 =	vld.idx.msk [tilespmem:v5+s30+$0x0], $0xffff  }
0x33d: {  	v10 =	vadd.s32 $0x7D0, v7;
	_ =	sdelay $0x3  }
0x33e: {  	[tilespmem:v9+s1+$0x0] =	vst.idx.msk $0xffff, v8  }
0x33f: {  	v60 =	vadd.s32 $0x37, v6;
	v8 =	vld.idx.msk [tilespmem:v10+s30+$0x0], $0xffff  }
0x340: {  	v61 =	vadd.s32 $0x1, v5;
	_ =	sdelay $0x3  }
0x341: {  	[tilespmem:v60+s1+$0x0] =	vst.idx.msk $0xffff, v8  }
0x342: {  	v62 =	vadd.s32 $0x33, v6;
	v8 =	vld.idx.msk [tilespmem:v61+s30+$0x0], $0xffff  }
0x343: {  	v63 =	vadd.s32 $0x7D1, v7;
	_ =	sdelay $0x1  }
0x344: {  	v4 =	vmul.u32 $0x3200, v4  }
0x345: {  	v3 =	vshll.u32 v3, $0x6  }
0x346: {  	v11 =	vadd.s32 v4, v3;
	[tilespmem:v62+s1+$0x0] =	vst.idx.msk $0xffff, v8  }
0x347: {  	v4 =	vor.u32 $0x38, v11;
	v3 =	vld.idx.msk [tilespmem:v63+s30+$0x0], $0xffff  }
0x348: {  	v8 =	vadd.s32 $0x2, v5;
	_ =	sdelay $0x3  }
0x349: {  	[tilespmem:v4+s31+$0x0] =	vst.idx.msk $0xffff, v3  }
0x34a: {  	v4 =	vadd.s32 $0x34, v6;
	v3 =	vld.idx.msk [tilespmem:v8+s30+$0x0], $0xffff  }
0x34b: {  	v8 =	vadd.s32 $0x7D2, v7;
	_ =	sdelay $0x3  }
0x34c: {  	[tilespmem:v4+s1+$0x0] =	vst.idx.msk $0xffff, v3  }
0x34d: {  	v4 =	vor.u32 $0x39, v11;
	v3 =	vld.idx.msk [tilespmem:v8+s30+$0x0], $0xffff  }
0x34e: {  	v8 =	vadd.s32 $0x3, v5;
	_ =	sdelay $0x3  }
0x34f: {  	[tilespmem:v4+s31+$0x0] =	vst.idx.msk $0xffff, v3  }
0x350: {  	v4 =	vadd.s32 $0x35, v6;
	v3 =	vld.idx.msk [tilespmem:v8+s30+$0x0], $0xffff  }
0x351: {  	v8 =	vadd.s32 $0x7D3, v7;
	_ =	sdelay $0x3  }
0x352: {  	[tilespmem:v4+s1+$0x0] =	vst.idx.msk $0xffff, v3  }
0x353: {  	v4 =	vor.u32 $0x3A, v11;
	v3 =	vld.idx.msk [tilespmem:v8+s30+$0x0], $0xffff  }
0x354: {  	v5 =	vadd.s32 $0x4, v5;
	_ =	sdelay $0x3  }
0x355: {  	[tilespmem:v4+s31+$0x0] =	vst.idx.msk $0xffff, v3  }
0x356: {  	v4 =	vadd.s32 $0x36, v6;
	v3 =	vld.idx.msk [tilespmem:v5+s30+$0x0], $0xffff  }
0x357: {  	v5 =	vadd.s32 $0x7D4, v7;
	_ =	sdelay $0x3  }
0x358: {  	[tilespmem:v4+s1+$0x0] =	vst.idx.msk $0xffff, v3  }
0x359: {  	v4 =	vld.idx.msk [tilespmem:v5+s30+$0x0], $0xffff;
	v5 =	vor.u32 $0x3B, v11  }
0x35a: {  	s21 =	simm.s32 $0x10  }
0x35b: {  	v3 =	vor.u32 s21, v0  }
0x35c: {  	s20 =	simm.s32 $0x20;
	v6 =	vmulhi.u32 $0x51EB851F, v3  }
.LBB2_12:
0x35d: {  	s11 =	sadd.s32 $0x10, s11  }
0x35e: {  	[tilespmem:v5+s31+$0x0] =	vst.idx.msk $0xffff, v4;
	s18 =	sadd.s32 $0x10, s18;
	s8 =	smov.u32 s20;
	s23 =	sadd.s32 $0x10, s20;
	v6 =	vshrl.u32 v6, $0x6  }
0x35f: {  	p0 =	sne.s32 s20, $0x180;
	v4 =	vmov s21;
	s21 =	smov.u32 s8;
	v5 =	vmul.u32 $0xFFFFFF38, v6;
	v7 =	vld [tilespmem:s11+$0x0]  }
0x360: {  	v8 =	vsub.s32 v1, v4  }
0x361: {  	vm0 =	veq.s32 v4, v0;
	vm1 =	vne.s32 v5, v8  }
0x362: {  	vm0 =	vmand vm0, vm1  }
0x363: {  	v4 =	vsel vm0, $0xFFFFFFFF, v2  }
0x364: {  	v4 =	vadd.s32 v4, v6;
	v5 =	vmul.u32 $0x5, v7  }
0x365: {  	v6 =	vmul.u32 $0xFFFFFF38, v4;
	v7 =	vld [tilespmem:s18+$0x0];
	_ =	sdelay $0x1  }
0x366: {  	v3 =	vadd.s32 v3, v6;
	v6 =	vmul.u32 $0x3200, v4  }
0x367: {  	v4 =	vmul.u32 $0x2BC0, v4;
	v8 =	vmul.u32 $0x38, v3;
	v3 =	vshll.u32 v3, $0x6  }
0x368: {  	v3 =	vadd.s32 v6, v3  }
0x369: {  	v6 =	vld.idx.msk [tilespmem:v5+s30+$0x0], $0xffff;
	v4 =	vadd.s32 v4, v8;
	v7 =	vmul.u32 $0x5, v7  }
0x36a: {  	v8 =	vadd.s32 $0x32, v4  }
0x36b: {  	v9 =	vadd.s32 $0x7D0, v7;
	_ =	sdelay $0x3  }
0x36c: {  	[tilespmem:v8+s1+$0x0] =	vst.idx.msk $0xffff, v6  }
0x36d: {  	v6 =	vld.idx.msk [tilespmem:v9+s30+$0x0], $0xffff  }
0x36e: {  	v8 =	vadd.s32 $0x37, v4  }
0x36f: {  	v9 =	vadd.s32 $0x1, v5;
	_ =	sdelay $0x3  }
0x370: {  	[tilespmem:v8+s1+$0x0] =	vst.idx.msk $0xffff, v6  }
0x371: {  	v6 =	vld.idx.msk [tilespmem:v9+s30+$0x0], $0xffff  }
0x372: {  	v8 =	vadd.s32 $0x33, v4  }
0x373: {  	v9 =	vadd.s32 $0x7D1, v7;
	_ =	sdelay $0x3  }
0x374: {  	[tilespmem:v8+s1+$0x0] =	vst.idx.msk $0xffff, v6  }
0x375: {  	v6 =	vld.idx.msk [tilespmem:v9+s30+$0x0], $0xffff  }
0x376: {  	v8 =	vor.u32 $0x38, v3  }
0x377: {  	v9 =	vadd.s32 $0x2, v5;
	_ =	sdelay $0x3  }
0x378: {  	[tilespmem:v8+s31+$0x0] =	vst.idx.msk $0xffff, v6  }
0x379: {  	v6 =	vld.idx.msk [tilespmem:v9+s30+$0x0], $0xffff  }
0x37a: {  	v8 =	vadd.s32 $0x34, v4  }
0x37b: {  	v9 =	vadd.s32 $0x7D2, v7;
	_ =	sdelay $0x3  }
0x37c: {  	[tilespmem:v8+s1+$0x0] =	vst.idx.msk $0xffff, v6  }
0x37d: {  	v6 =	vld.idx.msk [tilespmem:v9+s30+$0x0], $0xffff  }
0x37e: {  	v8 =	vor.u32 $0x39, v3  }
0x37f: {  	v9 =	vadd.s32 $0x3, v5;
	_ =	sdelay $0x3  }
0x380: {  	[tilespmem:v8+s31+$0x0] =	vst.idx.msk $0xffff, v6  }
0x381: {  	v6 =	vld.idx.msk [tilespmem:v9+s30+$0x0], $0xffff  }
0x382: {  	v8 =	vadd.s32 $0x35, v4  }
0x383: {  	v9 =	vadd.s32 $0x7D3, v7;
	_ =	sdelay $0x3  }
0x384: {  	[tilespmem:v8+s1+$0x0] =	vst.idx.msk $0xffff, v6  }
0x385: {  	v6 =	vld.idx.msk [tilespmem:v9+s30+$0x0], $0xffff  }
0x386: {  	v8 =	vor.u32 $0x3A, v3  }
0x387: {  	v5 =	vadd.s32 $0x4, v5;
	_ =	sdelay $0x3  }
0x388: {  	[tilespmem:v8+s31+$0x0] =	vst.idx.msk $0xffff, v6  }
0x389: {  	v5 =	vld.idx.msk [tilespmem:v5+s30+$0x0], $0xffff  }
0x38a: {  	v4 =	vadd.s32 $0x36, v4  }
0x38b: {  	v6 =	vadd.s32 $0x7D4, v7;
	_ =	sdelay $0x3  }
0x38c: {  	[tilespmem:v4+s1+$0x0] =	vst.idx.msk $0xffff, v5  }
.Ltmp5:
0x38d: {  	v4 =	vld.idx.msk [tilespmem:v6+s30+$0x0], $0xffff;
	(pc) =	sbr.rel @p0 .LBB2_12-.Ltmp5, $3  }
0x38e: {  	v5 =	vor.u32 $0x3B, v3;
	_ =	sdelay $0x1  }
0x38f: {  	v3 =	vor.u32 s21, v0  }
0x390: {  	s20 =	smov.u32 s23;
	v6 =	vmulhi.u32 $0x51EB851F, v3  }
0x391: {  	_ =	sdelay $0x2  }
0x392: {  	v6 =	vshrl.u32 v6, $0x6  }
0x393: {  	[tilespmem:v5+s31+$0x0] =	vst.idx.msk $0xffff, v4;
	s8 =	sadd.s32 $0x10, s11;
	v4 =	vmov s21;
	v5 =	vmul.u32 $0xFFFFFF38, v6  }
0x394: {  	v7 =	vld [tilespmem:s8+$0x0];
	v8 =	vsub.s32 v1, v4  }
0x395: {  	vm0 =	veq.s32 v4, v0;
	vm1 =	vne.s32 v5, v8  }
0x396: {  	vm0 =	vmand vm0, vm1  }
0x397: {  	v4 =	vsel vm0, $0xFFFFFFFF, v2  }
0x398: {  	s24 =	sadd.s32 $0x10, s18;
	v4 =	vadd.s32 v4, v6  }
0x399: {  	v5 =	vmul.u32 $0x5, v7;
	v7 =	vld [tilespmem:s24+$0x0];
	v6 =	vmul.u32 $0xFFFFFF38, v4;
	_ =	sdelay $0x1  }
0x39a: {  	v3 =	vadd.s32 v3, v6  }
0x39b: {  	v6 =	vmul.u32 $0x2BC0, v4;
	v8 =	vmul.u32 $0x38, v3;
	_ =	sdelay $0x1  }
0x39c: {  	v7 =	vmul.u32 $0x5, v7;
	v6 =	vadd.s32 v6, v8  }
0x39d: {  	v8 =	vld.idx.msk [tilespmem:v5+s30+$0x0], $0xffff;
	v9 =	vadd.s32 $0x32, v6  }
0x39e: {  	v10 =	vadd.s32 $0x7D0, v7;
	_ =	sdelay $0x3  }
0x39f: {  	[tilespmem:v9+s1+$0x0] =	vst.idx.msk $0xffff, v8  }
0x3a0: {  	v50 =	vadd.s32 $0x37, v6;
	v8 =	vld.idx.msk [tilespmem:v10+s30+$0x0], $0xffff  }
0x3a1: {  	v51 =	vadd.s32 $0x1, v5;
	_ =	sdelay $0x3  }
0x3a2: {  	[tilespmem:v50+s1+$0x0] =	vst.idx.msk $0xffff, v8  }
0x3a3: {  	v52 =	vadd.s32 $0x33, v6;
	v8 =	vld.idx.msk [tilespmem:v51+s30+$0x0], $0xffff  }
0x3a4: {  	v53 =	vadd.s32 $0x7D1, v7;
	_ =	sdelay $0x1  }
0x3a5: {  	v4 =	vmul.u32 $0x3200, v4  }
0x3a6: {  	v3 =	vshll.u32 v3, $0x6  }
0x3a7: {  	v3 =	vadd.s32 v4, v3;
	[tilespmem:v52+s1+$0x0] =	vst.idx.msk $0xffff, v8  }
0x3a8: {  	v8 =	vor.u32 $0x38, v3;
	v4 =	vld.idx.msk [tilespmem:v53+s30+$0x0], $0xffff  }
0x3a9: {  	v54 =	vadd.s32 $0x2, v5;
	_ =	sdelay $0x3  }
0x3aa: {  	[tilespmem:v8+s31+$0x0] =	vst.idx.msk $0xffff, v4  }
0x3ab: {  	v8 =	vadd.s32 $0x34, v6;
	v4 =	vld.idx.msk [tilespmem:v54+s30+$0x0], $0xffff  }
0x3ac: {  	v55 =	vadd.s32 $0x7D2, v7;
	_ =	sdelay $0x3  }
0x3ad: {  	[tilespmem:v8+s1+$0x0] =	vst.idx.msk $0xffff, v4  }
0x3ae: {  	v8 =	vor.u32 $0x39, v3;
	v4 =	vld.idx.msk [tilespmem:v55+s30+$0x0], $0xffff  }
0x3af: {  	v56 =	vadd.s32 $0x3, v5;
	_ =	sdelay $0x3  }
0x3b0: {  	[tilespmem:v8+s31+$0x0] =	vst.idx.msk $0xffff, v4  }
0x3b1: {  	v8 =	vadd.s32 $0x35, v6;
	v4 =	vld.idx.msk [tilespmem:v56+s30+$0x0], $0xffff  }
0x3b2: {  	v57 =	vadd.s32 $0x7D3, v7;
	_ =	sdelay $0x3  }
0x3b3: {  	[tilespmem:v8+s1+$0x0] =	vst.idx.msk $0xffff, v4  }
0x3b4: {  	v8 =	vor.u32 $0x3A, v3;
	v4 =	vld.idx.msk [tilespmem:v57+s30+$0x0], $0xffff  }
0x3b5: {  	v5 =	vadd.s32 $0x4, v5;
	_ =	sdelay $0x3  }
0x3b6: {  	[tilespmem:v8+s31+$0x0] =	vst.idx.msk $0xffff, v4  }
0x3b7: {  	v4 =	vld.idx.msk [tilespmem:v5+s30+$0x0], $0xffff;
	v5 =	vadd.s32 $0x36, v6  }
0x3b8: {  	v6 =	vadd.s32 $0x7D4, v7;
	_ =	sdelay $0x3  }
0x3b9: {  	[tilespmem:v5+s1+$0x0] =	vst.idx.msk $0xffff, v4  }
0x3ba: {  	v3 =	vor.u32 $0x3B, v3;
	v4 =	vld.idx.msk [tilespmem:v6+s30+$0x0], $0xffff;
	_ =	sdelay $0x4  }
0x3bb: {  	s28 =	simm.s32 $0x0;
	s29 =	rddreg [dreg:$0xf];
	[tilespmem:v3+s31+$0x0] =	vst.idx.msk $0xffff, v4  }
0x3bc: {  	[hbm4b:s29+s28] =	stream.linear.scatter [tilespmem:s31], [sflag:$0x3], $0x6400, $0x38;
	[tilespmem:$0x19020] =	vst v63  }
0x3bd: {  	_ = 	snop  }
0x3be: {  	[hbm4b:s29+s13] =	stream.strided.scatter [tilespmem:s1], [sflag:$0x3], $0x5780, s14, s13, $0x38;
	[tilespmem:$0x19020] =	vst v63  }
0x3bf: {  	_ =	swait.ge [sflag:s22], $0x15E0  }
0x3c0: {  	[sflag:s22] =	ssyncset.done $0x0  }
0x3c1: {  	[sflag:s22] =	ssyncadd.s32 $0xFFFFEA20  }
0x3c2: {  	_ =	swait.ge [sflag:s22], $0x15E0  }
0x3c3: {  	[sflag:s22] =	ssyncset.done $0x0  }
0x3c4: {  	[sflag:s22] =	ssyncadd.s32 $0xFFFFEA20  }
0x3c5: {  	_ =	swait.ge [sflag:s22], $0x15E0  }
0x3c6: {  	[sflag:s22] =	ssyncset.done $0x0  }
0x3c7: {  	[sflag:s22] =	ssyncadd.s32 $0xFFFFEA20  }
0x3c8: {  	_ =	swait.ge [sflag:s22], $0x15E0  }
0x3c9: {  	[sflag:s22] =	ssyncset.done $0x0  }
0x3ca: {  	[sflag:s22] =	ssyncadd.s32 $0xFFFFEA20  }
0x3cb: {  	_ =	swait.ge [sflag:s15], $0x6400  }
0x3cc: {  	v3 =	vor.u32 s28, v0;
	[sflag:s15] =	ssyncset.done $0x0  }
0x3cd: {  	v4 =	vmulhi.u32 $0x51EB851F, v3;
	[sflag:s15] =	ssyncadd.s32 $0xFFFF9C00  }
0x3ce: {  	_ =	swait.ge [sflag:s15], $0x5780  }
0x3cf: {  	v4 =	vshrl.u32 v4, $0x6;
	[sflag:s15] =	ssyncset.done $0x0  }
0x3d0: {  	s11 =	simm.s32 $0x4D0;
	v5 =	vmov s28;
	v6 =	vmul.u32 $0xFFFFFF38, v4;
	[sflag:s15] =	ssyncadd.s32 $0xFFFFA880  }
0x3d1: {  	v8 =	vsub.s32 v1, v5;
	v7 =	vld [tilespmem:s11+$0x0]  }
0x3d2: {  	vm14 =	veq.s32 v5, v0;
	vm15 =	vne.s32 v6, v8  }
0x3d3: {  	vm0 =	vmand vm14, vm15  }
0x3d4: {  	v5 =	vsel vm0, $0xFFFFFFFF, v2  }
0x3d5: {  	s18 =	simm.s32 $0x7F0;
	v4 =	vadd.s32 v5, v4  }
0x3d6: {  	v6 =	vmul.u32 $0xFFFFFF38, v4;
	v5 =	vmul.u32 $0x5, v7;
	v7 =	vld [tilespmem:s18+$0x0];
	_ =	sdelay $0x1  }
0x3d7: {  	v3 =	vadd.s32 v3, v6  }
0x3d8: {  	v6 =	vmul.u32 $0x2BC0, v4;
	v8 =	vmul.u32 $0x38, v3;
	_ =	sdelay $0x1  }
0x3d9: {  	v6 =	vadd.s32 v6, v8;
	v7 =	vmul.u32 $0x5, v7  }
0x3da: {  	v58 =	vadd.s32 $0x32, v6;
	v8 =	vld.idx.msk [tilespmem:v5+s30+$0x0], $0xffff  }
0x3db: {  	v59 =	vadd.s32 $0x7D0, v7;
	_ =	sdelay $0x3  }
0x3dc: {  	[tilespmem:v58+s26+$0x0] =	vst.idx.msk $0xffff, v8  }
0x3dd: {  	v60 =	vadd.s32 $0x37, v6;
	v8 =	vld.idx.msk [tilespmem:v59+s30+$0x0], $0xffff  }
0x3de: {  	v61 =	vadd.s32 $0x1, v5;
	_ =	sdelay $0x3  }
0x3df: {  	[tilespmem:v60+s26+$0x0] =	vst.idx.msk $0xffff, v8  }
0x3e0: {  	v62 =	vadd.s32 $0x33, v6;
	v8 =	vld.idx.msk [tilespmem:v61+s30+$0x0], $0xffff  }
0x3e1: {  	v63 =	vadd.s32 $0x7D1, v7;
	_ =	sdelay $0x1  }
0x3e2: {  	v4 =	vmul.u32 $0x3200, v4  }
0x3e3: {  	v3 =	vshll.u32 v3, $0x6  }
0x3e4: {  	v11 =	vadd.s32 v4, v3;
	[tilespmem:v62+s26+$0x0] =	vst.idx.msk $0xffff, v8  }
0x3e5: {  	v4 =	vor.u32 $0x38, v11;
	v3 =	vld.idx.msk [tilespmem:v63+s30+$0x0], $0xffff  }
0x3e6: {  	v8 =	vadd.s32 $0x2, v5;
	_ =	sdelay $0x3  }
0x3e7: {  	[tilespmem:v4+s16+$0x0] =	vst.idx.msk $0xffff, v3  }
0x3e8: {  	v4 =	vadd.s32 $0x34, v6;
	v3 =	vld.idx.msk [tilespmem:v8+s30+$0x0], $0xffff  }
0x3e9: {  	v8 =	vadd.s32 $0x7D2, v7;
	_ =	sdelay $0x3  }
0x3ea: {  	[tilespmem:v4+s26+$0x0] =	vst.idx.msk $0xffff, v3  }
0x3eb: {  	v4 =	vor.u32 $0x39, v11;
	v3 =	vld.idx.msk [tilespmem:v8+s30+$0x0], $0xffff  }
0x3ec: {  	v8 =	vadd.s32 $0x3, v5;
	_ =	sdelay $0x3  }
0x3ed: {  	[tilespmem:v4+s16+$0x0] =	vst.idx.msk $0xffff, v3  }
0x3ee: {  	v4 =	vadd.s32 $0x35, v6;
	v3 =	vld.idx.msk [tilespmem:v8+s30+$0x0], $0xffff  }
0x3ef: {  	v8 =	vadd.s32 $0x7D3, v7;
	_ =	sdelay $0x3  }
0x3f0: {  	[tilespmem:v4+s26+$0x0] =	vst.idx.msk $0xffff, v3  }
0x3f1: {  	v4 =	vor.u32 $0x3A, v11;
	v3 =	vld.idx.msk [tilespmem:v8+s30+$0x0], $0xffff  }
0x3f2: {  	v5 =	vadd.s32 $0x4, v5;
	_ =	sdelay $0x3  }
0x3f3: {  	[tilespmem:v4+s16+$0x0] =	vst.idx.msk $0xffff, v3  }
0x3f4: {  	v4 =	vadd.s32 $0x36, v6;
	v3 =	vld.idx.msk [tilespmem:v5+s30+$0x0], $0xffff  }
0x3f5: {  	v5 =	vadd.s32 $0x7D4, v7;
	_ =	sdelay $0x3  }
0x3f6: {  	[tilespmem:v4+s26+$0x0] =	vst.idx.msk $0xffff, v3  }
0x3f7: {  	v4 =	vld.idx.msk [tilespmem:v5+s30+$0x0], $0xffff;
	v5 =	vor.u32 $0x3B, v11  }
0x3f8: {  	s21 =	simm.s32 $0x10  }
0x3f9: {  	v3 =	vor.u32 s21, v0  }
0x3fa: {  	s20 =	simm.s32 $0x20;
	v6 =	vmulhi.u32 $0x51EB851F, v3  }
.LBB2_14:
0x3fb: {  	s11 =	sadd.s32 $0x10, s11  }
0x3fc: {  	[tilespmem:v5+s16+$0x0] =	vst.idx.msk $0xffff, v4;
	s18 =	sadd.s32 $0x10, s18;
	s8 =	smov.u32 s20;
	s23 =	sadd.s32 $0x10, s20;
	v6 =	vshrl.u32 v6, $0x6  }
0x3fd: {  	p0 =	sne.s32 s20, $0x180;
	v4 =	vmov s21;
	s21 =	smov.u32 s8;
	v5 =	vmul.u32 $0xFFFFFF38, v6;
	v7 =	vld [tilespmem:s11+$0x0]  }
0x3fe: {  	v8 =	vsub.s32 v1, v4  }
0x3ff: {  	vm0 =	veq.s32 v4, v0;
	vm1 =	vne.s32 v5, v8  }
0x400: {  	vm0 =	vmand vm0, vm1  }
0x401: {  	v4 =	vsel vm0, $0xFFFFFFFF, v2  }
0x402: {  	v4 =	vadd.s32 v4, v6;
	v5 =	vmul.u32 $0x5, v7  }
0x403: {  	v6 =	vmul.u32 $0xFFFFFF38, v4;
	v7 =	vld [tilespmem:s18+$0x0];
	_ =	sdelay $0x1  }
0x404: {  	v3 =	vadd.s32 v3, v6;
	v6 =	vmul.u32 $0x3200, v4  }
0x405: {  	v4 =	vmul.u32 $0x2BC0, v4;
	v8 =	vmul.u32 $0x38, v3;
	v3 =	vshll.u32 v3, $0x6  }
0x406: {  	v3 =	vadd.s32 v6, v3  }
0x407: {  	v6 =	vld.idx.msk [tilespmem:v5+s30+$0x0], $0xffff;
	v4 =	vadd.s32 v4, v8;
	v7 =	vmul.u32 $0x5, v7  }
0x408: {  	v8 =	vadd.s32 $0x32, v4  }
0x409: {  	v9 =	vadd.s32 $0x7D0, v7;
	_ =	sdelay $0x3  }
0x40a: {  	[tilespmem:v8+s26+$0x0] =	vst.idx.msk $0xffff, v6  }
0x40b: {  	v6 =	vld.idx.msk [tilespmem:v9+s30+$0x0], $0xffff  }
0x40c: {  	v8 =	vadd.s32 $0x37, v4  }
0x40d: {  	v9 =	vadd.s32 $0x1, v5;
	_ =	sdelay $0x3  }
0x40e: {  	[tilespmem:v8+s26+$0x0] =	vst.idx.msk $0xffff, v6  }
0x40f: {  	v6 =	vld.idx.msk [tilespmem:v9+s30+$0x0], $0xffff  }
0x410: {  	v8 =	vadd.s32 $0x33, v4  }
0x411: {  	v9 =	vadd.s32 $0x7D1, v7;
	_ =	sdelay $0x3  }
0x412: {  	[tilespmem:v8+s26+$0x0] =	vst.idx.msk $0xffff, v6  }
0x413: {  	v6 =	vld.idx.msk [tilespmem:v9+s30+$0x0], $0xffff  }
0x414: {  	v8 =	vor.u32 $0x38, v3  }
0x415: {  	v9 =	vadd.s32 $0x2, v5;
	_ =	sdelay $0x3  }
0x416: {  	[tilespmem:v8+s16+$0x0] =	vst.idx.msk $0xffff, v6  }
0x417: {  	v6 =	vld.idx.msk [tilespmem:v9+s30+$0x0], $0xffff  }
0x418: {  	v8 =	vadd.s32 $0x34, v4  }
0x419: {  	v9 =	vadd.s32 $0x7D2, v7;
	_ =	sdelay $0x3  }
0x41a: {  	[tilespmem:v8+s26+$0x0] =	vst.idx.msk $0xffff, v6  }
0x41b: {  	v6 =	vld.idx.msk [tilespmem:v9+s30+$0x0], $0xffff  }
0x41c: {  	v8 =	vor.u32 $0x39, v3  }
0x41d: {  	v9 =	vadd.s32 $0x3, v5;
	_ =	sdelay $0x3  }
0x41e: {  	[tilespmem:v8+s16+$0x0] =	vst.idx.msk $0xffff, v6  }
0x41f: {  	v6 =	vld.idx.msk [tilespmem:v9+s30+$0x0], $0xffff  }
0x420: {  	v8 =	vadd.s32 $0x35, v4  }
0x421: {  	v9 =	vadd.s32 $0x7D3, v7;
	_ =	sdelay $0x3  }
0x422: {  	[tilespmem:v8+s26+$0x0] =	vst.idx.msk $0xffff, v6  }
0x423: {  	v6 =	vld.idx.msk [tilespmem:v9+s30+$0x0], $0xffff  }
0x424: {  	v8 =	vor.u32 $0x3A, v3  }
0x425: {  	v5 =	vadd.s32 $0x4, v5;
	_ =	sdelay $0x3  }
0x426: {  	[tilespmem:v8+s16+$0x0] =	vst.idx.msk $0xffff, v6  }
0x427: {  	v5 =	vld.idx.msk [tilespmem:v5+s30+$0x0], $0xffff  }
0x428: {  	v4 =	vadd.s32 $0x36, v4  }
0x429: {  	v6 =	vadd.s32 $0x7D4, v7;
	_ =	sdelay $0x3  }
0x42a: {  	[tilespmem:v4+s26+$0x0] =	vst.idx.msk $0xffff, v5  }
.Ltmp6:
0x42b: {  	v4 =	vld.idx.msk [tilespmem:v6+s30+$0x0], $0xffff;
	(pc) =	sbr.rel @p0 .LBB2_14-.Ltmp6, $3  }
0x42c: {  	v5 =	vor.u32 $0x3B, v3;
	_ =	sdelay $0x1  }
0x42d: {  	v3 =	vor.u32 s21, v0  }
0x42e: {  	s20 =	smov.u32 s23;
	v6 =	vmulhi.u32 $0x51EB851F, v3  }
0x42f: {  	_ =	sdelay $0x2  }
0x430: {  	v6 =	vshrl.u32 v6, $0x6  }
0x431: {  	[tilespmem:v5+s16+$0x0] =	vst.idx.msk $0xffff, v4;
	s8 =	sadd.s32 $0x10, s11;
	v40 =	vmov s21;
	v41 =	vmul.u32 $0xFFFFFF38, v6  }
0x432: {  	v7 =	vld [tilespmem:s8+$0x0];
	v8 =	vsub.s32 v1, v40  }
0x433: {  	vm0 =	veq.s32 v40, v0;
	vm1 =	vne.s32 v41, v8  }
0x434: {  	vm0 =	vmand vm0, vm1  }
0x435: {  	v42 =	vsel vm0, $0xFFFFFFFF, v2  }
0x436: {  	s23 =	sadd.s32 $0x10, s18;
	v4 =	vadd.s32 v42, v6  }
0x437: {  	v44 =	vld [tilespmem:s23+$0x0];
	v43 =	vmul.u32 $0x5, v7;
	v6 =	vmul.u32 $0xFFFFFF38, v4;
	_ =	sdelay $0x1  }
0x438: {  	v3 =	vadd.s32 v3, v6  }
0x439: {  	v45 =	vmul.u32 $0x2BC0, v4;
	v46 =	vmul.u32 $0x38, v3;
	_ =	sdelay $0x1  }
0x43a: {  	v7 =	vmul.u32 $0x5, v44;
	v6 =	vadd.s32 v45, v46  }
0x43b: {  	v47 =	vld.idx.msk [tilespmem:v43+s30+$0x0], $0xffff;
	v9 =	vadd.s32 $0x32, v6  }
0x43c: {  	v10 =	vadd.s32 $0x7D0, v7;
	_ =	sdelay $0x3  }
0x43d: {  	[tilespmem:v9+s26+$0x0] =	vst.idx.msk $0xffff, v47  }
0x43e: {  	v48 =	vadd.s32 $0x37, v6;
	v8 =	vld.idx.msk [tilespmem:v10+s30+$0x0], $0xffff  }
0x43f: {  	v49 =	vadd.s32 $0x1, v43;
	_ =	sdelay $0x3  }
0x440: {  	[tilespmem:v48+s26+$0x0] =	vst.idx.msk $0xffff, v8  }
0x441: {  	v50 =	vadd.s32 $0x33, v6;
	v8 =	vld.idx.msk [tilespmem:v49+s30+$0x0], $0xffff  }
0x442: {  	v51 =	vadd.s32 $0x7D1, v7;
	_ =	sdelay $0x1  }
0x443: {  	v4 =	vmul.u32 $0x3200, v4  }
0x444: {  	v3 =	vshll.u32 v3, $0x6  }
0x445: {  	v3 =	vadd.s32 v4, v3;
	[tilespmem:v50+s26+$0x0] =	vst.idx.msk $0xffff, v8  }
0x446: {  	v53 =	vor.u32 $0x38, v3;
	v52 =	vld.idx.msk [tilespmem:v51+s30+$0x0], $0xffff  }
0x447: {  	v54 =	vadd.s32 $0x2, v43;
	_ =	sdelay $0x3  }
0x448: {  	[tilespmem:v53+s16+$0x0] =	vst.idx.msk $0xffff, v52  }
0x449: {  	v55 =	vadd.s32 $0x34, v6;
	v4 =	vld.idx.msk [tilespmem:v54+s30+$0x0], $0xffff  }
0x44a: {  	v56 =	vadd.s32 $0x7D2, v7;
	_ =	sdelay $0x3  }
0x44b: {  	[tilespmem:v55+s26+$0x0] =	vst.idx.msk $0xffff, v4  }
0x44c: {  	v57 =	vor.u32 $0x39, v3;
	v4 =	vld.idx.msk [tilespmem:v56+s30+$0x0], $0xffff  }
0x44d: {  	v58 =	vadd.s32 $0x3, v43;
	_ =	sdelay $0x3  }
0x44e: {  	[tilespmem:v57+s16+$0x0] =	vst.idx.msk $0xffff, v4  }
0x44f: {  	v59 =	vadd.s32 $0x35, v6;
	v4 =	vld.idx.msk [tilespmem:v58+s30+$0x0], $0xffff  }
0x450: {  	v60 =	vadd.s32 $0x7D3, v7;
	_ =	sdelay $0x3  }
0x451: {  	[tilespmem:v59+s26+$0x0] =	vst.idx.msk $0xffff, v4  }
0x452: {  	v61 =	vor.u32 $0x3A, v3;
	v4 =	vld.idx.msk [tilespmem:v60+s30+$0x0], $0xffff  }
0x453: {  	v5 =	vadd.s32 $0x4, v43;
	_ =	sdelay $0x3  }
0x454: {  	[tilespmem:v61+s16+$0x0] =	vst.idx.msk $0xffff, v4  }
0x455: {  	v62 =	vadd.s32 $0x36, v6;
	v4 =	vld.idx.msk [tilespmem:v5+s30+$0x0], $0xffff  }
0x456: {  	v63 =	vadd.s32 $0x7D4, v7;
	_ =	sdelay $0x3  }
0x457: {  	[tilespmem:v62+s26+$0x0] =	vst.idx.msk $0xffff, v4  }
0x458: {  	v3 =	vor.u32 $0x3B, v3;
	v4 =	vld.idx.msk [tilespmem:v63+s30+$0x0], $0xffff;
	_ =	sdelay $0x4  }
0x459: {  	s24 =	rddreg [dreg:$0x10];
	[tilespmem:v3+s16+$0x0] =	vst.idx.msk $0xffff, v4  }
0x45a: {  	[hbm4b:s24+s3] =	stream.linear.scatter [tilespmem:s16], [sflag:$0x3], $0x6400, $0x38;
	[tilespmem:$0x19020] =	vst v63  }
0x45b: {  	_ = 	snop  }
0x45c: {  	[hbm4b:s24+s13] =	stream.strided.scatter [tilespmem:s26], [sflag:$0x3], $0x5780, s14, s13, $0x38;
	[tilespmem:$0x19020] =	vst v63  }
0x45d: {  	_ =	swait.ge [sflag:s15], $0x6400  }
0x45e: {  	[sflag:s15] =	ssyncset.done $0x0  }
0x45f: {  	[sflag:s15] =	ssyncadd.s32 $0xFFFF9C00  }
0x460: {  	_ =	swait.ge [sflag:s15], $0x5780  }
0x461: {  	s28 =	rddreg [dreg:$0x15]  }
0x462: {  	s29 =	rddreg [dreg:$0x11];
	s11 =	sadd.s32 $0x1, s28  }
0x463: {  	p0 =	sne.s32 s11, s29  }
.Ltmp7:
0x464: {  	_ = 	snop;
	(pc) =	sbr.rel @p0 .LBB2_1-.Ltmp7, $3  }
0x465: {  	_ =	sdelay $0x1  }
0x466: {  	[sflag:s15] =	ssyncset.done $0x0  }
0x467: {  	[sflag:s15] =	ssyncadd.s32 $0xFFFFA880  }
0x468: {  	_ =	sfence.sel $0x180000  }
0x469: {  	[bflag:$0x0] =	sbarrier.arrive $0xFFFF  }
0x46a: {  	_ =	strace $0x90000047  }
0x46b: {  	s0 =	stileid.u32;
	[bflag:$0x2] =	sbarrier.arrive $0xFFFF  }
0x46c: {  	p0 =	sne.s32 s0, $0x0;
	s0 =	rddreg [dreg:$0x2]  }
0x46d: {  	s0 =	sadd.s32 @!p0 $0x100000, s0  }
0x46e: {  	[sflag:s0] =	ssyncadd.tile.s32 @!p0 $0x1;
	_ =	shalt  }
.Lfunc_end2:
_tile_overlayer_lowered:
.L_overlay_start_2:
0x46f: {  	(tag) =	ssettag $0x2  }
0x470: {  	s0 =	rddreg [dreg:$0x0];
	s2 =	stileid.u32  }
0x471: {  	s1 =	rddreg [dreg:$0x1];
	p0 =	sne.s32 s2, $0x0  }
0x472: {  	s3 =	rddreg [dreg:$0x2];
	[bflag:$0x3] =	sbarrier.arrive $0xFFFF;
	s2 =	simm.s32 @!p0 $0x1C04  }
0x473: {  	[timem:s3], [sflag:s2] =	dma.local @!p0 [hbm:s0], s1  }
0x474: {  	s0 =	simm.s32 @!p0 $0x4  }
0x475: {  	_ =	swait.ge @!p0 [sflag:s0], s1  }
0x476: {  	s1 =	ssub.s32 @!p0 $0x0, s1;
	[sflag:s0] =	ssyncset.done @!p0 $0x0  }
0x477: {  	[sflag:s0] =	ssyncadd.s32 @!p0 s1  }
0x478: {  	[bflag:$0x3] =	sbarrier.arrive $0xFFFF  }
0x479: {  	_ =	shalt  }

// kernel: sparse-core-data-format-call.cloned.1.call-start
scs
called_computation_lowered:
.L_overlay_start_0:
0x0: {  	s2 =	sld [smem:$0x3FD9]  }
0x1: {  	s3 =	sld [smem:$0x3FFE];
	_ =	sdelay $0x1  }
0x2: {  	s1 =	srdreg.scid  }
0x3: {  	s0 =	sand.u32 $0x1, s1  }
0x4: {  	s18 =	sshll.u32 s0, $0xA;
	s2 =	sadd.s32 s3, s2  }
0x5: {  	s2 =	sadd.s32 s2, s18  }
0x6: {  	[smem:$0x3FC2] =	sst s2  }
0x7: {  	_ = 	snop  }
0x8: {  	s2 =	sld [smem:$0x3FD0];
	(tm) =	ssettm $0x1  }
0x9: {  	s19 =	sld [smem:$0x3FFB];
	_ =	sdelay $0x3  }
0xa: {  	_ =	strace s19  }
0xb: {  	s3 =	sld [smem:$0x3FFC];
	_ =	sdelay $0x3  }
0xc: {  	_ =	strace s3  }
0xd: {  	s3 =	sld [smem:$0x3FFD];
	_ =	sdelay $0x3  }
0xe: {  	_ =	strace s3  }
0xf: {  	_ =	strace $0x8FFFFFFF  }
0x10: {  	s20 =	sld [smem:$0x3FDB];
	_ =	sdelay $0x1  }
0x11: {  	s4 =	simm.s32 $_scs_section_size  }
0x12: {  	s5 =	simm.s32 $_size__tile_overlayer_lowered;
	s6 =	simm.s32 $_tile_overlayer_lowered  }
0x13: {  	s23 =	simm.s32 $0x1BFF;
	s22 =	sshll.u32 s6, $0x1;
	s3 =	sadd.s32 s4, s20  }
0x14: {  	s7 =	simm.s32 $0x0;
	s21 =	sshll.u32 s5, $0x1;
	s5 =	sadd.s32 s22, s3  }
0x15: {  	[timem:s7], [sflag:s23] =	dma.local [hbm:s5], s21  }
0x16: {  	_ =	swait.ge [sflag:s23], s21  }
0x17: {  	s4 =	ssub.s32 $0x0, s21;
	[sflag:s23] =	ssyncset.done $0x0  }
0x18: {  	[sflag:s23] =	ssyncadd.s32 s4;
	_ =	sdelay $0x1  }
0x19: {  	s24 =	simm.s32 $0x1B8B  }
0x1a: {  	_ =	swait.ge [sflag:s24], $0x1  }
0x1b: {  	[sflag:s24] =	ssyncset.done $0x0  }
0x1c: {  	s26 =	simm.s32 $0x1B8E;
	s25 =	sld [smem:$0x3FFE];
	[sflag:s24] =	ssyncadd.s32 $0xFFFFFFFF  }
0x1d: {  	s27 =	simm.s32 $execute0_lowered;
	[smem:$0x3FD2] =	sst s26  }
0x1e: {  	s5 =	sshll.u32 s27, $0x1;
	_ =	strace $0x80000049;
	[dreg:$0x1] =	wrdreg $0xFFFFFFFF  }
0x1f: {  	s28 =	simm.s32 $_size_execute0_lowered;
	s3 =	sadd.s32 s3, s5;
	[dreg:$0x0] =	wrdreg $0x0  }
0x20: {  	s5 =	sshll.u32 s28, $0x1;
	[dreg:$0x2] =	wrdreg s3  }
0x21: {  	[dreg:$0x3] =	wrdreg s5  }
0x22: {  	[dreg:$0x4] =	wrdreg $0xC0  }
0x23: {  	_ =	task [dreg:s7], $0x5FFFF  }
0x24: {  	[dreg:$0x1] =	wrdreg $0xFFFFFFFF  }
0x25: {  	[dreg:$0x0] =	wrdreg $0x60  }
0x26: {  	[dreg:$0x2] =	wrdreg s25  }
0x27: {  	[dreg:$0x3] =	wrdreg s2  }
0x28: {  	[dreg:$0x4] =	wrdreg $0x9  }
0x29: {  	_ =	task.clear_ibuf [dreg:s7], $0x5FFFF;
	_ =	strace $0x90000049  }
0x2a: {  	s29 =	simm.s32 $0x9;
	_ =	strace $0x8000004B  }
0x2b: {  	_ =	swait.ge [sflag:s29], $0x1  }
0x2c: {  	[sflag:s29] =	ssyncadd.s32 $0xFFFFFFFF  }
0x2d: {  	_ =	strace $0x9000004B  }
0x2e: {  	_ =	sfence  }
0x2f: {  	s30 =	sld [smem:$0x0];
	_ =	sdelay $0x2  }
0x30: {  	s31 =	sshll.u32 s1, $0xD;
	s1 =	sshrl.u32 s1, $0x2  }
0x31: {  	s3 =	sand.u32 $0x4000, s31;
	s1 =	sadd.s32 s1, s30  }
0x32: {  	s0 =	sor.u32 s3, s0;
	s1 =	sshll.u32 s1, $0x11  }
0x33: {  	s0 =	sor.u32 s1, s0  }
0x34: {  	s0 =	sadd.s32 $0x8F2B, s0  }
0x35: {  	[sflag:s0] =	ssyncadd.remote.s32 $0x1  }
0x36: {  	_ =	sfence.sel $0xFFFF  }
0x37: {  	[dreg:$0x0] =	wrdreg $0xFFFFFFFF;
	(pc) =	sbr.abs _section_cstart, $3  }
0x38: {  	[dreg:$0x1] =	wrdreg $0xFFFFFFFF  }
0x39: {  	_ =	task.clear_ibuf [dreg:s7], $0x2FFFF;
	_ =	strace $0x9FFFFFFF  }
0x3a: {  	(tm) =	ssettm $0x7FFFFFFF  }
0x3b: {  	_ =	shalt  }
tec
execute0_lowered:
.L_overlay_start_1:
0x0: {  	(tag) =	ssettag $0x1  }
0x1: {  	s0 =	srdreg.scid  }
0x2: {  	s1 =	sshll.u32 s0, $0x4  }
0x3: {  	s6 =	rddreg [dreg:$0x0];
	s0 =	stileid.u32;
	s1 =	sand.u32 $0x10, s1  }
0x4: {  	s3 =	rddreg [dreg:$0x1];
	s1 =	sor.u32 s0, s1  }
0x5: {  	s5 =	simm.s32 $0x1;
	s31 =	simm.s32 $0x2;
	s2 =	sshll.u32 s1, $0x7  }
0x6: {  	s15 =	simm.s32 $0x0;
	s8 =	simm.s32 $0xC8000;
	s4 =	ssub.s32 $0x1000, s2  }
0x7: {  	s14 =	simm.s32 $0x0;
	s9 =	simm.s32 $0x0;
	s30 =	sand.u32 $0xF80, s4  }
0x8: {  	s10 =	simm.s32 $0x0;
	s11 =	simm.s32 $0x0;
	p0 =	sne.s32 s30, $0x0  }
.Ltmp0:
0x9: {  	s7 =	sshrl.u32 s4, $0xC;
	s5 =	simm.s32 @!p0 $0x0;
	(pc) =	sbr.rel .LBB1_1-.Ltmp0, $4  }
0xa: {  	s13 =	simm.s32 $0x0;
	s1 =	rddreg [dreg:$0x2];
	s5 =	sadd.s32 s5, s7  }
0xb: {  	_ =	strace $0x8000004A;
	s4 =	simm.s32 $0x1;
	s5 =	smul.u32 $0xC8, s5  }
0xc: {  	s6 =	sadd.s32 $0x68E600, s6;
	s12 =	smov.u32 s2;
	[sflag:s4] =	ssyncpa.u1 $0x0  }
0xd: {  	[sflag:s31] =	ssyncpa.u1 $0x0;
	p0 =	por $0x0, $0x0;
	s7 =	sor.u32 $0x1, s5  }
.LBB1_4:
0xe: {  	s18 =	sshll.u32 s9, $0xC;
	s19 =	sand.u32 $0x78, s10;
	s20 =	sshll.u32 s10, $0x3  }
0xf: {  	s22 =	sshll.u32 s9, $0x7;
	p1 =	sgt.s32 s9, $0xC7;
	s25 =	sshra.s32 s9, $0x1F  }
0x10: {  	s23 =	smov.u32 s10;
	s24 =	sshra.s32 s10, $0x1F;
	s29 =	sand.u32 $0x7, s10  }
0x11: {  	s18 =	sand.u32 $0xFFFF8000, s18;
	s21 =	sand.u32 $0xFFFFFC00, s20;
	s20 =	sand.u32 $0xC00, s20  }
0x12: {  	s30 =	sand.u32 $0x380, s22;
	s22 =	sand.u32 s25, s9;
	s18 =	sadd.s32 s21, s18  }
0x13: {  	s19 =	sor.u32 s19, s20;
	s20 =	smov.u32 s9;
	s18 =	sshrl.u32 s18, $0xC  }
0x14: {  	s20 =	simm.s32 @!p1 $0xC7;
	p1 =	sgt.s32 s10, $0xF80;
	s31 =	smulhi.u32 $0x147AE15, s18  }
0x15: {  	s26 =	sand.u32 s24, s10;
	s20 =	ssub.s32 s20, s22;
	s23 =	simm.s32 @!p1 $0xF80  }
0x16: {  	s27 =	ssub.s32 $0xC8, s20;
	s22 =	ssub.s32 s23, s26;
	s21 =	smul.u32 $0xC8, s31  }
0x17: {  	s20 =	sadd.s32 $0xFFFFFF39, s20;
	s23 =	smul.u32 $0x3C, s27;
	s28 =	sadd.s32 $0xFFFFF080, s22  }
0x18: {  	p1 =	sgt.s32 s20, $0x0;
	s20 =	ssub.s32 $0x1000, s22;
	p2 =	sgt.s32 s28, $0x7F  }
0x19: {  	s19 =	sor.u32 s30, s19;
	s23 =	simm.s32 @p1 $0x0;
	s20 =	simm.s32 @p2 $0x0  }
0x1a: {  	[tilespmem:s17+$0x810 ss:$0x81] =	vst.msk $0xffff, v2;
	s19 =	sshrl.u32 s19, $0x3;
	s18 =	ssub.s32 s18, s21;
	s20 =	smul.u32 s20, s23  }
0x1b: {  	[tilespmem:s17+$0x1020 ss:$0x81] =	vst.msk $0xffff, v0;
	s19 =	sadd.s32 s3, s19;
	s21 =	sshll.u32 s29, $0x12;
	s18 =	sshll.u32 s18, $0x9  }
0x1c: {  	[tilespmem:s17+$0x0 ss:$0x81] =	vst.msk $0xffff, v1;
	s31 =	sor.u32 $0x80, s21;
	s18 =	sadd.s32 s18, s19;
	s30 =	sand.u32 $0x3FFFFFFC, s20  }
0x1d: {  	[hbm4b:s18+s31] =	stream.strided.scatter [tilespmem:s16], [sflag:$0x2], s30, s8, s31, $0x20;
	[tilespmem:$0x8080] =	vst v63  }
.LBB1_5:
0x1e: {  	p1 =	slt.u32 s13, $0x2  }
0x1f: {  	s17 =	smov.u32 s15;
	p2 =	sgt.s32 @!p1 s15, $0xC7;
	s16 =	sshra.s32 @!p1 s15, $0x1F  }
0x20: {  	p3 =	sgt.s32 @!p1 s14, $0xF80;
	s18 =	sshra.s32 @!p1 s14, $0x1F;
	p2 =	por !p2, p1  }
0x21: {  	s15 =	sand.u32 @!p1 s16, s15;
	p3 =	por !p3, p1;
	s16 =	smov.u32 s14  }
0x22: {  	s14 =	sand.u32 @!p1 s18, s14;
	s17 =	simm.s32 @p2 $0xC7;
	s16 =	simm.s32 @p3 $0xF80  }
0x23: {  	s18 =	smov.u32 s12;
	s15 =	ssub.s32 @!p1 s17, s15;
	s14 =	ssub.s32 @!p1 s16, s14  }
0x24: {  	s16 =	sadd.s32 @!p1 $0xFFFFFF39, s15;
	s15 =	ssub.s32 @!p1 $0xC8, s15;
	s17 =	sadd.s32 @!p1 $0xFFFFF080, s14  }
0x25: {  	p2 =	sgt.s32 @!p1 s16, $0x0;
	s15 =	smul.u32 @!p1 $0x3C, s15;
	p3 =	sgt.s32 @!p1 s17, $0x7F  }
0x26: {  	s14 =	ssub.s32 @!p1 $0x1000, s14;
	p2 =	por !p2, p1;
	p3 =	por !p3, p1  }
0x27: {  	s16 =	sadd.s32 $0x1, s11;
	s15 =	simm.s32 @!p2 $0x0;
	s14 =	simm.s32 @!p3 $0x0  }
0x28: {  	p2 =	sgt.s32 s16, $0xC7;
	s14 =	smul.u32 @!p1 s14, s15;
	s15 =	sadd.s32 $0x1000, s12  }
0x29: {  	s18 =	smov.u32 @p2 s15  }
0x2a: {  	s16 =	simm.s32 @p2 $0x0;
	p2 =	sgt.s32 s18, $0xFFF  }
0x2b: {  	s18 =	smov.u32 @p2 s2;
	p2 =	sne.s32 s13, s7  }
.Ltmp1:
0x2c: {  	p0 =	por !p0, !p0;
	s17 =	simm.s32 @!p1 $0x2;
	(pc) =	sbr.rel @!p2 .LBB1_6-.Ltmp1, $4  }
0x2d: {  	s15 =	smov.u32 s9;
	s9 =	smov.u32 s11;
	s14 =	sand.u32 @!p1 $0x3FFFFFFC, s14  }
0x2e: {  	s11 =	smov.u32 s16;
	_ =	swait.ge @!p1 [sflag:s17], s14;
	s19 =	ssub.s32 @!p1 $0x0, s14  }
0x2f: {  	s14 =	smov.u32 s10;
	s13 =	sadd.s32 $0x1, s13;
	[sflag:s17] =	ssyncset.done @!p1 $0x0  }
0x30: {  	s10 =	smov.u32 s12;
	s12 =	smov.u32 s18;
	[sflag:s17] =	ssyncadd.s32 @!p1 s19  }
.LBB1_1:
0x31: {  	p1 =	sge.u32 s13, s5  }
0x32: {  	s16 =	sand.u32 @!p1 $0x1FFFFFF, s11  }
0x33: {  	s17 =	smulhi.u32 @!p1 $0x147AE15, s16;
	_ =	sdelay $0x1  }
0x34: {  	s17 =	smul.u32 @!p1 $0xC8, s17  }
0x35: {  	s18 =	sxor.u32 @!p1 $0xFFFFFFFF, s13;
	s19 =	smul.u32 @!p1 $0xC80, s12  }
0x36: {  	s31 =	sadd.s32 $0xFFFFFFFF, s13;
	s18 =	sshll.u32 @!p1 s18, $0xD;
	s16 =	ssub.s32 @!p1 s16, s17  }
0x37: {  	s17 =	sand.u32 @!p1 $0x2000, s18;
	s18 =	sadd.s32 @!p1 s6, s19;
	s16 =	sshll.u32 @!p1 s16, $0x4  }
0x38: {  	s19 =	simm.s32 @!p1 $0x6400;
	s16 =	sadd.s32 @!p1 s16, s18;
	s18 =	simm.s32 @!p1 $0x40  }
0x39: {  	[tilespmem:s17], [sflag:$0x1] =	stream.strided.gather @!p1 [hbm4b:s16+s18], $0x2000, s19, s18, $0x38;
	[tilespmem:$0x8080] =	vst v63  }
0x3a: {  	p1 =	sge.u32 s31, s5  }
.Ltmp2:
0x3b: {  	_ = 	snop;
	(pc) =	sbr.rel @p1 .LBB1_5-.Ltmp2, $1  }
0x3c: {  	_ =	sdelay $0x3  }
0x3d: {  	s16 =	simm.s32 $0x1  }
0x3e: {  	_ =	swait.ge [sflag:s4], $0x2000;
	s16 =	simm.s32 @!p0 $0x0  }
0x3f: {  	[sflag:s4] =	ssyncset.done $0x0;
	s17 =	sshll.u32 s16, $0xD  }
0x40: {  	[sflag:s4] =	ssyncadd.s32 $0xFFFFE000;
	s20 =	sor.u32 $0x20, s17  }
0x41: {  	s16 =	smul.u32 $0x8100, s16;
	v3 =	vld [tilespmem:s20+$0x10]  }
0x42: {  	s30 =	sand.u32 $0x1, s13;
	v2 =	vld [tilespmem:s20+$0xFFFFFFF0]  }
0x43: {  	s17 =	smul.u32 $0x8100, s30;
	s16 =	sshrl.u32 s16, $0x2;
	v0 =	vld [tilespmem:s20+$0x0]  }
0x44: {  	v1 =	vld [tilespmem:s20+$0xFFFFFFE0];
	s18 =	sor.u32 $0x4000, s16  }
0x45: {  	s31 =	sshrl.u32 s17, $0x2;
	s17 =	sadd.s32 $0x0, s18  }
0x46: {  	s19 =	simm.s32 $0x4;
	s20 =	sadd.s32 $0x40, s20;
	s16 =	sor.u32 $0x4000, s31;
	[tilespmem:s17+$0x1830 ss:$0x81] =	vst.msk $0xffff, v3  }
.LBB1_3:
0x47: {  	v3 =	vld [tilespmem:s20+$0x10];
	p1 =	sne.s32 s19, $0x1FC;
	[tilespmem:s17+$0x810 ss:$0x81] =	vst.msk $0xffff, v2;
	s21 =	smov.u32 s19;
	s19 =	sadd.s32 $0x4, s19  }
.Ltmp3:
0x48: {  	v2 =	vld [tilespmem:s20+$0xFFFFFFF0];
	[tilespmem:s17+$0x1020 ss:$0x81] =	vst.msk $0xffff, v0;
	(pc) =	sbr.rel @p1 .LBB1_3-.Ltmp3, $4  }
0x49: {  	v0 =	vld [tilespmem:s20+$0x0];
	[tilespmem:s17+$0x0 ss:$0x81] =	vst.msk $0xffff, v1  }
0x4a: {  	s17 =	sshra.s32 s21, $0x2;
	v1 =	vld [tilespmem:s20+$0xFFFFFFE0]  }
0x4b: {  	s17 =	sadd.s32 s17, s18  }
0x4c: {  	s20 =	sadd.s32 $0x40, s20;
	[tilespmem:s17+$0x1830 ss:$0x81] =	vst.msk $0xffff, v3  }
.Ltmp4:
0x4d: {  	_ = 	snop;
	(pc) =	sbr.rel .LBB1_4-.Ltmp4, $1  }
0x4e: {  	_ =	sdelay $0x3  }
.LBB1_6:
0x4f: {  	_ =	sfence.sel $0x180000  }
0x50: {  	s2 =	simm.s32 $0x1;
	[bflag:$0x0] =	sbarrier.arrive $0xFFFF  }
0x51: {  	s31 =	simm.s32 $0x2;
	[sflag:s2] =	ssyncpa.u1 $0x1  }
0x52: {  	[sflag:s31] =	ssyncpa.u1 $0x1  }
0x53: {  	p0 =	sne.s32 s0, $0x0;
	_ =	strace $0x9000004A  }
0x54: {  	s0 =	sadd.s32 @!p0 $0x100000, s1;
	[bflag:$0x2] =	sbarrier.arrive $0xFFFF  }
0x55: {  	[sflag:s0] =	ssyncadd.tile.s32 @!p0 $0x1;
	_ =	shalt  }
.Lfunc_end1:
_tile_overlayer_lowered:
.L_overlay_start_2:
0x56: {  	(tag) =	ssettag $0x2  }
0x57: {  	s0 =	rddreg [dreg:$0x0];
	s2 =	stileid.u32  }
0x58: {  	s1 =	rddreg [dreg:$0x1];
	p0 =	sne.s32 s2, $0x0  }
0x59: {  	s3 =	rddreg [dreg:$0x2];
	[bflag:$0x3] =	sbarrier.arrive $0xFFFF;
	s2 =	simm.s32 @!p0 $0x1C01  }
0x5a: {  	[timem:s3], [sflag:s2] =	dma.local @!p0 [hbm:s0], s1  }
0x5b: {  	s0 =	simm.s32 @!p0 $0x1  }
0x5c: {  	_ =	swait.ge @!p0 [sflag:s0], s1  }
0x5d: {  	s1 =	ssub.s32 @!p0 $0x0, s1;
	[sflag:s0] =	ssyncset.done @!p0 $0x0  }
0x5e: {  	[sflag:s0] =	ssyncadd.s32 @!p0 s1  }
0x5f: {  	[bflag:$0x3] =	sbarrier.arrive $0xFFFF  }
0x60: {  	_ =	shalt  }

</sc_bundles>
